<compile_context>
chip_gen: v7x
topology: tpu7x:2x2x1
jax: 0.10.2.dev20260603
libtpu: 0.0.44.dev20260713+nightly
codegen_flags: <defaults>
</compile_context>

<pallas_src>
import jax
import jax.numpy as jnp
from jax import lax
from jax.experimental import pallas as pl
from jax.experimental.pallas import tpu as pltpu
from jax.experimental.pallas import tpu_sc as plsc

B = 16384
D = 64
K = 20
NCTX = K + 1
NC = 2
NS = 16
NW = NC * NS
BPW = B // NW
C = 32
NCHUNK = BPW // C
L = 16
IDX_DMA = 128
SSTR = 17
SCTX = L * SSTR


def _sc_scores_kernel(center_hbm, pos_hbm, neg_hbm, win_hbm, wout_hbm,
                      pos_out, neg_out,
                      cidx, pidx, nidx,
                      cbuf0, pbuf0, nbuf0, cbuf1, pbuf1, nbuf1,
                      scr, sbuf, sem0, sem1):
    c = lax.axis_index("c")
    s = lax.axis_index("s")
    wid = s * NC + c
    base = wid * BPW

    pltpu.sync_copy(center_hbm.at[pl.ds(base, BPW)], cidx)
    pltpu.sync_copy(pos_hbm.at[pl.ds(base, BPW)], pidx)
    pltpu.sync_copy(neg_hbm.at[pl.ds(base * K, BPW * K)], nidx)

    slots = ((cbuf0, pbuf0, nbuf0, sem0), (cbuf1, pbuf1, nbuf1, sem1))

    def copies(t, slot):
        cb, pb, nb, sem = slots[slot]
        cps = [
            (win_hbm.at[cidx.at[pl.ds(t * C, C)]], cb, sem),
            (wout_hbm.at[pidx.at[pl.ds(t * C, C)]], pb, sem),
        ]
        for j in range(C * K // IDX_DMA):
            cps.append((
                wout_hbm.at[nidx.at[pl.ds(t * C * K + j * IDX_DMA, IDX_DMA)]],
                nb.at[pl.ds(j * IDX_DMA, IDX_DMA)], sem))
        return cps

    def start(t, slot):
        for src, dst, sem in copies(t, slot):
            pltpu.async_copy(src, dst, sem)

    def drain(t, slot):
        for src, dst, sem in copies(t, slot):
            pltpu.make_async_copy(src, dst, sem).wait()

    iot = lax.iota(jnp.int32, L)

    def compute(t, slot):
        cb, pb, nb, _ = slots[slot]
        for g in range(C // L):
            grow = g * L

            def rbody(r, carry):
                row = grow + r
                sidx = iot * SSTR + r
                hs = [cb[row, pl.ds(j * L, L)] for j in range(D // L)]
                ps = [pb[row, pl.ds(j * L, L)] for j in range(D // L)]
                v = ((hs[0] * ps[0] + hs[1] * ps[1])
                     + (hs[2] * ps[2] + hs[3] * ps[3]))
                plsc.store_scatter(scr, [sidx], v)
                nrow = row * K
                for k in range(K):
                    es = [nb[nrow + k, pl.ds(j * L, L)]
                          for j in range(D // L)]
                    v = ((hs[0] * es[0] + hs[1] * es[1])
                         + (hs[2] * es[2] + hs[3] * es[3]))
                    plsc.store_scatter(scr, [sidx + (k + 1) * SCTX], v)
                return carry

            lax.fori_loop(0, L, rbody, 0)

            off = t * C + grow

            def cbody(ctx, carry):
                sb = ctx * SCTX
                acc = scr[pl.ds(sb, L)]
                for l in range(1, L):
                    acc = acc + scr[pl.ds(sb + l * SSTR, L)]
                sbuf[pl.ds(ctx * BPW + off, L)] = acc
                return carry

            lax.fori_loop(0, NCTX, cbody, 0)

    start(0, 0)
    start(1, 1)

    @pl.loop(0, NCHUNK, step=2)
    def _chunk_loop(t):
        for b in range(2):
            drain(t + b, b)
            compute(t + b, b)

            @pl.when(t + b + 2 < NCHUNK)
            def _prefetch():
                start(t + b + 2, b)

    pltpu.sync_copy(sbuf.at[pl.ds(0, BPW)], pos_out.at[pl.ds(base, BPW)])
    for k in range(K):
        pltpu.sync_copy(sbuf.at[pl.ds((k + 1) * BPW, BPW)],
                        neg_out.at[k, pl.ds(base, BPW)])


@jax.jit
def _sc_scores(center, pos_context, neg_flat, W_in, W_out):
    mesh = plsc.VectorSubcoreMesh(core_axis_name="c", subcore_axis_name="s",
                                  num_cores=NC, num_subcores=NS)
    return pl.kernel(
        _sc_scores_kernel,
        out_type=(jax.ShapeDtypeStruct((B,), jnp.float32),
                  jax.ShapeDtypeStruct((K, B), jnp.float32)),
        mesh=mesh,
        compiler_params=pltpu.CompilerParams(needs_layout_passes=False,
                                             use_tc_tiling_on_sc=False),
        scratch_types=[
            pltpu.VMEM((BPW,), jnp.int32),
            pltpu.VMEM((BPW,), jnp.int32),
            pltpu.VMEM((BPW * K,), jnp.int32),
            pltpu.VMEM((C, D), jnp.float32),
            pltpu.VMEM((C, D), jnp.float32),
            pltpu.VMEM((C * K, D), jnp.float32),
            pltpu.VMEM((C, D), jnp.float32),
            pltpu.VMEM((C, D), jnp.float32),
            pltpu.VMEM((C * K, D), jnp.float32),
            pltpu.VMEM((NCTX * SCTX,), jnp.float32),
            pltpu.VMEM((NCTX * BPW,), jnp.float32),
            pltpu.SemaphoreType.DMA,
            pltpu.SemaphoreType.DMA,
        ],
    )(center, pos_context, neg_flat, W_in, W_out)


def _loss_body(pos_ref, neg_ref, out_ref):
    p = pos_ref[...]
    n = neg_ref[...]
    total = jnp.sum(jax.nn.softplus(-p)) + jnp.sum(jax.nn.softplus(n))
    out_ref[0, 0] = total / jnp.float32(B)


@jax.jit
def _tc_loss(pos_score, neg_score):
    out = pl.pallas_call(
        _loss_body,
        out_shape=jax.ShapeDtypeStruct((1, 1), jnp.float32),
        out_specs=pl.BlockSpec(memory_space=pltpu.SMEM),
    )(pos_score.reshape(B // 128, 128), neg_score.reshape(K * B // 128, 128))
    return out[0, 0]


def kernel(center, pos_context, neg_context, W_in, W_out):
    center = center.astype(jnp.int32)
    pos_context = pos_context.astype(jnp.int32)
    neg_flat = neg_context.astype(jnp.int32).reshape(-1)
    pos_score, neg_score = _sc_scores(center, pos_context, neg_flat,
                                      W_in, W_out)
    return _tc_loss(pos_score, neg_score)

# --- scband reference (transcript-rebuilt; emitter-appended) ---
"""Pipeline reference for scband-skip-gram-neg-sampling-17437567221898 (READ-ONLY COPY).

The authoritative reference and input builder live on the scoring server;
editing this copy changes nothing except your own understanding.
"""

import jax, jax.numpy as jnp
import numpy as np

VOCAB = 1000000
EMBED = 64
BATCH = 16384
NUM_NEG = 20

def setup_inputs(seed: int = 0) -> dict:
    key = jax.random.key(seed)
    k1, k2, k3, k4, k5 = jax.random.split(key, 5)
    center = jax.random.randint(k1, (BATCH,), 0, VOCAB, dtype=jnp.int64) if jax.config.jax_enable_x64 else jax.random.randint(k1, (BATCH,), 0, VOCAB, dtype=jnp.int32)
    pos_context = jax.random.randint(k2, (BATCH,), 0, VOCAB, dtype=center.dtype)
    neg_context = jax.random.randint(k3, (BATCH, NUM_NEG), 0, VOCAB, dtype=center.dtype)
    init_range = 0.5 / EMBED
    W_in = jax.random.uniform(k4, (VOCAB, EMBED), dtype=jnp.float32, minval=-init_range, maxval=init_range)
    W_out = jax.random.normal(k5, (VOCAB, EMBED), dtype=jnp.float32) * 0.01
    return {"center": center, "pos_context": pos_context, "neg_context": neg_context, "W_in": W_in, "W_out": W_out}

def reference(center, pos_context, neg_context, W_in, W_out):
    # h = W[center]
    center_emb = jnp.take(W_in, center, axis=0)              # (B, D)
    # positive score: dot(W'[pos], h)
    pos_emb = jnp.take(W_out, pos_context, axis=0)           # (B, D)
    pos_score = jnp.sum(center_emb * pos_emb, axis=1)        # (B,)
    pos_loss = -jax.nn.log_sigmoid(pos_score)                # (B,)
    # negative scores: bmm(neg_emb, h)
    neg_emb = jnp.take(W_out, neg_context, axis=0)           # (B, K, D)
    neg_score = jnp.einsum('bkd,bd->bk', neg_emb, center_emb)  # (B, K)
    neg_loss = -jnp.sum(jax.nn.log_sigmoid(-neg_score), axis=1)  # (B,)
    return jnp.mean(pos_loss + neg_loss)

if __name__ == "__main__":
    import jax
    _d = setup_inputs()
    print(jax.jit(kernel)(*tuple(_d.values())))

</pallas_src>

<mosaic_0001>
#map = affine_map<(d0, d1) -> (0)>
#map1 = affine_map<(d0, d1) -> (0, 0)>
module attributes {stable_mosaic.version = 14 : i64} {
  func.func @_sc_scores_kernel(%arg0: i32, %arg1: i32, %arg2: memref<16384xi32, #tpu.memory_space<hbm>>, %arg3: memref<16384xi32, #tpu.memory_space<hbm>>, %arg4: memref<327680xi32, #tpu.memory_space<hbm>>, %arg5: memref<1000000x64xf32, #tpu.memory_space<hbm>>, %arg6: memref<1000000x64xf32, #tpu.memory_space<hbm>>, %arg7: memref<16384xf32, #tpu.memory_space<hbm>>, %arg8: memref<20x16384xf32, #tpu.memory_space<hbm>>, %arg9: memref<512xi32, #tpu.memory_space<vmem>>, %arg10: memref<512xi32, #tpu.memory_space<vmem>>, %arg11: memref<10240xi32, #tpu.memory_space<vmem>>, %arg12: memref<32x64xf32, #tpu.memory_space<vmem>>, %arg13: memref<32x64xf32, #tpu.memory_space<vmem>>, %arg14: memref<640x64xf32, #tpu.memory_space<vmem>>, %arg15: memref<32x64xf32, #tpu.memory_space<vmem>>, %arg16: memref<32x64xf32, #tpu.memory_space<vmem>>, %arg17: memref<640x64xf32, #tpu.memory_space<vmem>>, %arg18: memref<5712xf32, #tpu.memory_space<vmem>>, %arg19: memref<10752xf32, #tpu.memory_space<vmem>>, %arg20: memref<!tpu.dma_semaphore, #tpu.memory_space<semaphore_mem>>, %arg21: memref<!tpu.dma_semaphore, #tpu.memory_space<semaphore_mem>>) attributes {dimension_semantics = [#tpu.dimension_semantics<core_parallel>, #tpu.dimension_semantics<subcore_parallel>], iteration_bounds = array<i64: 2, 16>, scalar_prefetch = 0 : i64, scratch_operands = 13 : i64, tpu.core_type = #tpu.core_type<sc_vector_subcore>, window_params = [{transform_indices = #map}, {transform_indices = #map}, {transform_indices = #map}, {transform_indices = #map1}, {transform_indices = #map1}, {transform_indices = #map}, {transform_indices = #map1}]} {
    %mul3A = arith.constant 2 : i32
    %mul3A_0 = arith.muli %arg1, %mul3A : i32
    %add3A = arith.addi %mul3A_0, %arg0 : i32
    %mul3A_1 = arith.constant 512 : i32
    %mul3A_2 = arith.muli %add3A, %mul3A_1 : i32
    "tpu.region"() ({
      %run_scoped3A_127 = tpu.sem_alloc : memref<!tpu.dma_semaphore, #tpu.memory_space<semaphore_mem>>
      %dma_start3A_128 = tpu.memref_slice %arg2[%mul3A_2] : memref<16384xi32, #tpu.memory_space<hbm>> -> memref<512xi32, #tpu.memory_space<hbm>>
      %dma_start3A_129 = tpu.memref_slice %arg2[%mul3A_2] : memref<16384xi32, #tpu.memory_space<hbm>> -> memref<512xi32, #tpu.memory_space<hbm>>
      tpu.enqueue_dma source(%dma_start3A_129 : memref<512xi32, #tpu.memory_space<hbm>>) target(%arg9 : memref<512xi32, #tpu.memory_space<vmem>>) target_semaphore(%run_scoped3A_127 : memref<!tpu.dma_semaphore, #tpu.memory_space<semaphore_mem>>)
      %dma_wait3A = tpu.memref_slice %arg2[%mul3A_2] : memref<16384xi32, #tpu.memory_space<hbm>> -> memref<512xi32, #tpu.memory_space<hbm>>
      %dma_wait3A_130 = tpu.memref_slice %arg2[%mul3A_2] : memref<16384xi32, #tpu.memory_space<hbm>> -> memref<512xi32, #tpu.memory_space<hbm>>
      tpu.wait_dma2 semaphore(%run_scoped3A_127 : memref<!tpu.dma_semaphore, #tpu.memory_space<semaphore_mem>>) src(%dma_wait3A_130 : memref<512xi32, #tpu.memory_space<hbm>>) dst(%arg9 : memref<512xi32, #tpu.memory_space<vmem>>)
      tpu.yield
    }) : () -> ()
    "tpu.region"() ({
      %run_scoped3A_127 = tpu.sem_alloc : memref<!tpu.dma_semaphore, #tpu.memory_space<semaphore_mem>>
      %dma_start3A_128 = tpu.memref_slice %arg3[%mul3A_2] : memref<16384xi32, #tpu.memory_space<hbm>> -> memref<512xi32, #tpu.memory_space<hbm>>
      %dma_start3A_129 = tpu.memref_slice %arg3[%mul3A_2] : memref<16384xi32, #tpu.memory_space<hbm>> -> memref<512xi32, #tpu.memory_space<hbm>>
      tpu.enqueue_dma source(%dma_start3A_129 : memref<512xi32, #tpu.memory_space<hbm>>) target(%arg10 : memref<512xi32, #tpu.memory_space<vmem>>) target_semaphore(%run_scoped3A_127 : memref<!tpu.dma_semaphore, #tpu.memory_space<semaphore_mem>>)
      %dma_wait3A = tpu.memref_slice %arg3[%mul3A_2] : memref<16384xi32, #tpu.memory_space<hbm>> -> memref<512xi32, #tpu.memory_space<hbm>>
      %dma_wait3A_130 = tpu.memref_slice %arg3[%mul3A_2] : memref<16384xi32, #tpu.memory_space<hbm>> -> memref<512xi32, #tpu.memory_space<hbm>>
      tpu.wait_dma2 semaphore(%run_scoped3A_127 : memref<!tpu.dma_semaphore, #tpu.memory_space<semaphore_mem>>) src(%dma_wait3A_130 : memref<512xi32, #tpu.memory_space<hbm>>) dst(%arg10 : memref<512xi32, #tpu.memory_space<vmem>>)
      tpu.yield
    }) : () -> ()
    %mul3A_3 = arith.constant 20 : i32
    %mul3A_4 = arith.muli %mul3A_2, %mul3A_3 : i32
    "tpu.region"() ({
      %run_scoped3A_127 = tpu.sem_alloc : memref<!tpu.dma_semaphore, #tpu.memory_space<semaphore_mem>>
      %dma_start3A_128 = tpu.memref_slice %arg4[%mul3A_4] : memref<327680xi32, #tpu.memory_space<hbm>> -> memref<10240xi32, #tpu.memory_space<hbm>>
      %dma_start3A_129 = tpu.memref_slice %arg4[%mul3A_4] : memref<327680xi32, #tpu.memory_space<hbm>> -> memref<10240xi32, #tpu.memory_space<hbm>>
      tpu.enqueue_dma source(%dma_start3A_129 : memref<10240xi32, #tpu.memory_space<hbm>>) target(%arg11 : memref<10240xi32, #tpu.memory_space<vmem>>) target_semaphore(%run_scoped3A_127 : memref<!tpu.dma_semaphore, #tpu.memory_space<semaphore_mem>>)
      %dma_wait3A = tpu.memref_slice %arg4[%mul3A_4] : memref<327680xi32, #tpu.memory_space<hbm>> -> memref<10240xi32, #tpu.memory_space<hbm>>
      %dma_wait3A_130 = tpu.memref_slice %arg4[%mul3A_4] : memref<327680xi32, #tpu.memory_space<hbm>> -> memref<10240xi32, #tpu.memory_space<hbm>>
      tpu.wait_dma2 semaphore(%run_scoped3A_127 : memref<!tpu.dma_semaphore, #tpu.memory_space<semaphore_mem>>) src(%dma_wait3A_130 : memref<10240xi32, #tpu.memory_space<hbm>>) dst(%arg11 : memref<10240xi32, #tpu.memory_space<vmem>>)
      tpu.yield
    }) : () -> ()
    %iota3A = tpu.iota {dimensions = array<i32: 0>} : vector<16xi32>
    %dma_start3A = arith.constant 0 : i32
    %dma_start3A_5 = tpu.memref_slice %arg9[%dma_start3A] : memref<512xi32, #tpu.memory_space<vmem>> -> memref<32xi32, #tpu.memory_space<vmem>>
    %dma_start3A_6 = arith.constant 0 : i32
    %dma_start3A_7 = arith.constant 0 : i32
    %dma_start3A_8 = tpu.memref_slice %arg5[%dma_start3A_6, %dma_start3A_7] : memref<1000000x64xf32, #tpu.memory_space<hbm>> -> memref<1000000x64xf32, #tpu.memory_space<hbm>>
    tpu.enqueue_indirect_dma source(%dma_start3A_8 : memref<1000000x64xf32, #tpu.memory_space<hbm>>) target(%arg12 : memref<32x64xf32, #tpu.memory_space<vmem>>) offsets(%dma_start3A_5 : memref<32xi32, #tpu.memory_space<vmem>>) semaphore(%arg20 : memref<!tpu.dma_semaphore, #tpu.memory_space<semaphore_mem>>)
    %dma_start3A_9 = arith.constant 0 : i32
    %dma_start3A_10 = tpu.memref_slice %arg10[%dma_start3A_9] : memref<512xi32, #tpu.memory_space<vmem>> -> memref<32xi32, #tpu.memory_space<vmem>>
    %dma_start3A_11 = arith.constant 0 : i32
    %dma_start3A_12 = arith.constant 0 : i32
    %dma_start3A_13 = tpu.memref_slice %arg6[%dma_start3A_11, %dma_start3A_12] : memref<1000000x64xf32, #tpu.memory_space<hbm>> -> memref<1000000x64xf32, #tpu.memory_space<hbm>>
    tpu.enqueue_indirect_dma source(%dma_start3A_13 : memref<1000000x64xf32, #tpu.memory_space<hbm>>) target(%arg13 : memref<32x64xf32, #tpu.memory_space<vmem>>) offsets(%dma_start3A_10 : memref<32xi32, #tpu.memory_space<vmem>>) semaphore(%arg20 : memref<!tpu.dma_semaphore, #tpu.memory_space<semaphore_mem>>)
    %dma_start3A_14 = arith.constant 0 : i32
    %dma_start3A_15 = arith.constant 0 : i32
    %dma_start3A_16 = tpu.memref_slice %arg14[%dma_start3A_14, %dma_start3A_15] : memref<640x64xf32, #tpu.memory_space<vmem>> -> memref<128x64xf32, #tpu.memory_space<vmem>>
    %dma_start3A_17 = arith.constant 0 : i32
    %dma_start3A_18 = tpu.memref_slice %arg11[%dma_start3A_17] : memref<10240xi32, #tpu.memory_space<vmem>> -> memref<128xi32, #tpu.memory_space<vmem>>
    %dma_start3A_19 = arith.constant 0 : i32
    %dma_start3A_20 = arith.constant 0 : i32
    %dma_start3A_21 = tpu.memref_slice %arg6[%dma_start3A_19, %dma_start3A_20] : memref<1000000x64xf32, #tpu.memory_space<hbm>> -> memref<1000000x64xf32, #tpu.memory_space<hbm>>
    tpu.enqueue_indirect_dma source(%dma_start3A_21 : memref<1000000x64xf32, #tpu.memory_space<hbm>>) target(%dma_start3A_16 : memref<128x64xf32, #tpu.memory_space<vmem>>) offsets(%dma_start3A_18 : memref<128xi32, #tpu.memory_space<vmem>>) semaphore(%arg20 : memref<!tpu.dma_semaphore, #tpu.memory_space<semaphore_mem>>)
    %dma_start3A_22 = arith.constant 128 : i32
    %dma_start3A_23 = arith.constant 0 : i32
    %dma_start3A_24 = tpu.memref_slice %arg14[%dma_start3A_22, %dma_start3A_23] : memref<640x64xf32, #tpu.memory_space<vmem>> -> memref<128x64xf32, #tpu.memory_space<vmem>>
    %dma_start3A_25 = arith.constant 128 : i32
    %dma_start3A_26 = tpu.memref_slice %arg11[%dma_start3A_25] : memref<10240xi32, #tpu.memory_space<vmem>> -> memref<128xi32, #tpu.memory_space<vmem>>
    %dma_start3A_27 = arith.constant 0 : i32
    %dma_start3A_28 = arith.constant 0 : i32
    %dma_start3A_29 = tpu.memref_slice %arg6[%dma_start3A_27, %dma_start3A_28] : memref<1000000x64xf32, #tpu.memory_space<hbm>> -> memref<1000000x64xf32, #tpu.memory_space<hbm>>
    tpu.enqueue_indirect_dma source(%dma_start3A_29 : memref<1000000x64xf32, #tpu.memory_space<hbm>>) target(%dma_start3A_24 : memref<128x64xf32, #tpu.memory_space<vmem>>) offsets(%dma_start3A_26 : memref<128xi32, #tpu.memory_space<vmem>>) semaphore(%arg20 : memref<!tpu.dma_semaphore, #tpu.memory_space<semaphore_mem>>)
    %dma_start3A_30 = arith.constant 256 : i32
    %dma_start3A_31 = arith.constant 0 : i32
    %dma_start3A_32 = tpu.memref_slice %arg14[%dma_start3A_30, %dma_start3A_31] : memref<640x64xf32, #tpu.memory_space<vmem>> -> memref<128x64xf32, #tpu.memory_space<vmem>>
    %dma_start3A_33 = arith.constant 256 : i32
    %dma_start3A_34 = tpu.memref_slice %arg11[%dma_start3A_33] : memref<10240xi32, #tpu.memory_space<vmem>> -> memref<128xi32, #tpu.memory_space<vmem>>
    %dma_start3A_35 = arith.constant 0 : i32
    %dma_start3A_36 = arith.constant 0 : i32
    %dma_start3A_37 = tpu.memref_slice %arg6[%dma_start3A_35, %dma_start3A_36] : memref<1000000x64xf32, #tpu.memory_space<hbm>> -> memref<1000000x64xf32, #tpu.memory_space<hbm>>
    tpu.enqueue_indirect_dma source(%dma_start3A_37 : memref<1000000x64xf32, #tpu.memory_space<hbm>>) target(%dma_start3A_32 : memref<128x64xf32, #tpu.memory_space<vmem>>) offsets(%dma_start3A_34 : memref<128xi32, #tpu.memory_space<vmem>>) semaphore(%arg20 : memref<!tpu.dma_semaphore, #tpu.memory_space<semaphore_mem>>)
    %dma_start3A_38 = arith.constant 384 : i32
    %dma_start3A_39 = arith.constant 0 : i32
    %dma_start3A_40 = tpu.memref_slice %arg14[%dma_start3A_38, %dma_start3A_39] : memref<640x64xf32, #tpu.memory_space<vmem>> -> memref<128x64xf32, #tpu.memory_space<vmem>>
    %dma_start3A_41 = arith.constant 384 : i32
    %dma_start3A_42 = tpu.memref_slice %arg11[%dma_start3A_41] : memref<10240xi32, #tpu.memory_space<vmem>> -> memref<128xi32, #tpu.memory_space<vmem>>
    %dma_start3A_43 = arith.constant 0 : i32
    %dma_start3A_44 = arith.constant 0 : i32
    %dma_start3A_45 = tpu.memref_slice %arg6[%dma_start3A_43, %dma_start3A_44] : memref<1000000x64xf32, #tpu.memory_space<hbm>> -> memref<1000000x64xf32, #tpu.memory_space<hbm>>
    tpu.enqueue_indirect_dma source(%dma_start3A_45 : memref<1000000x64xf32, #tpu.memory_space<hbm>>) target(%dma_start3A_40 : memref<128x64xf32, #tpu.memory_space<vmem>>) offsets(%dma_start3A_42 : memref<128xi32, #tpu.memory_space<vmem>>) semaphore(%arg20 : memref<!tpu.dma_semaphore, #tpu.memory_space<semaphore_mem>>)
    %dma_start3A_46 = arith.constant 512 : i32
    %dma_start3A_47 = arith.constant 0 : i32
    %dma_start3A_48 = tpu.memref_slice %arg14[%dma_start3A_46, %dma_start3A_47] : memref<640x64xf32, #tpu.memory_space<vmem>> -> memref<128x64xf32, #tpu.memory_space<vmem>>
    %dma_start3A_49 = arith.constant 512 : i32
    %dma_start3A_50 = tpu.memref_slice %arg11[%dma_start3A_49] : memref<10240xi32, #tpu.memory_space<vmem>> -> memref<128xi32, #tpu.memory_space<vmem>>
    %dma_start3A_51 = arith.constant 0 : i32
    %dma_start3A_52 = arith.constant 0 : i32
    %dma_start3A_53 = tpu.memref_slice %arg6[%dma_start3A_51, %dma_start3A_52] : memref<1000000x64xf32, #tpu.memory_space<hbm>> -> memref<1000000x64xf32, #tpu.memory_space<hbm>>
    tpu.enqueue_indirect_dma source(%dma_start3A_53 : memref<1000000x64xf32, #tpu.memory_space<hbm>>) target(%dma_start3A_48 : memref<128x64xf32, #tpu.memory_space<vmem>>) offsets(%dma_start3A_50 : memref<128xi32, #tpu.memory_space<vmem>>) semaphore(%arg20 : memref<!tpu.dma_semaphore, #tpu.memory_space<semaphore_mem>>)
    %dma_start3A_54 = arith.constant 32 : i32
    %dma_start3A_55 = tpu.memref_slice %arg9[%dma_start3A_54] : memref<512xi32, #tpu.memory_space<vmem>> -> memref<32xi32, #tpu.memory_space<vmem>>
    %dma_start3A_56 = arith.constant 0 : i32
    %dma_start3A_57 = arith.constant 0 : i32
    %dma_start3A_58 = tpu.memref_slice %arg5[%dma_start3A_56, %dma_start3A_57] : memref<1000000x64xf32, #tpu.memory_space<hbm>> -> memref<1000000x64xf32, #tpu.memory_space<hbm>>
    tpu.enqueue_indirect_dma source(%dma_start3A_58 : memref<1000000x64xf32, #tpu.memory_space<hbm>>) target(%arg15 : memref<32x64xf32, #tpu.memory_space<vmem>>) offsets(%dma_start3A_55 : memref<32xi32, #tpu.memory_space<vmem>>) semaphore(%arg21 : memref<!tpu.dma_semaphore, #tpu.memory_space<semaphore_mem>>)
    %dma_start3A_59 = arith.constant 32 : i32
    %dma_start3A_60 = tpu.memref_slice %arg10[%dma_start3A_59] : memref<512xi32, #tpu.memory_space<vmem>> -> memref<32xi32, #tpu.memory_space<vmem>>
    %dma_start3A_61 = arith.constant 0 : i32
    %dma_start3A_62 = arith.constant 0 : i32
    %dma_start3A_63 = tpu.memref_slice %arg6[%dma_start3A_61, %dma_start3A_62] : memref<1000000x64xf32, #tpu.memory_space<hbm>> -> memref<1000000x64xf32, #tpu.memory_space<hbm>>
    tpu.enqueue_indirect_dma source(%dma_start3A_63 : memref<1000000x64xf32, #tpu.memory_space<hbm>>) target(%arg16 : memref<32x64xf32, #tpu.memory_space<vmem>>) offsets(%dma_start3A_60 : memref<32xi32, #tpu.memory_space<vmem>>) semaphore(%arg21 : memref<!tpu.dma_semaphore, #tpu.memory_space<semaphore_mem>>)
    %dma_start3A_64 = arith.constant 0 : i32
    %dma_start3A_65 = arith.constant 0 : i32
    %dma_start3A_66 = tpu.memref_slice %arg17[%dma_start3A_64, %dma_start3A_65] : memref<640x64xf32, #tpu.memory_space<vmem>> -> memref<128x64xf32, #tpu.memory_space<vmem>>
    %dma_start3A_67 = arith.constant 640 : i32
    %dma_start3A_68 = tpu.memref_slice %arg11[%dma_start3A_67] : memref<10240xi32, #tpu.memory_space<vmem>> -> memref<128xi32, #tpu.memory_space<vmem>>
    %dma_start3A_69 = arith.constant 0 : i32
    %dma_start3A_70 = arith.constant 0 : i32
    %dma_start3A_71 = tpu.memref_slice %arg6[%dma_start3A_69, %dma_start3A_70] : memref<1000000x64xf32, #tpu.memory_space<hbm>> -> memref<1000000x64xf32, #tpu.memory_space<hbm>>
    tpu.enqueue_indirect_dma source(%dma_start3A_71 : memref<1000000x64xf32, #tpu.memory_space<hbm>>) target(%dma_start3A_66 : memref<128x64xf32, #tpu.memory_space<vmem>>) offsets(%dma_start3A_68 : memref<128xi32, #tpu.memory_space<vmem>>) semaphore(%arg21 : memref<!tpu.dma_semaphore, #tpu.memory_space<semaphore_mem>>)
    %dma_start3A_72 = arith.constant 128 : i32
    %dma_start3A_73 = arith.constant 0 : i32
    %dma_start3A_74 = tpu.memref_slice %arg17[%dma_start3A_72, %dma_start3A_73] : memref<640x64xf32, #tpu.memory_space<vmem>> -> memref<128x64xf32, #tpu.memory_space<vmem>>
    %dma_start3A_75 = arith.constant 768 : i32
    %dma_start3A_76 = tpu.memref_slice %arg11[%dma_start3A_75] : memref<10240xi32, #tpu.memory_space<vmem>> -> memref<128xi32, #tpu.memory_space<vmem>>
    %dma_start3A_77 = arith.constant 0 : i32
    %dma_start3A_78 = arith.constant 0 : i32
    %dma_start3A_79 = tpu.memref_slice %arg6[%dma_start3A_77, %dma_start3A_78] : memref<1000000x64xf32, #tpu.memory_space<hbm>> -> memref<1000000x64xf32, #tpu.memory_space<hbm>>
    tpu.enqueue_indirect_dma source(%dma_start3A_79 : memref<1000000x64xf32, #tpu.memory_space<hbm>>) target(%dma_start3A_74 : memref<128x64xf32, #tpu.memory_space<vmem>>) offsets(%dma_start3A_76 : memref<128xi32, #tpu.memory_space<vmem>>) semaphore(%arg21 : memref<!tpu.dma_semaphore, #tpu.memory_space<semaphore_mem>>)
    %dma_start3A_80 = arith.constant 256 : i32
    %dma_start3A_81 = arith.constant 0 : i32
    %dma_start3A_82 = tpu.memref_slice %arg17[%dma_start3A_80, %dma_start3A_81] : memref<640x64xf32, #tpu.memory_space<vmem>> -> memref<128x64xf32, #tpu.memory_space<vmem>>
    %dma_start3A_83 = arith.constant 896 : i32
    %dma_start3A_84 = tpu.memref_slice %arg11[%dma_start3A_83] : memref<10240xi32, #tpu.memory_space<vmem>> -> memref<128xi32, #tpu.memory_space<vmem>>
    %dma_start3A_85 = arith.constant 0 : i32
    %dma_start3A_86 = arith.constant 0 : i32
    %dma_start3A_87 = tpu.memref_slice %arg6[%dma_start3A_85, %dma_start3A_86] : memref<1000000x64xf32, #tpu.memory_space<hbm>> -> memref<1000000x64xf32, #tpu.memory_space<hbm>>
    tpu.enqueue_indirect_dma source(%dma_start3A_87 : memref<1000000x64xf32, #tpu.memory_space<hbm>>) target(%dma_start3A_82 : memref<128x64xf32, #tpu.memory_space<vmem>>) offsets(%dma_start3A_84 : memref<128xi32, #tpu.memory_space<vmem>>) semaphore(%arg21 : memref<!tpu.dma_semaphore, #tpu.memory_space<semaphore_mem>>)
    %dma_start3A_88 = arith.constant 384 : i32
    %dma_start3A_89 = arith.constant 0 : i32
    %dma_start3A_90 = tpu.memref_slice %arg17[%dma_start3A_88, %dma_start3A_89] : memref<640x64xf32, #tpu.memory_space<vmem>> -> memref<128x64xf32, #tpu.memory_space<vmem>>
    %dma_start3A_91 = arith.constant 1024 : i32
    %dma_start3A_92 = tpu.memref_slice %arg11[%dma_start3A_91] : memref<10240xi32, #tpu.memory_space<vmem>> -> memref<128xi32, #tpu.memory_space<vmem>>
    %dma_start3A_93 = arith.constant 0 : i32
    %dma_start3A_94 = arith.constant 0 : i32
    %dma_start3A_95 = tpu.memref_slice %arg6[%dma_start3A_93, %dma_start3A_94] : memref<1000000x64xf32, #tpu.memory_space<hbm>> -> memref<1000000x64xf32, #tpu.memory_space<hbm>>
    tpu.enqueue_indirect_dma source(%dma_start3A_95 : memref<1000000x64xf32, #tpu.memory_space<hbm>>) target(%dma_start3A_90 : memref<128x64xf32, #tpu.memory_space<vmem>>) offsets(%dma_start3A_92 : memref<128xi32, #tpu.memory_space<vmem>>) semaphore(%arg21 : memref<!tpu.dma_semaphore, #tpu.memory_space<semaphore_mem>>)
    %dma_start3A_96 = arith.constant 512 : i32
    %dma_start3A_97 = arith.constant 0 : i32
    %dma_start3A_98 = tpu.memref_slice %arg17[%dma_start3A_96, %dma_start3A_97] : memref<640x64xf32, #tpu.memory_space<vmem>> -> memref<128x64xf32, #tpu.memory_space<vmem>>
    %dma_start3A_99 = arith.constant 1152 : i32
    %dma_start3A_100 = tpu.memref_slice %arg11[%dma_start3A_99] : memref<10240xi32, #tpu.memory_space<vmem>> -> memref<128xi32, #tpu.memory_space<vmem>>
    %dma_start3A_101 = arith.constant 0 : i32
    %dma_start3A_102 = arith.constant 0 : i32
    %dma_start3A_103 = tpu.memref_slice %arg6[%dma_start3A_101, %dma_start3A_102] : memref<1000000x64xf32, #tpu.memory_space<hbm>> -> memref<1000000x64xf32, #tpu.memory_space<hbm>>
    tpu.enqueue_indirect_dma source(%dma_start3A_103 : memref<1000000x64xf32, #tpu.memory_space<hbm>>) target(%dma_start3A_98 : memref<128x64xf32, #tpu.memory_space<vmem>>) offsets(%dma_start3A_100 : memref<128xi32, #tpu.memory_space<vmem>>) semaphore(%arg21 : memref<!tpu.dma_semaphore, #tpu.memory_space<semaphore_mem>>)
    %scan3A = arith.constant 0 : i32
    %scan3A_104 = arith.constant 8 : i32
    %scan3A_105 = arith.addi %scan3A, %scan3A_104 : i32
    %scan3A_106 = arith.constant 1 : i32
    scf.for %scan3A_127 = %scan3A to %scan3A_105 step %scan3A_106  : i32 {
      %mul3A_128 = arith.constant 2 : i32
      %mul3A_129 = arith.muli %scan3A_127, %mul3A_128 : i32
      %add3A_130 = arith.constant 0 : i32
      %add3A_131 = arith.addi %add3A_130, %mul3A_129 : i32
      %add3A_132 = arith.constant 0 : i32
      %add3A_133 = arith.addi %add3A_131, %add3A_132 : i32
      %mul3A_134 = arith.constant 32 : i32
      %mul3A_135 = arith.muli %add3A_133, %mul3A_134 : i32
      %mul3A_136 = arith.constant 32 : i32
      %mul3A_137 = arith.muli %add3A_133, %mul3A_136 : i32
      %mul3A_138 = arith.constant 32 : i32
      %mul3A_139 = arith.muli %add3A_133, %mul3A_138 : i32
      %mul3A_140 = arith.constant 20 : i32
      %mul3A_141 = arith.muli %mul3A_139, %mul3A_140 : i32
      %add3A_142 = arith.constant 0 : i32
      %add3A_143 = arith.addi %mul3A_141, %add3A_142 : i32
      %mul3A_144 = arith.constant 32 : i32
      %mul3A_145 = arith.muli %add3A_133, %mul3A_144 : i32
      %mul3A_146 = arith.constant 20 : i32
      %mul3A_147 = arith.muli %mul3A_145, %mul3A_146 : i32
      %add3A_148 = arith.constant 128 : i32
      %add3A_149 = arith.addi %mul3A_147, %add3A_148 : i32
      %mul3A_150 = arith.constant 32 : i32
      %mul3A_151 = arith.muli %add3A_133, %mul3A_150 : i32
      %mul3A_152 = arith.constant 20 : i32
      %mul3A_153 = arith.muli %mul3A_151, %mul3A_152 : i32
      %add3A_154 = arith.constant 256 : i32
      %add3A_155 = arith.addi %mul3A_153, %add3A_154 : i32
      %mul3A_156 = arith.constant 32 : i32
      %mul3A_157 = arith.muli %add3A_133, %mul3A_156 : i32
      %mul3A_158 = arith.constant 20 : i32
      %mul3A_159 = arith.muli %mul3A_157, %mul3A_158 : i32
      %add3A_160 = arith.constant 384 : i32
      %add3A_161 = arith.addi %mul3A_159, %add3A_160 : i32
      %mul3A_162 = arith.constant 32 : i32
      %mul3A_163 = arith.muli %add3A_133, %mul3A_162 : i32
      %mul3A_164 = arith.constant 20 : i32
      %mul3A_165 = arith.muli %mul3A_163, %mul3A_164 : i32
      %add3A_166 = arith.constant 512 : i32
      %add3A_167 = arith.addi %mul3A_165, %add3A_166 : i32
      %dma_wait3A = tpu.memref_slice %arg9[%mul3A_135] : memref<512xi32, #tpu.memory_space<vmem>> -> memref<32xi32, #tpu.memory_space<vmem>>
      %dma_wait3A_168 = arith.constant 0 : i32
      %dma_wait3A_169 = arith.constant 0 : i32
      %dma_wait3A_170 = tpu.memref_slice %arg5[%dma_wait3A_168, %dma_wait3A_169] : memref<1000000x64xf32, #tpu.memory_space<hbm>> -> memref<1000000x64xf32, #tpu.memory_space<hbm>>
      tpu.wait_indirect_dma semaphore(%arg20 : memref<!tpu.dma_semaphore, #tpu.memory_space<semaphore_mem>>) src(%dma_wait3A_170 : memref<1000000x64xf32, #tpu.memory_space<hbm>>) dst(%arg12 : memref<32x64xf32, #tpu.memory_space<vmem>>)
      %dma_wait3A_171 = tpu.memref_slice %arg10[%mul3A_137] : memref<512xi32, #tpu.memory_space<vmem>> -> memref<32xi32, #tpu.memory_space<vmem>>
      %dma_wait3A_172 = arith.constant 0 : i32
      %dma_wait3A_173 = arith.constant 0 : i32
      %dma_wait3A_174 = tpu.memref_slice %arg6[%dma_wait3A_172, %dma_wait3A_173] : memref<1000000x64xf32, #tpu.memory_space<hbm>> -> memref<1000000x64xf32, #tpu.memory_space<hbm>>
      tpu.wait_indirect_dma semaphore(%arg20 : memref<!tpu.dma_semaphore, #tpu.memory_space<semaphore_mem>>) src(%dma_wait3A_174 : memref<1000000x64xf32, #tpu.memory_space<hbm>>) dst(%arg13 : memref<32x64xf32, #tpu.memory_space<vmem>>)
      %dma_wait3A_175 = arith.constant 0 : i32
      %dma_wait3A_176 = arith.constant 0 : i32
      %dma_wait3A_177 = tpu.memref_slice %arg14[%dma_wait3A_175, %dma_wait3A_176] : memref<640x64xf32, #tpu.memory_space<vmem>> -> memref<128x64xf32, #tpu.memory_space<vmem>>
      %dma_wait3A_178 = tpu.memref_slice %arg11[%add3A_143] : memref<10240xi32, #tpu.memory_space<vmem>> -> memref<128xi32, #tpu.memory_space<vmem>>
      %dma_wait3A_179 = arith.constant 0 : i32
      %dma_wait3A_180 = arith.constant 0 : i32
      %dma_wait3A_181 = tpu.memref_slice %arg6[%dma_wait3A_179, %dma_wait3A_180] : memref<1000000x64xf32, #tpu.memory_space<hbm>> -> memref<1000000x64xf32, #tpu.memory_space<hbm>>
      tpu.wait_indirect_dma semaphore(%arg20 : memref<!tpu.dma_semaphore, #tpu.memory_space<semaphore_mem>>) src(%dma_wait3A_181 : memref<1000000x64xf32, #tpu.memory_space<hbm>>) dst(%dma_wait3A_177 : memref<128x64xf32, #tpu.memory_space<vmem>>)
      %dma_wait3A_182 = arith.constant 128 : i32
      %dma_wait3A_183 = arith.constant 0 : i32
      %dma_wait3A_184 = tpu.memref_slice %arg14[%dma_wait3A_182, %dma_wait3A_183] : memref<640x64xf32, #tpu.memory_space<vmem>> -> memref<128x64xf32, #tpu.memory_space<vmem>>
      %dma_wait3A_185 = tpu.memref_slice %arg11[%add3A_149] : memref<10240xi32, #tpu.memory_space<vmem>> -> memref<128xi32, #tpu.memory_space<vmem>>
      %dma_wait3A_186 = arith.constant 0 : i32
      %dma_wait3A_187 = arith.constant 0 : i32
      %dma_wait3A_188 = tpu.memref_slice %arg6[%dma_wait3A_186, %dma_wait3A_187] : memref<1000000x64xf32, #tpu.memory_space<hbm>> -> memref<1000000x64xf32, #tpu.memory_space<hbm>>
      tpu.wait_indirect_dma semaphore(%arg20 : memref<!tpu.dma_semaphore, #tpu.memory_space<semaphore_mem>>) src(%dma_wait3A_188 : memref<1000000x64xf32, #tpu.memory_space<hbm>>) dst(%dma_wait3A_184 : memref<128x64xf32, #tpu.memory_space<vmem>>)
      %dma_wait3A_189 = arith.constant 256 : i32
      %dma_wait3A_190 = arith.constant 0 : i32
      %dma_wait3A_191 = tpu.memref_slice %arg14[%dma_wait3A_189, %dma_wait3A_190] : memref<640x64xf32, #tpu.memory_space<vmem>> -> memref<128x64xf32, #tpu.memory_space<vmem>>
      %dma_wait3A_192 = tpu.memref_slice %arg11[%add3A_155] : memref<10240xi32, #tpu.memory_space<vmem>> -> memref<128xi32, #tpu.memory_space<vmem>>
      %dma_wait3A_193 = arith.constant 0 : i32
      %dma_wait3A_194 = arith.constant 0 : i32
      %dma_wait3A_195 = tpu.memref_slice %arg6[%dma_wait3A_193, %dma_wait3A_194] : memref<1000000x64xf32, #tpu.memory_space<hbm>> -> memref<1000000x64xf32, #tpu.memory_space<hbm>>
      tpu.wait_indirect_dma semaphore(%arg20 : memref<!tpu.dma_semaphore, #tpu.memory_space<semaphore_mem>>) src(%dma_wait3A_195 : memref<1000000x64xf32, #tpu.memory_space<hbm>>) dst(%dma_wait3A_191 : memref<128x64xf32, #tpu.memory_space<vmem>>)
      %dma_wait3A_196 = arith.constant 384 : i32
      %dma_wait3A_197 = arith.constant 0 : i32
      %dma_wait3A_198 = tpu.memref_slice %arg14[%dma_wait3A_196, %dma_wait3A_197] : memref<640x64xf32, #tpu.memory_space<vmem>> -> memref<128x64xf32, #tpu.memory_space<vmem>>
      %dma_wait3A_199 = tpu.memref_slice %arg11[%add3A_161] : memref<10240xi32, #tpu.memory_space<vmem>> -> memref<128xi32, #tpu.memory_space<vmem>>
      %dma_wait3A_200 = arith.constant 0 : i32
      %dma_wait3A_201 = arith.constant 0 : i32
      %dma_wait3A_202 = tpu.memref_slice %arg6[%dma_wait3A_200, %dma_wait3A_201] : memref<1000000x64xf32, #tpu.memory_space<hbm>> -> memref<1000000x64xf32, #tpu.memory_space<hbm>>
      tpu.wait_indirect_dma semaphore(%arg20 : memref<!tpu.dma_semaphore, #tpu.memory_space<semaphore_mem>>) src(%dma_wait3A_202 : memref<1000000x64xf32, #tpu.memory_space<hbm>>) dst(%dma_wait3A_198 : memref<128x64xf32, #tpu.memory_space<vmem>>)
      %dma_wait3A_203 = arith.constant 512 : i32
      %dma_wait3A_204 = arith.constant 0 : i32
      %dma_wait3A_205 = tpu.memref_slice %arg14[%dma_wait3A_203, %dma_wait3A_204] : memref<640x64xf32, #tpu.memory_space<vmem>> -> memref<128x64xf32, #tpu.memory_space<vmem>>
      %dma_wait3A_206 = tpu.memref_slice %arg11[%add3A_167] : memref<10240xi32, #tpu.memory_space<vmem>> -> memref<128xi32, #tpu.memory_space<vmem>>
      %dma_wait3A_207 = arith.constant 0 : i32
      %dma_wait3A_208 = arith.constant 0 : i32
      %dma_wait3A_209 = tpu.memref_slice %arg6[%dma_wait3A_207, %dma_wait3A_208] : memref<1000000x64xf32, #tpu.memory_space<hbm>> -> memref<1000000x64xf32, #tpu.memory_space<hbm>>
      tpu.wait_indirect_dma semaphore(%arg20 : memref<!tpu.dma_semaphore, #tpu.memory_space<semaphore_mem>>) src(%dma_wait3A_209 : memref<1000000x64xf32, #tpu.memory_space<hbm>>) dst(%dma_wait3A_205 : memref<128x64xf32, #tpu.memory_space<vmem>>)
      %add3A_210 = arith.constant 0 : i32
      %add3A_211 = arith.addi %add3A_131, %add3A_210 : i32
      %scan3A_212 = arith.constant 0 : i32
      %scan3A_213 = arith.constant 0 : i32
      %scan3A_214 = arith.constant 16 : i32
      %scan3A_215 = arith.addi %scan3A_213, %scan3A_214 : i32
      %scan3A_216 = arith.constant 1 : i32
      scf.for %scan3A_372 = %scan3A_213 to %scan3A_215 step %scan3A_216  : i32 {
        %add3A_373 = arith.constant 0 : i32
        %add3A_374 = arith.addi %add3A_373, %scan3A_372 : i32
        %mul3A_375 = arith.constant 17 : i32
        %mul3A_376 = vector.broadcast %mul3A_375 : i32 to vector<16xi32>
        %mul3A_377 = arith.muli %iota3A, %mul3A_376 : vector<16xi32>
        %add3A_378 = vector.broadcast %scan3A_372 : i32 to vector<16xi32>
        %add3A_379 = arith.addi %mul3A_377, %add3A_378 : vector<16xi32>
        %get3A = arith.index_cast %add3A_374 : i32 to index
        %get3A_380 = arith.constant 0 : index
        %get3A_381 = tpu.vector_load %arg12[%get3A, %get3A_380] {strides = array<i32>} : memref<32x64xf32, #tpu.memory_space<vmem>>, vector<16xf32>,
        %get3A_382 = arith.index_cast %add3A_374 : i32 to index
        %get3A_383 = arith.constant 16 : index
        %get3A_384 = tpu.vector_load %arg12[%get3A_382, %get3A_383] {strides = array<i32>} : memref<32x64xf32, #tpu.memory_space<vmem>>, vector<16xf32>,
        %get3A_385 = arith.index_cast %add3A_374 : i32 to index
        %get3A_386 = arith.constant 32 : index
        %get3A_387 = tpu.vector_load %arg12[%get3A_385, %get3A_386] {strides = array<i32>} : memref<32x64xf32, #tpu.memory_space<vmem>>, vector<16xf32>,
        %get3A_388 = arith.index_cast %add3A_374 : i32 to index
        %get3A_389 = arith.constant 48 : index
        %get3A_390 = tpu.vector_load %arg12[%get3A_388, %get3A_389] {strides = array<i32>} : memref<32x64xf32, #tpu.memory_space<vmem>>, vector<16xf32>,
        %get3A_391 = arith.index_cast %add3A_374 : i32 to index
        %get3A_392 = arith.constant 0 : index
        %get3A_393 = tpu.vector_load %arg13[%get3A_391, %get3A_392] {strides = array<i32>} : memref<32x64xf32, #tpu.memory_space<vmem>>, vector<16xf32>,
        %get3A_394 = arith.index_cast %add3A_374 : i32 to index
        %get3A_395 = arith.constant 16 : index
        %get3A_396 = tpu.vector_load %arg13[%get3A_394, %get3A_395] {strides = array<i32>} : memref<32x64xf32, #tpu.memory_space<vmem>>, vector<16xf32>,
        %get3A_397 = arith.index_cast %add3A_374 : i32 to index
        %get3A_398 = arith.constant 32 : index
        %get3A_399 = tpu.vector_load %arg13[%get3A_397, %get3A_398] {strides = array<i32>} : memref<32x64xf32, #tpu.memory_space<vmem>>, vector<16xf32>,
        %get3A_400 = arith.index_cast %add3A_374 : i32 to index
        %get3A_401 = arith.constant 48 : index
        %get3A_402 = tpu.vector_load %arg13[%get3A_400, %get3A_401] {strides = array<i32>} : memref<32x64xf32, #tpu.memory_space<vmem>>, vector<16xf32>,
        %mul3A_403 = arith.mulf %get3A_381, %get3A_393 : vector<16xf32>
        %mul3A_404 = arith.mulf %get3A_384, %get3A_396 : vector<16xf32>
        %add3A_405 = arith.addf %mul3A_403, %mul3A_404 : vector<16xf32>
        %mul3A_406 = arith.mulf %get3A_387, %get3A_399 : vector<16xf32>
        %mul3A_407 = arith.mulf %get3A_390, %get3A_402 : vector<16xf32>
        %add3A_408 = arith.addf %mul3A_406, %mul3A_407 : vector<16xf32>
        %add3A_409 = arith.addf %add3A_405, %add3A_408 : vector<16xf32>
        tpu.vector_store_idx %arg18[%add3A_379], %add3A_409 : memref<5712xf32, #tpu.memory_space<vmem>>[vector<16xi32>], vector<16xf32>,
        %mul3A_410 = arith.constant 20 : i32
        %mul3A_411 = arith.muli %add3A_374, %mul3A_410 : i32
        %add3A_412 = arith.constant 0 : i32
        %add3A_413 = arith.addi %mul3A_411, %add3A_412 : i32
        %get3A_414 = arith.index_cast %add3A_413 : i32 to index
        %get3A_415 = arith.constant 0 : index
        %get3A_416 = tpu.vector_load %arg14[%get3A_414, %get3A_415] {strides = array<i32>} : memref<640x64xf32, #tpu.memory_space<vmem>>, vector<16xf32>,
        %add3A_417 = arith.constant 0 : i32
        %add3A_418 = arith.addi %mul3A_411, %add3A_417 : i32
        %get3A_419 = arith.index_cast %add3A_418 : i32 to index
        %get3A_420 = arith.constant 16 : index
        %get3A_421 = tpu.vector_load %arg14[%get3A_419, %get3A_420] {strides = array<i32>} : memref<640x64xf32, #tpu.memory_space<vmem>>, vector<16xf32>,
        %add3A_422 = arith.constant 0 : i32
        %add3A_423 = arith.addi %mul3A_411, %add3A_422 : i32
        %get3A_424 = arith.index_cast %add3A_423 : i32 to index
        %get3A_425 = arith.constant 32 : index
        %get3A_426 = tpu.vector_load %arg14[%get3A_424, %get3A_425] {strides = array<i32>} : memref<640x64xf32, #tpu.memory_space<vmem>>, vector<16xf32>,
        %add3A_427 = arith.constant 0 : i32
        %add3A_428 = arith.addi %mul3A_411, %add3A_427 : i32
        %get3A_429 = arith.index_cast %add3A_428 : i32 to index
        %get3A_430 = arith.constant 48 : index
        %get3A_431 = tpu.vector_load %arg14[%get3A_429, %get3A_430] {strides = array<i32>} : memref<640x64xf32, #tpu.memory_space<vmem>>, vector<16xf32>,
        %mul3A_432 = arith.mulf %get3A_381, %get3A_416 : vector<16xf32>
        %mul3A_433 = arith.mulf %get3A_384, %get3A_421 : vector<16xf32>
        %add3A_434 = arith.addf %mul3A_432, %mul3A_433 : vector<16xf32>
        %mul3A_435 = arith.mulf %get3A_387, %get3A_426 : vector<16xf32>
        %mul3A_436 = arith.mulf %get3A_390, %get3A_431 : vector<16xf32>
        %add3A_437 = arith.addf %mul3A_435, %mul3A_436 : vector<16xf32>
        %add3A_438 = arith.addf %add3A_434, %add3A_437 : vector<16xf32>
        %add3A_439 = arith.constant 272 : i32
        %add3A_440 = vector.broadcast %add3A_439 : i32 to vector<16xi32>
        %add3A_441 = arith.addi %add3A_379, %add3A_440 : vector<16xi32>
        tpu.vector_store_idx %arg18[%add3A_441], %add3A_438 : memref<5712xf32, #tpu.memory_space<vmem>>[vector<16xi32>], vector<16xf32>,
        %add3A_442 = arith.constant 1 : i32
        %add3A_443 = arith.addi %mul3A_411, %add3A_442 : i32
        %get3A_444 = arith.index_cast %add3A_443 : i32 to index
        %get3A_445 = arith.constant 0 : index
        %get3A_446 = tpu.vector_load %arg14[%get3A_444, %get3A_445] {strides = array<i32>} : memref<640x64xf32, #tpu.memory_space<vmem>>, vector<16xf32>,
        %add3A_447 = arith.constant 1 : i32
        %add3A_448 = arith.addi %mul3A_411, %add3A_447 : i32
        %get3A_449 = arith.index_cast %add3A_448 : i32 to index
        %get3A_450 = arith.constant 16 : index
        %get3A_451 = tpu.vector_load %arg14[%get3A_449, %get3A_450] {strides = array<i32>} : memref<640x64xf32, #tpu.memory_space<vmem>>, vector<16xf32>,
        %add3A_452 = arith.constant 1 : i32
        %add3A_453 = arith.addi %mul3A_411, %add3A_452 : i32
        %get3A_454 = arith.index_cast %add3A_453 : i32 to index
        %get3A_455 = arith.constant 32 : index
        %get3A_456 = tpu.vector_load %arg14[%get3A_454, %get3A_455] {strides = array<i32>} : memref<640x64xf32, #tpu.memory_space<vmem>>, vector<16xf32>,
        %add3A_457 = arith.constant 1 : i32
        %add3A_458 = arith.addi %mul3A_411, %add3A_457 : i32
        %get3A_459 = arith.index_cast %add3A_458 : i32 to index
        %get3A_460 = arith.constant 48 : index
        %get3A_461 = tpu.vector_load %arg14[%get3A_459, %get3A_460] {strides = array<i32>} : memref<640x64xf32, #tpu.memory_space<vmem>>, vector<16xf32>,
        %mul3A_462 = arith.mulf %get3A_381, %get3A_446 : vector<16xf32>
        %mul3A_463 = arith.mulf %get3A_384, %get3A_451 : vector<16xf32>
        %add3A_464 = arith.addf %mul3A_462, %mul3A_463 : vector<16xf32>
        %mul3A_465 = arith.mulf %get3A_387, %get3A_456 : vector<16xf32>
        %mul3A_466 = arith.mulf %get3A_390, %get3A_461 : vector<16xf32>
        %add3A_467 = arith.addf %mul3A_465, %mul3A_466 : vector<16xf32>
        %add3A_468 = arith.addf %add3A_464, %add3A_467 : vector<16xf32>
        %add3A_469 = arith.constant 544 : i32
        %add3A_470 = vector.broadcast %add3A_469 : i32 to vector<16xi32>
        %add3A_471 = arith.addi %add3A_379, %add3A_470 : vector<16xi32>
        tpu.vector_store_idx %arg18[%add3A_471], %add3A_468 : memref<5712xf32, #tpu.memory_space<vmem>>[vector<16xi32>], vector<16xf32>,
        %add3A_472 = arith.constant 2 : i32
        %add3A_473 = arith.addi %mul3A_411, %add3A_472 : i32
        %get3A_474 = arith.index_cast %add3A_473 : i32 to index
        %get3A_475 = arith.constant 0 : index
        %get3A_476 = tpu.vector_load %arg14[%get3A_474, %get3A_475] {strides = array<i32>} : memref<640x64xf32, #tpu.memory_space<vmem>>, vector<16xf32>,
        %add3A_477 = arith.constant 2 : i32
        %add3A_478 = arith.addi %mul3A_411, %add3A_477 : i32
        %get3A_479 = arith.index_cast %add3A_478 : i32 to index
        %get3A_480 = arith.constant 16 : index
        %get3A_481 = tpu.vector_load %arg14[%get3A_479, %get3A_480] {strides = array<i32>} : memref<640x64xf32, #tpu.memory_space<vmem>>, vector<16xf32>,
        %add3A_482 = arith.constant 2 : i32
        %add3A_483 = arith.addi %mul3A_411, %add3A_482 : i32
        %get3A_484 = arith.index_cast %add3A_483 : i32 to index
        %get3A_485 = arith.constant 32 : index
        %get3A_486 = tpu.vector_load %arg14[%get3A_484, %get3A_485] {strides = array<i32>} : memref<640x64xf32, #tpu.memory_space<vmem>>, vector<16xf32>,
        %add3A_487 = arith.constant 2 : i32
        %add3A_488 = arith.addi %mul3A_411, %add3A_487 : i32
        %get3A_489 = arith.index_cast %add3A_488 : i32 to index
        %get3A_490 = arith.constant 48 : index
        %get3A_491 = tpu.vector_load %arg14[%get3A_489, %get3A_490] {strides = array<i32>} : memref<640x64xf32, #tpu.memory_space<vmem>>, vector<16xf32>,
        %mul3A_492 = arith.mulf %get3A_381, %get3A_476 : vector<16xf32>
        %mul3A_493 = arith.mulf %get3A_384, %get3A_481 : vector<16xf32>
        %add3A_494 = arith.addf %mul3A_492, %mul3A_493 : vector<16xf32>
        %mul3A_495 = arith.mulf %get3A_387, %get3A_486 : vector<16xf32>
        %mul3A_496 = arith.mulf %get3A_390, %get3A_491 : vector<16xf32>
        %add3A_497 = arith.addf %mul3A_495, %mul3A_496 : vector<16xf32>
        %add3A_498 = arith.addf %add3A_494, %add3A_497 : vector<16xf32>
        %add3A_499 = arith.constant 816 : i32
        %add3A_500 = vector.broadcast %add3A_499 : i32 to vector<16xi32>
        %add3A_501 = arith.addi %add3A_379, %add3A_500 : vector<16xi32>
        tpu.vector_store_idx %arg18[%add3A_501], %add3A_498 : memref<5712xf32, #tpu.memory_space<vmem>>[vector<16xi32>], vector<16xf32>,
        %add3A_502 = arith.constant 3 : i32
        %add3A_503 = arith.addi %mul3A_411, %add3A_502 : i32
        %get3A_504 = arith.index_cast %add3A_503 : i32 to index
        %get3A_505 = arith.constant 0 : index
        %get3A_506 = tpu.vector_load %arg14[%get3A_504, %get3A_505] {strides = array<i32>} : memref<640x64xf32, #tpu.memory_space<vmem>>, vector<16xf32>,
        %add3A_507 = arith.constant 3 : i32
        %add3A_508 = arith.addi %mul3A_411, %add3A_507 : i32
        %get3A_509 = arith.index_cast %add3A_508 : i32 to index
        %get3A_510 = arith.constant 16 : index
        %get3A_511 = tpu.vector_load %arg14[%get3A_509, %get3A_510] {strides = array<i32>} : memref<640x64xf32, #tpu.memory_space<vmem>>, vector<16xf32>,
        %add3A_512 = arith.constant 3 : i32
        %add3A_513 = arith.addi %mul3A_411, %add3A_512 : i32
        %get3A_514 = arith.index_cast %add3A_513 : i32 to index
        %get3A_515 = arith.constant 32 : index
        %get3A_516 = tpu.vector_load %arg14[%get3A_514, %get3A_515] {strides = array<i32>} : memref<640x64xf32, #tpu.memory_space<vmem>>, vector<16xf32>,
        %add3A_517 = arith.constant 3 : i32
        %add3A_518 = arith.addi %mul3A_411, %add3A_517 : i32
        %get3A_519 = arith.index_cast %add3A_518 : i32 to index
        %get3A_520 = arith.constant 48 : index
        %get3A_521 = tpu.vector_load %arg14[%get3A_519, %get3A_520] {strides = array<i32>} : memref<640x64xf32, #tpu.memory_space<vmem>>, vector<16xf32>,
        %mul3A_522 = arith.mulf %get3A_381, %get3A_506 : vector<16xf32>
        %mul3A_523 = arith.mulf %get3A_384, %get3A_511 : vector<16xf32>
        %add3A_524 = arith.addf %mul3A_522, %mul3A_523 : vector<16xf32>
        %mul3A_525 = arith.mulf %get3A_387, %get3A_516 : vector<16xf32>
        %mul3A_526 = arith.mulf %get3A_390, %get3A_521 : vector<16xf32>
        %add3A_527 = arith.addf %mul3A_525, %mul3A_526 : vector<16xf32>
        %add3A_528 = arith.addf %add3A_524, %add3A_527 : vector<16xf32>
        %add3A_529 = arith.constant 1088 : i32
        %add3A_530 = vector.broadcast %add3A_529 : i32 to vector<16xi32>
        %add3A_531 = arith.addi %add3A_379, %add3A_530 : vector<16xi32>
        tpu.vector_store_idx %arg18[%add3A_531], %add3A_528 : memref<5712xf32, #tpu.memory_space<vmem>>[vector<16xi32>], vector<16xf32>,
        %add3A_532 = arith.constant 4 : i32
        %add3A_533 = arith.addi %mul3A_411, %add3A_532 : i32
        %get3A_534 = arith.index_cast %add3A_533 : i32 to index
        %get3A_535 = arith.constant 0 : index
        %get3A_536 = tpu.vector_load %arg14[%get3A_534, %get3A_535] {strides = array<i32>} : memref<640x64xf32, #tpu.memory_space<vmem>>, vector<16xf32>,
        %add3A_537 = arith.constant 4 : i32
        %add3A_538 = arith.addi %mul3A_411, %add3A_537 : i32
        %get3A_539 = arith.index_cast %add3A_538 : i32 to index
        %get3A_540 = arith.constant 16 : index
        %get3A_541 = tpu.vector_load %arg14[%get3A_539, %get3A_540] {strides = array<i32>} : memref<640x64xf32, #tpu.memory_space<vmem>>, vector<16xf32>,
        %add3A_542 = arith.constant 4 : i32
        %add3A_543 = arith.addi %mul3A_411, %add3A_542 : i32
        %get3A_544 = arith.index_cast %add3A_543 : i32 to index
        %get3A_545 = arith.constant 32 : index
        %get3A_546 = tpu.vector_load %arg14[%get3A_544, %get3A_545] {strides = array<i32>} : memref<640x64xf32, #tpu.memory_space<vmem>>, vector<16xf32>,
        %add3A_547 = arith.constant 4 : i32
        %add3A_548 = arith.addi %mul3A_411, %add3A_547 : i32
        %get3A_549 = arith.index_cast %add3A_548 : i32 to index
        %get3A_550 = arith.constant 48 : index
        %get3A_551 = tpu.vector_load %arg14[%get3A_549, %get3A_550] {strides = array<i32>} : memref<640x64xf32, #tpu.memory_space<vmem>>, vector<16xf32>,
        %mul3A_552 = arith.mulf %get3A_381, %get3A_536 : vector<16xf32>
        %mul3A_553 = arith.mulf %get3A_384, %get3A_541 : vector<16xf32>
        %add3A_554 = arith.addf %mul3A_552, %mul3A_553 : vector<16xf32>
        %mul3A_555 = arith.mulf %get3A_387, %get3A_546 : vector<16xf32>
        %mul3A_556 = arith.mulf %get3A_390, %get3A_551 : vector<16xf32>
        %add3A_557 = arith.addf %mul3A_555, %mul3A_556 : vector<16xf32>
        %add3A_558 = arith.addf %add3A_554, %add3A_557 : vector<16xf32>
        %add3A_559 = arith.constant 1360 : i32
        %add3A_560 = vector.broadcast %add3A_559 : i32 to vector<16xi32>
        %add3A_561 = arith.addi %add3A_379, %add3A_560 : vector<16xi32>
        tpu.vector_store_idx %arg18[%add3A_561], %add3A_558 : memref<5712xf32, #tpu.memory_space<vmem>>[vector<16xi32>], vector<16xf32>,
        %add3A_562 = arith.constant 5 : i32
        %add3A_563 = arith.addi %mul3A_411, %add3A_562 : i32
        %get3A_564 = arith.index_cast %add3A_563 : i32 to index
        %get3A_565 = arith.constant 0 : index
        %get3A_566 = tpu.vector_load %arg14[%get3A_564, %get3A_565] {strides = array<i32>} : memref<640x64xf32, #tpu.memory_space<vmem>>, vector<16xf32>,
        %add3A_567 = arith.constant 5 : i32
        %add3A_568 = arith.addi %mul3A_411, %add3A_567 : i32
        %get3A_569 = arith.index_cast %add3A_568 : i32 to index
        %get3A_570 = arith.constant 16 : index
        %get3A_571 = tpu.vector_load %arg14[%get3A_569, %get3A_570] {strides = array<i32>} : memref<640x64xf32, #tpu.memory_space<vmem>>, vector<16xf32>,
        %add3A_572 = arith.constant 5 : i32
        %add3A_573 = arith.addi %mul3A_411, %add3A_572 : i32
        %get3A_574 = arith.index_cast %add3A_573 : i32 to index
        %get3A_575 = arith.constant 32 : index
        %get3A_576 = tpu.vector_load %arg14[%get3A_574, %get3A_575] {strides = array<i32>} : memref<640x64xf32, #tpu.memory_space<vmem>>, vector<16xf32>,
        %add3A_577 = arith.constant 5 : i32
        %add3A_578 = arith.addi %mul3A_411, %add3A_577 : i32
        %get3A_579 = arith.index_cast %add3A_578 : i32 to index
        %get3A_580 = arith.constant 48 : index
        %get3A_581 = tpu.vector_load %arg14[%get3A_579, %get3A_580] {strides = array<i32>} : memref<640x64xf32, #tpu.memory_space<vmem>>, vector<16xf32>,
        %mul3A_582 = arith.mulf %get3A_381, %get3A_566 : vector<16xf32>
        %mul3A_583 = arith.mulf %get3A_384, %get3A_571 : vector<16xf32>
        %add3A_584 = arith.addf %mul3A_582, %mul3A_583 : vector<16xf32>
        %mul3A_585 = arith.mulf %get3A_387, %get3A_576 : vector<16xf32>
        %mul3A_586 = arith.mulf %get3A_390, %get3A_581 : vector<16xf32>
        %add3A_587 = arith.addf %mul3A_585, %mul3A_586 : vector<16xf32>
        %add3A_588 = arith.addf %add3A_584, %add3A_587 : vector<16xf32>
        %add3A_589 = arith.constant 1632 : i32
        %add3A_590 = vector.broadcast %add3A_589 : i32 to vector<16xi32>
        %add3A_591 = arith.addi %add3A_379, %add3A_590 : vector<16xi32>
        tpu.vector_store_idx %arg18[%add3A_591], %add3A_588 : memref<5712xf32, #tpu.memory_space<vmem>>[vector<16xi32>], vector<16xf32>,
        %add3A_592 = arith.constant 6 : i32
        %add3A_593 = arith.addi %mul3A_411, %add3A_592 : i32
        %get3A_594 = arith.index_cast %add3A_593 : i32 to index
        %get3A_595 = arith.constant 0 : index
        %get3A_596 = tpu.vector_load %arg14[%get3A_594, %get3A_595] {strides = array<i32>} : memref<640x64xf32, #tpu.memory_space<vmem>>, vector<16xf32>,
        %add3A_597 = arith.constant 6 : i32
        %add3A_598 = arith.addi %mul3A_411, %add3A_597 : i32
        %get3A_599 = arith.index_cast %add3A_598 : i32 to index
        %get3A_600 = arith.constant 16 : index
        %get3A_601 = tpu.vector_load %arg14[%get3A_599, %get3A_600] {strides = array<i32>} : memref<640x64xf32, #tpu.memory_space<vmem>>, vector<16xf32>,
        %add3A_602 = arith.constant 6 : i32
        %add3A_603 = arith.addi %mul3A_411, %add3A_602 : i32
        %get3A_604 = arith.index_cast %add3A_603 : i32 to index
        %get3A_605 = arith.constant 32 : index
        %get3A_606 = tpu.vector_load %arg14[%get3A_604, %get3A_605] {strides = array<i32>} : memref<640x64xf32, #tpu.memory_space<vmem>>, vector<16xf32>,
        %add3A_607 = arith.constant 6 : i32
        %add3A_608 = arith.addi %mul3A_411, %add3A_607 : i32
        %get3A_609 = arith.index_cast %add3A_608 : i32 to index
        %get3A_610 = arith.constant 48 : index
        %get3A_611 = tpu.vector_load %arg14[%get3A_609, %get3A_610] {strides = array<i32>} : memref<640x64xf32, #tpu.memory_space<vmem>>, vector<16xf32>,
        %mul3A_612 = arith.mulf %get3A_381, %get3A_596 : vector<16xf32>
        %mul3A_613 = arith.mulf %get3A_384, %get3A_601 : vector<16xf32>
        %add3A_614 = arith.addf %mul3A_612, %mul3A_613 : vector<16xf32>
        %mul3A_615 = arith.mulf %get3A_387, %get3A_606 : vector<16xf32>
        %mul3A_616 = arith.mulf %get3A_390, %get3A_611 : vector<16xf32>
        %add3A_617 = arith.addf %mul3A_615, %mul3A_616 : vector<16xf32>
        %add3A_618 = arith.addf %add3A_614, %add3A_617 : vector<16xf32>
        %add3A_619 = arith.constant 1904 : i32
        %add3A_620 = vector.broadcast %add3A_619 : i32 to vector<16xi32>
        %add3A_621 = arith.addi %add3A_379, %add3A_620 : vector<16xi32>
        tpu.vector_store_idx %arg18[%add3A_621], %add3A_618 : memref<5712xf32, #tpu.memory_space<vmem>>[vector<16xi32>], vector<16xf32>,
        %add3A_622 = arith.constant 7 : i32
        %add3A_623 = arith.addi %mul3A_411, %add3A_622 : i32
        %get3A_624 = arith.index_cast %add3A_623 : i32 to index
        %get3A_625 = arith.constant 0 : index
        %get3A_626 = tpu.vector_load %arg14[%get3A_624, %get3A_625] {strides = array<i32>} : memref<640x64xf32, #tpu.memory_space<vmem>>, vector<16xf32>,
        %add3A_627 = arith.constant 7 : i32
        %add3A_628 = arith.addi %mul3A_411, %add3A_627 : i32
        %get3A_629 = arith.index_cast %add3A_628 : i32 to index
        %get3A_630 = arith.constant 16 : index
        %get3A_631 = tpu.vector_load %arg14[%get3A_629, %get3A_630] {strides = array<i32>} : memref<640x64xf32, #tpu.memory_space<vmem>>, vector<16xf32>,
        %add3A_632 = arith.constant 7 : i32
        %add3A_633 = arith.addi %mul3A_411, %add3A_632 : i32
        %get3A_634 = arith.index_cast %add3A_633 : i32 to index
        %get3A_635 = arith.constant 32 : index
        %get3A_636 = tpu.vector_load %arg14[%get3A_634, %get3A_635] {strides = array<i32>} : memref<640x64xf32, #tpu.memory_space<vmem>>, vector<16xf32>,
        %add3A_637 = arith.constant 7 : i32
        %add3A_638 = arith.addi %mul3A_411, %add3A_637 : i32
        %get3A_639 = arith.index_cast %add3A_638 : i32 to index
        %get3A_640 = arith.constant 48 : index
        %get3A_641 = tpu.vector_load %arg14[%get3A_639, %get3A_640] {strides = array<i32>} : memref<640x64xf32, #tpu.memory_space<vmem>>, vector<16xf32>,
        %mul3A_642 = arith.mulf %get3A_381, %get3A_626 : vector<16xf32>
        %mul3A_643 = arith.mulf %get3A_384, %get3A_631 : vector<16xf32>
        %add3A_644 = arith.addf %mul3A_642, %mul3A_643 : vector<16xf32>
        %mul3A_645 = arith.mulf %get3A_387, %get3A_636 : vector<16xf32>
        %mul3A_646 = arith.mulf %get3A_390, %get3A_641 : vector<16xf32>
        %add3A_647 = arith.addf %mul3A_645, %mul3A_646 : vector<16xf32>
        %add3A_648 = arith.addf %add3A_644, %add3A_647 : vector<16xf32>
        %add3A_649 = arith.constant 2176 : i32
        %add3A_650 = vector.broadcast %add3A_649 : i32 to vector<16xi32>
        %add3A_651 = arith.addi %add3A_379, %add3A_650 : vector<16xi32>
        tpu.vector_store_idx %arg18[%add3A_651], %add3A_648 : memref<5712xf32, #tpu.memory_space<vmem>>[vector<16xi32>], vector<16xf32>,
        %add3A_652 = arith.constant 8 : i32
        %add3A_653 = arith.addi %mul3A_411, %add3A_652 : i32
        %get3A_654 = arith.index_cast %add3A_653 : i32 to index
        %get3A_655 = arith.constant 0 : index
        %get3A_656 = tpu.vector_load %arg14[%get3A_654, %get3A_655] {strides = array<i32>} : memref<640x64xf32, #tpu.memory_space<vmem>>, vector<16xf32>,
        %add3A_657 = arith.constant 8 : i32
        %add3A_658 = arith.addi %mul3A_411, %add3A_657 : i32
        %get3A_659 = arith.index_cast %add3A_658 : i32 to index
        %get3A_660 = arith.constant 16 : index
        %get3A_661 = tpu.vector_load %arg14[%get3A_659, %get3A_660] {strides = array<i32>} : memref<640x64xf32, #tpu.memory_space<vmem>>, vector<16xf32>,
        %add3A_662 = arith.constant 8 : i32
        %add3A_663 = arith.addi %mul3A_411, %add3A_662 : i32
        %get3A_664 = arith.index_cast %add3A_663 : i32 to index
        %get3A_665 = arith.constant 32 : index
        %get3A_666 = tpu.vector_load %arg14[%get3A_664, %get3A_665] {strides = array<i32>} : memref<640x64xf32, #tpu.memory_space<vmem>>, vector<16xf32>,
        %add3A_667 = arith.constant 8 : i32
        %add3A_668 = arith.addi %mul3A_411, %add3A_667 : i32
        %get3A_669 = arith.index_cast %add3A_668 : i32 to index
        %get3A_670 = arith.constant 48 : index
        %get3A_671 = tpu.vector_load %arg14[%get3A_669, %get3A_670] {strides = array<i32>} : memref<640x64xf32, #tpu.memory_space<vmem>>, vector<16xf32>,
        %mul3A_672 = arith.mulf %get3A_381, %get3A_656 : vector<16xf32>
        %mul3A_673 = arith.mulf %get3A_384, %get3A_661 : vector<16xf32>
        %add3A_674 = arith.addf %mul3A_672, %mul3A_673 : vector<16xf32>
        %mul3A_675 = arith.mulf %get3A_387, %get3A_666 : vector<16xf32>
        %mul3A_676 = arith.mulf %get3A_390, %get3A_671 : vector<16xf32>
        %add3A_677 = arith.addf %mul3A_675, %mul3A_676 : vector<16xf32>
        %add3A_678 = arith.addf %add3A_674, %add3A_677 : vector<16xf32>
        %add3A_679 = arith.constant 2448 : i32
        %add3A_680 = vector.broadcast %add3A_679 : i32 to vector<16xi32>
        %add3A_681 = arith.addi %add3A_379, %add3A_680 : vector<16xi32>
        tpu.vector_store_idx %arg18[%add3A_681], %add3A_678 : memref<5712xf32, #tpu.memory_space<vmem>>[vector<16xi32>], vector<16xf32>,
        %add3A_682 = arith.constant 9 : i32
        %add3A_683 = arith.addi %mul3A_411, %add3A_682 : i32
        %get3A_684 = arith.index_cast %add3A_683 : i32 to index
        %get3A_685 = arith.constant 0 : index
        %get3A_686 = tpu.vector_load %arg14[%get3A_684, %get3A_685] {strides = array<i32>} : memref<640x64xf32, #tpu.memory_space<vmem>>, vector<16xf32>,
        %add3A_687 = arith.constant 9 : i32
        %add3A_688 = arith.addi %mul3A_411, %add3A_687 : i32
        %get3A_689 = arith.index_cast %add3A_688 : i32 to index
        %get3A_690 = arith.constant 16 : index
        %get3A_691 = tpu.vector_load %arg14[%get3A_689, %get3A_690] {strides = array<i32>} : memref<640x64xf32, #tpu.memory_space<vmem>>, vector<16xf32>,
        %add3A_692 = arith.constant 9 : i32
        %add3A_693 = arith.addi %mul3A_411, %add3A_692 : i32
        %get3A_694 = arith.index_cast %add3A_693 : i32 to index
        %get3A_695 = arith.constant 32 : index
        %get3A_696 = tpu.vector_load %arg14[%get3A_694, %get3A_695] {strides = array<i32>} : memref<640x64xf32, #tpu.memory_space<vmem>>, vector<16xf32>,
        %add3A_697 = arith.constant 9 : i32
        %add3A_698 = arith.addi %mul3A_411, %add3A_697 : i32
        %get3A_699 = arith.index_cast %add3A_698 : i32 to index
        %get3A_700 = arith.constant 48 : index
        %get3A_701 = tpu.vector_load %arg14[%get3A_699, %get3A_700] {strides = array<i32>} : memref<640x64xf32, #tpu.memory_space<vmem>>, vector<16xf32>,
        %mul3A_702 = arith.mulf %get3A_381, %get3A_686 : vector<16xf32>
        %mul3A_703 = arith.mulf %get3A_384, %get3A_691 : vector<16xf32>
        %add3A_704 = arith.addf %mul3A_702, %mul3A_703 : vector<16xf32>
        %mul3A_705 = arith.mulf %get3A_387, %get3A_696 : vector<16xf32>
        %mul3A_706 = arith.mulf %get3A_390, %get3A_701 : vector<16xf32>
        %add3A_707 = arith.addf %mul3A_705, %mul3A_706 : vector<16xf32>
        %add3A_708 = arith.addf %add3A_704, %add3A_707 : vector<16xf32>
        %add3A_709 = arith.constant 2720 : i32
        %add3A_710 = vector.broadcast %add3A_709 : i32 to vector<16xi32>
        %add3A_711 = arith.addi %add3A_379, %add3A_710 : vector<16xi32>
        tpu.vector_store_idx %arg18[%add3A_711], %add3A_708 : memref<5712xf32, #tpu.memory_space<vmem>>[vector<16xi32>], vector<16xf32>,
        %add3A_712 = arith.constant 10 : i32
        %add3A_713 = arith.addi %mul3A_411, %add3A_712 : i32
        %get3A_714 = arith.index_cast %add3A_713 : i32 to index
        %get3A_715 = arith.constant 0 : index
        %get3A_716 = tpu.vector_load %arg14[%get3A_714, %get3A_715] {strides = array<i32>} : memref<640x64xf32, #tpu.memory_space<vmem>>, vector<16xf32>,
        %add3A_717 = arith.constant 10 : i32
        %add3A_718 = arith.addi %mul3A_411, %add3A_717 : i32
        %get3A_719 = arith.index_cast %add3A_718 : i32 to index
        %get3A_720 = arith.constant 16 : index
        %get3A_721 = tpu.vector_load %arg14[%get3A_719, %get3A_720] {strides = array<i32>} : memref<640x64xf32, #tpu.memory_space<vmem>>, vector<16xf32>,
        %add3A_722 = arith.constant 10 : i32
        %add3A_723 = arith.addi %mul3A_411, %add3A_722 : i32
        %get3A_724 = arith.index_cast %add3A_723 : i32 to index
        %get3A_725 = arith.constant 32 : index
        %get3A_726 = tpu.vector_load %arg14[%get3A_724, %get3A_725] {strides = array<i32>} : memref<640x64xf32, #tpu.memory_space<vmem>>, vector<16xf32>,
        %add3A_727 = arith.constant 10 : i32
        %add3A_728 = arith.addi %mul3A_411, %add3A_727 : i32
        %get3A_729 = arith.index_cast %add3A_728 : i32 to index
        %get3A_730 = arith.constant 48 : index
        %get3A_731 = tpu.vector_load %arg14[%get3A_729, %get3A_730] {strides = array<i32>} : memref<640x64xf32, #tpu.memory_space<vmem>>, vector<16xf32>,
        %mul3A_732 = arith.mulf %get3A_381, %get3A_716 : vector<16xf32>
        %mul3A_733 = arith.mulf %get3A_384, %get3A_721 : vector<16xf32>
        %add3A_734 = arith.addf %mul3A_732, %mul3A_733 : vector<16xf32>
        %mul3A_735 = arith.mulf %get3A_387, %get3A_726 : vector<16xf32>
        %mul3A_736 = arith.mulf %get3A_390, %get3A_731 : vector<16xf32>
        %add3A_737 = arith.addf %mul3A_735, %mul3A_736 : vector<16xf32>
        %add3A_738 = arith.addf %add3A_734, %add3A_737 : vector<16xf32>
        %add3A_739 = arith.constant 2992 : i32
        %add3A_740 = vector.broadcast %add3A_739 : i32 to vector<16xi32>
        %add3A_741 = arith.addi %add3A_379, %add3A_740 : vector<16xi32>
        tpu.vector_store_idx %arg18[%add3A_741], %add3A_738 : memref<5712xf32, #tpu.memory_space<vmem>>[vector<16xi32>], vector<16xf32>,
        %add3A_742 = arith.constant 11 : i32
        %add3A_743 = arith.addi %mul3A_411, %add3A_742 : i32
        %get3A_744 = arith.index_cast %add3A_743 : i32 to index
        %get3A_745 = arith.constant 0 : index
        %get3A_746 = tpu.vector_load %arg14[%get3A_744, %get3A_745] {strides = array<i32>} : memref<640x64xf32, #tpu.memory_space<vmem>>, vector<16xf32>,
        %add3A_747 = arith.constant 11 : i32
        %add3A_748 = arith.addi %mul3A_411, %add3A_747 : i32
        %get3A_749 = arith.index_cast %add3A_748 : i32 to index
        %get3A_750 = arith.constant 16 : index
        %get3A_751 = tpu.vector_load %arg14[%get3A_749, %get3A_750] {strides = array<i32>} : memref<640x64xf32, #tpu.memory_space<vmem>>, vector<16xf32>,
        %add3A_752 = arith.constant 11 : i32
        %add3A_753 = arith.addi %mul3A_411, %add3A_752 : i32
        %get3A_754 = arith.index_cast %add3A_753 : i32 to index
        %get3A_755 = arith.constant 32 : index
        %get3A_756 = tpu.vector_load %arg14[%get3A_754, %get3A_755] {strides = array<i32>} : memref<640x64xf32, #tpu.memory_space<vmem>>, vector<16xf32>,
        %add3A_757 = arith.constant 11 : i32
        %add3A_758 = arith.addi %mul3A_411, %add3A_757 : i32
        %get3A_759 = arith.index_cast %add3A_758 : i32 to index
        %get3A_760 = arith.constant 48 : index
        %get3A_761 = tpu.vector_load %arg14[%get3A_759, %get3A_760] {strides = array<i32>} : memref<640x64xf32, #tpu.memory_space<vmem>>, vector<16xf32>,
        %mul3A_762 = arith.mulf %get3A_381, %get3A_746 : vector<16xf32>
        %mul3A_763 = arith.mulf %get3A_384, %get3A_751 : vector<16xf32>
        %add3A_764 = arith.addf %mul3A_762, %mul3A_763 : vector<16xf32>
        %mul3A_765 = arith.mulf %get3A_387, %get3A_756 : vector<16xf32>
        %mul3A_766 = arith.mulf %get3A_390, %get3A_761 : vector<16xf32>
        %add3A_767 = arith.addf %mul3A_765, %mul3A_766 : vector<16xf32>
        %add3A_768 = arith.addf %add3A_764, %add3A_767 : vector<16xf32>
        %add3A_769 = arith.constant 3264 : i32
        %add3A_770 = vector.broadcast %add3A_769 : i32 to vector<16xi32>
        %add3A_771 = arith.addi %add3A_379, %add3A_770 : vector<16xi32>
        tpu.vector_store_idx %arg18[%add3A_771], %add3A_768 : memref<5712xf32, #tpu.memory_space<vmem>>[vector<16xi32>], vector<16xf32>,
        %add3A_772 = arith.constant 12 : i32
        %add3A_773 = arith.addi %mul3A_411, %add3A_772 : i32
        %get3A_774 = arith.index_cast %add3A_773 : i32 to index
        %get3A_775 = arith.constant 0 : index
        %get3A_776 = tpu.vector_load %arg14[%get3A_774, %get3A_775] {strides = array<i32>} : memref<640x64xf32, #tpu.memory_space<vmem>>, vector<16xf32>,
        %add3A_777 = arith.constant 12 : i32
        %add3A_778 = arith.addi %mul3A_411, %add3A_777 : i32
        %get3A_779 = arith.index_cast %add3A_778 : i32 to index
        %get3A_780 = arith.constant 16 : index
        %get3A_781 = tpu.vector_load %arg14[%get3A_779, %get3A_780] {strides = array<i32>} : memref<640x64xf32, #tpu.memory_space<vmem>>, vector<16xf32>,
        %add3A_782 = arith.constant 12 : i32
        %add3A_783 = arith.addi %mul3A_411, %add3A_782 : i32
        %get3A_784 = arith.index_cast %add3A_783 : i32 to index
        %get3A_785 = arith.constant 32 : index
        %get3A_786 = tpu.vector_load %arg14[%get3A_784, %get3A_785] {strides = array<i32>} : memref<640x64xf32, #tpu.memory_space<vmem>>, vector<16xf32>,
        %add3A_787 = arith.constant 12 : i32
        %add3A_788 = arith.addi %mul3A_411, %add3A_787 : i32
        %get3A_789 = arith.index_cast %add3A_788 : i32 to index
        %get3A_790 = arith.constant 48 : index
        %get3A_791 = tpu.vector_load %arg14[%get3A_789, %get3A_790] {strides = array<i32>} : memref<640x64xf32, #tpu.memory_space<vmem>>, vector<16xf32>,
        %mul3A_792 = arith.mulf %get3A_381, %get3A_776 : vector<16xf32>
        %mul3A_793 = arith.mulf %get3A_384, %get3A_781 : vector<16xf32>
        %add3A_794 = arith.addf %mul3A_792, %mul3A_793 : vector<16xf32>
        %mul3A_795 = arith.mulf %get3A_387, %get3A_786 : vector<16xf32>
        %mul3A_796 = arith.mulf %get3A_390, %get3A_791 : vector<16xf32>
        %add3A_797 = arith.addf %mul3A_795, %mul3A_796 : vector<16xf32>
        %add3A_798 = arith.addf %add3A_794, %add3A_797 : vector<16xf32>
        %add3A_799 = arith.constant 3536 : i32
        %add3A_800 = vector.broadcast %add3A_799 : i32 to vector<16xi32>
        %add3A_801 = arith.addi %add3A_379, %add3A_800 : vector<16xi32>
        tpu.vector_store_idx %arg18[%add3A_801], %add3A_798 : memref<5712xf32, #tpu.memory_space<vmem>>[vector<16xi32>], vector<16xf32>,
        %add3A_802 = arith.constant 13 : i32
        %add3A_803 = arith.addi %mul3A_411, %add3A_802 : i32
        %get3A_804 = arith.index_cast %add3A_803 : i32 to index
        %get3A_805 = arith.constant 0 : index
        %get3A_806 = tpu.vector_load %arg14[%get3A_804, %get3A_805] {strides = array<i32>} : memref<640x64xf32, #tpu.memory_space<vmem>>, vector<16xf32>,
        %add3A_807 = arith.constant 13 : i32
        %add3A_808 = arith.addi %mul3A_411, %add3A_807 : i32
        %get3A_809 = arith.index_cast %add3A_808 : i32 to index
        %get3A_810 = arith.constant 16 : index
        %get3A_811 = tpu.vector_load %arg14[%get3A_809, %get3A_810] {strides = array<i32>} : memref<640x64xf32, #tpu.memory_space<vmem>>, vector<16xf32>,
        %add3A_812 = arith.constant 13 : i32
        %add3A_813 = arith.addi %mul3A_411, %add3A_812 : i32
        %get3A_814 = arith.index_cast %add3A_813 : i32 to index
        %get3A_815 = arith.constant 32 : index
        %get3A_816 = tpu.vector_load %arg14[%get3A_814, %get3A_815] {strides = array<i32>} : memref<640x64xf32, #tpu.memory_space<vmem>>, vector<16xf32>,
        %add3A_817 = arith.constant 13 : i32
        %add3A_818 = arith.addi %mul3A_411, %add3A_817 : i32
        %get3A_819 = arith.index_cast %add3A_818 : i32 to index
        %get3A_820 = arith.constant 48 : index
        %get3A_821 = tpu.vector_load %arg14[%get3A_819, %get3A_820] {strides = array<i32>} : memref<640x64xf32, #tpu.memory_space<vmem>>, vector<16xf32>,
        %mul3A_822 = arith.mulf %get3A_381, %get3A_806 : vector<16xf32>
        %mul3A_823 = arith.mulf %get3A_384, %get3A_811 : vector<16xf32>
        %add3A_824 = arith.addf %mul3A_822, %mul3A_823 : vector<16xf32>
        %mul3A_825 = arith.mulf %get3A_387, %get3A_816 : vector<16xf32>
        %mul3A_826 = arith.mulf %get3A_390, %get3A_821 : vector<16xf32>
        %add3A_827 = arith.addf %mul3A_825, %mul3A_826 : vector<16xf32>
        %add3A_828 = arith.addf %add3A_824, %add3A_827 : vector<16xf32>
        %add3A_829 = arith.constant 3808 : i32
        %add3A_830 = vector.broadcast %add3A_829 : i32 to vector<16xi32>
        %add3A_831 = arith.addi %add3A_379, %add3A_830 : vector<16xi32>
        tpu.vector_store_idx %arg18[%add3A_831], %add3A_828 : memref<5712xf32, #tpu.memory_space<vmem>>[vector<16xi32>], vector<16xf32>,
        %add3A_832 = arith.constant 14 : i32
        %add3A_833 = arith.addi %mul3A_411, %add3A_832 : i32
        %get3A_834 = arith.index_cast %add3A_833 : i32 to index
        %get3A_835 = arith.constant 0 : index
        %get3A_836 = tpu.vector_load %arg14[%get3A_834, %get3A_835] {strides = array<i32>} : memref<640x64xf32, #tpu.memory_space<vmem>>, vector<16xf32>,
        %add3A_837 = arith.constant 14 : i32
        %add3A_838 = arith.addi %mul3A_411, %add3A_837 : i32
        %get3A_839 = arith.index_cast %add3A_838 : i32 to index
        %get3A_840 = arith.constant 16 : index
        %get3A_841 = tpu.vector_load %arg14[%get3A_839, %get3A_840] {strides = array<i32>} : memref<640x64xf32, #tpu.memory_space<vmem>>, vector<16xf32>,
        %add3A_842 = arith.constant 14 : i32
        %add3A_843 = arith.addi %mul3A_411, %add3A_842 : i32
        %get3A_844 = arith.index_cast %add3A_843 : i32 to index
        %get3A_845 = arith.constant 32 : index
        %get3A_846 = tpu.vector_load %arg14[%get3A_844, %get3A_845] {strides = array<i32>} : memref<640x64xf32, #tpu.memory_space<vmem>>, vector<16xf32>,
        %add3A_847 = arith.constant 14 : i32
        %add3A_848 = arith.addi %mul3A_411, %add3A_847 : i32
        %get3A_849 = arith.index_cast %add3A_848 : i32 to index
        %get3A_850 = arith.constant 48 : index
        %get3A_851 = tpu.vector_load %arg14[%get3A_849, %get3A_850] {strides = array<i32>} : memref<640x64xf32, #tpu.memory_space<vmem>>, vector<16xf32>,
        %mul3A_852 = arith.mulf %get3A_381, %get3A_836 : vector<16xf32>
        %mul3A_853 = arith.mulf %get3A_384, %get3A_841 : vector<16xf32>
        %add3A_854 = arith.addf %mul3A_852, %mul3A_853 : vector<16xf32>
        %mul3A_855 = arith.mulf %get3A_387, %get3A_846 : vector<16xf32>
        %mul3A_856 = arith.mulf %get3A_390, %get3A_851 : vector<16xf32>
        %add3A_857 = arith.addf %mul3A_855, %mul3A_856 : vector<16xf32>
        %add3A_858 = arith.addf %add3A_854, %add3A_857 : vector<16xf32>
        %add3A_859 = arith.constant 4080 : i32
        %add3A_860 = vector.broadcast %add3A_859 : i32 to vector<16xi32>
        %add3A_861 = arith.addi %add3A_379, %add3A_860 : vector<16xi32>
        tpu.vector_store_idx %arg18[%add3A_861], %add3A_858 : memref<5712xf32, #tpu.memory_space<vmem>>[vector<16xi32>], vector<16xf32>,
        %add3A_862 = arith.constant 15 : i32
        %add3A_863 = arith.addi %mul3A_411, %add3A_862 : i32
        %get3A_864 = arith.index_cast %add3A_863 : i32 to index
        %get3A_865 = arith.constant 0 : index
        %get3A_866 = tpu.vector_load %arg14[%get3A_864, %get3A_865] {strides = array<i32>} : memref<640x64xf32, #tpu.memory_space<vmem>>, vector<16xf32>,
        %add3A_867 = arith.constant 15 : i32
        %add3A_868 = arith.addi %mul3A_411, %add3A_867 : i32
        %get3A_869 = arith.index_cast %add3A_868 : i32 to index
        %get3A_870 = arith.constant 16 : index
        %get3A_871 = tpu.vector_load %arg14[%get3A_869, %get3A_870] {strides = array<i32>} : memref<640x64xf32, #tpu.memory_space<vmem>>, vector<16xf32>,
        %add3A_872 = arith.constant 15 : i32
        %add3A_873 = arith.addi %mul3A_411, %add3A_872 : i32
        %get3A_874 = arith.index_cast %add3A_873 : i32 to index
        %get3A_875 = arith.constant 32 : index
        %get3A_876 = tpu.vector_load %arg14[%get3A_874, %get3A_875] {strides = array<i32>} : memref<640x64xf32, #tpu.memory_space<vmem>>, vector<16xf32>,
        %add3A_877 = arith.constant 15 : i32
        %add3A_878 = arith.addi %mul3A_411, %add3A_877 : i32
        %get3A_879 = arith.index_cast %add3A_878 : i32 to index
        %get3A_880 = arith.constant 48 : index
        %get3A_881 = tpu.vector_load %arg14[%get3A_879, %get3A_880] {strides = array<i32>} : memref<640x64xf32, #tpu.memory_space<vmem>>, vector<16xf32>,
        %mul3A_882 = arith.mulf %get3A_381, %get3A_866 : vector<16xf32>
        %mul3A_883 = arith.mulf %get3A_384, %get3A_871 : vector<16xf32>
        %add3A_884 = arith.addf %mul3A_882, %mul3A_883 : vector<16xf32>
        %mul3A_885 = arith.mulf %get3A_387, %get3A_876 : vector<16xf32>
        %mul3A_886 = arith.mulf %get3A_390, %get3A_881 : vector<16xf32>
        %add3A_887 = arith.addf %mul3A_885, %mul3A_886 : vector<16xf32>
        %add3A_888 = arith.addf %add3A_884, %add3A_887 : vector<16xf32>
        %add3A_889 = arith.constant 4352 : i32
        %add3A_890 = vector.broadcast %add3A_889 : i32 to vector<16xi32>
        %add3A_891 = arith.addi %add3A_379, %add3A_890 : vector<16xi32>
        tpu.vector_store_idx %arg18[%add3A_891], %add3A_888 : memref<5712xf32, #tpu.memory_space<vmem>>[vector<16xi32>], vector<16xf32>,
        %add3A_892 = arith.constant 16 : i32
        %add3A_893 = arith.addi %mul3A_411, %add3A_892 : i32
        %get3A_894 = arith.index_cast %add3A_893 : i32 to index
        %get3A_895 = arith.constant 0 : index
        %get3A_896 = tpu.vector_load %arg14[%get3A_894, %get3A_895] {strides = array<i32>} : memref<640x64xf32, #tpu.memory_space<vmem>>, vector<16xf32>,
        %add3A_897 = arith.constant 16 : i32
        %add3A_898 = arith.addi %mul3A_411, %add3A_897 : i32
        %get3A_899 = arith.index_cast %add3A_898 : i32 to index
        %get3A_900 = arith.constant 16 : index
        %get3A_901 = tpu.vector_load %arg14[%get3A_899, %get3A_900] {strides = array<i32>} : memref<640x64xf32, #tpu.memory_space<vmem>>, vector<16xf32>,
        %add3A_902 = arith.constant 16 : i32
        %add3A_903 = arith.addi %mul3A_411, %add3A_902 : i32
        %get3A_904 = arith.index_cast %add3A_903 : i32 to index
        %get3A_905 = arith.constant 32 : index
        %get3A_906 = tpu.vector_load %arg14[%get3A_904, %get3A_905] {strides = array<i32>} : memref<640x64xf32, #tpu.memory_space<vmem>>, vector<16xf32>,
        %add3A_907 = arith.constant 16 : i32
        %add3A_908 = arith.addi %mul3A_411, %add3A_907 : i32
        %get3A_909 = arith.index_cast %add3A_908 : i32 to index
        %get3A_910 = arith.constant 48 : index
        %get3A_911 = tpu.vector_load %arg14[%get3A_909, %get3A_910] {strides = array<i32>} : memref<640x64xf32, #tpu.memory_space<vmem>>, vector<16xf32>,
        %mul3A_912 = arith.mulf %get3A_381, %get3A_896 : vector<16xf32>
        %mul3A_913 = arith.mulf %get3A_384, %get3A_901 : vector<16xf32>
        %add3A_914 = arith.addf %mul3A_912, %mul3A_913 : vector<16xf32>
        %mul3A_915 = arith.mulf %get3A_387, %get3A_906 : vector<16xf32>
        %mul3A_916 = arith.mulf %get3A_390, %get3A_911 : vector<16xf32>
        %add3A_917 = arith.addf %mul3A_915, %mul3A_916 : vector<16xf32>
        %add3A_918 = arith.addf %add3A_914, %add3A_917 : vector<16xf32>
        %add3A_919 = arith.constant 4624 : i32
        %add3A_920 = vector.broadcast %add3A_919 : i32 to vector<16xi32>
        %add3A_921 = arith.addi %add3A_379, %add3A_920 : vector<16xi32>
        tpu.vector_store_idx %arg18[%add3A_921], %add3A_918 : memref<5712xf32, #tpu.memory_space<vmem>>[vector<16xi32>], vector<16xf32>,
        %add3A_922 = arith.constant 17 : i32
        %add3A_923 = arith.addi %mul3A_411, %add3A_922 : i32
        %get3A_924 = arith.index_cast %add3A_923 : i32 to index
        %get3A_925 = arith.constant 0 : index
        %get3A_926 = tpu.vector_load %arg14[%get3A_924, %get3A_925] {strides = array<i32>} : memref<640x64xf32, #tpu.memory_space<vmem>>, vector<16xf32>,
        %add3A_927 = arith.constant 17 : i32
        %add3A_928 = arith.addi %mul3A_411, %add3A_927 : i32
        %get3A_929 = arith.index_cast %add3A_928 : i32 to index
        %get3A_930 = arith.constant 16 : index
        %get3A_931 = tpu.vector_load %arg14[%get3A_929, %get3A_930] {strides = array<i32>} : memref<640x64xf32, #tpu.memory_space<vmem>>, vector<16xf32>,
        %add3A_932 = arith.constant 17 : i32
        %add3A_933 = arith.addi %mul3A_411, %add3A_932 : i32
        %get3A_934 = arith.index_cast %add3A_933 : i32 to index
        %get3A_935 = arith.constant 32 : index
        %get3A_936 = tpu.vector_load %arg14[%get3A_934, %get3A_935] {strides = array<i32>} : memref<640x64xf32, #tpu.memory_space<vmem>>, vector<16xf32>,
        %add3A_937 = arith.constant 17 : i32
        %add3A_938 = arith.addi %mul3A_411, %add3A_937 : i32
        %get3A_939 = arith.index_cast %add3A_938 : i32 to index
        %get3A_940 = arith.constant 48 : index
        %get3A_941 = tpu.vector_load %arg14[%get3A_939, %get3A_940] {strides = array<i32>} : memref<640x64xf32, #tpu.memory_space<vmem>>, vector<16xf32>,
        %mul3A_942 = arith.mulf %get3A_381, %get3A_926 : vector<16xf32>
        %mul3A_943 = arith.mulf %get3A_384, %get3A_931 : vector<16xf32>
        %add3A_944 = arith.addf %mul3A_942, %mul3A_943 : vector<16xf32>
        %mul3A_945 = arith.mulf %get3A_387, %get3A_936 : vector<16xf32>
        %mul3A_946 = arith.mulf %get3A_390, %get3A_941 : vector<16xf32>
        %add3A_947 = arith.addf %mul3A_945, %mul3A_946 : vector<16xf32>
        %add3A_948 = arith.addf %add3A_944, %add3A_947 : vector<16xf32>
        %add3A_949 = arith.constant 4896 : i32
        %add3A_950 = vector.broadcast %add3A_949 : i32 to vector<16xi32>
        %add3A_951 = arith.addi %add3A_379, %add3A_950 : vector<16xi32>
        tpu.vector_store_idx %arg18[%add3A_951], %add3A_948 : memref<5712xf32, #tpu.memory_space<vmem>>[vector<16xi32>], vector<16xf32>,
        %add3A_952 = arith.constant 18 : i32
        %add3A_953 = arith.addi %mul3A_411, %add3A_952 : i32
        %get3A_954 = arith.index_cast %add3A_953 : i32 to index
        %get3A_955 = arith.constant 0 : index
        %get3A_956 = tpu.vector_load %arg14[%get3A_954, %get3A_955] {strides = array<i32>} : memref<640x64xf32, #tpu.memory_space<vmem>>, vector<16xf32>,
        %add3A_957 = arith.constant 18 : i32
        %add3A_958 = arith.addi %mul3A_411, %add3A_957 : i32
        %get3A_959 = arith.index_cast %add3A_958 : i32 to index
        %get3A_960 = arith.constant 16 : index
        %get3A_961 = tpu.vector_load %arg14[%get3A_959, %get3A_960] {strides = array<i32>} : memref<640x64xf32, #tpu.memory_space<vmem>>, vector<16xf32>,
        %add3A_962 = arith.constant 18 : i32
        %add3A_963 = arith.addi %mul3A_411, %add3A_962 : i32
        %get3A_964 = arith.index_cast %add3A_963 : i32 to index
        %get3A_965 = arith.constant 32 : index
        %get3A_966 = tpu.vector_load %arg14[%get3A_964, %get3A_965] {strides = array<i32>} : memref<640x64xf32, #tpu.memory_space<vmem>>, vector<16xf32>,
        %add3A_967 = arith.constant 18 : i32
        %add3A_968 = arith.addi %mul3A_411, %add3A_967 : i32
        %get3A_969 = arith.index_cast %add3A_968 : i32 to index
        %get3A_970 = arith.constant 48 : index
        %get3A_971 = tpu.vector_load %arg14[%get3A_969, %get3A_970] {strides = array<i32>} : memref<640x64xf32, #tpu.memory_space<vmem>>, vector<16xf32>,
        %mul3A_972 = arith.mulf %get3A_381, %get3A_956 : vector<16xf32>
        %mul3A_973 = arith.mulf %get3A_384, %get3A_961 : vector<16xf32>
        %add3A_974 = arith.addf %mul3A_972, %mul3A_973 : vector<16xf32>
        %mul3A_975 = arith.mulf %get3A_387, %get3A_966 : vector<16xf32>
        %mul3A_976 = arith.mulf %get3A_390, %get3A_971 : vector<16xf32>
        %add3A_977 = arith.addf %mul3A_975, %mul3A_976 : vector<16xf32>
        %add3A_978 = arith.addf %add3A_974, %add3A_977 : vector<16xf32>
        %add3A_979 = arith.constant 5168 : i32
        %add3A_980 = vector.broadcast %add3A_979 : i32 to vector<16xi32>
        %add3A_981 = arith.addi %add3A_379, %add3A_980 : vector<16xi32>
        tpu.vector_store_idx %arg18[%add3A_981], %add3A_978 : memref<5712xf32, #tpu.memory_space<vmem>>[vector<16xi32>], vector<16xf32>,
        %add3A_982 = arith.constant 19 : i32
        %add3A_983 = arith.addi %mul3A_411, %add3A_982 : i32
        %get3A_984 = arith.index_cast %add3A_983 : i32 to index
        %get3A_985 = arith.constant 0 : index
        %get3A_986 = tpu.vector_load %arg14[%get3A_984, %get3A_985] {strides = array<i32>} : memref<640x64xf32, #tpu.memory_space<vmem>>, vector<16xf32>,
        %add3A_987 = arith.constant 19 : i32
        %add3A_988 = arith.addi %mul3A_411, %add3A_987 : i32
        %get3A_989 = arith.index_cast %add3A_988 : i32 to index
        %get3A_990 = arith.constant 16 : index
        %get3A_991 = tpu.vector_load %arg14[%get3A_989, %get3A_990] {strides = array<i32>} : memref<640x64xf32, #tpu.memory_space<vmem>>, vector<16xf32>,
        %add3A_992 = arith.constant 19 : i32
        %add3A_993 = arith.addi %mul3A_411, %add3A_992 : i32
        %get3A_994 = arith.index_cast %add3A_993 : i32 to index
        %get3A_995 = arith.constant 32 : index
        %get3A_996 = tpu.vector_load %arg14[%get3A_994, %get3A_995] {strides = array<i32>} : memref<640x64xf32, #tpu.memory_space<vmem>>, vector<16xf32>,
        %add3A_997 = arith.constant 19 : i32
        %add3A_998 = arith.addi %mul3A_411, %add3A_997 : i32
        %get3A_999 = arith.index_cast %add3A_998 : i32 to index
        %get3A_1000 = arith.constant 48 : index
        %get3A_1001 = tpu.vector_load %arg14[%get3A_999, %get3A_1000] {strides = array<i32>} : memref<640x64xf32, #tpu.memory_space<vmem>>, vector<16xf32>,
        %mul3A_1002 = arith.mulf %get3A_381, %get3A_986 : vector<16xf32>
        %mul3A_1003 = arith.mulf %get3A_384, %get3A_991 : vector<16xf32>
        %add3A_1004 = arith.addf %mul3A_1002, %mul3A_1003 : vector<16xf32>
        %mul3A_1005 = arith.mulf %get3A_387, %get3A_996 : vector<16xf32>
        %mul3A_1006 = arith.mulf %get3A_390, %get3A_1001 : vector<16xf32>
        %add3A_1007 = arith.addf %mul3A_1005, %mul3A_1006 : vector<16xf32>
        %add3A_1008 = arith.addf %add3A_1004, %add3A_1007 : vector<16xf32>
        %add3A_1009 = arith.constant 5440 : i32
        %add3A_1010 = vector.broadcast %add3A_1009 : i32 to vector<16xi32>
        %add3A_1011 = arith.addi %add3A_379, %add3A_1010 : vector<16xi32>
        tpu.vector_store_idx %arg18[%add3A_1011], %add3A_1008 : memref<5712xf32, #tpu.memory_space<vmem>>[vector<16xi32>], vector<16xf32>,
      }
      %scan3A_217 = arith.constant 16 : i32
      %mul3A_218 = arith.constant 32 : i32
      %mul3A_219 = arith.muli %add3A_211, %mul3A_218 : i32
      %add3A_220 = arith.constant 0 : i32
      %add3A_221 = arith.addi %mul3A_219, %add3A_220 : i32
      %scan3A_222 = arith.constant 0 : i32
      %scan3A_223 = arith.constant 0 : i32
      %scan3A_224 = arith.constant 21 : i32
      %scan3A_225 = arith.addi %scan3A_223, %scan3A_224 : i32
      %scan3A_226 = arith.constant 1 : i32
      scf.for %scan3A_372 = %scan3A_223 to %scan3A_225 step %scan3A_226  : i32 {
        %mul3A_373 = arith.constant 272 : i32
        %mul3A_374 = arith.muli %scan3A_372, %mul3A_373 : i32
        %get3A = arith.index_cast %mul3A_374 : i32 to index
        %get3A_375 = tpu.vector_load %arg18[%get3A] {strides = array<i32>} : memref<5712xf32, #tpu.memory_space<vmem>>, vector<16xf32>,
        %add3A_376 = arith.constant 17 : i32
        %add3A_377 = arith.addi %mul3A_374, %add3A_376 : i32
        %get3A_378 = arith.index_cast %add3A_377 : i32 to index
        %get3A_379 = tpu.vector_load %arg18[%get3A_378] {strides = array<i32>} : memref<5712xf32, #tpu.memory_space<vmem>>, vector<16xf32>,
        %add3A_380 = arith.addf %get3A_375, %get3A_379 : vector<16xf32>
        %add3A_381 = arith.constant 34 : i32
        %add3A_382 = arith.addi %mul3A_374, %add3A_381 : i32
        %get3A_383 = arith.index_cast %add3A_382 : i32 to index
        %get3A_384 = tpu.vector_load %arg18[%get3A_383] {strides = array<i32>} : memref<5712xf32, #tpu.memory_space<vmem>>, vector<16xf32>,
        %add3A_385 = arith.addf %add3A_380, %get3A_384 : vector<16xf32>
        %add3A_386 = arith.constant 51 : i32
        %add3A_387 = arith.addi %mul3A_374, %add3A_386 : i32
        %get3A_388 = arith.index_cast %add3A_387 : i32 to index
        %get3A_389 = tpu.vector_load %arg18[%get3A_388] {strides = array<i32>} : memref<5712xf32, #tpu.memory_space<vmem>>, vector<16xf32>,
        %add3A_390 = arith.addf %add3A_385, %get3A_389 : vector<16xf32>
        %add3A_391 = arith.constant 68 : i32
        %add3A_392 = arith.addi %mul3A_374, %add3A_391 : i32
        %get3A_393 = arith.index_cast %add3A_392 : i32 to index
        %get3A_394 = tpu.vector_load %arg18[%get3A_393] {strides = array<i32>} : memref<5712xf32, #tpu.memory_space<vmem>>, vector<16xf32>,
        %add3A_395 = arith.addf %add3A_390, %get3A_394 : vector<16xf32>
        %add3A_396 = arith.constant 85 : i32
        %add3A_397 = arith.addi %mul3A_374, %add3A_396 : i32
        %get3A_398 = arith.index_cast %add3A_397 : i32 to index
        %get3A_399 = tpu.vector_load %arg18[%get3A_398] {strides = array<i32>} : memref<5712xf32, #tpu.memory_space<vmem>>, vector<16xf32>,
        %add3A_400 = arith.addf %add3A_395, %get3A_399 : vector<16xf32>
        %add3A_401 = arith.constant 102 : i32
        %add3A_402 = arith.addi %mul3A_374, %add3A_401 : i32
        %get3A_403 = arith.index_cast %add3A_402 : i32 to index
        %get3A_404 = tpu.vector_load %arg18[%get3A_403] {strides = array<i32>} : memref<5712xf32, #tpu.memory_space<vmem>>, vector<16xf32>,
        %add3A_405 = arith.addf %add3A_400, %get3A_404 : vector<16xf32>
        %add3A_406 = arith.constant 119 : i32
        %add3A_407 = arith.addi %mul3A_374, %add3A_406 : i32
        %get3A_408 = arith.index_cast %add3A_407 : i32 to index
        %get3A_409 = tpu.vector_load %arg18[%get3A_408] {strides = array<i32>} : memref<5712xf32, #tpu.memory_space<vmem>>, vector<16xf32>,
        %add3A_410 = arith.addf %add3A_405, %get3A_409 : vector<16xf32>
        %add3A_411 = arith.constant 136 : i32
        %add3A_412 = arith.addi %mul3A_374, %add3A_411 : i32
        %get3A_413 = arith.index_cast %add3A_412 : i32 to index
        %get3A_414 = tpu.vector_load %arg18[%get3A_413] {strides = array<i32>} : memref<5712xf32, #tpu.memory_space<vmem>>, vector<16xf32>,
        %add3A_415 = arith.addf %add3A_410, %get3A_414 : vector<16xf32>
        %add3A_416 = arith.constant 153 : i32
        %add3A_417 = arith.addi %mul3A_374, %add3A_416 : i32
        %get3A_418 = arith.index_cast %add3A_417 : i32 to index
        %get3A_419 = tpu.vector_load %arg18[%get3A_418] {strides = array<i32>} : memref<5712xf32, #tpu.memory_space<vmem>>, vector<16xf32>,
        %add3A_420 = arith.addf %add3A_415, %get3A_419 : vector<16xf32>
        %add3A_421 = arith.constant 170 : i32
        %add3A_422 = arith.addi %mul3A_374, %add3A_421 : i32
        %get3A_423 = arith.index_cast %add3A_422 : i32 to index
        %get3A_424 = tpu.vector_load %arg18[%get3A_423] {strides = array<i32>} : memref<5712xf32, #tpu.memory_space<vmem>>, vector<16xf32>,
        %add3A_425 = arith.addf %add3A_420, %get3A_424 : vector<16xf32>
        %add3A_426 = arith.constant 187 : i32
        %add3A_427 = arith.addi %mul3A_374, %add3A_426 : i32
        %get3A_428 = arith.index_cast %add3A_427 : i32 to index
        %get3A_429 = tpu.vector_load %arg18[%get3A_428] {strides = array<i32>} : memref<5712xf32, #tpu.memory_space<vmem>>, vector<16xf32>,
        %add3A_430 = arith.addf %add3A_425, %get3A_429 : vector<16xf32>
        %add3A_431 = arith.constant 204 : i32
        %add3A_432 = arith.addi %mul3A_374, %add3A_431 : i32
        %get3A_433 = arith.index_cast %add3A_432 : i32 to index
        %get3A_434 = tpu.vector_load %arg18[%get3A_433] {strides = array<i32>} : memref<5712xf32, #tpu.memory_space<vmem>>, vector<16xf32>,
        %add3A_435 = arith.addf %add3A_430, %get3A_434 : vector<16xf32>
        %add3A_436 = arith.constant 221 : i32
        %add3A_437 = arith.addi %mul3A_374, %add3A_436 : i32
        %get3A_438 = arith.index_cast %add3A_437 : i32 to index
        %get3A_439 = tpu.vector_load %arg18[%get3A_438] {strides = array<i32>} : memref<5712xf32, #tpu.memory_space<vmem>>, vector<16xf32>,
        %add3A_440 = arith.addf %add3A_435, %get3A_439 : vector<16xf32>
        %add3A_441 = arith.constant 238 : i32
        %add3A_442 = arith.addi %mul3A_374, %add3A_441 : i32
        %get3A_443 = arith.index_cast %add3A_442 : i32 to index
        %get3A_444 = tpu.vector_load %arg18[%get3A_443] {strides = array<i32>} : memref<5712xf32, #tpu.memory_space<vmem>>, vector<16xf32>,
        %add3A_445 = arith.addf %add3A_440, %get3A_444 : vector<16xf32>
        %add3A_446 = arith.constant 255 : i32
        %add3A_447 = arith.addi %mul3A_374, %add3A_446 : i32
        %get3A_448 = arith.index_cast %add3A_447 : i32 to index
        %get3A_449 = tpu.vector_load %arg18[%get3A_448] {strides = array<i32>} : memref<5712xf32, #tpu.memory_space<vmem>>, vector<16xf32>,
        %add3A_450 = arith.addf %add3A_445, %get3A_449 : vector<16xf32>
        %mul3A_451 = arith.constant 512 : i32
        %mul3A_452 = arith.muli %scan3A_372, %mul3A_451 : i32
        %add3A_453 = arith.addi %mul3A_452, %add3A_221 : i32
        %swap3A = arith.index_cast %add3A_453 : i32 to index
        %swap3A_454 = tpu.vector_load %arg19[%swap3A] {strides = array<i32>} : memref<10752xf32, #tpu.memory_space<vmem>>, vector<16xf32>,
        tpu.vector_store %arg19[%swap3A], %add3A_450 {strides = array<i32>} : memref<10752xf32, #tpu.memory_space<vmem>>, vector<16xf32>,
      }
      %scan3A_227 = arith.constant 21 : i32
      %scan3A_228 = arith.constant 0 : i32
      %scan3A_229 = arith.constant 0 : i32
      %scan3A_230 = arith.constant 16 : i32
      %scan3A_231 = arith.addi %scan3A_229, %scan3A_230 : i32
      %scan3A_232 = arith.constant 1 : i32
      scf.for %scan3A_372 = %scan3A_229 to %scan3A_231 step %scan3A_232  : i32 {
        %add3A_373 = arith.constant 16 : i32
        %add3A_374 = arith.addi %add3A_373, %scan3A_372 : i32
        %mul3A_375 = arith.constant 17 : i32
        %mul3A_376 = vector.broadcast %mul3A_375 : i32 to vector<16xi32>
        %mul3A_377 = arith.muli %iota3A, %mul3A_376 : vector<16xi32>
        %add3A_378 = vector.broadcast %scan3A_372 : i32 to vector<16xi32>
        %add3A_379 = arith.addi %mul3A_377, %add3A_378 : vector<16xi32>
        %get3A = arith.index_cast %add3A_374 : i32 to index
        %get3A_380 = arith.constant 0 : index
        %get3A_381 = tpu.vector_load %arg12[%get3A, %get3A_380] {strides = array<i32>} : memref<32x64xf32, #tpu.memory_space<vmem>>, vector<16xf32>,
        %get3A_382 = arith.index_cast %add3A_374 : i32 to index
        %get3A_383 = arith.constant 16 : index
        %get3A_384 = tpu.vector_load %arg12[%get3A_382, %get3A_383] {strides = array<i32>} : memref<32x64xf32, #tpu.memory_space<vmem>>, vector<16xf32>,
        %get3A_385 = arith.index_cast %add3A_374 : i32 to index
        %get3A_386 = arith.constant 32 : index
        %get3A_387 = tpu.vector_load %arg12[%get3A_385, %get3A_386] {strides = array<i32>} : memref<32x64xf32, #tpu.memory_space<vmem>>, vector<16xf32>,
        %get3A_388 = arith.index_cast %add3A_374 : i32 to index
        %get3A_389 = arith.constant 48 : index
        %get3A_390 = tpu.vector_load %arg12[%get3A_388, %get3A_389] {strides = array<i32>} : memref<32x64xf32, #tpu.memory_space<vmem>>, vector<16xf32>,
        %get3A_391 = arith.index_cast %add3A_374 : i32 to index
        %get3A_392 = arith.constant 0 : index
        %get3A_393 = tpu.vector_load %arg13[%get3A_391, %get3A_392] {strides = array<i32>} : memref<32x64xf32, #tpu.memory_space<vmem>>, vector<16xf32>,
        %get3A_394 = arith.index_cast %add3A_374 : i32 to index
        %get3A_395 = arith.constant 16 : index
        %get3A_396 = tpu.vector_load %arg13[%get3A_394, %get3A_395] {strides = array<i32>} : memref<32x64xf32, #tpu.memory_space<vmem>>, vector<16xf32>,
        %get3A_397 = arith.index_cast %add3A_374 : i32 to index
        %get3A_398 = arith.constant 32 : index
        %get3A_399 = tpu.vector_load %arg13[%get3A_397, %get3A_398] {strides = array<i32>} : memref<32x64xf32, #tpu.memory_space<vmem>>, vector<16xf32>,
        %get3A_400 = arith.index_cast %add3A_374 : i32 to index
        %get3A_401 = arith.constant 48 : index
        %get3A_402 = tpu.vector_load %arg13[%get3A_400, %get3A_401] {strides = array<i32>} : memref<32x64xf32, #tpu.memory_space<vmem>>, vector<16xf32>,
        %mul3A_403 = arith.mulf %get3A_381, %get3A_393 : vector<16xf32>
        %mul3A_404 = arith.mulf %get3A_384, %get3A_396 : vector<16xf32>
        %add3A_405 = arith.addf %mul3A_403, %mul3A_404 : vector<16xf32>
        %mul3A_406 = arith.mulf %get3A_387, %get3A_399 : vector<16xf32>
        %mul3A_407 = arith.mulf %get3A_390, %get3A_402 : vector<16xf32>
        %add3A_408 = arith.addf %mul3A_406, %mul3A_407 : vector<16xf32>
        %add3A_409 = arith.addf %add3A_405, %add3A_408 : vector<16xf32>
        tpu.vector_store_idx %arg18[%add3A_379], %add3A_409 : memref<5712xf32, #tpu.memory_space<vmem>>[vector<16xi32>], vector<16xf32>,
        %mul3A_410 = arith.constant 20 : i32
        %mul3A_411 = arith.muli %add3A_374, %mul3A_410 : i32
        %add3A_412 = arith.constant 0 : i32
        %add3A_413 = arith.addi %mul3A_411, %add3A_412 : i32
        %get3A_414 = arith.index_cast %add3A_413 : i32 to index
        %get3A_415 = arith.constant 0 : index
        %get3A_416 = tpu.vector_load %arg14[%get3A_414, %get3A_415] {strides = array<i32>} : memref<640x64xf32, #tpu.memory_space<vmem>>, vector<16xf32>,
        %add3A_417 = arith.constant 0 : i32
        %add3A_418 = arith.addi %mul3A_411, %add3A_417 : i32
        %get3A_419 = arith.index_cast %add3A_418 : i32 to index
        %get3A_420 = arith.constant 16 : index
        %get3A_421 = tpu.vector_load %arg14[%get3A_419, %get3A_420] {strides = array<i32>} : memref<640x64xf32, #tpu.memory_space<vmem>>, vector<16xf32>,
        %add3A_422 = arith.constant 0 : i32
        %add3A_423 = arith.addi %mul3A_411, %add3A_422 : i32
        %get3A_424 = arith.index_cast %add3A_423 : i32 to index
        %get3A_425 = arith.constant 32 : index
        %get3A_426 = tpu.vector_load %arg14[%get3A_424, %get3A_425] {strides = array<i32>} : memref<640x64xf32, #tpu.memory_space<vmem>>, vector<16xf32>,
        %add3A_427 = arith.constant 0 : i32
        %add3A_428 = arith.addi %mul3A_411, %add3A_427 : i32
        %get3A_429 = arith.index_cast %add3A_428 : i32 to index
        %get3A_430 = arith.constant 48 : index
        %get3A_431 = tpu.vector_load %arg14[%get3A_429, %get3A_430] {strides = array<i32>} : memref<640x64xf32, #tpu.memory_space<vmem>>, vector<16xf32>,
        %mul3A_432 = arith.mulf %get3A_381, %get3A_416 : vector<16xf32>
        %mul3A_433 = arith.mulf %get3A_384, %get3A_421 : vector<16xf32>
        %add3A_434 = arith.addf %mul3A_432, %mul3A_433 : vector<16xf32>
        %mul3A_435 = arith.mulf %get3A_387, %get3A_426 : vector<16xf32>
        %mul3A_436 = arith.mulf %get3A_390, %get3A_431 : vector<16xf32>
        %add3A_437 = arith.addf %mul3A_435, %mul3A_436 : vector<16xf32>
        %add3A_438 = arith.addf %add3A_434, %add3A_437 : vector<16xf32>
        %add3A_439 = arith.constant 272 : i32
        %add3A_440 = vector.broadcast %add3A_439 : i32 to vector<16xi32>
        %add3A_441 = arith.addi %add3A_379, %add3A_440 : vector<16xi32>
        tpu.vector_store_idx %arg18[%add3A_441], %add3A_438 : memref<5712xf32, #tpu.memory_space<vmem>>[vector<16xi32>], vector<16xf32>,
        %add3A_442 = arith.constant 1 : i32
        %add3A_443 = arith.addi %mul3A_411, %add3A_442 : i32
        %get3A_444 = arith.index_cast %add3A_443 : i32 to index
        %get3A_445 = arith.constant 0 : index
        %get3A_446 = tpu.vector_load %arg14[%get3A_444, %get3A_445] {strides = array<i32>} : memref<640x64xf32, #tpu.memory_space<vmem>>, vector<16xf32>,
        %add3A_447 = arith.constant 1 : i32
        %add3A_448 = arith.addi %mul3A_411, %add3A_447 : i32
        %get3A_449 = arith.index_cast %add3A_448 : i32 to index
        %get3A_450 = arith.constant 16 : index
        %get3A_451 = tpu.vector_load %arg14[%get3A_449, %get3A_450] {strides = array<i32>} : memref<640x64xf32, #tpu.memory_space<vmem>>, vector<16xf32>,
        %add3A_452 = arith.constant 1 : i32
        %add3A_453 = arith.addi %mul3A_411, %add3A_452 : i32
        %get3A_454 = arith.index_cast %add3A_453 : i32 to index
        %get3A_455 = arith.constant 32 : index
        %get3A_456 = tpu.vector_load %arg14[%get3A_454, %get3A_455] {strides = array<i32>} : memref<640x64xf32, #tpu.memory_space<vmem>>, vector<16xf32>,
        %add3A_457 = arith.constant 1 : i32
        %add3A_458 = arith.addi %mul3A_411, %add3A_457 : i32
        %get3A_459 = arith.index_cast %add3A_458 : i32 to index
        %get3A_460 = arith.constant 48 : index
        %get3A_461 = tpu.vector_load %arg14[%get3A_459, %get3A_460] {strides = array<i32>} : memref<640x64xf32, #tpu.memory_space<vmem>>, vector<16xf32>,
        %mul3A_462 = arith.mulf %get3A_381, %get3A_446 : vector<16xf32>
        %mul3A_463 = arith.mulf %get3A_384, %get3A_451 : vector<16xf32>
        %add3A_464 = arith.addf %mul3A_462, %mul3A_463 : vector<16xf32>
        %mul3A_465 = arith.mulf %get3A_387, %get3A_456 : vector<16xf32>
        %mul3A_466 = arith.mulf %get3A_390, %get3A_461 : vector<16xf32>
        %add3A_467 = arith.addf %mul3A_465, %mul3A_466 : vector<16xf32>
        %add3A_468 = arith.addf %add3A_464, %add3A_467 : vector<16xf32>
        %add3A_469 = arith.constant 544 : i32
        %add3A_470 = vector.broadcast %add3A_469 : i32 to vector<16xi32>
        %add3A_471 = arith.addi %add3A_379, %add3A_470 : vector<16xi32>
        tpu.vector_store_idx %arg18[%add3A_471], %add3A_468 : memref<5712xf32, #tpu.memory_space<vmem>>[vector<16xi32>], vector<16xf32>,
        %add3A_472 = arith.constant 2 : i32
        %add3A_473 = arith.addi %mul3A_411, %add3A_472 : i32
        %get3A_474 = arith.index_cast %add3A_473 : i32 to index
        %get3A_475 = arith.constant 0 : index
        %get3A_476 = tpu.vector_load %arg14[%get3A_474, %get3A_475] {strides = array<i32>} : memref<640x64xf32, #tpu.memory_space<vmem>>, vector<16xf32>,
        %add3A_477 = arith.constant 2 : i32
        %add3A_478 = arith.addi %mul3A_411, %add3A_477 : i32
        %get3A_479 = arith.index_cast %add3A_478 : i32 to index
        %get3A_480 = arith.constant 16 : index
        %get3A_481 = tpu.vector_load %arg14[%get3A_479, %get3A_480] {strides = array<i32>} : memref<640x64xf32, #tpu.memory_space<vmem>>, vector<16xf32>,
        %add3A_482 = arith.constant 2 : i32
        %add3A_483 = arith.addi %mul3A_411, %add3A_482 : i32
        %get3A_484 = arith.index_cast %add3A_483 : i32 to index
        %get3A_485 = arith.constant 32 : index
        %get3A_486 = tpu.vector_load %arg14[%get3A_484, %get3A_485] {strides = array<i32>} : memref<640x64xf32, #tpu.memory_space<vmem>>, vector<16xf32>,
        %add3A_487 = arith.constant 2 : i32
        %add3A_488 = arith.addi %mul3A_411, %add3A_487 : i32
        %get3A_489 = arith.index_cast %add3A_488 : i32 to index
        %get3A_490 = arith.constant 48 : index
        %get3A_491 = tpu.vector_load %arg14[%get3A_489, %get3A_490] {strides = array<i32>} : memref<640x64xf32, #tpu.memory_space<vmem>>, vector<16xf32>,
        %mul3A_492 = arith.mulf %get3A_381, %get3A_476 : vector<16xf32>
        %mul3A_493 = arith.mulf %get3A_384, %get3A_481 : vector<16xf32>
        %add3A_494 = arith.addf %mul3A_492, %mul3A_493 : vector<16xf32>
        %mul3A_495 = arith.mulf %get3A_387, %get3A_486 : vector<16xf32>
        %mul3A_496 = arith.mulf %get3A_390, %get3A_491 : vector<16xf32>
        %add3A_497 = arith.addf %mul3A_495, %mul3A_496 : vector<16xf32>
        %add3A_498 = arith.addf %add3A_494, %add3A_497 : vector<16xf32>
        %add3A_499 = arith.constant 816 : i32
        %add3A_500 = vector.broadcast %add3A_499 : i32 to vector<16xi32>
        %add3A_501 = arith.addi %add3A_379, %add3A_500 : vector<16xi32>
        tpu.vector_store_idx %arg18[%add3A_501], %add3A_498 : memref<5712xf32, #tpu.memory_space<vmem>>[vector<16xi32>], vector<16xf32>,
        %add3A_502 = arith.constant 3 : i32
        %add3A_503 = arith.addi %mul3A_411, %add3A_502 : i32
        %get3A_504 = arith.index_cast %add3A_503 : i32 to index
        %get3A_505 = arith.constant 0 : index
        %get3A_506 = tpu.vector_load %arg14[%get3A_504, %get3A_505] {strides = array<i32>} : memref<640x64xf32, #tpu.memory_space<vmem>>, vector<16xf32>,
        %add3A_507 = arith.constant 3 : i32
        %add3A_508 = arith.addi %mul3A_411, %add3A_507 : i32
        %get3A_509 = arith.index_cast %add3A_508 : i32 to index
        %get3A_510 = arith.constant 16 : index
        %get3A_511 = tpu.vector_load %arg14[%get3A_509, %get3A_510] {strides = array<i32>} : memref<640x64xf32, #tpu.memory_space<vmem>>, vector<16xf32>,
        %add3A_512 = arith.constant 3 : i32
        %add3A_513 = arith.addi %mul3A_411, %add3A_512 : i32
        %get3A_514 = arith.index_cast %add3A_513 : i32 to index
        %get3A_515 = arith.constant 32 : index
        %get3A_516 = tpu.vector_load %arg14[%get3A_514, %get3A_515] {strides = array<i32>} : memref<640x64xf32, #tpu.memory_space<vmem>>, vector<16xf32>,
        %add3A_517 = arith.constant 3 : i32
        %add3A_518 = arith.addi %mul3A_411, %add3A_517 : i32
        %get3A_519 = arith.index_cast %add3A_518 : i32 to index
        %get3A_520 = arith.constant 48 : index
        %get3A_521 = tpu.vector_load %arg14[%get3A_519, %get3A_520] {strides = array<i32>} : memref<640x64xf32, #tpu.memory_space<vmem>>, vector<16xf32>,
        %mul3A_522 = arith.mulf %get3A_381, %get3A_506 : vector<16xf32>
        %mul3A_523 = arith.mulf %get3A_384, %get3A_511 : vector<16xf32>
        %add3A_524 = arith.addf %mul3A_522, %mul3A_523 : vector<16xf32>
        %mul3A_525 = arith.mulf %get3A_387, %get3A_516 : vector<16xf32>
        %mul3A_526 = arith.mulf %get3A_390, %get3A_521 : vector<16xf32>
        %add3A_527 = arith.addf %mul3A_525, %mul3A_526 : vector<16xf32>
        %add3A_528 = arith.addf %add3A_524, %add3A_527 : vector<16xf32>
        %add3A_529 = arith.constant 1088 : i32
        %add3A_530 = vector.broadcast %add3A_529 : i32 to vector<16xi32>
        %add3A_531 = arith.addi %add3A_379, %add3A_530 : vector<16xi32>
        tpu.vector_store_idx %arg18[%add3A_531], %add3A_528 : memref<5712xf32, #tpu.memory_space<vmem>>[vector<16xi32>], vector<16xf32>,
        %add3A_532 = arith.constant 4 : i32
        %add3A_533 = arith.addi %mul3A_411, %add3A_532 : i32
        %get3A_534 = arith.index_cast %add3A_533 : i32 to index
        %get3A_535 = arith.constant 0 : index
        %get3A_536 = tpu.vector_load %arg14[%get3A_534, %get3A_535] {strides = array<i32>} : memref<640x64xf32, #tpu.memory_space<vmem>>, vector<16xf32>,
        %add3A_537 = arith.constant 4 : i32
        %add3A_538 = arith.addi %mul3A_411, %add3A_537 : i32
        %get3A_539 = arith.index_cast %add3A_538 : i32 to index
        %get3A_540 = arith.constant 16 : index
        %get3A_541 = tpu.vector_load %arg14[%get3A_539, %get3A_540] {strides = array<i32>} : memref<640x64xf32, #tpu.memory_space<vmem>>, vector<16xf32>,
        %add3A_542 = arith.constant 4 : i32
        %add3A_543 = arith.addi %mul3A_411, %add3A_542 : i32
        %get3A_544 = arith.index_cast %add3A_543 : i32 to index
        %get3A_545 = arith.constant 32 : index
        %get3A_546 = tpu.vector_load %arg14[%get3A_544, %get3A_545] {strides = array<i32>} : memref<640x64xf32, #tpu.memory_space<vmem>>, vector<16xf32>,
        %add3A_547 = arith.constant 4 : i32
        %add3A_548 = arith.addi %mul3A_411, %add3A_547 : i32
        %get3A_549 = arith.index_cast %add3A_548 : i32 to index
        %get3A_550 = arith.constant 48 : index
        %get3A_551 = tpu.vector_load %arg14[%get3A_549, %get3A_550] {strides = array<i32>} : memref<640x64xf32, #tpu.memory_space<vmem>>, vector<16xf32>,
        %mul3A_552 = arith.mulf %get3A_381, %get3A_536 : vector<16xf32>
        %mul3A_553 = arith.mulf %get3A_384, %get3A_541 : vector<16xf32>
        %add3A_554 = arith.addf %mul3A_552, %mul3A_553 : vector<16xf32>
        %mul3A_555 = arith.mulf %get3A_387, %get3A_546 : vector<16xf32>
        %mul3A_556 = arith.mulf %get3A_390, %get3A_551 : vector<16xf32>
        %add3A_557 = arith.addf %mul3A_555, %mul3A_556 : vector<16xf32>
        %add3A_558 = arith.addf %add3A_554, %add3A_557 : vector<16xf32>
        %add3A_559 = arith.constant 1360 : i32
        %add3A_560 = vector.broadcast %add3A_559 : i32 to vector<16xi32>
        %add3A_561 = arith.addi %add3A_379, %add3A_560 : vector<16xi32>
        tpu.vector_store_idx %arg18[%add3A_561], %add3A_558 : memref<5712xf32, #tpu.memory_space<vmem>>[vector<16xi32>], vector<16xf32>,
        %add3A_562 = arith.constant 5 : i32
        %add3A_563 = arith.addi %mul3A_411, %add3A_562 : i32
        %get3A_564 = arith.index_cast %add3A_563 : i32 to index
        %get3A_565 = arith.constant 0 : index
        %get3A_566 = tpu.vector_load %arg14[%get3A_564, %get3A_565] {strides = array<i32>} : memref<640x64xf32, #tpu.memory_space<vmem>>, vector<16xf32>,
        %add3A_567 = arith.constant 5 : i32
        %add3A_568 = arith.addi %mul3A_411, %add3A_567 : i32
        %get3A_569 = arith.index_cast %add3A_568 : i32 to index
        %get3A_570 = arith.constant 16 : index
        %get3A_571 = tpu.vector_load %arg14[%get3A_569, %get3A_570] {strides = array<i32>} : memref<640x64xf32, #tpu.memory_space<vmem>>, vector<16xf32>,
        %add3A_572 = arith.constant 5 : i32
        %add3A_573 = arith.addi %mul3A_411, %add3A_572 : i32
        %get3A_574 = arith.index_cast %add3A_573 : i32 to index
        %get3A_575 = arith.constant 32 : index
        %get3A_576 = tpu.vector_load %arg14[%get3A_574, %get3A_575] {strides = array<i32>} : memref<640x64xf32, #tpu.memory_space<vmem>>, vector<16xf32>,
        %add3A_577 = arith.constant 5 : i32
        %add3A_578 = arith.addi %mul3A_411, %add3A_577 : i32
        %get3A_579 = arith.index_cast %add3A_578 : i32 to index
        %get3A_580 = arith.constant 48 : index
        %get3A_581 = tpu.vector_load %arg14[%get3A_579, %get3A_580] {strides = array<i32>} : memref<640x64xf32, #tpu.memory_space<vmem>>, vector<16xf32>,
        %mul3A_582 = arith.mulf %get3A_381, %get3A_566 : vector<16xf32>
        %mul3A_583 = arith.mulf %get3A_384, %get3A_571 : vector<16xf32>
        %add3A_584 = arith.addf %mul3A_582, %mul3A_583 : vector<16xf32>
        %mul3A_585 = arith.mulf %get3A_387, %get3A_576 : vector<16xf32>
        %mul3A_586 = arith.mulf %get3A_390, %get3A_581 : vector<16xf32>
        %add3A_587 = arith.addf %mul3A_585, %mul3A_586 : vector<16xf32>
        %add3A_588 = arith.addf %add3A_584, %add3A_587 : vector<16xf32>
        %add3A_589 = arith.constant 1632 : i32
        %add3A_590 = vector.broadcast %add3A_589 : i32 to vector<16xi32>
        %add3A_591 = arith.addi %add3A_379, %add3A_590 : vector<16xi32>
        tpu.vector_store_idx %arg18[%add3A_591], %add3A_588 : memref<5712xf32, #tpu.memory_space<vmem>>[vector<16xi32>], vector<16xf32>,
        %add3A_592 = arith.constant 6 : i32
        %add3A_593 = arith.addi %mul3A_411, %add3A_592 : i32
        %get3A_594 = arith.index_cast %add3A_593 : i32 to index
        %get3A_595 = arith.constant 0 : index
        %get3A_596 = tpu.vector_load %arg14[%get3A_594, %get3A_595] {strides = array<i32>} : memref<640x64xf32, #tpu.memory_space<vmem>>, vector<16xf32>,
        %add3A_597 = arith.constant 6 : i32
        %add3A_598 = arith.addi %mul3A_411, %add3A_597 : i32
        %get3A_599 = arith.index_cast %add3A_598 : i32 to index
        %get3A_600 = arith.constant 16 : index
        %get3A_601 = tpu.vector_load %arg14[%get3A_599, %get3A_600] {strides = array<i32>} : memref<640x64xf32, #tpu.memory_space<vmem>>, vector<16xf32>,
        %add3A_602 = arith.constant 6 : i32
        %add3A_603 = arith.addi %mul3A_411, %add3A_602 : i32
        %get3A_604 = arith.index_cast %add3A_603 : i32 to index
        %get3A_605 = arith.constant 32 : index
        %get3A_606 = tpu.vector_load %arg14[%get3A_604, %get3A_605] {strides = array<i32>} : memref<640x64xf32, #tpu.memory_space<vmem>>, vector<16xf32>,
        %add3A_607 = arith.constant 6 : i32
        %add3A_608 = arith.addi %mul3A_411, %add3A_607 : i32
        %get3A_609 = arith.index_cast %add3A_608 : i32 to index
        %get3A_610 = arith.constant 48 : index
        %get3A_611 = tpu.vector_load %arg14[%get3A_609, %get3A_610] {strides = array<i32>} : memref<640x64xf32, #tpu.memory_space<vmem>>, vector<16xf32>,
        %mul3A_612 = arith.mulf %get3A_381, %get3A_596 : vector<16xf32>
        %mul3A_613 = arith.mulf %get3A_384, %get3A_601 : vector<16xf32>
        %add3A_614 = arith.addf %mul3A_612, %mul3A_613 : vector<16xf32>
        %mul3A_615 = arith.mulf %get3A_387, %get3A_606 : vector<16xf32>
        %mul3A_616 = arith.mulf %get3A_390, %get3A_611 : vector<16xf32>
        %add3A_617 = arith.addf %mul3A_615, %mul3A_616 : vector<16xf32>
        %add3A_618 = arith.addf %add3A_614, %add3A_617 : vector<16xf32>
        %add3A_619 = arith.constant 1904 : i32
        %add3A_620 = vector.broadcast %add3A_619 : i32 to vector<16xi32>
        %add3A_621 = arith.addi %add3A_379, %add3A_620 : vector<16xi32>
        tpu.vector_store_idx %arg18[%add3A_621], %add3A_618 : memref<5712xf32, #tpu.memory_space<vmem>>[vector<16xi32>], vector<16xf32>,
        %add3A_622 = arith.constant 7 : i32
        %add3A_623 = arith.addi %mul3A_411, %add3A_622 : i32
        %get3A_624 = arith.index_cast %add3A_623 : i32 to index
        %get3A_625 = arith.constant 0 : index
        %get3A_626 = tpu.vector_load %arg14[%get3A_624, %get3A_625] {strides = array<i32>} : memref<640x64xf32, #tpu.memory_space<vmem>>, vector<16xf32>,
        %add3A_627 = arith.constant 7 : i32
        %add3A_628 = arith.addi %mul3A_411, %add3A_627 : i32
        %get3A_629 = arith.index_cast %add3A_628 : i32 to index
        %get3A_630 = arith.constant 16 : index
        %get3A_631 = tpu.vector_load %arg14[%get3A_629, %get3A_630] {strides = array<i32>} : memref<640x64xf32, #tpu.memory_space<vmem>>, vector<16xf32>,
        %add3A_632 = arith.constant 7 : i32
        %add3A_633 = arith.addi %mul3A_411, %add3A_632 : i32
        %get3A_634 = arith.index_cast %add3A_633 : i32 to index
        %get3A_635 = arith.constant 32 : index
        %get3A_636 = tpu.vector_load %arg14[%get3A_634, %get3A_635] {strides = array<i32>} : memref<640x64xf32, #tpu.memory_space<vmem>>, vector<16xf32>,
        %add3A_637 = arith.constant 7 : i32
        %add3A_638 = arith.addi %mul3A_411, %add3A_637 : i32
        %get3A_639 = arith.index_cast %add3A_638 : i32 to index
        %get3A_640 = arith.constant 48 : index
        %get3A_641 = tpu.vector_load %arg14[%get3A_639, %get3A_640] {strides = array<i32>} : memref<640x64xf32, #tpu.memory_space<vmem>>, vector<16xf32>,
        %mul3A_642 = arith.mulf %get3A_381, %get3A_626 : vector<16xf32>
        %mul3A_643 = arith.mulf %get3A_384, %get3A_631 : vector<16xf32>
        %add3A_644 = arith.addf %mul3A_642, %mul3A_643 : vector<16xf32>
        %mul3A_645 = arith.mulf %get3A_387, %get3A_636 : vector<16xf32>
        %mul3A_646 = arith.mulf %get3A_390, %get3A_641 : vector<16xf32>
        %add3A_647 = arith.addf %mul3A_645, %mul3A_646 : vector<16xf32>
        %add3A_648 = arith.addf %add3A_644, %add3A_647 : vector<16xf32>
        %add3A_649 = arith.constant 2176 : i32
        %add3A_650 = vector.broadcast %add3A_649 : i32 to vector<16xi32>
        %add3A_651 = arith.addi %add3A_379, %add3A_650 : vector<16xi32>
        tpu.vector_store_idx %arg18[%add3A_651], %add3A_648 : memref<5712xf32, #tpu.memory_space<vmem>>[vector<16xi32>], vector<16xf32>,
        %add3A_652 = arith.constant 8 : i32
        %add3A_653 = arith.addi %mul3A_411, %add3A_652 : i32
        %get3A_654 = arith.index_cast %add3A_653 : i32 to index
        %get3A_655 = arith.constant 0 : index
        %get3A_656 = tpu.vector_load %arg14[%get3A_654, %get3A_655] {strides = array<i32>} : memref<640x64xf32, #tpu.memory_space<vmem>>, vector<16xf32>,
        %add3A_657 = arith.constant 8 : i32
        %add3A_658 = arith.addi %mul3A_411, %add3A_657 : i32
        %get3A_659 = arith.index_cast %add3A_658 : i32 to index
        %get3A_660 = arith.constant 16 : index
        %get3A_661 = tpu.vector_load %arg14[%get3A_659, %get3A_660] {strides = array<i32>} : memref<640x64xf32, #tpu.memory_space<vmem>>, vector<16xf32>,
        %add3A_662 = arith.constant 8 : i32
        %add3A_663 = arith.addi %mul3A_411, %add3A_662 : i32
        %get3A_664 = arith.index_cast %add3A_663 : i32 to index
        %get3A_665 = arith.constant 32 : index
        %get3A_666 = tpu.vector_load %arg14[%get3A_664, %get3A_665] {strides = array<i32>} : memref<640x64xf32, #tpu.memory_space<vmem>>, vector<16xf32>,
        %add3A_667 = arith.constant 8 : i32
        %add3A_668 = arith.addi %mul3A_411, %add3A_667 : i32
        %get3A_669 = arith.index_cast %add3A_668 : i32 to index
        %get3A_670 = arith.constant 48 : index
        %get3A_671 = tpu.vector_load %arg14[%get3A_669, %get3A_670] {strides = array<i32>} : memref<640x64xf32, #tpu.memory_space<vmem>>, vector<16xf32>,
        %mul3A_672 = arith.mulf %get3A_381, %get3A_656 : vector<16xf32>
        %mul3A_673 = arith.mulf %get3A_384, %get3A_661 : vector<16xf32>
        %add3A_674 = arith.addf %mul3A_672, %mul3A_673 : vector<16xf32>
        %mul3A_675 = arith.mulf %get3A_387, %get3A_666 : vector<16xf32>
        %mul3A_676 = arith.mulf %get3A_390, %get3A_671 : vector<16xf32>
        %add3A_677 = arith.addf %mul3A_675, %mul3A_676 : vector<16xf32>
        %add3A_678 = arith.addf %add3A_674, %add3A_677 : vector<16xf32>
        %add3A_679 = arith.constant 2448 : i32
        %add3A_680 = vector.broadcast %add3A_679 : i32 to vector<16xi32>
        %add3A_681 = arith.addi %add3A_379, %add3A_680 : vector<16xi32>
        tpu.vector_store_idx %arg18[%add3A_681], %add3A_678 : memref<5712xf32, #tpu.memory_space<vmem>>[vector<16xi32>], vector<16xf32>,
        %add3A_682 = arith.constant 9 : i32
        %add3A_683 = arith.addi %mul3A_411, %add3A_682 : i32
        %get3A_684 = arith.index_cast %add3A_683 : i32 to index
        %get3A_685 = arith.constant 0 : index
        %get3A_686 = tpu.vector_load %arg14[%get3A_684, %get3A_685] {strides = array<i32>} : memref<640x64xf32, #tpu.memory_space<vmem>>, vector<16xf32>,
        %add3A_687 = arith.constant 9 : i32
        %add3A_688 = arith.addi %mul3A_411, %add3A_687 : i32
        %get3A_689 = arith.index_cast %add3A_688 : i32 to index
        %get3A_690 = arith.constant 16 : index
        %get3A_691 = tpu.vector_load %arg14[%get3A_689, %get3A_690] {strides = array<i32>} : memref<640x64xf32, #tpu.memory_space<vmem>>, vector<16xf32>,
        %add3A_692 = arith.constant 9 : i32
        %add3A_693 = arith.addi %mul3A_411, %add3A_692 : i32
        %get3A_694 = arith.index_cast %add3A_693 : i32 to index
        %get3A_695 = arith.constant 32 : index
        %get3A_696 = tpu.vector_load %arg14[%get3A_694, %get3A_695] {strides = array<i32>} : memref<640x64xf32, #tpu.memory_space<vmem>>, vector<16xf32>,
        %add3A_697 = arith.constant 9 : i32
        %add3A_698 = arith.addi %mul3A_411, %add3A_697 : i32
        %get3A_699 = arith.index_cast %add3A_698 : i32 to index
        %get3A_700 = arith.constant 48 : index
        %get3A_701 = tpu.vector_load %arg14[%get3A_699, %get3A_700] {strides = array<i32>} : memref<640x64xf32, #tpu.memory_space<vmem>>, vector<16xf32>,
        %mul3A_702 = arith.mulf %get3A_381, %get3A_686 : vector<16xf32>
        %mul3A_703 = arith.mulf %get3A_384, %get3A_691 : vector<16xf32>
        %add3A_704 = arith.addf %mul3A_702, %mul3A_703 : vector<16xf32>
        %mul3A_705 = arith.mulf %get3A_387, %get3A_696 : vector<16xf32>
        %mul3A_706 = arith.mulf %get3A_390, %get3A_701 : vector<16xf32>
        %add3A_707 = arith.addf %mul3A_705, %mul3A_706 : vector<16xf32>
        %add3A_708 = arith.addf %add3A_704, %add3A_707 : vector<16xf32>
        %add3A_709 = arith.constant 2720 : i32
        %add3A_710 = vector.broadcast %add3A_709 : i32 to vector<16xi32>
        %add3A_711 = arith.addi %add3A_379, %add3A_710 : vector<16xi32>
        tpu.vector_store_idx %arg18[%add3A_711], %add3A_708 : memref<5712xf32, #tpu.memory_space<vmem>>[vector<16xi32>], vector<16xf32>,
        %add3A_712 = arith.constant 10 : i32
        %add3A_713 = arith.addi %mul3A_411, %add3A_712 : i32
        %get3A_714 = arith.index_cast %add3A_713 : i32 to index
        %get3A_715 = arith.constant 0 : index
        %get3A_716 = tpu.vector_load %arg14[%get3A_714, %get3A_715] {strides = array<i32>} : memref<640x64xf32, #tpu.memory_space<vmem>>, vector<16xf32>,
        %add3A_717 = arith.constant 10 : i32
        %add3A_718 = arith.addi %mul3A_411, %add3A_717 : i32
        %get3A_719 = arith.index_cast %add3A_718 : i32 to index
        %get3A_720 = arith.constant 16 : index
        %get3A_721 = tpu.vector_load %arg14[%get3A_719, %get3A_720] {strides = array<i32>} : memref<640x64xf32, #tpu.memory_space<vmem>>, vector<16xf32>,
        %add3A_722 = arith.constant 10 : i32
        %add3A_723 = arith.addi %mul3A_411, %add3A_722 : i32
        %get3A_724 = arith.index_cast %add3A_723 : i32 to index
        %get3A_725 = arith.constant 32 : index
        %get3A_726 = tpu.vector_load %arg14[%get3A_724, %get3A_725] {strides = array<i32>} : memref<640x64xf32, #tpu.memory_space<vmem>>, vector<16xf32>,
        %add3A_727 = arith.constant 10 : i32
        %add3A_728 = arith.addi %mul3A_411, %add3A_727 : i32
        %get3A_729 = arith.index_cast %add3A_728 : i32 to index
        %get3A_730 = arith.constant 48 : index
        %get3A_731 = tpu.vector_load %arg14[%get3A_729, %get3A_730] {strides = array<i32>} : memref<640x64xf32, #tpu.memory_space<vmem>>, vector<16xf32>,
        %mul3A_732 = arith.mulf %get3A_381, %get3A_716 : vector<16xf32>
        %mul3A_733 = arith.mulf %get3A_384, %get3A_721 : vector<16xf32>
        %add3A_734 = arith.addf %mul3A_732, %mul3A_733 : vector<16xf32>
        %mul3A_735 = arith.mulf %get3A_387, %get3A_726 : vector<16xf32>
        %mul3A_736 = arith.mulf %get3A_390, %get3A_731 : vector<16xf32>
        %add3A_737 = arith.addf %mul3A_735, %mul3A_736 : vector<16xf32>
        %add3A_738 = arith.addf %add3A_734, %add3A_737 : vector<16xf32>
        %add3A_739 = arith.constant 2992 : i32
        %add3A_740 = vector.broadcast %add3A_739 : i32 to vector<16xi32>
        %add3A_741 = arith.addi %add3A_379, %add3A_740 : vector<16xi32>
        tpu.vector_store_idx %arg18[%add3A_741], %add3A_738 : memref<5712xf32, #tpu.memory_space<vmem>>[vector<16xi32>], vector<16xf32>,
        %add3A_742 = arith.constant 11 : i32
        %add3A_743 = arith.addi %mul3A_411, %add3A_742 : i32
        %get3A_744 = arith.index_cast %add3A_743 : i32 to index
        %get3A_745 = arith.constant 0 : index
        %get3A_746 = tpu.vector_load %arg14[%get3A_744, %get3A_745] {strides = array<i32>} : memref<640x64xf32, #tpu.memory_space<vmem>>, vector<16xf32>,
        %add3A_747 = arith.constant 11 : i32
        %add3A_748 = arith.addi %mul3A_411, %add3A_747 : i32
        %get3A_749 = arith.index_cast %add3A_748 : i32 to index
        %get3A_750 = arith.constant 16 : index
        %get3A_751 = tpu.vector_load %arg14[%get3A_749, %get3A_750] {strides = array<i32>} : memref<640x64xf32, #tpu.memory_space<vmem>>, vector<16xf32>,
        %add3A_752 = arith.constant 11 : i32
        %add3A_753 = arith.addi %mul3A_411, %add3A_752 : i32
        %get3A_754 = arith.index_cast %add3A_753 : i32 to index
        %get3A_755 = arith.constant 32 : index
        %get3A_756 = tpu.vector_load %arg14[%get3A_754, %get3A_755] {strides = array<i32>} : memref<640x64xf32, #tpu.memory_space<vmem>>, vector<16xf32>,
        %add3A_757 = arith.constant 11 : i32
        %add3A_758 = arith.addi %mul3A_411, %add3A_757 : i32
        %get3A_759 = arith.index_cast %add3A_758 : i32 to index
        %get3A_760 = arith.constant 48 : index
        %get3A_761 = tpu.vector_load %arg14[%get3A_759, %get3A_760] {strides = array<i32>} : memref<640x64xf32, #tpu.memory_space<vmem>>, vector<16xf32>,
        %mul3A_762 = arith.mulf %get3A_381, %get3A_746 : vector<16xf32>
        %mul3A_763 = arith.mulf %get3A_384, %get3A_751 : vector<16xf32>
        %add3A_764 = arith.addf %mul3A_762, %mul3A_763 : vector<16xf32>
        %mul3A_765 = arith.mulf %get3A_387, %get3A_756 : vector<16xf32>
        %mul3A_766 = arith.mulf %get3A_390, %get3A_761 : vector<16xf32>
        %add3A_767 = arith.addf %mul3A_765, %mul3A_766 : vector<16xf32>
        %add3A_768 = arith.addf %add3A_764, %add3A_767 : vector<16xf32>
        %add3A_769 = arith.constant 3264 : i32
        %add3A_770 = vector.broadcast %add3A_769 : i32 to vector<16xi32>
        %add3A_771 = arith.addi %add3A_379, %add3A_770 : vector<16xi32>
        tpu.vector_store_idx %arg18[%add3A_771], %add3A_768 : memref<5712xf32, #tpu.memory_space<vmem>>[vector<16xi32>], vector<16xf32>,
        %add3A_772 = arith.constant 12 : i32
        %add3A_773 = arith.addi %mul3A_411, %add3A_772 : i32
        %get3A_774 = arith.index_cast %add3A_773 : i32 to index
        %get3A_775 = arith.constant 0 : index
        %get3A_776 = tpu.vector_load %arg14[%get3A_774, %get3A_775] {strides = array<i32>} : memref<640x64xf32, #tpu.memory_space<vmem>>, vector<16xf32>,
        %add3A_777 = arith.constant 12 : i32
        %add3A_778 = arith.addi %mul3A_411, %add3A_777 : i32
        %get3A_779 = arith.index_cast %add3A_778 : i32 to index
        %get3A_780 = arith.constant 16 : index
        %get3A_781 = tpu.vector_load %arg14[%get3A_779, %get3A_780] {strides = array<i32>} : memref<640x64xf32, #tpu.memory_space<vmem>>, vector<16xf32>,
        %add3A_782 = arith.constant 12 : i32
        %add3A_783 = arith.addi %mul3A_411, %add3A_782 : i32
        %get3A_784 = arith.index_cast %add3A_783 : i32 to index
        %get3A_785 = arith.constant 32 : index
        %get3A_786 = tpu.vector_load %arg14[%get3A_784, %get3A_785] {strides = array<i32>} : memref<640x64xf32, #tpu.memory_space<vmem>>, vector<16xf32>,
        %add3A_787 = arith.constant 12 : i32
        %add3A_788 = arith.addi %mul3A_411, %add3A_787 : i32
        %get3A_789 = arith.index_cast %add3A_788 : i32 to index
        %get3A_790 = arith.constant 48 : index
        %get3A_791 = tpu.vector_load %arg14[%get3A_789, %get3A_790] {strides = array<i32>} : memref<640x64xf32, #tpu.memory_space<vmem>>, vector<16xf32>,
        %mul3A_792 = arith.mulf %get3A_381, %get3A_776 : vector<16xf32>
        %mul3A_793 = arith.mulf %get3A_384, %get3A_781 : vector<16xf32>
        %add3A_794 = arith.addf %mul3A_792, %mul3A_793 : vector<16xf32>
        %mul3A_795 = arith.mulf %get3A_387, %get3A_786 : vector<16xf32>
        %mul3A_796 = arith.mulf %get3A_390, %get3A_791 : vector<16xf32>
        %add3A_797 = arith.addf %mul3A_795, %mul3A_796 : vector<16xf32>
        %add3A_798 = arith.addf %add3A_794, %add3A_797 : vector<16xf32>
        %add3A_799 = arith.constant 3536 : i32
        %add3A_800 = vector.broadcast %add3A_799 : i32 to vector<16xi32>
        %add3A_801 = arith.addi %add3A_379, %add3A_800 : vector<16xi32>
        tpu.vector_store_idx %arg18[%add3A_801], %add3A_798 : memref<5712xf32, #tpu.memory_space<vmem>>[vector<16xi32>], vector<16xf32>,
        %add3A_802 = arith.constant 13 : i32
        %add3A_803 = arith.addi %mul3A_411, %add3A_802 : i32
        %get3A_804 = arith.index_cast %add3A_803 : i32 to index
        %get3A_805 = arith.constant 0 : index
        %get3A_806 = tpu.vector_load %arg14[%get3A_804, %get3A_805] {strides = array<i32>} : memref<640x64xf32, #tpu.memory_space<vmem>>, vector<16xf32>,
        %add3A_807 = arith.constant 13 : i32
        %add3A_808 = arith.addi %mul3A_411, %add3A_807 : i32
        %get3A_809 = arith.index_cast %add3A_808 : i32 to index
        %get3A_810 = arith.constant 16 : index
        %get3A_811 = tpu.vector_load %arg14[%get3A_809, %get3A_810] {strides = array<i32>} : memref<640x64xf32, #tpu.memory_space<vmem>>, vector<16xf32>,
        %add3A_812 = arith.constant 13 : i32
        %add3A_813 = arith.addi %mul3A_411, %add3A_812 : i32
        %get3A_814 = arith.index_cast %add3A_813 : i32 to index
        %get3A_815 = arith.constant 32 : index
        %get3A_816 = tpu.vector_load %arg14[%get3A_814, %get3A_815] {strides = array<i32>} : memref<640x64xf32, #tpu.memory_space<vmem>>, vector<16xf32>,
        %add3A_817 = arith.constant 13 : i32
        %add3A_818 = arith.addi %mul3A_411, %add3A_817 : i32
        %get3A_819 = arith.index_cast %add3A_818 : i32 to index
        %get3A_820 = arith.constant 48 : index
        %get3A_821 = tpu.vector_load %arg14[%get3A_819, %get3A_820] {strides = array<i32>} : memref<640x64xf32, #tpu.memory_space<vmem>>, vector<16xf32>,
        %mul3A_822 = arith.mulf %get3A_381, %get3A_806 : vector<16xf32>
        %mul3A_823 = arith.mulf %get3A_384, %get3A_811 : vector<16xf32>
        %add3A_824 = arith.addf %mul3A_822, %mul3A_823 : vector<16xf32>
        %mul3A_825 = arith.mulf %get3A_387, %get3A_816 : vector<16xf32>
        %mul3A_826 = arith.mulf %get3A_390, %get3A_821 : vector<16xf32>
        %add3A_827 = arith.addf %mul3A_825, %mul3A_826 : vector<16xf32>
        %add3A_828 = arith.addf %add3A_824, %add3A_827 : vector<16xf32>
        %add3A_829 = arith.constant 3808 : i32
        %add3A_830 = vector.broadcast %add3A_829 : i32 to vector<16xi32>
        %add3A_831 = arith.addi %add3A_379, %add3A_830 : vector<16xi32>
        tpu.vector_store_idx %arg18[%add3A_831], %add3A_828 : memref<5712xf32, #tpu.memory_space<vmem>>[vector<16xi32>], vector<16xf32>,
        %add3A_832 = arith.constant 14 : i32
        %add3A_833 = arith.addi %mul3A_411, %add3A_832 : i32
        %get3A_834 = arith.index_cast %add3A_833 : i32 to index
        %get3A_835 = arith.constant 0 : index
        %get3A_836 = tpu.vector_load %arg14[%get3A_834, %get3A_835] {strides = array<i32>} : memref<640x64xf32, #tpu.memory_space<vmem>>, vector<16xf32>,
        %add3A_837 = arith.constant 14 : i32
        %add3A_838 = arith.addi %mul3A_411, %add3A_837 : i32
        %get3A_839 = arith.index_cast %add3A_838 : i32 to index
        %get3A_840 = arith.constant 16 : index
        %get3A_841 = tpu.vector_load %arg14[%get3A_839, %get3A_840] {strides = array<i32>} : memref<640x64xf32, #tpu.memory_space<vmem>>, vector<16xf32>,
        %add3A_842 = arith.constant 14 : i32
        %add3A_843 = arith.addi %mul3A_411, %add3A_842 : i32
        %get3A_844 = arith.index_cast %add3A_843 : i32 to index
        %get3A_845 = arith.constant 32 : index
        %get3A_846 = tpu.vector_load %arg14[%get3A_844, %get3A_845] {strides = array<i32>} : memref<640x64xf32, #tpu.memory_space<vmem>>, vector<16xf32>,
        %add3A_847 = arith.constant 14 : i32
        %add3A_848 = arith.addi %mul3A_411, %add3A_847 : i32
        %get3A_849 = arith.index_cast %add3A_848 : i32 to index
        %get3A_850 = arith.constant 48 : index
        %get3A_851 = tpu.vector_load %arg14[%get3A_849, %get3A_850] {strides = array<i32>} : memref<640x64xf32, #tpu.memory_space<vmem>>, vector<16xf32>,
        %mul3A_852 = arith.mulf %get3A_381, %get3A_836 : vector<16xf32>
        %mul3A_853 = arith.mulf %get3A_384, %get3A_841 : vector<16xf32>
        %add3A_854 = arith.addf %mul3A_852, %mul3A_853 : vector<16xf32>
        %mul3A_855 = arith.mulf %get3A_387, %get3A_846 : vector<16xf32>
        %mul3A_856 = arith.mulf %get3A_390, %get3A_851 : vector<16xf32>
        %add3A_857 = arith.addf %mul3A_855, %mul3A_856 : vector<16xf32>
        %add3A_858 = arith.addf %add3A_854, %add3A_857 : vector<16xf32>
        %add3A_859 = arith.constant 4080 : i32
        %add3A_860 = vector.broadcast %add3A_859 : i32 to vector<16xi32>
        %add3A_861 = arith.addi %add3A_379, %add3A_860 : vector<16xi32>
        tpu.vector_store_idx %arg18[%add3A_861], %add3A_858 : memref<5712xf32, #tpu.memory_space<vmem>>[vector<16xi32>], vector<16xf32>,
        %add3A_862 = arith.constant 15 : i32
        %add3A_863 = arith.addi %mul3A_411, %add3A_862 : i32
        %get3A_864 = arith.index_cast %add3A_863 : i32 to index
        %get3A_865 = arith.constant 0 : index
        %get3A_866 = tpu.vector_load %arg14[%get3A_864, %get3A_865] {strides = array<i32>} : memref<640x64xf32, #tpu.memory_space<vmem>>, vector<16xf32>,
        %add3A_867 = arith.constant 15 : i32
        %add3A_868 = arith.addi %mul3A_411, %add3A_867 : i32
        %get3A_869 = arith.index_cast %add3A_868 : i32 to index
        %get3A_870 = arith.constant 16 : index
        %get3A_871 = tpu.vector_load %arg14[%get3A_869, %get3A_870] {strides = array<i32>} : memref<640x64xf32, #tpu.memory_space<vmem>>, vector<16xf32>,
        %add3A_872 = arith.constant 15 : i32
        %add3A_873 = arith.addi %mul3A_411, %add3A_872 : i32
        %get3A_874 = arith.index_cast %add3A_873 : i32 to index
        %get3A_875 = arith.constant 32 : index
        %get3A_876 = tpu.vector_load %arg14[%get3A_874, %get3A_875] {strides = array<i32>} : memref<640x64xf32, #tpu.memory_space<vmem>>, vector<16xf32>,
        %add3A_877 = arith.constant 15 : i32
        %add3A_878 = arith.addi %mul3A_411, %add3A_877 : i32
        %get3A_879 = arith.index_cast %add3A_878 : i32 to index
        %get3A_880 = arith.constant 48 : index
        %get3A_881 = tpu.vector_load %arg14[%get3A_879, %get3A_880] {strides = array<i32>} : memref<640x64xf32, #tpu.memory_space<vmem>>, vector<16xf32>,
        %mul3A_882 = arith.mulf %get3A_381, %get3A_866 : vector<16xf32>
        %mul3A_883 = arith.mulf %get3A_384, %get3A_871 : vector<16xf32>
        %add3A_884 = arith.addf %mul3A_882, %mul3A_883 : vector<16xf32>
        %mul3A_885 = arith.mulf %get3A_387, %get3A_876 : vector<16xf32>
        %mul3A_886 = arith.mulf %get3A_390, %get3A_881 : vector<16xf32>
        %add3A_887 = arith.addf %mul3A_885, %mul3A_886 : vector<16xf32>
        %add3A_888 = arith.addf %add3A_884, %add3A_887 : vector<16xf32>
        %add3A_889 = arith.constant 4352 : i32
        %add3A_890 = vector.broadcast %add3A_889 : i32 to vector<16xi32>
        %add3A_891 = arith.addi %add3A_379, %add3A_890 : vector<16xi32>
        tpu.vector_store_idx %arg18[%add3A_891], %add3A_888 : memref<5712xf32, #tpu.memory_space<vmem>>[vector<16xi32>], vector<16xf32>,
        %add3A_892 = arith.constant 16 : i32
        %add3A_893 = arith.addi %mul3A_411, %add3A_892 : i32
        %get3A_894 = arith.index_cast %add3A_893 : i32 to index
        %get3A_895 = arith.constant 0 : index
        %get3A_896 = tpu.vector_load %arg14[%get3A_894, %get3A_895] {strides = array<i32>} : memref<640x64xf32, #tpu.memory_space<vmem>>, vector<16xf32>,
        %add3A_897 = arith.constant 16 : i32
        %add3A_898 = arith.addi %mul3A_411, %add3A_897 : i32
        %get3A_899 = arith.index_cast %add3A_898 : i32 to index
        %get3A_900 = arith.constant 16 : index
        %get3A_901 = tpu.vector_load %arg14[%get3A_899, %get3A_900] {strides = array<i32>} : memref<640x64xf32, #tpu.memory_space<vmem>>, vector<16xf32>,
        %add3A_902 = arith.constant 16 : i32
        %add3A_903 = arith.addi %mul3A_411, %add3A_902 : i32
        %get3A_904 = arith.index_cast %add3A_903 : i32 to index
        %get3A_905 = arith.constant 32 : index
        %get3A_906 = tpu.vector_load %arg14[%get3A_904, %get3A_905] {strides = array<i32>} : memref<640x64xf32, #tpu.memory_space<vmem>>, vector<16xf32>,
        %add3A_907 = arith.constant 16 : i32
        %add3A_908 = arith.addi %mul3A_411, %add3A_907 : i32
        %get3A_909 = arith.index_cast %add3A_908 : i32 to index
        %get3A_910 = arith.constant 48 : index
        %get3A_911 = tpu.vector_load %arg14[%get3A_909, %get3A_910] {strides = array<i32>} : memref<640x64xf32, #tpu.memory_space<vmem>>, vector<16xf32>,
        %mul3A_912 = arith.mulf %get3A_381, %get3A_896 : vector<16xf32>
        %mul3A_913 = arith.mulf %get3A_384, %get3A_901 : vector<16xf32>
        %add3A_914 = arith.addf %mul3A_912, %mul3A_913 : vector<16xf32>
        %mul3A_915 = arith.mulf %get3A_387, %get3A_906 : vector<16xf32>
        %mul3A_916 = arith.mulf %get3A_390, %get3A_911 : vector<16xf32>
        %add3A_917 = arith.addf %mul3A_915, %mul3A_916 : vector<16xf32>
        %add3A_918 = arith.addf %add3A_914, %add3A_917 : vector<16xf32>
        %add3A_919 = arith.constant 4624 : i32
        %add3A_920 = vector.broadcast %add3A_919 : i32 to vector<16xi32>
        %add3A_921 = arith.addi %add3A_379, %add3A_920 : vector<16xi32>
        tpu.vector_store_idx %arg18[%add3A_921], %add3A_918 : memref<5712xf32, #tpu.memory_space<vmem>>[vector<16xi32>], vector<16xf32>,
        %add3A_922 = arith.constant 17 : i32
        %add3A_923 = arith.addi %mul3A_411, %add3A_922 : i32
        %get3A_924 = arith.index_cast %add3A_923 : i32 to index
        %get3A_925 = arith.constant 0 : index
        %get3A_926 = tpu.vector_load %arg14[%get3A_924, %get3A_925] {strides = array<i32>} : memref<640x64xf32, #tpu.memory_space<vmem>>, vector<16xf32>,
        %add3A_927 = arith.constant 17 : i32
        %add3A_928 = arith.addi %mul3A_411, %add3A_927 : i32
        %get3A_929 = arith.index_cast %add3A_928 : i32 to index
        %get3A_930 = arith.constant 16 : index
        %get3A_931 = tpu.vector_load %arg14[%get3A_929, %get3A_930] {strides = array<i32>} : memref<640x64xf32, #tpu.memory_space<vmem>>, vector<16xf32>,
        %add3A_932 = arith.constant 17 : i32
        %add3A_933 = arith.addi %mul3A_411, %add3A_932 : i32
        %get3A_934 = arith.index_cast %add3A_933 : i32 to index
        %get3A_935 = arith.constant 32 : index
        %get3A_936 = tpu.vector_load %arg14[%get3A_934, %get3A_935] {strides = array<i32>} : memref<640x64xf32, #tpu.memory_space<vmem>>, vector<16xf32>,
        %add3A_937 = arith.constant 17 : i32
        %add3A_938 = arith.addi %mul3A_411, %add3A_937 : i32
        %get3A_939 = arith.index_cast %add3A_938 : i32 to index
        %get3A_940 = arith.constant 48 : index
        %get3A_941 = tpu.vector_load %arg14[%get3A_939, %get3A_940] {strides = array<i32>} : memref<640x64xf32, #tpu.memory_space<vmem>>, vector<16xf32>,
        %mul3A_942 = arith.mulf %get3A_381, %get3A_926 : vector<16xf32>
        %mul3A_943 = arith.mulf %get3A_384, %get3A_931 : vector<16xf32>
        %add3A_944 = arith.addf %mul3A_942, %mul3A_943 : vector<16xf32>
        %mul3A_945 = arith.mulf %get3A_387, %get3A_936 : vector<16xf32>
        %mul3A_946 = arith.mulf %get3A_390, %get3A_941 : vector<16xf32>
        %add3A_947 = arith.addf %mul3A_945, %mul3A_946 : vector<16xf32>
        %add3A_948 = arith.addf %add3A_944, %add3A_947 : vector<16xf32>
        %add3A_949 = arith.constant 4896 : i32
        %add3A_950 = vector.broadcast %add3A_949 : i32 to vector<16xi32>
        %add3A_951 = arith.addi %add3A_379, %add3A_950 : vector<16xi32>
        tpu.vector_store_idx %arg18[%add3A_951], %add3A_948 : memref<5712xf32, #tpu.memory_space<vmem>>[vector<16xi32>], vector<16xf32>,
        %add3A_952 = arith.constant 18 : i32
        %add3A_953 = arith.addi %mul3A_411, %add3A_952 : i32
        %get3A_954 = arith.index_cast %add3A_953 : i32 to index
        %get3A_955 = arith.constant 0 : index
        %get3A_956 = tpu.vector_load %arg14[%get3A_954, %get3A_955] {strides = array<i32>} : memref<640x64xf32, #tpu.memory_space<vmem>>, vector<16xf32>,
        %add3A_957 = arith.constant 18 : i32
        %add3A_958 = arith.addi %mul3A_411, %add3A_957 : i32
        %get3A_959 = arith.index_cast %add3A_958 : i32 to index
        %get3A_960 = arith.constant 16 : index
        %get3A_961 = tpu.vector_load %arg14[%get3A_959, %get3A_960] {strides = array<i32>} : memref<640x64xf32, #tpu.memory_space<vmem>>, vector<16xf32>,
        %add3A_962 = arith.constant 18 : i32
        %add3A_963 = arith.addi %mul3A_411, %add3A_962 : i32
        %get3A_964 = arith.index_cast %add3A_963 : i32 to index
        %get3A_965 = arith.constant 32 : index
        %get3A_966 = tpu.vector_load %arg14[%get3A_964, %get3A_965] {strides = array<i32>} : memref<640x64xf32, #tpu.memory_space<vmem>>, vector<16xf32>,
        %add3A_967 = arith.constant 18 : i32
        %add3A_968 = arith.addi %mul3A_411, %add3A_967 : i32
        %get3A_969 = arith.index_cast %add3A_968 : i32 to index
        %get3A_970 = arith.constant 48 : index
        %get3A_971 = tpu.vector_load %arg14[%get3A_969, %get3A_970] {strides = array<i32>} : memref<640x64xf32, #tpu.memory_space<vmem>>, vector<16xf32>,
        %mul3A_972 = arith.mulf %get3A_381, %get3A_956 : vector<16xf32>
        %mul3A_973 = arith.mulf %get3A_384, %get3A_961 : vector<16xf32>
        %add3A_974 = arith.addf %mul3A_972, %mul3A_973 : vector<16xf32>
        %mul3A_975 = arith.mulf %get3A_387, %get3A_966 : vector<16xf32>
        %mul3A_976 = arith.mulf %get3A_390, %get3A_971 : vector<16xf32>
        %add3A_977 = arith.addf %mul3A_975, %mul3A_976 : vector<16xf32>
        %add3A_978 = arith.addf %add3A_974, %add3A_977 : vector<16xf32>
        %add3A_979 = arith.constant 5168 : i32
        %add3A_980 = vector.broadcast %add3A_979 : i32 to vector<16xi32>
        %add3A_981 = arith.addi %add3A_379, %add3A_980 : vector<16xi32>
        tpu.vector_store_idx %arg18[%add3A_981], %add3A_978 : memref<5712xf32, #tpu.memory_space<vmem>>[vector<16xi32>], vector<16xf32>,
        %add3A_982 = arith.constant 19 : i32
        %add3A_983 = arith.addi %mul3A_411, %add3A_982 : i32
        %get3A_984 = arith.index_cast %add3A_983 : i32 to index
        %get3A_985 = arith.constant 0 : index
        %get3A_986 = tpu.vector_load %arg14[%get3A_984, %get3A_985] {strides = array<i32>} : memref<640x64xf32, #tpu.memory_space<vmem>>, vector<16xf32>,
        %add3A_987 = arith.constant 19 : i32
        %add3A_988 = arith.addi %mul3A_411, %add3A_987 : i32
        %get3A_989 = arith.index_cast %add3A_988 : i32 to index
        %get3A_990 = arith.constant 16 : index
        %get3A_991 = tpu.vector_load %arg14[%get3A_989, %get3A_990] {strides = array<i32>} : memref<640x64xf32, #tpu.memory_space<vmem>>, vector<16xf32>,
        %add3A_992 = arith.constant 19 : i32
        %add3A_993 = arith.addi %mul3A_411, %add3A_992 : i32
        %get3A_994 = arith.index_cast %add3A_993 : i32 to index
        %get3A_995 = arith.constant 32 : index
        %get3A_996 = tpu.vector_load %arg14[%get3A_994, %get3A_995] {strides = array<i32>} : memref<640x64xf32, #tpu.memory_space<vmem>>, vector<16xf32>,
        %add3A_997 = arith.constant 19 : i32
        %add3A_998 = arith.addi %mul3A_411, %add3A_997 : i32
        %get3A_999 = arith.index_cast %add3A_998 : i32 to index
        %get3A_1000 = arith.constant 48 : index
        %get3A_1001 = tpu.vector_load %arg14[%get3A_999, %get3A_1000] {strides = array<i32>} : memref<640x64xf32, #tpu.memory_space<vmem>>, vector<16xf32>,
        %mul3A_1002 = arith.mulf %get3A_381, %get3A_986 : vector<16xf32>
        %mul3A_1003 = arith.mulf %get3A_384, %get3A_991 : vector<16xf32>
        %add3A_1004 = arith.addf %mul3A_1002, %mul3A_1003 : vector<16xf32>
        %mul3A_1005 = arith.mulf %get3A_387, %get3A_996 : vector<16xf32>
        %mul3A_1006 = arith.mulf %get3A_390, %get3A_1001 : vector<16xf32>
        %add3A_1007 = arith.addf %mul3A_1005, %mul3A_1006 : vector<16xf32>
        %add3A_1008 = arith.addf %add3A_1004, %add3A_1007 : vector<16xf32>
        %add3A_1009 = arith.constant 5440 : i32
        %add3A_1010 = vector.broadcast %add3A_1009 : i32 to vector<16xi32>
        %add3A_1011 = arith.addi %add3A_379, %add3A_1010 : vector<16xi32>
        tpu.vector_store_idx %arg18[%add3A_1011], %add3A_1008 : memref<5712xf32, #tpu.memory_space<vmem>>[vector<16xi32>], vector<16xf32>,
      }
      %scan3A_233 = arith.constant 16 : i32
      %mul3A_234 = arith.constant 32 : i32
      %mul3A_235 = arith.muli %add3A_211, %mul3A_234 : i32
      %add3A_236 = arith.constant 16 : i32
      %add3A_237 = arith.addi %mul3A_235, %add3A_236 : i32
      %scan3A_238 = arith.constant 0 : i32
      %scan3A_239 = arith.constant 0 : i32
      %scan3A_240 = arith.constant 21 : i32
      %scan3A_241 = arith.addi %scan3A_239, %scan3A_240 : i32
      %scan3A_242 = arith.constant 1 : i32
      scf.for %scan3A_372 = %scan3A_239 to %scan3A_241 step %scan3A_242  : i32 {
        %mul3A_373 = arith.constant 272 : i32
        %mul3A_374 = arith.muli %scan3A_372, %mul3A_373 : i32
        %get3A = arith.index_cast %mul3A_374 : i32 to index
        %get3A_375 = tpu.vector_load %arg18[%get3A] {strides = array<i32>} : memref<5712xf32, #tpu.memory_space<vmem>>, vector<16xf32>,
        %add3A_376 = arith.constant 17 : i32
        %add3A_377 = arith.addi %mul3A_374, %add3A_376 : i32
        %get3A_378 = arith.index_cast %add3A_377 : i32 to index
        %get3A_379 = tpu.vector_load %arg18[%get3A_378] {strides = array<i32>} : memref<5712xf32, #tpu.memory_space<vmem>>, vector<16xf32>,
        %add3A_380 = arith.addf %get3A_375, %get3A_379 : vector<16xf32>
        %add3A_381 = arith.constant 34 : i32
        %add3A_382 = arith.addi %mul3A_374, %add3A_381 : i32
        %get3A_383 = arith.index_cast %add3A_382 : i32 to index
        %get3A_384 = tpu.vector_load %arg18[%get3A_383] {strides = array<i32>} : memref<5712xf32, #tpu.memory_space<vmem>>, vector<16xf32>,
        %add3A_385 = arith.addf %add3A_380, %get3A_384 : vector<16xf32>
        %add3A_386 = arith.constant 51 : i32
        %add3A_387 = arith.addi %mul3A_374, %add3A_386 : i32
        %get3A_388 = arith.index_cast %add3A_387 : i32 to index
        %get3A_389 = tpu.vector_load %arg18[%get3A_388] {strides = array<i32>} : memref<5712xf32, #tpu.memory_space<vmem>>, vector<16xf32>,
        %add3A_390 = arith.addf %add3A_385, %get3A_389 : vector<16xf32>
        %add3A_391 = arith.constant 68 : i32
        %add3A_392 = arith.addi %mul3A_374, %add3A_391 : i32
        %get3A_393 = arith.index_cast %add3A_392 : i32 to index
        %get3A_394 = tpu.vector_load %arg18[%get3A_393] {strides = array<i32>} : memref<5712xf32, #tpu.memory_space<vmem>>, vector<16xf32>,
        %add3A_395 = arith.addf %add3A_390, %get3A_394 : vector<16xf32>
        %add3A_396 = arith.constant 85 : i32
        %add3A_397 = arith.addi %mul3A_374, %add3A_396 : i32
        %get3A_398 = arith.index_cast %add3A_397 : i32 to index
        %get3A_399 = tpu.vector_load %arg18[%get3A_398] {strides = array<i32>} : memref<5712xf32, #tpu.memory_space<vmem>>, vector<16xf32>,
        %add3A_400 = arith.addf %add3A_395, %get3A_399 : vector<16xf32>
        %add3A_401 = arith.constant 102 : i32
        %add3A_402 = arith.addi %mul3A_374, %add3A_401 : i32
        %get3A_403 = arith.index_cast %add3A_402 : i32 to index
        %get3A_404 = tpu.vector_load %arg18[%get3A_403] {strides = array<i32>} : memref<5712xf32, #tpu.memory_space<vmem>>, vector<16xf32>,
        %add3A_405 = arith.addf %add3A_400, %get3A_404 : vector<16xf32>
        %add3A_406 = arith.constant 119 : i32
        %add3A_407 = arith.addi %mul3A_374, %add3A_406 : i32
        %get3A_408 = arith.index_cast %add3A_407 : i32 to index
        %get3A_409 = tpu.vector_load %arg18[%get3A_408] {strides = array<i32>} : memref<5712xf32, #tpu.memory_space<vmem>>, vector<16xf32>,
        %add3A_410 = arith.addf %add3A_405, %get3A_409 : vector<16xf32>
        %add3A_411 = arith.constant 136 : i32
        %add3A_412 = arith.addi %mul3A_374, %add3A_411 : i32
        %get3A_413 = arith.index_cast %add3A_412 : i32 to index
        %get3A_414 = tpu.vector_load %arg18[%get3A_413] {strides = array<i32>} : memref<5712xf32, #tpu.memory_space<vmem>>, vector<16xf32>,
        %add3A_415 = arith.addf %add3A_410, %get3A_414 : vector<16xf32>
        %add3A_416 = arith.constant 153 : i32
        %add3A_417 = arith.addi %mul3A_374, %add3A_416 : i32
        %get3A_418 = arith.index_cast %add3A_417 : i32 to index
        %get3A_419 = tpu.vector_load %arg18[%get3A_418] {strides = array<i32>} : memref<5712xf32, #tpu.memory_space<vmem>>, vector<16xf32>,
        %add3A_420 = arith.addf %add3A_415, %get3A_419 : vector<16xf32>
        %add3A_421 = arith.constant 170 : i32
        %add3A_422 = arith.addi %mul3A_374, %add3A_421 : i32
        %get3A_423 = arith.index_cast %add3A_422 : i32 to index
        %get3A_424 = tpu.vector_load %arg18[%get3A_423] {strides = array<i32>} : memref<5712xf32, #tpu.memory_space<vmem>>, vector<16xf32>,
        %add3A_425 = arith.addf %add3A_420, %get3A_424 : vector<16xf32>
        %add3A_426 = arith.constant 187 : i32
        %add3A_427 = arith.addi %mul3A_374, %add3A_426 : i32
        %get3A_428 = arith.index_cast %add3A_427 : i32 to index
        %get3A_429 = tpu.vector_load %arg18[%get3A_428] {strides = array<i32>} : memref<5712xf32, #tpu.memory_space<vmem>>, vector<16xf32>,
        %add3A_430 = arith.addf %add3A_425, %get3A_429 : vector<16xf32>
        %add3A_431 = arith.constant 204 : i32
        %add3A_432 = arith.addi %mul3A_374, %add3A_431 : i32
        %get3A_433 = arith.index_cast %add3A_432 : i32 to index
        %get3A_434 = tpu.vector_load %arg18[%get3A_433] {strides = array<i32>} : memref<5712xf32, #tpu.memory_space<vmem>>, vector<16xf32>,
        %add3A_435 = arith.addf %add3A_430, %get3A_434 : vector<16xf32>
        %add3A_436 = arith.constant 221 : i32
        %add3A_437 = arith.addi %mul3A_374, %add3A_436 : i32
        %get3A_438 = arith.index_cast %add3A_437 : i32 to index
        %get3A_439 = tpu.vector_load %arg18[%get3A_438] {strides = array<i32>} : memref<5712xf32, #tpu.memory_space<vmem>>, vector<16xf32>,
        %add3A_440 = arith.addf %add3A_435, %get3A_439 : vector<16xf32>
        %add3A_441 = arith.constant 238 : i32
        %add3A_442 = arith.addi %mul3A_374, %add3A_441 : i32
        %get3A_443 = arith.index_cast %add3A_442 : i32 to index
        %get3A_444 = tpu.vector_load %arg18[%get3A_443] {strides = array<i32>} : memref<5712xf32, #tpu.memory_space<vmem>>, vector<16xf32>,
        %add3A_445 = arith.addf %add3A_440, %get3A_444 : vector<16xf32>
        %add3A_446 = arith.constant 255 : i32
        %add3A_447 = arith.addi %mul3A_374, %add3A_446 : i32
        %get3A_448 = arith.index_cast %add3A_447 : i32 to index
        %get3A_449 = tpu.vector_load %arg18[%get3A_448] {strides = array<i32>} : memref<5712xf32, #tpu.memory_space<vmem>>, vector<16xf32>,
        %add3A_450 = arith.addf %add3A_445, %get3A_449 : vector<16xf32>
        %mul3A_451 = arith.constant 512 : i32
        %mul3A_452 = arith.muli %scan3A_372, %mul3A_451 : i32
        %add3A_453 = arith.addi %mul3A_452, %add3A_237 : i32
        %swap3A = arith.index_cast %add3A_453 : i32 to index
        %swap3A_454 = tpu.vector_load %arg19[%swap3A] {strides = array<i32>} : memref<10752xf32, #tpu.memory_space<vmem>>, vector<16xf32>,
        tpu.vector_store %arg19[%swap3A], %add3A_450 {strides = array<i32>} : memref<10752xf32, #tpu.memory_space<vmem>>, vector<16xf32>,
      }
      %scan3A_243 = arith.constant 21 : i32
      %add3A_244 = arith.constant 0 : i32
      %add3A_245 = arith.addi %add3A_131, %add3A_244 : i32
      %add3A_246 = arith.constant 2 : i32
      %add3A_247 = arith.addi %add3A_245, %add3A_246 : i32
      %lt3A = arith.constant 16 : i32
      %lt3A_248 = arith.cmpi slt, %add3A_247, %lt3A : i32
      %convert_element_type3A = arith.extui %lt3A_248 : i1 to i32
      %cond3A = arith.constant 0 : i32
      %cond3A_249 = arith.cmpi ne, %convert_element_type3A, %cond3A : i32
      scf.if %cond3A_249 {
        %add3A_372 = arith.constant 0 : i32
        %add3A_373 = arith.addi %add3A_131, %add3A_372 : i32
        %add3A_374 = arith.constant 2 : i32
        %add3A_375 = arith.addi %add3A_373, %add3A_374 : i32
        %mul3A_376 = arith.constant 32 : i32
        %mul3A_377 = arith.muli %add3A_375, %mul3A_376 : i32
        %mul3A_378 = arith.constant 32 : i32
        %mul3A_379 = arith.muli %add3A_375, %mul3A_378 : i32
        %mul3A_380 = arith.constant 32 : i32
        %mul3A_381 = arith.muli %add3A_375, %mul3A_380 : i32
        %mul3A_382 = arith.constant 20 : i32
        %mul3A_383 = arith.muli %mul3A_381, %mul3A_382 : i32
        %add3A_384 = arith.constant 0 : i32
        %add3A_385 = arith.addi %mul3A_383, %add3A_384 : i32
        %mul3A_386 = arith.constant 32 : i32
        %mul3A_387 = arith.muli %add3A_375, %mul3A_386 : i32
        %mul3A_388 = arith.constant 20 : i32
        %mul3A_389 = arith.muli %mul3A_387, %mul3A_388 : i32
        %add3A_390 = arith.constant 128 : i32
        %add3A_391 = arith.addi %mul3A_389, %add3A_390 : i32
        %mul3A_392 = arith.constant 32 : i32
        %mul3A_393 = arith.muli %add3A_375, %mul3A_392 : i32
        %mul3A_394 = arith.constant 20 : i32
        %mul3A_395 = arith.muli %mul3A_393, %mul3A_394 : i32
        %add3A_396 = arith.constant 256 : i32
        %add3A_397 = arith.addi %mul3A_395, %add3A_396 : i32
        %mul3A_398 = arith.constant 32 : i32
        %mul3A_399 = arith.muli %add3A_375, %mul3A_398 : i32
        %mul3A_400 = arith.constant 20 : i32
        %mul3A_401 = arith.muli %mul3A_399, %mul3A_400 : i32
        %add3A_402 = arith.constant 384 : i32
        %add3A_403 = arith.addi %mul3A_401, %add3A_402 : i32
        %mul3A_404 = arith.constant 32 : i32
        %mul3A_405 = arith.muli %add3A_375, %mul3A_404 : i32
        %mul3A_406 = arith.constant 20 : i32
        %mul3A_407 = arith.muli %mul3A_405, %mul3A_406 : i32
        %add3A_408 = arith.constant 512 : i32
        %add3A_409 = arith.addi %mul3A_407, %add3A_408 : i32
        %dma_start3A_410 = tpu.memref_slice %arg9[%mul3A_377] : memref<512xi32, #tpu.memory_space<vmem>> -> memref<32xi32, #tpu.memory_space<vmem>>
        %dma_start3A_411 = arith.constant 0 : i32
        %dma_start3A_412 = arith.constant 0 : i32
        %dma_start3A_413 = tpu.memref_slice %arg5[%dma_start3A_411, %dma_start3A_412] : memref<1000000x64xf32, #tpu.memory_space<hbm>> -> memref<1000000x64xf32, #tpu.memory_space<hbm>>
        tpu.enqueue_indirect_dma source(%dma_start3A_413 : memref<1000000x64xf32, #tpu.memory_space<hbm>>) target(%arg12 : memref<32x64xf32, #tpu.memory_space<vmem>>) offsets(%dma_start3A_410 : memref<32xi32, #tpu.memory_space<vmem>>) semaphore(%arg20 : memref<!tpu.dma_semaphore, #tpu.memory_space<semaphore_mem>>)
        %dma_start3A_414 = tpu.memref_slice %arg10[%mul3A_379] : memref<512xi32, #tpu.memory_space<vmem>> -> memref<32xi32, #tpu.memory_space<vmem>>
        %dma_start3A_415 = arith.constant 0 : i32
        %dma_start3A_416 = arith.constant 0 : i32
        %dma_start3A_417 = tpu.memref_slice %arg6[%dma_start3A_415, %dma_start3A_416] : memref<1000000x64xf32, #tpu.memory_space<hbm>> -> memref<1000000x64xf32, #tpu.memory_space<hbm>>
        tpu.enqueue_indirect_dma source(%dma_start3A_417 : memref<1000000x64xf32, #tpu.memory_space<hbm>>) target(%arg13 : memref<32x64xf32, #tpu.memory_space<vmem>>) offsets(%dma_start3A_414 : memref<32xi32, #tpu.memory_space<vmem>>) semaphore(%arg20 : memref<!tpu.dma_semaphore, #tpu.memory_space<semaphore_mem>>)
        %dma_start3A_418 = arith.constant 0 : i32
        %dma_start3A_419 = arith.constant 0 : i32
        %dma_start3A_420 = tpu.memref_slice %arg14[%dma_start3A_418, %dma_start3A_419] : memref<640x64xf32, #tpu.memory_space<vmem>> -> memref<128x64xf32, #tpu.memory_space<vmem>>
        %dma_start3A_421 = tpu.memref_slice %arg11[%add3A_385] : memref<10240xi32, #tpu.memory_space<vmem>> -> memref<128xi32, #tpu.memory_space<vmem>>
        %dma_start3A_422 = arith.constant 0 : i32
        %dma_start3A_423 = arith.constant 0 : i32
        %dma_start3A_424 = tpu.memref_slice %arg6[%dma_start3A_422, %dma_start3A_423] : memref<1000000x64xf32, #tpu.memory_space<hbm>> -> memref<1000000x64xf32, #tpu.memory_space<hbm>>
        tpu.enqueue_indirect_dma source(%dma_start3A_424 : memref<1000000x64xf32, #tpu.memory_space<hbm>>) target(%dma_start3A_420 : memref<128x64xf32, #tpu.memory_space<vmem>>) offsets(%dma_start3A_421 : memref<128xi32, #tpu.memory_space<vmem>>) semaphore(%arg20 : memref<!tpu.dma_semaphore, #tpu.memory_space<semaphore_mem>>)
        %dma_start3A_425 = arith.constant 128 : i32
        %dma_start3A_426 = arith.constant 0 : i32
        %dma_start3A_427 = tpu.memref_slice %arg14[%dma_start3A_425, %dma_start3A_426] : memref<640x64xf32, #tpu.memory_space<vmem>> -> memref<128x64xf32, #tpu.memory_space<vmem>>
        %dma_start3A_428 = tpu.memref_slice %arg11[%add3A_391] : memref<10240xi32, #tpu.memory_space<vmem>> -> memref<128xi32, #tpu.memory_space<vmem>>
        %dma_start3A_429 = arith.constant 0 : i32
        %dma_start3A_430 = arith.constant 0 : i32
        %dma_start3A_431 = tpu.memref_slice %arg6[%dma_start3A_429, %dma_start3A_430] : memref<1000000x64xf32, #tpu.memory_space<hbm>> -> memref<1000000x64xf32, #tpu.memory_space<hbm>>
        tpu.enqueue_indirect_dma source(%dma_start3A_431 : memref<1000000x64xf32, #tpu.memory_space<hbm>>) target(%dma_start3A_427 : memref<128x64xf32, #tpu.memory_space<vmem>>) offsets(%dma_start3A_428 : memref<128xi32, #tpu.memory_space<vmem>>) semaphore(%arg20 : memref<!tpu.dma_semaphore, #tpu.memory_space<semaphore_mem>>)
        %dma_start3A_432 = arith.constant 256 : i32
        %dma_start3A_433 = arith.constant 0 : i32
        %dma_start3A_434 = tpu.memref_slice %arg14[%dma_start3A_432, %dma_start3A_433] : memref<640x64xf32, #tpu.memory_space<vmem>> -> memref<128x64xf32, #tpu.memory_space<vmem>>
        %dma_start3A_435 = tpu.memref_slice %arg11[%add3A_397] : memref<10240xi32, #tpu.memory_space<vmem>> -> memref<128xi32, #tpu.memory_space<vmem>>
        %dma_start3A_436 = arith.constant 0 : i32
        %dma_start3A_437 = arith.constant 0 : i32
        %dma_start3A_438 = tpu.memref_slice %arg6[%dma_start3A_436, %dma_start3A_437] : memref<1000000x64xf32, #tpu.memory_space<hbm>> -> memref<1000000x64xf32, #tpu.memory_space<hbm>>
        tpu.enqueue_indirect_dma source(%dma_start3A_438 : memref<1000000x64xf32, #tpu.memory_space<hbm>>) target(%dma_start3A_434 : memref<128x64xf32, #tpu.memory_space<vmem>>) offsets(%dma_start3A_435 : memref<128xi32, #tpu.memory_space<vmem>>) semaphore(%arg20 : memref<!tpu.dma_semaphore, #tpu.memory_space<semaphore_mem>>)
        %dma_start3A_439 = arith.constant 384 : i32
        %dma_start3A_440 = arith.constant 0 : i32
        %dma_start3A_441 = tpu.memref_slice %arg14[%dma_start3A_439, %dma_start3A_440] : memref<640x64xf32, #tpu.memory_space<vmem>> -> memref<128x64xf32, #tpu.memory_space<vmem>>
        %dma_start3A_442 = tpu.memref_slice %arg11[%add3A_403] : memref<10240xi32, #tpu.memory_space<vmem>> -> memref<128xi32, #tpu.memory_space<vmem>>
        %dma_start3A_443 = arith.constant 0 : i32
        %dma_start3A_444 = arith.constant 0 : i32
        %dma_start3A_445 = tpu.memref_slice %arg6[%dma_start3A_443, %dma_start3A_444] : memref<1000000x64xf32, #tpu.memory_space<hbm>> -> memref<1000000x64xf32, #tpu.memory_space<hbm>>
        tpu.enqueue_indirect_dma source(%dma_start3A_445 : memref<1000000x64xf32, #tpu.memory_space<hbm>>) target(%dma_start3A_441 : memref<128x64xf32, #tpu.memory_space<vmem>>) offsets(%dma_start3A_442 : memref<128xi32, #tpu.memory_space<vmem>>) semaphore(%arg20 : memref<!tpu.dma_semaphore, #tpu.memory_space<semaphore_mem>>)
        %dma_start3A_446 = arith.constant 512 : i32
        %dma_start3A_447 = arith.constant 0 : i32
        %dma_start3A_448 = tpu.memref_slice %arg14[%dma_start3A_446, %dma_start3A_447] : memref<640x64xf32, #tpu.memory_space<vmem>> -> memref<128x64xf32, #tpu.memory_space<vmem>>
        %dma_start3A_449 = tpu.memref_slice %arg11[%add3A_409] : memref<10240xi32, #tpu.memory_space<vmem>> -> memref<128xi32, #tpu.memory_space<vmem>>
        %dma_start3A_450 = arith.constant 0 : i32
        %dma_start3A_451 = arith.constant 0 : i32
        %dma_start3A_452 = tpu.memref_slice %arg6[%dma_start3A_450, %dma_start3A_451] : memref<1000000x64xf32, #tpu.memory_space<hbm>> -> memref<1000000x64xf32, #tpu.memory_space<hbm>>
        tpu.enqueue_indirect_dma source(%dma_start3A_452 : memref<1000000x64xf32, #tpu.memory_space<hbm>>) target(%dma_start3A_448 : memref<128x64xf32, #tpu.memory_space<vmem>>) offsets(%dma_start3A_449 : memref<128xi32, #tpu.memory_space<vmem>>) semaphore(%arg20 : memref<!tpu.dma_semaphore, #tpu.memory_space<semaphore_mem>>)
      } else {
      }
      %add3A_250 = arith.constant 1 : i32
      %add3A_251 = arith.addi %add3A_131, %add3A_250 : i32
      %mul3A_252 = arith.constant 32 : i32
      %mul3A_253 = arith.muli %add3A_251, %mul3A_252 : i32
      %mul3A_254 = arith.constant 32 : i32
      %mul3A_255 = arith.muli %add3A_251, %mul3A_254 : i32
      %mul3A_256 = arith.constant 32 : i32
      %mul3A_257 = arith.muli %add3A_251, %mul3A_256 : i32
      %mul3A_258 = arith.constant 20 : i32
      %mul3A_259 = arith.muli %mul3A_257, %mul3A_258 : i32
      %add3A_260 = arith.constant 0 : i32
      %add3A_261 = arith.addi %mul3A_259, %add3A_260 : i32
      %mul3A_262 = arith.constant 32 : i32
      %mul3A_263 = arith.muli %add3A_251, %mul3A_262 : i32
      %mul3A_264 = arith.constant 20 : i32
      %mul3A_265 = arith.muli %mul3A_263, %mul3A_264 : i32
      %add3A_266 = arith.constant 128 : i32
      %add3A_267 = arith.addi %mul3A_265, %add3A_266 : i32
      %mul3A_268 = arith.constant 32 : i32
      %mul3A_269 = arith.muli %add3A_251, %mul3A_268 : i32
      %mul3A_270 = arith.constant 20 : i32
      %mul3A_271 = arith.muli %mul3A_269, %mul3A_270 : i32
      %add3A_272 = arith.constant 256 : i32
      %add3A_273 = arith.addi %mul3A_271, %add3A_272 : i32
      %mul3A_274 = arith.constant 32 : i32
      %mul3A_275 = arith.muli %add3A_251, %mul3A_274 : i32
      %mul3A_276 = arith.constant 20 : i32
      %mul3A_277 = arith.muli %mul3A_275, %mul3A_276 : i32
      %add3A_278 = arith.constant 384 : i32
      %add3A_279 = arith.addi %mul3A_277, %add3A_278 : i32
      %mul3A_280 = arith.constant 32 : i32
      %mul3A_281 = arith.muli %add3A_251, %mul3A_280 : i32
      %mul3A_282 = arith.constant 20 : i32
      %mul3A_283 = arith.muli %mul3A_281, %mul3A_282 : i32
      %add3A_284 = arith.constant 512 : i32
      %add3A_285 = arith.addi %mul3A_283, %add3A_284 : i32
      %dma_wait3A_286 = tpu.memref_slice %arg9[%mul3A_253] : memref<512xi32, #tpu.memory_space<vmem>> -> memref<32xi32, #tpu.memory_space<vmem>>
      %dma_wait3A_287 = arith.constant 0 : i32
      %dma_wait3A_288 = arith.constant 0 : i32
      %dma_wait3A_289 = tpu.memref_slice %arg5[%dma_wait3A_287, %dma_wait3A_288] : memref<1000000x64xf32, #tpu.memory_space<hbm>> -> memref<1000000x64xf32, #tpu.memory_space<hbm>>
      tpu.wait_indirect_dma semaphore(%arg21 : memref<!tpu.dma_semaphore, #tpu.memory_space<semaphore_mem>>) src(%dma_wait3A_289 : memref<1000000x64xf32, #tpu.memory_space<hbm>>) dst(%arg15 : memref<32x64xf32, #tpu.memory_space<vmem>>)
      %dma_wait3A_290 = tpu.memref_slice %arg10[%mul3A_255] : memref<512xi32, #tpu.memory_space<vmem>> -> memref<32xi32, #tpu.memory_space<vmem>>
      %dma_wait3A_291 = arith.constant 0 : i32
      %dma_wait3A_292 = arith.constant 0 : i32
      %dma_wait3A_293 = tpu.memref_slice %arg6[%dma_wait3A_291, %dma_wait3A_292] : memref<1000000x64xf32, #tpu.memory_space<hbm>> -> memref<1000000x64xf32, #tpu.memory_space<hbm>>
      tpu.wait_indirect_dma semaphore(%arg21 : memref<!tpu.dma_semaphore, #tpu.memory_space<semaphore_mem>>) src(%dma_wait3A_293 : memref<1000000x64xf32, #tpu.memory_space<hbm>>) dst(%arg16 : memref<32x64xf32, #tpu.memory_space<vmem>>)
      %dma_wait3A_294 = arith.constant 0 : i32
      %dma_wait3A_295 = arith.constant 0 : i32
      %dma_wait3A_296 = tpu.memref_slice %arg17[%dma_wait3A_294, %dma_wait3A_295] : memref<640x64xf32, #tpu.memory_space<vmem>> -> memref<128x64xf32, #tpu.memory_space<vmem>>
      %dma_wait3A_297 = tpu.memref_slice %arg11[%add3A_261] : memref<10240xi32, #tpu.memory_space<vmem>> -> memref<128xi32, #tpu.memory_space<vmem>>
      %dma_wait3A_298 = arith.constant 0 : i32
      %dma_wait3A_299 = arith.constant 0 : i32
      %dma_wait3A_300 = tpu.memref_slice %arg6[%dma_wait3A_298, %dma_wait3A_299] : memref<1000000x64xf32, #tpu.memory_space<hbm>> -> memref<1000000x64xf32, #tpu.memory_space<hbm>>
      tpu.wait_indirect_dma semaphore(%arg21 : memref<!tpu.dma_semaphore, #tpu.memory_space<semaphore_mem>>) src(%dma_wait3A_300 : memref<1000000x64xf32, #tpu.memory_space<hbm>>) dst(%dma_wait3A_296 : memref<128x64xf32, #tpu.memory_space<vmem>>)
      %dma_wait3A_301 = arith.constant 128 : i32
      %dma_wait3A_302 = arith.constant 0 : i32
      %dma_wait3A_303 = tpu.memref_slice %arg17[%dma_wait3A_301, %dma_wait3A_302] : memref<640x64xf32, #tpu.memory_space<vmem>> -> memref<128x64xf32, #tpu.memory_space<vmem>>
      %dma_wait3A_304 = tpu.memref_slice %arg11[%add3A_267] : memref<10240xi32, #tpu.memory_space<vmem>> -> memref<128xi32, #tpu.memory_space<vmem>>
      %dma_wait3A_305 = arith.constant 0 : i32
      %dma_wait3A_306 = arith.constant 0 : i32
      %dma_wait3A_307 = tpu.memref_slice %arg6[%dma_wait3A_305, %dma_wait3A_306] : memref<1000000x64xf32, #tpu.memory_space<hbm>> -> memref<1000000x64xf32, #tpu.memory_space<hbm>>
      tpu.wait_indirect_dma semaphore(%arg21 : memref<!tpu.dma_semaphore, #tpu.memory_space<semaphore_mem>>) src(%dma_wait3A_307 : memref<1000000x64xf32, #tpu.memory_space<hbm>>) dst(%dma_wait3A_303 : memref<128x64xf32, #tpu.memory_space<vmem>>)
      %dma_wait3A_308 = arith.constant 256 : i32
      %dma_wait3A_309 = arith.constant 0 : i32
      %dma_wait3A_310 = tpu.memref_slice %arg17[%dma_wait3A_308, %dma_wait3A_309] : memref<640x64xf32, #tpu.memory_space<vmem>> -> memref<128x64xf32, #tpu.memory_space<vmem>>
      %dma_wait3A_311 = tpu.memref_slice %arg11[%add3A_273] : memref<10240xi32, #tpu.memory_space<vmem>> -> memref<128xi32, #tpu.memory_space<vmem>>
      %dma_wait3A_312 = arith.constant 0 : i32
      %dma_wait3A_313 = arith.constant 0 : i32
      %dma_wait3A_314 = tpu.memref_slice %arg6[%dma_wait3A_312, %dma_wait3A_313] : memref<1000000x64xf32, #tpu.memory_space<hbm>> -> memref<1000000x64xf32, #tpu.memory_space<hbm>>
      tpu.wait_indirect_dma semaphore(%arg21 : memref<!tpu.dma_semaphore, #tpu.memory_space<semaphore_mem>>) src(%dma_wait3A_314 : memref<1000000x64xf32, #tpu.memory_space<hbm>>) dst(%dma_wait3A_310 : memref<128x64xf32, #tpu.memory_space<vmem>>)
      %dma_wait3A_315 = arith.constant 384 : i32
      %dma_wait3A_316 = arith.constant 0 : i32
      %dma_wait3A_317 = tpu.memref_slice %arg17[%dma_wait3A_315, %dma_wait3A_316] : memref<640x64xf32, #tpu.memory_space<vmem>> -> memref<128x64xf32, #tpu.memory_space<vmem>>
      %dma_wait3A_318 = tpu.memref_slice %arg11[%add3A_279] : memref<10240xi32, #tpu.memory_space<vmem>> -> memref<128xi32, #tpu.memory_space<vmem>>
      %dma_wait3A_319 = arith.constant 0 : i32
      %dma_wait3A_320 = arith.constant 0 : i32
      %dma_wait3A_321 = tpu.memref_slice %arg6[%dma_wait3A_319, %dma_wait3A_320] : memref<1000000x64xf32, #tpu.memory_space<hbm>> -> memref<1000000x64xf32, #tpu.memory_space<hbm>>
      tpu.wait_indirect_dma semaphore(%arg21 : memref<!tpu.dma_semaphore, #tpu.memory_space<semaphore_mem>>) src(%dma_wait3A_321 : memref<1000000x64xf32, #tpu.memory_space<hbm>>) dst(%dma_wait3A_317 : memref<128x64xf32, #tpu.memory_space<vmem>>)
      %dma_wait3A_322 = arith.constant 512 : i32
      %dma_wait3A_323 = arith.constant 0 : i32
      %dma_wait3A_324 = tpu.memref_slice %arg17[%dma_wait3A_322, %dma_wait3A_323] : memref<640x64xf32, #tpu.memory_space<vmem>> -> memref<128x64xf32, #tpu.memory_space<vmem>>
      %dma_wait3A_325 = tpu.memref_slice %arg11[%add3A_285] : memref<10240xi32, #tpu.memory_space<vmem>> -> memref<128xi32, #tpu.memory_space<vmem>>
      %dma_wait3A_326 = arith.constant 0 : i32
      %dma_wait3A_327 = arith.constant 0 : i32
      %dma_wait3A_328 = tpu.memref_slice %arg6[%dma_wait3A_326, %dma_wait3A_327] : memref<1000000x64xf32, #tpu.memory_space<hbm>> -> memref<1000000x64xf32, #tpu.memory_space<hbm>>
      tpu.wait_indirect_dma semaphore(%arg21 : memref<!tpu.dma_semaphore, #tpu.memory_space<semaphore_mem>>) src(%dma_wait3A_328 : memref<1000000x64xf32, #tpu.memory_space<hbm>>) dst(%dma_wait3A_324 : memref<128x64xf32, #tpu.memory_space<vmem>>)
      %add3A_329 = arith.constant 1 : i32
      %add3A_330 = arith.addi %add3A_131, %add3A_329 : i32
      %scan3A_331 = arith.constant 0 : i32
      %scan3A_332 = arith.constant 0 : i32
      %scan3A_333 = arith.constant 16 : i32
      %scan3A_334 = arith.addi %scan3A_332, %scan3A_333 : i32
      %scan3A_335 = arith.constant 1 : i32
      scf.for %scan3A_372 = %scan3A_332 to %scan3A_334 step %scan3A_335  : i32 {
        %add3A_373 = arith.constant 0 : i32
        %add3A_374 = arith.addi %add3A_373, %scan3A_372 : i32
        %mul3A_375 = arith.constant 17 : i32
        %mul3A_376 = vector.broadcast %mul3A_375 : i32 to vector<16xi32>
        %mul3A_377 = arith.muli %iota3A, %mul3A_376 : vector<16xi32>
        %add3A_378 = vector.broadcast %scan3A_372 : i32 to vector<16xi32>
        %add3A_379 = arith.addi %mul3A_377, %add3A_378 : vector<16xi32>
        %get3A = arith.index_cast %add3A_374 : i32 to index
        %get3A_380 = arith.constant 0 : index
        %get3A_381 = tpu.vector_load %arg15[%get3A, %get3A_380] {strides = array<i32>} : memref<32x64xf32, #tpu.memory_space<vmem>>, vector<16xf32>,
        %get3A_382 = arith.index_cast %add3A_374 : i32 to index
        %get3A_383 = arith.constant 16 : index
        %get3A_384 = tpu.vector_load %arg15[%get3A_382, %get3A_383] {strides = array<i32>} : memref<32x64xf32, #tpu.memory_space<vmem>>, vector<16xf32>,
        %get3A_385 = arith.index_cast %add3A_374 : i32 to index
        %get3A_386 = arith.constant 32 : index
        %get3A_387 = tpu.vector_load %arg15[%get3A_385, %get3A_386] {strides = array<i32>} : memref<32x64xf32, #tpu.memory_space<vmem>>, vector<16xf32>,
        %get3A_388 = arith.index_cast %add3A_374 : i32 to index
        %get3A_389 = arith.constant 48 : index
        %get3A_390 = tpu.vector_load %arg15[%get3A_388, %get3A_389] {strides = array<i32>} : memref<32x64xf32, #tpu.memory_space<vmem>>, vector<16xf32>,
        %get3A_391 = arith.index_cast %add3A_374 : i32 to index
        %get3A_392 = arith.constant 0 : index
        %get3A_393 = tpu.vector_load %arg16[%get3A_391, %get3A_392] {strides = array<i32>} : memref<32x64xf32, #tpu.memory_space<vmem>>, vector<16xf32>,
        %get3A_394 = arith.index_cast %add3A_374 : i32 to index
        %get3A_395 = arith.constant 16 : index
        %get3A_396 = tpu.vector_load %arg16[%get3A_394, %get3A_395] {strides = array<i32>} : memref<32x64xf32, #tpu.memory_space<vmem>>, vector<16xf32>,
        %get3A_397 = arith.index_cast %add3A_374 : i32 to index
        %get3A_398 = arith.constant 32 : index
        %get3A_399 = tpu.vector_load %arg16[%get3A_397, %get3A_398] {strides = array<i32>} : memref<32x64xf32, #tpu.memory_space<vmem>>, vector<16xf32>,
        %get3A_400 = arith.index_cast %add3A_374 : i32 to index
        %get3A_401 = arith.constant 48 : index
        %get3A_402 = tpu.vector_load %arg16[%get3A_400, %get3A_401] {strides = array<i32>} : memref<32x64xf32, #tpu.memory_space<vmem>>, vector<16xf32>,
        %mul3A_403 = arith.mulf %get3A_381, %get3A_393 : vector<16xf32>
        %mul3A_404 = arith.mulf %get3A_384, %get3A_396 : vector<16xf32>
        %add3A_405 = arith.addf %mul3A_403, %mul3A_404 : vector<16xf32>
        %mul3A_406 = arith.mulf %get3A_387, %get3A_399 : vector<16xf32>
        %mul3A_407 = arith.mulf %get3A_390, %get3A_402 : vector<16xf32>
        %add3A_408 = arith.addf %mul3A_406, %mul3A_407 : vector<16xf32>
        %add3A_409 = arith.addf %add3A_405, %add3A_408 : vector<16xf32>
        tpu.vector_store_idx %arg18[%add3A_379], %add3A_409 : memref<5712xf32, #tpu.memory_space<vmem>>[vector<16xi32>], vector<16xf32>,
        %mul3A_410 = arith.constant 20 : i32
        %mul3A_411 = arith.muli %add3A_374, %mul3A_410 : i32
        %add3A_412 = arith.constant 0 : i32
        %add3A_413 = arith.addi %mul3A_411, %add3A_412 : i32
        %get3A_414 = arith.index_cast %add3A_413 : i32 to index
        %get3A_415 = arith.constant 0 : index
        %get3A_416 = tpu.vector_load %arg17[%get3A_414, %get3A_415] {strides = array<i32>} : memref<640x64xf32, #tpu.memory_space<vmem>>, vector<16xf32>,
        %add3A_417 = arith.constant 0 : i32
        %add3A_418 = arith.addi %mul3A_411, %add3A_417 : i32
        %get3A_419 = arith.index_cast %add3A_418 : i32 to index
        %get3A_420 = arith.constant 16 : index
        %get3A_421 = tpu.vector_load %arg17[%get3A_419, %get3A_420] {strides = array<i32>} : memref<640x64xf32, #tpu.memory_space<vmem>>, vector<16xf32>,
        %add3A_422 = arith.constant 0 : i32
        %add3A_423 = arith.addi %mul3A_411, %add3A_422 : i32
        %get3A_424 = arith.index_cast %add3A_423 : i32 to index
        %get3A_425 = arith.constant 32 : index
        %get3A_426 = tpu.vector_load %arg17[%get3A_424, %get3A_425] {strides = array<i32>} : memref<640x64xf32, #tpu.memory_space<vmem>>, vector<16xf32>,
        %add3A_427 = arith.constant 0 : i32
        %add3A_428 = arith.addi %mul3A_411, %add3A_427 : i32
        %get3A_429 = arith.index_cast %add3A_428 : i32 to index
        %get3A_430 = arith.constant 48 : index
        %get3A_431 = tpu.vector_load %arg17[%get3A_429, %get3A_430] {strides = array<i32>} : memref<640x64xf32, #tpu.memory_space<vmem>>, vector<16xf32>,
        %mul3A_432 = arith.mulf %get3A_381, %get3A_416 : vector<16xf32>
        %mul3A_433 = arith.mulf %get3A_384, %get3A_421 : vector<16xf32>
        %add3A_434 = arith.addf %mul3A_432, %mul3A_433 : vector<16xf32>
        %mul3A_435 = arith.mulf %get3A_387, %get3A_426 : vector<16xf32>
        %mul3A_436 = arith.mulf %get3A_390, %get3A_431 : vector<16xf32>
        %add3A_437 = arith.addf %mul3A_435, %mul3A_436 : vector<16xf32>
        %add3A_438 = arith.addf %add3A_434, %add3A_437 : vector<16xf32>
        %add3A_439 = arith.constant 272 : i32
        %add3A_440 = vector.broadcast %add3A_439 : i32 to vector<16xi32>
        %add3A_441 = arith.addi %add3A_379, %add3A_440 : vector<16xi32>
        tpu.vector_store_idx %arg18[%add3A_441], %add3A_438 : memref<5712xf32, #tpu.memory_space<vmem>>[vector<16xi32>], vector<16xf32>,
        %add3A_442 = arith.constant 1 : i32
        %add3A_443 = arith.addi %mul3A_411, %add3A_442 : i32
        %get3A_444 = arith.index_cast %add3A_443 : i32 to index
        %get3A_445 = arith.constant 0 : index
        %get3A_446 = tpu.vector_load %arg17[%get3A_444, %get3A_445] {strides = array<i32>} : memref<640x64xf32, #tpu.memory_space<vmem>>, vector<16xf32>,
        %add3A_447 = arith.constant 1 : i32
        %add3A_448 = arith.addi %mul3A_411, %add3A_447 : i32
        %get3A_449 = arith.index_cast %add3A_448 : i32 to index
        %get3A_450 = arith.constant 16 : index
        %get3A_451 = tpu.vector_load %arg17[%get3A_449, %get3A_450] {strides = array<i32>} : memref<640x64xf32, #tpu.memory_space<vmem>>, vector<16xf32>,
        %add3A_452 = arith.constant 1 : i32
        %add3A_453 = arith.addi %mul3A_411, %add3A_452 : i32
        %get3A_454 = arith.index_cast %add3A_453 : i32 to index
        %get3A_455 = arith.constant 32 : index
        %get3A_456 = tpu.vector_load %arg17[%get3A_454, %get3A_455] {strides = array<i32>} : memref<640x64xf32, #tpu.memory_space<vmem>>, vector<16xf32>,
        %add3A_457 = arith.constant 1 : i32
        %add3A_458 = arith.addi %mul3A_411, %add3A_457 : i32
        %get3A_459 = arith.index_cast %add3A_458 : i32 to index
        %get3A_460 = arith.constant 48 : index
        %get3A_461 = tpu.vector_load %arg17[%get3A_459, %get3A_460] {strides = array<i32>} : memref<640x64xf32, #tpu.memory_space<vmem>>, vector<16xf32>,
        %mul3A_462 = arith.mulf %get3A_381, %get3A_446 : vector<16xf32>
        %mul3A_463 = arith.mulf %get3A_384, %get3A_451 : vector<16xf32>
        %add3A_464 = arith.addf %mul3A_462, %mul3A_463 : vector<16xf32>
        %mul3A_465 = arith.mulf %get3A_387, %get3A_456 : vector<16xf32>
        %mul3A_466 = arith.mulf %get3A_390, %get3A_461 : vector<16xf32>
        %add3A_467 = arith.addf %mul3A_465, %mul3A_466 : vector<16xf32>
        %add3A_468 = arith.addf %add3A_464, %add3A_467 : vector<16xf32>
        %add3A_469 = arith.constant 544 : i32
        %add3A_470 = vector.broadcast %add3A_469 : i32 to vector<16xi32>
        %add3A_471 = arith.addi %add3A_379, %add3A_470 : vector<16xi32>
        tpu.vector_store_idx %arg18[%add3A_471], %add3A_468 : memref<5712xf32, #tpu.memory_space<vmem>>[vector<16xi32>], vector<16xf32>,
        %add3A_472 = arith.constant 2 : i32
        %add3A_473 = arith.addi %mul3A_411, %add3A_472 : i32
        %get3A_474 = arith.index_cast %add3A_473 : i32 to index
        %get3A_475 = arith.constant 0 : index
        %get3A_476 = tpu.vector_load %arg17[%get3A_474, %get3A_475] {strides = array<i32>} : memref<640x64xf32, #tpu.memory_space<vmem>>, vector<16xf32>,
        %add3A_477 = arith.constant 2 : i32
        %add3A_478 = arith.addi %mul3A_411, %add3A_477 : i32
        %get3A_479 = arith.index_cast %add3A_478 : i32 to index
        %get3A_480 = arith.constant 16 : index
        %get3A_481 = tpu.vector_load %arg17[%get3A_479, %get3A_480] {strides = array<i32>} : memref<640x64xf32, #tpu.memory_space<vmem>>, vector<16xf32>,
        %add3A_482 = arith.constant 2 : i32
        %add3A_483 = arith.addi %mul3A_411, %add3A_482 : i32
        %get3A_484 = arith.index_cast %add3A_483 : i32 to index
        %get3A_485 = arith.constant 32 : index
        %get3A_486 = tpu.vector_load %arg17[%get3A_484, %get3A_485] {strides = array<i32>} : memref<640x64xf32, #tpu.memory_space<vmem>>, vector<16xf32>,
        %add3A_487 = arith.constant 2 : i32
        %add3A_488 = arith.addi %mul3A_411, %add3A_487 : i32
        %get3A_489 = arith.index_cast %add3A_488 : i32 to index
        %get3A_490 = arith.constant 48 : index
        %get3A_491 = tpu.vector_load %arg17[%get3A_489, %get3A_490] {strides = array<i32>} : memref<640x64xf32, #tpu.memory_space<vmem>>, vector<16xf32>,
        %mul3A_492 = arith.mulf %get3A_381, %get3A_476 : vector<16xf32>
        %mul3A_493 = arith.mulf %get3A_384, %get3A_481 : vector<16xf32>
        %add3A_494 = arith.addf %mul3A_492, %mul3A_493 : vector<16xf32>
        %mul3A_495 = arith.mulf %get3A_387, %get3A_486 : vector<16xf32>
        %mul3A_496 = arith.mulf %get3A_390, %get3A_491 : vector<16xf32>
        %add3A_497 = arith.addf %mul3A_495, %mul3A_496 : vector<16xf32>
        %add3A_498 = arith.addf %add3A_494, %add3A_497 : vector<16xf32>
        %add3A_499 = arith.constant 816 : i32
        %add3A_500 = vector.broadcast %add3A_499 : i32 to vector<16xi32>
        %add3A_501 = arith.addi %add3A_379, %add3A_500 : vector<16xi32>
        tpu.vector_store_idx %arg18[%add3A_501], %add3A_498 : memref<5712xf32, #tpu.memory_space<vmem>>[vector<16xi32>], vector<16xf32>,
        %add3A_502 = arith.constant 3 : i32
        %add3A_503 = arith.addi %mul3A_411, %add3A_502 : i32
        %get3A_504 = arith.index_cast %add3A_503 : i32 to index
        %get3A_505 = arith.constant 0 : index
        %get3A_506 = tpu.vector_load %arg17[%get3A_504, %get3A_505] {strides = array<i32>} : memref<640x64xf32, #tpu.memory_space<vmem>>, vector<16xf32>,
        %add3A_507 = arith.constant 3 : i32
        %add3A_508 = arith.addi %mul3A_411, %add3A_507 : i32
        %get3A_509 = arith.index_cast %add3A_508 : i32 to index
        %get3A_510 = arith.constant 16 : index
        %get3A_511 = tpu.vector_load %arg17[%get3A_509, %get3A_510] {strides = array<i32>} : memref<640x64xf32, #tpu.memory_space<vmem>>, vector<16xf32>,
        %add3A_512 = arith.constant 3 : i32
        %add3A_513 = arith.addi %mul3A_411, %add3A_512 : i32
        %get3A_514 = arith.index_cast %add3A_513 : i32 to index
        %get3A_515 = arith.constant 32 : index
        %get3A_516 = tpu.vector_load %arg17[%get3A_514, %get3A_515] {strides = array<i32>} : memref<640x64xf32, #tpu.memory_space<vmem>>, vector<16xf32>,
        %add3A_517 = arith.constant 3 : i32
        %add3A_518 = arith.addi %mul3A_411, %add3A_517 : i32
        %get3A_519 = arith.index_cast %add3A_518 : i32 to index
        %get3A_520 = arith.constant 48 : index
        %get3A_521 = tpu.vector_load %arg17[%get3A_519, %get3A_520] {strides = array<i32>} : memref<640x64xf32, #tpu.memory_space<vmem>>, vector<16xf32>,
        %mul3A_522 = arith.mulf %get3A_381, %get3A_506 : vector<16xf32>
        %mul3A_523 = arith.mulf %get3A_384, %get3A_511 : vector<16xf32>
        %add3A_524 = arith.addf %mul3A_522, %mul3A_523 : vector<16xf32>
        %mul3A_525 = arith.mulf %get3A_387, %get3A_516 : vector<16xf32>
        %mul3A_526 = arith.mulf %get3A_390, %get3A_521 : vector<16xf32>
        %add3A_527 = arith.addf %mul3A_525, %mul3A_526 : vector<16xf32>
        %add3A_528 = arith.addf %add3A_524, %add3A_527 : vector<16xf32>
        %add3A_529 = arith.constant 1088 : i32
        %add3A_530 = vector.broadcast %add3A_529 : i32 to vector<16xi32>
        %add3A_531 = arith.addi %add3A_379, %add3A_530 : vector<16xi32>
        tpu.vector_store_idx %arg18[%add3A_531], %add3A_528 : memref<5712xf32, #tpu.memory_space<vmem>>[vector<16xi32>], vector<16xf32>,
        %add3A_532 = arith.constant 4 : i32
        %add3A_533 = arith.addi %mul3A_411, %add3A_532 : i32
        %get3A_534 = arith.index_cast %add3A_533 : i32 to index
        %get3A_535 = arith.constant 0 : index
        %get3A_536 = tpu.vector_load %arg17[%get3A_534, %get3A_535] {strides = array<i32>} : memref<640x64xf32, #tpu.memory_space<vmem>>, vector<16xf32>,
        %add3A_537 = arith.constant 4 : i32
        %add3A_538 = arith.addi %mul3A_411, %add3A_537 : i32
        %get3A_539 = arith.index_cast %add3A_538 : i32 to index
        %get3A_540 = arith.constant 16 : index
        %get3A_541 = tpu.vector_load %arg17[%get3A_539, %get3A_540] {strides = array<i32>} : memref<640x64xf32, #tpu.memory_space<vmem>>, vector<16xf32>,
        %add3A_542 = arith.constant 4 : i32
        %add3A_543 = arith.addi %mul3A_411, %add3A_542 : i32
        %get3A_544 = arith.index_cast %add3A_543 : i32 to index
        %get3A_545 = arith.constant 32 : index
        %get3A_546 = tpu.vector_load %arg17[%get3A_544, %get3A_545] {strides = array<i32>} : memref<640x64xf32, #tpu.memory_space<vmem>>, vector<16xf32>,
        %add3A_547 = arith.constant 4 : i32
        %add3A_548 = arith.addi %mul3A_411, %add3A_547 : i32
        %get3A_549 = arith.index_cast %add3A_548 : i32 to index
        %get3A_550 = arith.constant 48 : index
        %get3A_551 = tpu.vector_load %arg17[%get3A_549, %get3A_550] {strides = array<i32>} : memref<640x64xf32, #tpu.memory_space<vmem>>, vector<16xf32>,
        %mul3A_552 = arith.mulf %get3A_381, %get3A_536 : vector<16xf32>
        %mul3A_553 = arith.mulf %get3A_384, %get3A_541 : vector<16xf32>
        %add3A_554 = arith.addf %mul3A_552, %mul3A_553 : vector<16xf32>
        %mul3A_555 = arith.mulf %get3A_387, %get3A_546 : vector<16xf32>
        %mul3A_556 = arith.mulf %get3A_390, %get3A_551 : vector<16xf32>
        %add3A_557 = arith.addf %mul3A_555, %mul3A_556 : vector<16xf32>
        %add3A_558 = arith.addf %add3A_554, %add3A_557 : vector<16xf32>
        %add3A_559 = arith.constant 1360 : i32
        %add3A_560 = vector.broadcast %add3A_559 : i32 to vector<16xi32>
        %add3A_561 = arith.addi %add3A_379, %add3A_560 : vector<16xi32>
        tpu.vector_store_idx %arg18[%add3A_561], %add3A_558 : memref<5712xf32, #tpu.memory_space<vmem>>[vector<16xi32>], vector<16xf32>,
        %add3A_562 = arith.constant 5 : i32
        %add3A_563 = arith.addi %mul3A_411, %add3A_562 : i32
        %get3A_564 = arith.index_cast %add3A_563 : i32 to index
        %get3A_565 = arith.constant 0 : index
        %get3A_566 = tpu.vector_load %arg17[%get3A_564, %get3A_565] {strides = array<i32>} : memref<640x64xf32, #tpu.memory_space<vmem>>, vector<16xf32>,
        %add3A_567 = arith.constant 5 : i32
        %add3A_568 = arith.addi %mul3A_411, %add3A_567 : i32
        %get3A_569 = arith.index_cast %add3A_568 : i32 to index
        %get3A_570 = arith.constant 16 : index
        %get3A_571 = tpu.vector_load %arg17[%get3A_569, %get3A_570] {strides = array<i32>} : memref<640x64xf32, #tpu.memory_space<vmem>>, vector<16xf32>,
        %add3A_572 = arith.constant 5 : i32
        %add3A_573 = arith.addi %mul3A_411, %add3A_572 : i32
        %get3A_574 = arith.index_cast %add3A_573 : i32 to index
        %get3A_575 = arith.constant 32 : index
        %get3A_576 = tpu.vector_load %arg17[%get3A_574, %get3A_575] {strides = array<i32>} : memref<640x64xf32, #tpu.memory_space<vmem>>, vector<16xf32>,
        %add3A_577 = arith.constant 5 : i32
        %add3A_578 = arith.addi %mul3A_411, %add3A_577 : i32
        %get3A_579 = arith.index_cast %add3A_578 : i32 to index
        %get3A_580 = arith.constant 48 : index
        %get3A_581 = tpu.vector_load %arg17[%get3A_579, %get3A_580] {strides = array<i32>} : memref<640x64xf32, #tpu.memory_space<vmem>>, vector<16xf32>,
        %mul3A_582 = arith.mulf %get3A_381, %get3A_566 : vector<16xf32>
        %mul3A_583 = arith.mulf %get3A_384, %get3A_571 : vector<16xf32>
        %add3A_584 = arith.addf %mul3A_582, %mul3A_583 : vector<16xf32>
        %mul3A_585 = arith.mulf %get3A_387, %get3A_576 : vector<16xf32>
        %mul3A_586 = arith.mulf %get3A_390, %get3A_581 : vector<16xf32>
        %add3A_587 = arith.addf %mul3A_585, %mul3A_586 : vector<16xf32>
        %add3A_588 = arith.addf %add3A_584, %add3A_587 : vector<16xf32>
        %add3A_589 = arith.constant 1632 : i32
        %add3A_590 = vector.broadcast %add3A_589 : i32 to vector<16xi32>
        %add3A_591 = arith.addi %add3A_379, %add3A_590 : vector<16xi32>
        tpu.vector_store_idx %arg18[%add3A_591], %add3A_588 : memref<5712xf32, #tpu.memory_space<vmem>>[vector<16xi32>], vector<16xf32>,
        %add3A_592 = arith.constant 6 : i32
        %add3A_593 = arith.addi %mul3A_411, %add3A_592 : i32
        %get3A_594 = arith.index_cast %add3A_593 : i32 to index
        %get3A_595 = arith.constant 0 : index
        %get3A_596 = tpu.vector_load %arg17[%get3A_594, %get3A_595] {strides = array<i32>} : memref<640x64xf32, #tpu.memory_space<vmem>>, vector<16xf32>,
        %add3A_597 = arith.constant 6 : i32
        %add3A_598 = arith.addi %mul3A_411, %add3A_597 : i32
        %get3A_599 = arith.index_cast %add3A_598 : i32 to index
        %get3A_600 = arith.constant 16 : index
        %get3A_601 = tpu.vector_load %arg17[%get3A_599, %get3A_600] {strides = array<i32>} : memref<640x64xf32, #tpu.memory_space<vmem>>, vector<16xf32>,
        %add3A_602 = arith.constant 6 : i32
        %add3A_603 = arith.addi %mul3A_411, %add3A_602 : i32
        %get3A_604 = arith.index_cast %add3A_603 : i32 to index
        %get3A_605 = arith.constant 32 : index
        %get3A_606 = tpu.vector_load %arg17[%get3A_604, %get3A_605] {strides = array<i32>} : memref<640x64xf32, #tpu.memory_space<vmem>>, vector<16xf32>,
        %add3A_607 = arith.constant 6 : i32
        %add3A_608 = arith.addi %mul3A_411, %add3A_607 : i32
        %get3A_609 = arith.index_cast %add3A_608 : i32 to index
        %get3A_610 = arith.constant 48 : index
        %get3A_611 = tpu.vector_load %arg17[%get3A_609, %get3A_610] {strides = array<i32>} : memref<640x64xf32, #tpu.memory_space<vmem>>, vector<16xf32>,
        %mul3A_612 = arith.mulf %get3A_381, %get3A_596 : vector<16xf32>
        %mul3A_613 = arith.mulf %get3A_384, %get3A_601 : vector<16xf32>
        %add3A_614 = arith.addf %mul3A_612, %mul3A_613 : vector<16xf32>
        %mul3A_615 = arith.mulf %get3A_387, %get3A_606 : vector<16xf32>
        %mul3A_616 = arith.mulf %get3A_390, %get3A_611 : vector<16xf32>
        %add3A_617 = arith.addf %mul3A_615, %mul3A_616 : vector<16xf32>
        %add3A_618 = arith.addf %add3A_614, %add3A_617 : vector<16xf32>
        %add3A_619 = arith.constant 1904 : i32
        %add3A_620 = vector.broadcast %add3A_619 : i32 to vector<16xi32>
        %add3A_621 = arith.addi %add3A_379, %add3A_620 : vector<16xi32>
        tpu.vector_store_idx %arg18[%add3A_621], %add3A_618 : memref<5712xf32, #tpu.memory_space<vmem>>[vector<16xi32>], vector<16xf32>,
        %add3A_622 = arith.constant 7 : i32
        %add3A_623 = arith.addi %mul3A_411, %add3A_622 : i32
        %get3A_624 = arith.index_cast %add3A_623 : i32 to index
        %get3A_625 = arith.constant 0 : index
        %get3A_626 = tpu.vector_load %arg17[%get3A_624, %get3A_625] {strides = array<i32>} : memref<640x64xf32, #tpu.memory_space<vmem>>, vector<16xf32>,
        %add3A_627 = arith.constant 7 : i32
        %add3A_628 = arith.addi %mul3A_411, %add3A_627 : i32
        %get3A_629 = arith.index_cast %add3A_628 : i32 to index
        %get3A_630 = arith.constant 16 : index
        %get3A_631 = tpu.vector_load %arg17[%get3A_629, %get3A_630] {strides = array<i32>} : memref<640x64xf32, #tpu.memory_space<vmem>>, vector<16xf32>,
        %add3A_632 = arith.constant 7 : i32
        %add3A_633 = arith.addi %mul3A_411, %add3A_632 : i32
        %get3A_634 = arith.index_cast %add3A_633 : i32 to index
        %get3A_635 = arith.constant 32 : index
        %get3A_636 = tpu.vector_load %arg17[%get3A_634, %get3A_635] {strides = array<i32>} : memref<640x64xf32, #tpu.memory_space<vmem>>, vector<16xf32>,
        %add3A_637 = arith.constant 7 : i32
        %add3A_638 = arith.addi %mul3A_411, %add3A_637 : i32
        %get3A_639 = arith.index_cast %add3A_638 : i32 to index
        %get3A_640 = arith.constant 48 : index
        %get3A_641 = tpu.vector_load %arg17[%get3A_639, %get3A_640] {strides = array<i32>} : memref<640x64xf32, #tpu.memory_space<vmem>>, vector<16xf32>,
        %mul3A_642 = arith.mulf %get3A_381, %get3A_626 : vector<16xf32>
        %mul3A_643 = arith.mulf %get3A_384, %get3A_631 : vector<16xf32>
        %add3A_644 = arith.addf %mul3A_642, %mul3A_643 : vector<16xf32>
        %mul3A_645 = arith.mulf %get3A_387, %get3A_636 : vector<16xf32>
        %mul3A_646 = arith.mulf %get3A_390, %get3A_641 : vector<16xf32>
        %add3A_647 = arith.addf %mul3A_645, %mul3A_646 : vector<16xf32>
        %add3A_648 = arith.addf %add3A_644, %add3A_647 : vector<16xf32>
        %add3A_649 = arith.constant 2176 : i32
        %add3A_650 = vector.broadcast %add3A_649 : i32 to vector<16xi32>
        %add3A_651 = arith.addi %add3A_379, %add3A_650 : vector<16xi32>
        tpu.vector_store_idx %arg18[%add3A_651], %add3A_648 : memref<5712xf32, #tpu.memory_space<vmem>>[vector<16xi32>], vector<16xf32>,
        %add3A_652 = arith.constant 8 : i32
        %add3A_653 = arith.addi %mul3A_411, %add3A_652 : i32
        %get3A_654 = arith.index_cast %add3A_653 : i32 to index
        %get3A_655 = arith.constant 0 : index
        %get3A_656 = tpu.vector_load %arg17[%get3A_654, %get3A_655] {strides = array<i32>} : memref<640x64xf32, #tpu.memory_space<vmem>>, vector<16xf32>,
        %add3A_657 = arith.constant 8 : i32
        %add3A_658 = arith.addi %mul3A_411, %add3A_657 : i32
        %get3A_659 = arith.index_cast %add3A_658 : i32 to index
        %get3A_660 = arith.constant 16 : index
        %get3A_661 = tpu.vector_load %arg17[%get3A_659, %get3A_660] {strides = array<i32>} : memref<640x64xf32, #tpu.memory_space<vmem>>, vector<16xf32>,
        %add3A_662 = arith.constant 8 : i32
        %add3A_663 = arith.addi %mul3A_411, %add3A_662 : i32
        %get3A_664 = arith.index_cast %add3A_663 : i32 to index
        %get3A_665 = arith.constant 32 : index
        %get3A_666 = tpu.vector_load %arg17[%get3A_664, %get3A_665] {strides = array<i32>} : memref<640x64xf32, #tpu.memory_space<vmem>>, vector<16xf32>,
        %add3A_667 = arith.constant 8 : i32
        %add3A_668 = arith.addi %mul3A_411, %add3A_667 : i32
        %get3A_669 = arith.index_cast %add3A_668 : i32 to index
        %get3A_670 = arith.constant 48 : index
        %get3A_671 = tpu.vector_load %arg17[%get3A_669, %get3A_670] {strides = array<i32>} : memref<640x64xf32, #tpu.memory_space<vmem>>, vector<16xf32>,
        %mul3A_672 = arith.mulf %get3A_381, %get3A_656 : vector<16xf32>
        %mul3A_673 = arith.mulf %get3A_384, %get3A_661 : vector<16xf32>
        %add3A_674 = arith.addf %mul3A_672, %mul3A_673 : vector<16xf32>
        %mul3A_675 = arith.mulf %get3A_387, %get3A_666 : vector<16xf32>
        %mul3A_676 = arith.mulf %get3A_390, %get3A_671 : vector<16xf32>
        %add3A_677 = arith.addf %mul3A_675, %mul3A_676 : vector<16xf32>
        %add3A_678 = arith.addf %add3A_674, %add3A_677 : vector<16xf32>
        %add3A_679 = arith.constant 2448 : i32
        %add3A_680 = vector.broadcast %add3A_679 : i32 to vector<16xi32>
        %add3A_681 = arith.addi %add3A_379, %add3A_680 : vector<16xi32>
        tpu.vector_store_idx %arg18[%add3A_681], %add3A_678 : memref<5712xf32, #tpu.memory_space<vmem>>[vector<16xi32>], vector<16xf32>,
        %add3A_682 = arith.constant 9 : i32
        %add3A_683 = arith.addi %mul3A_411, %add3A_682 : i32
        %get3A_684 = arith.index_cast %add3A_683 : i32 to index
        %get3A_685 = arith.constant 0 : index
        %get3A_686 = tpu.vector_load %arg17[%get3A_684, %get3A_685] {strides = array<i32>} : memref<640x64xf32, #tpu.memory_space<vmem>>, vector<16xf32>,
        %add3A_687 = arith.constant 9 : i32
        %add3A_688 = arith.addi %mul3A_411, %add3A_687 : i32
        %get3A_689 = arith.index_cast %add3A_688 : i32 to index
        %get3A_690 = arith.constant 16 : index
        %get3A_691 = tpu.vector_load %arg17[%get3A_689, %get3A_690] {strides = array<i32>} : memref<640x64xf32, #tpu.memory_space<vmem>>, vector<16xf32>,
        %add3A_692 = arith.constant 9 : i32
        %add3A_693 = arith.addi %mul3A_411, %add3A_692 : i32
        %get3A_694 = arith.index_cast %add3A_693 : i32 to index
        %get3A_695 = arith.constant 32 : index
        %get3A_696 = tpu.vector_load %arg17[%get3A_694, %get3A_695] {strides = array<i32>} : memref<640x64xf32, #tpu.memory_space<vmem>>, vector<16xf32>,
        %add3A_697 = arith.constant 9 : i32
        %add3A_698 = arith.addi %mul3A_411, %add3A_697 : i32
        %get3A_699 = arith.index_cast %add3A_698 : i32 to index
        %get3A_700 = arith.constant 48 : index
        %get3A_701 = tpu.vector_load %arg17[%get3A_699, %get3A_700] {strides = array<i32>} : memref<640x64xf32, #tpu.memory_space<vmem>>, vector<16xf32>,
        %mul3A_702 = arith.mulf %get3A_381, %get3A_686 : vector<16xf32>
        %mul3A_703 = arith.mulf %get3A_384, %get3A_691 : vector<16xf32>
        %add3A_704 = arith.addf %mul3A_702, %mul3A_703 : vector<16xf32>
        %mul3A_705 = arith.mulf %get3A_387, %get3A_696 : vector<16xf32>
        %mul3A_706 = arith.mulf %get3A_390, %get3A_701 : vector<16xf32>
        %add3A_707 = arith.addf %mul3A_705, %mul3A_706 : vector<16xf32>
        %add3A_708 = arith.addf %add3A_704, %add3A_707 : vector<16xf32>
        %add3A_709 = arith.constant 2720 : i32
        %add3A_710 = vector.broadcast %add3A_709 : i32 to vector<16xi32>
        %add3A_711 = arith.addi %add3A_379, %add3A_710 : vector<16xi32>
        tpu.vector_store_idx %arg18[%add3A_711], %add3A_708 : memref<5712xf32, #tpu.memory_space<vmem>>[vector<16xi32>], vector<16xf32>,
        %add3A_712 = arith.constant 10 : i32
        %add3A_713 = arith.addi %mul3A_411, %add3A_712 : i32
        %get3A_714 = arith.index_cast %add3A_713 : i32 to index
        %get3A_715 = arith.constant 0 : index
        %get3A_716 = tpu.vector_load %arg17[%get3A_714, %get3A_715] {strides = array<i32>} : memref<640x64xf32, #tpu.memory_space<vmem>>, vector<16xf32>,
        %add3A_717 = arith.constant 10 : i32
        %add3A_718 = arith.addi %mul3A_411, %add3A_717 : i32
        %get3A_719 = arith.index_cast %add3A_718 : i32 to index
        %get3A_720 = arith.constant 16 : index
        %get3A_721 = tpu.vector_load %arg17[%get3A_719, %get3A_720] {strides = array<i32>} : memref<640x64xf32, #tpu.memory_space<vmem>>, vector<16xf32>,
        %add3A_722 = arith.constant 10 : i32
        %add3A_723 = arith.addi %mul3A_411, %add3A_722 : i32
        %get3A_724 = arith.index_cast %add3A_723 : i32 to index
        %get3A_725 = arith.constant 32 : index
        %get3A_726 = tpu.vector_load %arg17[%get3A_724, %get3A_725] {strides = array<i32>} : memref<640x64xf32, #tpu.memory_space<vmem>>, vector<16xf32>,
        %add3A_727 = arith.constant 10 : i32
        %add3A_728 = arith.addi %mul3A_411, %add3A_727 : i32
        %get3A_729 = arith.index_cast %add3A_728 : i32 to index
        %get3A_730 = arith.constant 48 : index
        %get3A_731 = tpu.vector_load %arg17[%get3A_729, %get3A_730] {strides = array<i32>} : memref<640x64xf32, #tpu.memory_space<vmem>>, vector<16xf32>,
        %mul3A_732 = arith.mulf %get3A_381, %get3A_716 : vector<16xf32>
        %mul3A_733 = arith.mulf %get3A_384, %get3A_721 : vector<16xf32>
        %add3A_734 = arith.addf %mul3A_732, %mul3A_733 : vector<16xf32>
        %mul3A_735 = arith.mulf %get3A_387, %get3A_726 : vector<16xf32>
        %mul3A_736 = arith.mulf %get3A_390, %get3A_731 : vector<16xf32>
        %add3A_737 = arith.addf %mul3A_735, %mul3A_736 : vector<16xf32>
        %add3A_738 = arith.addf %add3A_734, %add3A_737 : vector<16xf32>
        %add3A_739 = arith.constant 2992 : i32
        %add3A_740 = vector.broadcast %add3A_739 : i32 to vector<16xi32>
        %add3A_741 = arith.addi %add3A_379, %add3A_740 : vector<16xi32>
        tpu.vector_store_idx %arg18[%add3A_741], %add3A_738 : memref<5712xf32, #tpu.memory_space<vmem>>[vector<16xi32>], vector<16xf32>,
        %add3A_742 = arith.constant 11 : i32
        %add3A_743 = arith.addi %mul3A_411, %add3A_742 : i32
        %get3A_744 = arith.index_cast %add3A_743 : i32 to index
        %get3A_745 = arith.constant 0 : index
        %get3A_746 = tpu.vector_load %arg17[%get3A_744, %get3A_745] {strides = array<i32>} : memref<640x64xf32, #tpu.memory_space<vmem>>, vector<16xf32>,
        %add3A_747 = arith.constant 11 : i32
        %add3A_748 = arith.addi %mul3A_411, %add3A_747 : i32
        %get3A_749 = arith.index_cast %add3A_748 : i32 to index
        %get3A_750 = arith.constant 16 : index
        %get3A_751 = tpu.vector_load %arg17[%get3A_749, %get3A_750] {strides = array<i32>} : memref<640x64xf32, #tpu.memory_space<vmem>>, vector<16xf32>,
        %add3A_752 = arith.constant 11 : i32
        %add3A_753 = arith.addi %mul3A_411, %add3A_752 : i32
        %get3A_754 = arith.index_cast %add3A_753 : i32 to index
        %get3A_755 = arith.constant 32 : index
        %get3A_756 = tpu.vector_load %arg17[%get3A_754, %get3A_755] {strides = array<i32>} : memref<640x64xf32, #tpu.memory_space<vmem>>, vector<16xf32>,
        %add3A_757 = arith.constant 11 : i32
        %add3A_758 = arith.addi %mul3A_411, %add3A_757 : i32
        %get3A_759 = arith.index_cast %add3A_758 : i32 to index
        %get3A_760 = arith.constant 48 : index
        %get3A_761 = tpu.vector_load %arg17[%get3A_759, %get3A_760] {strides = array<i32>} : memref<640x64xf32, #tpu.memory_space<vmem>>, vector<16xf32>,
        %mul3A_762 = arith.mulf %get3A_381, %get3A_746 : vector<16xf32>
        %mul3A_763 = arith.mulf %get3A_384, %get3A_751 : vector<16xf32>
        %add3A_764 = arith.addf %mul3A_762, %mul3A_763 : vector<16xf32>
        %mul3A_765 = arith.mulf %get3A_387, %get3A_756 : vector<16xf32>
        %mul3A_766 = arith.mulf %get3A_390, %get3A_761 : vector<16xf32>
        %add3A_767 = arith.addf %mul3A_765, %mul3A_766 : vector<16xf32>
        %add3A_768 = arith.addf %add3A_764, %add3A_767 : vector<16xf32>
        %add3A_769 = arith.constant 3264 : i32
        %add3A_770 = vector.broadcast %add3A_769 : i32 to vector<16xi32>
        %add3A_771 = arith.addi %add3A_379, %add3A_770 : vector<16xi32>
        tpu.vector_store_idx %arg18[%add3A_771], %add3A_768 : memref<5712xf32, #tpu.memory_space<vmem>>[vector<16xi32>], vector<16xf32>,
        %add3A_772 = arith.constant 12 : i32
        %add3A_773 = arith.addi %mul3A_411, %add3A_772 : i32
        %get3A_774 = arith.index_cast %add3A_773 : i32 to index
        %get3A_775 = arith.constant 0 : index
        %get3A_776 = tpu.vector_load %arg17[%get3A_774, %get3A_775] {strides = array<i32>} : memref<640x64xf32, #tpu.memory_space<vmem>>, vector<16xf32>,
        %add3A_777 = arith.constant 12 : i32
        %add3A_778 = arith.addi %mul3A_411, %add3A_777 : i32
        %get3A_779 = arith.index_cast %add3A_778 : i32 to index
        %get3A_780 = arith.constant 16 : index
        %get3A_781 = tpu.vector_load %arg17[%get3A_779, %get3A_780] {strides = array<i32>} : memref<640x64xf32, #tpu.memory_space<vmem>>, vector<16xf32>,
        %add3A_782 = arith.constant 12 : i32
        %add3A_783 = arith.addi %mul3A_411, %add3A_782 : i32
        %get3A_784 = arith.index_cast %add3A_783 : i32 to index
        %get3A_785 = arith.constant 32 : index
        %get3A_786 = tpu.vector_load %arg17[%get3A_784, %get3A_785] {strides = array<i32>} : memref<640x64xf32, #tpu.memory_space<vmem>>, vector<16xf32>,
        %add3A_787 = arith.constant 12 : i32
        %add3A_788 = arith.addi %mul3A_411, %add3A_787 : i32
        %get3A_789 = arith.index_cast %add3A_788 : i32 to index
        %get3A_790 = arith.constant 48 : index
        %get3A_791 = tpu.vector_load %arg17[%get3A_789, %get3A_790] {strides = array<i32>} : memref<640x64xf32, #tpu.memory_space<vmem>>, vector<16xf32>,
        %mul3A_792 = arith.mulf %get3A_381, %get3A_776 : vector<16xf32>
        %mul3A_793 = arith.mulf %get3A_384, %get3A_781 : vector<16xf32>
        %add3A_794 = arith.addf %mul3A_792, %mul3A_793 : vector<16xf32>
        %mul3A_795 = arith.mulf %get3A_387, %get3A_786 : vector<16xf32>
        %mul3A_796 = arith.mulf %get3A_390, %get3A_791 : vector<16xf32>
        %add3A_797 = arith.addf %mul3A_795, %mul3A_796 : vector<16xf32>
        %add3A_798 = arith.addf %add3A_794, %add3A_797 : vector<16xf32>
        %add3A_799 = arith.constant 3536 : i32
        %add3A_800 = vector.broadcast %add3A_799 : i32 to vector<16xi32>
        %add3A_801 = arith.addi %add3A_379, %add3A_800 : vector<16xi32>
        tpu.vector_store_idx %arg18[%add3A_801], %add3A_798 : memref<5712xf32, #tpu.memory_space<vmem>>[vector<16xi32>], vector<16xf32>,
        %add3A_802 = arith.constant 13 : i32
        %add3A_803 = arith.addi %mul3A_411, %add3A_802 : i32
        %get3A_804 = arith.index_cast %add3A_803 : i32 to index
        %get3A_805 = arith.constant 0 : index
        %get3A_806 = tpu.vector_load %arg17[%get3A_804, %get3A_805] {strides = array<i32>} : memref<640x64xf32, #tpu.memory_space<vmem>>, vector<16xf32>,
        %add3A_807 = arith.constant 13 : i32
        %add3A_808 = arith.addi %mul3A_411, %add3A_807 : i32
        %get3A_809 = arith.index_cast %add3A_808 : i32 to index
        %get3A_810 = arith.constant 16 : index
        %get3A_811 = tpu.vector_load %arg17[%get3A_809, %get3A_810] {strides = array<i32>} : memref<640x64xf32, #tpu.memory_space<vmem>>, vector<16xf32>,
        %add3A_812 = arith.constant 13 : i32
        %add3A_813 = arith.addi %mul3A_411, %add3A_812 : i32
        %get3A_814 = arith.index_cast %add3A_813 : i32 to index
        %get3A_815 = arith.constant 32 : index
        %get3A_816 = tpu.vector_load %arg17[%get3A_814, %get3A_815] {strides = array<i32>} : memref<640x64xf32, #tpu.memory_space<vmem>>, vector<16xf32>,
        %add3A_817 = arith.constant 13 : i32
        %add3A_818 = arith.addi %mul3A_411, %add3A_817 : i32
        %get3A_819 = arith.index_cast %add3A_818 : i32 to index
        %get3A_820 = arith.constant 48 : index
        %get3A_821 = tpu.vector_load %arg17[%get3A_819, %get3A_820] {strides = array<i32>} : memref<640x64xf32, #tpu.memory_space<vmem>>, vector<16xf32>,
        %mul3A_822 = arith.mulf %get3A_381, %get3A_806 : vector<16xf32>
        %mul3A_823 = arith.mulf %get3A_384, %get3A_811 : vector<16xf32>
        %add3A_824 = arith.addf %mul3A_822, %mul3A_823 : vector<16xf32>
        %mul3A_825 = arith.mulf %get3A_387, %get3A_816 : vector<16xf32>
        %mul3A_826 = arith.mulf %get3A_390, %get3A_821 : vector<16xf32>
        %add3A_827 = arith.addf %mul3A_825, %mul3A_826 : vector<16xf32>
        %add3A_828 = arith.addf %add3A_824, %add3A_827 : vector<16xf32>
        %add3A_829 = arith.constant 3808 : i32
        %add3A_830 = vector.broadcast %add3A_829 : i32 to vector<16xi32>
        %add3A_831 = arith.addi %add3A_379, %add3A_830 : vector<16xi32>
        tpu.vector_store_idx %arg18[%add3A_831], %add3A_828 : memref<5712xf32, #tpu.memory_space<vmem>>[vector<16xi32>], vector<16xf32>,
        %add3A_832 = arith.constant 14 : i32
        %add3A_833 = arith.addi %mul3A_411, %add3A_832 : i32
        %get3A_834 = arith.index_cast %add3A_833 : i32 to index
        %get3A_835 = arith.constant 0 : index
        %get3A_836 = tpu.vector_load %arg17[%get3A_834, %get3A_835] {strides = array<i32>} : memref<640x64xf32, #tpu.memory_space<vmem>>, vector<16xf32>,
        %add3A_837 = arith.constant 14 : i32
        %add3A_838 = arith.addi %mul3A_411, %add3A_837 : i32
        %get3A_839 = arith.index_cast %add3A_838 : i32 to index
        %get3A_840 = arith.constant 16 : index
        %get3A_841 = tpu.vector_load %arg17[%get3A_839, %get3A_840] {strides = array<i32>} : memref<640x64xf32, #tpu.memory_space<vmem>>, vector<16xf32>,
        %add3A_842 = arith.constant 14 : i32
        %add3A_843 = arith.addi %mul3A_411, %add3A_842 : i32
        %get3A_844 = arith.index_cast %add3A_843 : i32 to index
        %get3A_845 = arith.constant 32 : index
        %get3A_846 = tpu.vector_load %arg17[%get3A_844, %get3A_845] {strides = array<i32>} : memref<640x64xf32, #tpu.memory_space<vmem>>, vector<16xf32>,
        %add3A_847 = arith.constant 14 : i32
        %add3A_848 = arith.addi %mul3A_411, %add3A_847 : i32
        %get3A_849 = arith.index_cast %add3A_848 : i32 to index
        %get3A_850 = arith.constant 48 : index
        %get3A_851 = tpu.vector_load %arg17[%get3A_849, %get3A_850] {strides = array<i32>} : memref<640x64xf32, #tpu.memory_space<vmem>>, vector<16xf32>,
        %mul3A_852 = arith.mulf %get3A_381, %get3A_836 : vector<16xf32>
        %mul3A_853 = arith.mulf %get3A_384, %get3A_841 : vector<16xf32>
        %add3A_854 = arith.addf %mul3A_852, %mul3A_853 : vector<16xf32>
        %mul3A_855 = arith.mulf %get3A_387, %get3A_846 : vector<16xf32>
        %mul3A_856 = arith.mulf %get3A_390, %get3A_851 : vector<16xf32>
        %add3A_857 = arith.addf %mul3A_855, %mul3A_856 : vector<16xf32>
        %add3A_858 = arith.addf %add3A_854, %add3A_857 : vector<16xf32>
        %add3A_859 = arith.constant 4080 : i32
        %add3A_860 = vector.broadcast %add3A_859 : i32 to vector<16xi32>
        %add3A_861 = arith.addi %add3A_379, %add3A_860 : vector<16xi32>
        tpu.vector_store_idx %arg18[%add3A_861], %add3A_858 : memref<5712xf32, #tpu.memory_space<vmem>>[vector<16xi32>], vector<16xf32>,
        %add3A_862 = arith.constant 15 : i32
        %add3A_863 = arith.addi %mul3A_411, %add3A_862 : i32
        %get3A_864 = arith.index_cast %add3A_863 : i32 to index
        %get3A_865 = arith.constant 0 : index
        %get3A_866 = tpu.vector_load %arg17[%get3A_864, %get3A_865] {strides = array<i32>} : memref<640x64xf32, #tpu.memory_space<vmem>>, vector<16xf32>,
        %add3A_867 = arith.constant 15 : i32
        %add3A_868 = arith.addi %mul3A_411, %add3A_867 : i32
        %get3A_869 = arith.index_cast %add3A_868 : i32 to index
        %get3A_870 = arith.constant 16 : index
        %get3A_871 = tpu.vector_load %arg17[%get3A_869, %get3A_870] {strides = array<i32>} : memref<640x64xf32, #tpu.memory_space<vmem>>, vector<16xf32>,
        %add3A_872 = arith.constant 15 : i32
        %add3A_873 = arith.addi %mul3A_411, %add3A_872 : i32
        %get3A_874 = arith.index_cast %add3A_873 : i32 to index
        %get3A_875 = arith.constant 32 : index
        %get3A_876 = tpu.vector_load %arg17[%get3A_874, %get3A_875] {strides = array<i32>} : memref<640x64xf32, #tpu.memory_space<vmem>>, vector<16xf32>,
        %add3A_877 = arith.constant 15 : i32
        %add3A_878 = arith.addi %mul3A_411, %add3A_877 : i32
        %get3A_879 = arith.index_cast %add3A_878 : i32 to index
        %get3A_880 = arith.constant 48 : index
        %get3A_881 = tpu.vector_load %arg17[%get3A_879, %get3A_880] {strides = array<i32>} : memref<640x64xf32, #tpu.memory_space<vmem>>, vector<16xf32>,
        %mul3A_882 = arith.mulf %get3A_381, %get3A_866 : vector<16xf32>
        %mul3A_883 = arith.mulf %get3A_384, %get3A_871 : vector<16xf32>
        %add3A_884 = arith.addf %mul3A_882, %mul3A_883 : vector<16xf32>
        %mul3A_885 = arith.mulf %get3A_387, %get3A_876 : vector<16xf32>
        %mul3A_886 = arith.mulf %get3A_390, %get3A_881 : vector<16xf32>
        %add3A_887 = arith.addf %mul3A_885, %mul3A_886 : vector<16xf32>
        %add3A_888 = arith.addf %add3A_884, %add3A_887 : vector<16xf32>
        %add3A_889 = arith.constant 4352 : i32
        %add3A_890 = vector.broadcast %add3A_889 : i32 to vector<16xi32>
        %add3A_891 = arith.addi %add3A_379, %add3A_890 : vector<16xi32>
        tpu.vector_store_idx %arg18[%add3A_891], %add3A_888 : memref<5712xf32, #tpu.memory_space<vmem>>[vector<16xi32>], vector<16xf32>,
        %add3A_892 = arith.constant 16 : i32
        %add3A_893 = arith.addi %mul3A_411, %add3A_892 : i32
        %get3A_894 = arith.index_cast %add3A_893 : i32 to index
        %get3A_895 = arith.constant 0 : index
        %get3A_896 = tpu.vector_load %arg17[%get3A_894, %get3A_895] {strides = array<i32>} : memref<640x64xf32, #tpu.memory_space<vmem>>, vector<16xf32>,
        %add3A_897 = arith.constant 16 : i32
        %add3A_898 = arith.addi %mul3A_411, %add3A_897 : i32
        %get3A_899 = arith.index_cast %add3A_898 : i32 to index
        %get3A_900 = arith.constant 16 : index
        %get3A_901 = tpu.vector_load %arg17[%get3A_899, %get3A_900] {strides = array<i32>} : memref<640x64xf32, #tpu.memory_space<vmem>>, vector<16xf32>,
        %add3A_902 = arith.constant 16 : i32
        %add3A_903 = arith.addi %mul3A_411, %add3A_902 : i32
        %get3A_904 = arith.index_cast %add3A_903 : i32 to index
        %get3A_905 = arith.constant 32 : index
        %get3A_906 = tpu.vector_load %arg17[%get3A_904, %get3A_905] {strides = array<i32>} : memref<640x64xf32, #tpu.memory_space<vmem>>, vector<16xf32>,
        %add3A_907 = arith.constant 16 : i32
        %add3A_908 = arith.addi %mul3A_411, %add3A_907 : i32
        %get3A_909 = arith.index_cast %add3A_908 : i32 to index
        %get3A_910 = arith.constant 48 : index
        %get3A_911 = tpu.vector_load %arg17[%get3A_909, %get3A_910] {strides = array<i32>} : memref<640x64xf32, #tpu.memory_space<vmem>>, vector<16xf32>,
        %mul3A_912 = arith.mulf %get3A_381, %get3A_896 : vector<16xf32>
        %mul3A_913 = arith.mulf %get3A_384, %get3A_901 : vector<16xf32>
        %add3A_914 = arith.addf %mul3A_912, %mul3A_913 : vector<16xf32>
        %mul3A_915 = arith.mulf %get3A_387, %get3A_906 : vector<16xf32>
        %mul3A_916 = arith.mulf %get3A_390, %get3A_911 : vector<16xf32>
        %add3A_917 = arith.addf %mul3A_915, %mul3A_916 : vector<16xf32>
        %add3A_918 = arith.addf %add3A_914, %add3A_917 : vector<16xf32>
        %add3A_919 = arith.constant 4624 : i32
        %add3A_920 = vector.broadcast %add3A_919 : i32 to vector<16xi32>
        %add3A_921 = arith.addi %add3A_379, %add3A_920 : vector<16xi32>
        tpu.vector_store_idx %arg18[%add3A_921], %add3A_918 : memref<5712xf32, #tpu.memory_space<vmem>>[vector<16xi32>], vector<16xf32>,
        %add3A_922 = arith.constant 17 : i32
        %add3A_923 = arith.addi %mul3A_411, %add3A_922 : i32
        %get3A_924 = arith.index_cast %add3A_923 : i32 to index
        %get3A_925 = arith.constant 0 : index
        %get3A_926 = tpu.vector_load %arg17[%get3A_924, %get3A_925] {strides = array<i32>} : memref<640x64xf32, #tpu.memory_space<vmem>>, vector<16xf32>,
        %add3A_927 = arith.constant 17 : i32
        %add3A_928 = arith.addi %mul3A_411, %add3A_927 : i32
        %get3A_929 = arith.index_cast %add3A_928 : i32 to index
        %get3A_930 = arith.constant 16 : index
        %get3A_931 = tpu.vector_load %arg17[%get3A_929, %get3A_930] {strides = array<i32>} : memref<640x64xf32, #tpu.memory_space<vmem>>, vector<16xf32>,
        %add3A_932 = arith.constant 17 : i32
        %add3A_933 = arith.addi %mul3A_411, %add3A_932 : i32
        %get3A_934 = arith.index_cast %add3A_933 : i32 to index
        %get3A_935 = arith.constant 32 : index
        %get3A_936 = tpu.vector_load %arg17[%get3A_934, %get3A_935] {strides = array<i32>} : memref<640x64xf32, #tpu.memory_space<vmem>>, vector<16xf32>,
        %add3A_937 = arith.constant 17 : i32
        %add3A_938 = arith.addi %mul3A_411, %add3A_937 : i32
        %get3A_939 = arith.index_cast %add3A_938 : i32 to index
        %get3A_940 = arith.constant 48 : index
        %get3A_941 = tpu.vector_load %arg17[%get3A_939, %get3A_940] {strides = array<i32>} : memref<640x64xf32, #tpu.memory_space<vmem>>, vector<16xf32>,
        %mul3A_942 = arith.mulf %get3A_381, %get3A_926 : vector<16xf32>
        %mul3A_943 = arith.mulf %get3A_384, %get3A_931 : vector<16xf32>
        %add3A_944 = arith.addf %mul3A_942, %mul3A_943 : vector<16xf32>
        %mul3A_945 = arith.mulf %get3A_387, %get3A_936 : vector<16xf32>
        %mul3A_946 = arith.mulf %get3A_390, %get3A_941 : vector<16xf32>
        %add3A_947 = arith.addf %mul3A_945, %mul3A_946 : vector<16xf32>
        %add3A_948 = arith.addf %add3A_944, %add3A_947 : vector<16xf32>
        %add3A_949 = arith.constant 4896 : i32
        %add3A_950 = vector.broadcast %add3A_949 : i32 to vector<16xi32>
        %add3A_951 = arith.addi %add3A_379, %add3A_950 : vector<16xi32>
        tpu.vector_store_idx %arg18[%add3A_951], %add3A_948 : memref<5712xf32, #tpu.memory_space<vmem>>[vector<16xi32>], vector<16xf32>,
        %add3A_952 = arith.constant 18 : i32
        %add3A_953 = arith.addi %mul3A_411, %add3A_952 : i32
        %get3A_954 = arith.index_cast %add3A_953 : i32 to index
        %get3A_955 = arith.constant 0 : index
        %get3A_956 = tpu.vector_load %arg17[%get3A_954, %get3A_955] {strides = array<i32>} : memref<640x64xf32, #tpu.memory_space<vmem>>, vector<16xf32>,
        %add3A_957 = arith.constant 18 : i32
        %add3A_958 = arith.addi %mul3A_411, %add3A_957 : i32
        %get3A_959 = arith.index_cast %add3A_958 : i32 to index
        %get3A_960 = arith.constant 16 : index
        %get3A_961 = tpu.vector_load %arg17[%get3A_959, %get3A_960] {strides = array<i32>} : memref<640x64xf32, #tpu.memory_space<vmem>>, vector<16xf32>,
        %add3A_962 = arith.constant 18 : i32
        %add3A_963 = arith.addi %mul3A_411, %add3A_962 : i32
        %get3A_964 = arith.index_cast %add3A_963 : i32 to index
        %get3A_965 = arith.constant 32 : index
        %get3A_966 = tpu.vector_load %arg17[%get3A_964, %get3A_965] {strides = array<i32>} : memref<640x64xf32, #tpu.memory_space<vmem>>, vector<16xf32>,
        %add3A_967 = arith.constant 18 : i32
        %add3A_968 = arith.addi %mul3A_411, %add3A_967 : i32
        %get3A_969 = arith.index_cast %add3A_968 : i32 to index
        %get3A_970 = arith.constant 48 : index
        %get3A_971 = tpu.vector_load %arg17[%get3A_969, %get3A_970] {strides = array<i32>} : memref<640x64xf32, #tpu.memory_space<vmem>>, vector<16xf32>,
        %mul3A_972 = arith.mulf %get3A_381, %get3A_956 : vector<16xf32>
        %mul3A_973 = arith.mulf %get3A_384, %get3A_961 : vector<16xf32>
        %add3A_974 = arith.addf %mul3A_972, %mul3A_973 : vector<16xf32>
        %mul3A_975 = arith.mulf %get3A_387, %get3A_966 : vector<16xf32>
        %mul3A_976 = arith.mulf %get3A_390, %get3A_971 : vector<16xf32>
        %add3A_977 = arith.addf %mul3A_975, %mul3A_976 : vector<16xf32>
        %add3A_978 = arith.addf %add3A_974, %add3A_977 : vector<16xf32>
        %add3A_979 = arith.constant 5168 : i32
        %add3A_980 = vector.broadcast %add3A_979 : i32 to vector<16xi32>
        %add3A_981 = arith.addi %add3A_379, %add3A_980 : vector<16xi32>
        tpu.vector_store_idx %arg18[%add3A_981], %add3A_978 : memref<5712xf32, #tpu.memory_space<vmem>>[vector<16xi32>], vector<16xf32>,
        %add3A_982 = arith.constant 19 : i32
        %add3A_983 = arith.addi %mul3A_411, %add3A_982 : i32
        %get3A_984 = arith.index_cast %add3A_983 : i32 to index
        %get3A_985 = arith.constant 0 : index
        %get3A_986 = tpu.vector_load %arg17[%get3A_984, %get3A_985] {strides = array<i32>} : memref<640x64xf32, #tpu.memory_space<vmem>>, vector<16xf32>,
        %add3A_987 = arith.constant 19 : i32
        %add3A_988 = arith.addi %mul3A_411, %add3A_987 : i32
        %get3A_989 = arith.index_cast %add3A_988 : i32 to index
        %get3A_990 = arith.constant 16 : index
        %get3A_991 = tpu.vector_load %arg17[%get3A_989, %get3A_990] {strides = array<i32>} : memref<640x64xf32, #tpu.memory_space<vmem>>, vector<16xf32>,
        %add3A_992 = arith.constant 19 : i32
        %add3A_993 = arith.addi %mul3A_411, %add3A_992 : i32
        %get3A_994 = arith.index_cast %add3A_993 : i32 to index
        %get3A_995 = arith.constant 32 : index
        %get3A_996 = tpu.vector_load %arg17[%get3A_994, %get3A_995] {strides = array<i32>} : memref<640x64xf32, #tpu.memory_space<vmem>>, vector<16xf32>,
        %add3A_997 = arith.constant 19 : i32
        %add3A_998 = arith.addi %mul3A_411, %add3A_997 : i32
        %get3A_999 = arith.index_cast %add3A_998 : i32 to index
        %get3A_1000 = arith.constant 48 : index
        %get3A_1001 = tpu.vector_load %arg17[%get3A_999, %get3A_1000] {strides = array<i32>} : memref<640x64xf32, #tpu.memory_space<vmem>>, vector<16xf32>,
        %mul3A_1002 = arith.mulf %get3A_381, %get3A_986 : vector<16xf32>
        %mul3A_1003 = arith.mulf %get3A_384, %get3A_991 : vector<16xf32>
        %add3A_1004 = arith.addf %mul3A_1002, %mul3A_1003 : vector<16xf32>
        %mul3A_1005 = arith.mulf %get3A_387, %get3A_996 : vector<16xf32>
        %mul3A_1006 = arith.mulf %get3A_390, %get3A_1001 : vector<16xf32>
        %add3A_1007 = arith.addf %mul3A_1005, %mul3A_1006 : vector<16xf32>
        %add3A_1008 = arith.addf %add3A_1004, %add3A_1007 : vector<16xf32>
        %add3A_1009 = arith.constant 5440 : i32
        %add3A_1010 = vector.broadcast %add3A_1009 : i32 to vector<16xi32>
        %add3A_1011 = arith.addi %add3A_379, %add3A_1010 : vector<16xi32>
        tpu.vector_store_idx %arg18[%add3A_1011], %add3A_1008 : memref<5712xf32, #tpu.memory_space<vmem>>[vector<16xi32>], vector<16xf32>,
      }
      %scan3A_336 = arith.constant 16 : i32
      %mul3A_337 = arith.constant 32 : i32
      %mul3A_338 = arith.muli %add3A_330, %mul3A_337 : i32
      %add3A_339 = arith.constant 0 : i32
      %add3A_340 = arith.addi %mul3A_338, %add3A_339 : i32
      %scan3A_341 = arith.constant 0 : i32
      %scan3A_342 = arith.constant 0 : i32
      %scan3A_343 = arith.constant 21 : i32
      %scan3A_344 = arith.addi %scan3A_342, %scan3A_343 : i32
      %scan3A_345 = arith.constant 1 : i32
      scf.for %scan3A_372 = %scan3A_342 to %scan3A_344 step %scan3A_345  : i32 {
        %mul3A_373 = arith.constant 272 : i32
        %mul3A_374 = arith.muli %scan3A_372, %mul3A_373 : i32
        %get3A = arith.index_cast %mul3A_374 : i32 to index
        %get3A_375 = tpu.vector_load %arg18[%get3A] {strides = array<i32>} : memref<5712xf32, #tpu.memory_space<vmem>>, vector<16xf32>,
        %add3A_376 = arith.constant 17 : i32
        %add3A_377 = arith.addi %mul3A_374, %add3A_376 : i32
        %get3A_378 = arith.index_cast %add3A_377 : i32 to index
        %get3A_379 = tpu.vector_load %arg18[%get3A_378] {strides = array<i32>} : memref<5712xf32, #tpu.memory_space<vmem>>, vector<16xf32>,
        %add3A_380 = arith.addf %get3A_375, %get3A_379 : vector<16xf32>
        %add3A_381 = arith.constant 34 : i32
        %add3A_382 = arith.addi %mul3A_374, %add3A_381 : i32
        %get3A_383 = arith.index_cast %add3A_382 : i32 to index
        %get3A_384 = tpu.vector_load %arg18[%get3A_383] {strides = array<i32>} : memref<5712xf32, #tpu.memory_space<vmem>>, vector<16xf32>,
        %add3A_385 = arith.addf %add3A_380, %get3A_384 : vector<16xf32>
        %add3A_386 = arith.constant 51 : i32
        %add3A_387 = arith.addi %mul3A_374, %add3A_386 : i32
        %get3A_388 = arith.index_cast %add3A_387 : i32 to index
        %get3A_389 = tpu.vector_load %arg18[%get3A_388] {strides = array<i32>} : memref<5712xf32, #tpu.memory_space<vmem>>, vector<16xf32>,
        %add3A_390 = arith.addf %add3A_385, %get3A_389 : vector<16xf32>
        %add3A_391 = arith.constant 68 : i32
        %add3A_392 = arith.addi %mul3A_374, %add3A_391 : i32
        %get3A_393 = arith.index_cast %add3A_392 : i32 to index
        %get3A_394 = tpu.vector_load %arg18[%get3A_393] {strides = array<i32>} : memref<5712xf32, #tpu.memory_space<vmem>>, vector<16xf32>,
        %add3A_395 = arith.addf %add3A_390, %get3A_394 : vector<16xf32>
        %add3A_396 = arith.constant 85 : i32
        %add3A_397 = arith.addi %mul3A_374, %add3A_396 : i32
        %get3A_398 = arith.index_cast %add3A_397 : i32 to index
        %get3A_399 = tpu.vector_load %arg18[%get3A_398] {strides = array<i32>} : memref<5712xf32, #tpu.memory_space<vmem>>, vector<16xf32>,
        %add3A_400 = arith.addf %add3A_395, %get3A_399 : vector<16xf32>
        %add3A_401 = arith.constant 102 : i32
        %add3A_402 = arith.addi %mul3A_374, %add3A_401 : i32
        %get3A_403 = arith.index_cast %add3A_402 : i32 to index
        %get3A_404 = tpu.vector_load %arg18[%get3A_403] {strides = array<i32>} : memref<5712xf32, #tpu.memory_space<vmem>>, vector<16xf32>,
        %add3A_405 = arith.addf %add3A_400, %get3A_404 : vector<16xf32>
        %add3A_406 = arith.constant 119 : i32
        %add3A_407 = arith.addi %mul3A_374, %add3A_406 : i32
        %get3A_408 = arith.index_cast %add3A_407 : i32 to index
        %get3A_409 = tpu.vector_load %arg18[%get3A_408] {strides = array<i32>} : memref<5712xf32, #tpu.memory_space<vmem>>, vector<16xf32>,
        %add3A_410 = arith.addf %add3A_405, %get3A_409 : vector<16xf32>
        %add3A_411 = arith.constant 136 : i32
        %add3A_412 = arith.addi %mul3A_374, %add3A_411 : i32
        %get3A_413 = arith.index_cast %add3A_412 : i32 to index
        %get3A_414 = tpu.vector_load %arg18[%get3A_413] {strides = array<i32>} : memref<5712xf32, #tpu.memory_space<vmem>>, vector<16xf32>,
        %add3A_415 = arith.addf %add3A_410, %get3A_414 : vector<16xf32>
        %add3A_416 = arith.constant 153 : i32
        %add3A_417 = arith.addi %mul3A_374, %add3A_416 : i32
        %get3A_418 = arith.index_cast %add3A_417 : i32 to index
        %get3A_419 = tpu.vector_load %arg18[%get3A_418] {strides = array<i32>} : memref<5712xf32, #tpu.memory_space<vmem>>, vector<16xf32>,
        %add3A_420 = arith.addf %add3A_415, %get3A_419 : vector<16xf32>
        %add3A_421 = arith.constant 170 : i32
        %add3A_422 = arith.addi %mul3A_374, %add3A_421 : i32
        %get3A_423 = arith.index_cast %add3A_422 : i32 to index
        %get3A_424 = tpu.vector_load %arg18[%get3A_423] {strides = array<i32>} : memref<5712xf32, #tpu.memory_space<vmem>>, vector<16xf32>,
        %add3A_425 = arith.addf %add3A_420, %get3A_424 : vector<16xf32>
        %add3A_426 = arith.constant 187 : i32
        %add3A_427 = arith.addi %mul3A_374, %add3A_426 : i32
        %get3A_428 = arith.index_cast %add3A_427 : i32 to index
        %get3A_429 = tpu.vector_load %arg18[%get3A_428] {strides = array<i32>} : memref<5712xf32, #tpu.memory_space<vmem>>, vector<16xf32>,
        %add3A_430 = arith.addf %add3A_425, %get3A_429 : vector<16xf32>
        %add3A_431 = arith.constant 204 : i32
        %add3A_432 = arith.addi %mul3A_374, %add3A_431 : i32
        %get3A_433 = arith.index_cast %add3A_432 : i32 to index
        %get3A_434 = tpu.vector_load %arg18[%get3A_433] {strides = array<i32>} : memref<5712xf32, #tpu.memory_space<vmem>>, vector<16xf32>,
        %add3A_435 = arith.addf %add3A_430, %get3A_434 : vector<16xf32>
        %add3A_436 = arith.constant 221 : i32
        %add3A_437 = arith.addi %mul3A_374, %add3A_436 : i32
        %get3A_438 = arith.index_cast %add3A_437 : i32 to index
        %get3A_439 = tpu.vector_load %arg18[%get3A_438] {strides = array<i32>} : memref<5712xf32, #tpu.memory_space<vmem>>, vector<16xf32>,
        %add3A_440 = arith.addf %add3A_435, %get3A_439 : vector<16xf32>
        %add3A_441 = arith.constant 238 : i32
        %add3A_442 = arith.addi %mul3A_374, %add3A_441 : i32
        %get3A_443 = arith.index_cast %add3A_442 : i32 to index
        %get3A_444 = tpu.vector_load %arg18[%get3A_443] {strides = array<i32>} : memref<5712xf32, #tpu.memory_space<vmem>>, vector<16xf32>,
        %add3A_445 = arith.addf %add3A_440, %get3A_444 : vector<16xf32>
        %add3A_446 = arith.constant 255 : i32
        %add3A_447 = arith.addi %mul3A_374, %add3A_446 : i32
        %get3A_448 = arith.index_cast %add3A_447 : i32 to index
        %get3A_449 = tpu.vector_load %arg18[%get3A_448] {strides = array<i32>} : memref<5712xf32, #tpu.memory_space<vmem>>, vector<16xf32>,
        %add3A_450 = arith.addf %add3A_445, %get3A_449 : vector<16xf32>
        %mul3A_451 = arith.constant 512 : i32
        %mul3A_452 = arith.muli %scan3A_372, %mul3A_451 : i32
        %add3A_453 = arith.addi %mul3A_452, %add3A_340 : i32
        %swap3A = arith.index_cast %add3A_453 : i32 to index
        %swap3A_454 = tpu.vector_load %arg19[%swap3A] {strides = array<i32>} : memref<10752xf32, #tpu.memory_space<vmem>>, vector<16xf32>,
        tpu.vector_store %arg19[%swap3A], %add3A_450 {strides = array<i32>} : memref<10752xf32, #tpu.memory_space<vmem>>, vector<16xf32>,
      }
      %scan3A_346 = arith.constant 21 : i32
      %scan3A_347 = arith.constant 0 : i32
      %scan3A_348 = arith.constant 0 : i32
      %scan3A_349 = arith.constant 16 : i32
      %scan3A_350 = arith.addi %scan3A_348, %scan3A_349 : i32
      %scan3A_351 = arith.constant 1 : i32
      scf.for %scan3A_372 = %scan3A_348 to %scan3A_350 step %scan3A_351  : i32 {
        %add3A_373 = arith.constant 16 : i32
        %add3A_374 = arith.addi %add3A_373, %scan3A_372 : i32
        %mul3A_375 = arith.constant 17 : i32
        %mul3A_376 = vector.broadcast %mul3A_375 : i32 to vector<16xi32>
        %mul3A_377 = arith.muli %iota3A, %mul3A_376 : vector<16xi32>
        %add3A_378 = vector.broadcast %scan3A_372 : i32 to vector<16xi32>
        %add3A_379 = arith.addi %mul3A_377, %add3A_378 : vector<16xi32>
        %get3A = arith.index_cast %add3A_374 : i32 to index
        %get3A_380 = arith.constant 0 : index
        %get3A_381 = tpu.vector_load %arg15[%get3A, %get3A_380] {strides = array<i32>} : memref<32x64xf32, #tpu.memory_space<vmem>>, vector<16xf32>,
        %get3A_382 = arith.index_cast %add3A_374 : i32 to index
        %get3A_383 = arith.constant 16 : index
        %get3A_384 = tpu.vector_load %arg15[%get3A_382, %get3A_383] {strides = array<i32>} : memref<32x64xf32, #tpu.memory_space<vmem>>, vector<16xf32>,
        %get3A_385 = arith.index_cast %add3A_374 : i32 to index
        %get3A_386 = arith.constant 32 : index
        %get3A_387 = tpu.vector_load %arg15[%get3A_385, %get3A_386] {strides = array<i32>} : memref<32x64xf32, #tpu.memory_space<vmem>>, vector<16xf32>,
        %get3A_388 = arith.index_cast %add3A_374 : i32 to index
        %get3A_389 = arith.constant 48 : index
        %get3A_390 = tpu.vector_load %arg15[%get3A_388, %get3A_389] {strides = array<i32>} : memref<32x64xf32, #tpu.memory_space<vmem>>, vector<16xf32>,
        %get3A_391 = arith.index_cast %add3A_374 : i32 to index
        %get3A_392 = arith.constant 0 : index
        %get3A_393 = tpu.vector_load %arg16[%get3A_391, %get3A_392] {strides = array<i32>} : memref<32x64xf32, #tpu.memory_space<vmem>>, vector<16xf32>,
        %get3A_394 = arith.index_cast %add3A_374 : i32 to index
        %get3A_395 = arith.constant 16 : index
        %get3A_396 = tpu.vector_load %arg16[%get3A_394, %get3A_395] {strides = array<i32>} : memref<32x64xf32, #tpu.memory_space<vmem>>, vector<16xf32>,
        %get3A_397 = arith.index_cast %add3A_374 : i32 to index
        %get3A_398 = arith.constant 32 : index
        %get3A_399 = tpu.vector_load %arg16[%get3A_397, %get3A_398] {strides = array<i32>} : memref<32x64xf32, #tpu.memory_space<vmem>>, vector<16xf32>,
        %get3A_400 = arith.index_cast %add3A_374 : i32 to index
        %get3A_401 = arith.constant 48 : index
        %get3A_402 = tpu.vector_load %arg16[%get3A_400, %get3A_401] {strides = array<i32>} : memref<32x64xf32, #tpu.memory_space<vmem>>, vector<16xf32>,
        %mul3A_403 = arith.mulf %get3A_381, %get3A_393 : vector<16xf32>
        %mul3A_404 = arith.mulf %get3A_384, %get3A_396 : vector<16xf32>
        %add3A_405 = arith.addf %mul3A_403, %mul3A_404 : vector<16xf32>
        %mul3A_406 = arith.mulf %get3A_387, %get3A_399 : vector<16xf32>
        %mul3A_407 = arith.mulf %get3A_390, %get3A_402 : vector<16xf32>
        %add3A_408 = arith.addf %mul3A_406, %mul3A_407 : vector<16xf32>
        %add3A_409 = arith.addf %add3A_405, %add3A_408 : vector<16xf32>
        tpu.vector_store_idx %arg18[%add3A_379], %add3A_409 : memref<5712xf32, #tpu.memory_space<vmem>>[vector<16xi32>], vector<16xf32>,
        %mul3A_410 = arith.constant 20 : i32
        %mul3A_411 = arith.muli %add3A_374, %mul3A_410 : i32
        %add3A_412 = arith.constant 0 : i32
        %add3A_413 = arith.addi %mul3A_411, %add3A_412 : i32
        %get3A_414 = arith.index_cast %add3A_413 : i32 to index
        %get3A_415 = arith.constant 0 : index
        %get3A_416 = tpu.vector_load %arg17[%get3A_414, %get3A_415] {strides = array<i32>} : memref<640x64xf32, #tpu.memory_space<vmem>>, vector<16xf32>,
        %add3A_417 = arith.constant 0 : i32
        %add3A_418 = arith.addi %mul3A_411, %add3A_417 : i32
        %get3A_419 = arith.index_cast %add3A_418 : i32 to index
        %get3A_420 = arith.constant 16 : index
        %get3A_421 = tpu.vector_load %arg17[%get3A_419, %get3A_420] {strides = array<i32>} : memref<640x64xf32, #tpu.memory_space<vmem>>, vector<16xf32>,
        %add3A_422 = arith.constant 0 : i32
        %add3A_423 = arith.addi %mul3A_411, %add3A_422 : i32
        %get3A_424 = arith.index_cast %add3A_423 : i32 to index
        %get3A_425 = arith.constant 32 : index
        %get3A_426 = tpu.vector_load %arg17[%get3A_424, %get3A_425] {strides = array<i32>} : memref<640x64xf32, #tpu.memory_space<vmem>>, vector<16xf32>,
        %add3A_427 = arith.constant 0 : i32
        %add3A_428 = arith.addi %mul3A_411, %add3A_427 : i32
        %get3A_429 = arith.index_cast %add3A_428 : i32 to index
        %get3A_430 = arith.constant 48 : index
        %get3A_431 = tpu.vector_load %arg17[%get3A_429, %get3A_430] {strides = array<i32>} : memref<640x64xf32, #tpu.memory_space<vmem>>, vector<16xf32>,
        %mul3A_432 = arith.mulf %get3A_381, %get3A_416 : vector<16xf32>
        %mul3A_433 = arith.mulf %get3A_384, %get3A_421 : vector<16xf32>
        %add3A_434 = arith.addf %mul3A_432, %mul3A_433 : vector<16xf32>
        %mul3A_435 = arith.mulf %get3A_387, %get3A_426 : vector<16xf32>
        %mul3A_436 = arith.mulf %get3A_390, %get3A_431 : vector<16xf32>
        %add3A_437 = arith.addf %mul3A_435, %mul3A_436 : vector<16xf32>
        %add3A_438 = arith.addf %add3A_434, %add3A_437 : vector<16xf32>
        %add3A_439 = arith.constant 272 : i32
        %add3A_440 = vector.broadcast %add3A_439 : i32 to vector<16xi32>
        %add3A_441 = arith.addi %add3A_379, %add3A_440 : vector<16xi32>
        tpu.vector_store_idx %arg18[%add3A_441], %add3A_438 : memref<5712xf32, #tpu.memory_space<vmem>>[vector<16xi32>], vector<16xf32>,
        %add3A_442 = arith.constant 1 : i32
        %add3A_443 = arith.addi %mul3A_411, %add3A_442 : i32
        %get3A_444 = arith.index_cast %add3A_443 : i32 to index
        %get3A_445 = arith.constant 0 : index
        %get3A_446 = tpu.vector_load %arg17[%get3A_444, %get3A_445] {strides = array<i32>} : memref<640x64xf32, #tpu.memory_space<vmem>>, vector<16xf32>,
        %add3A_447 = arith.constant 1 : i32
        %add3A_448 = arith.addi %mul3A_411, %add3A_447 : i32
        %get3A_449 = arith.index_cast %add3A_448 : i32 to index
        %get3A_450 = arith.constant 16 : index
        %get3A_451 = tpu.vector_load %arg17[%get3A_449, %get3A_450] {strides = array<i32>} : memref<640x64xf32, #tpu.memory_space<vmem>>, vector<16xf32>,
        %add3A_452 = arith.constant 1 : i32
        %add3A_453 = arith.addi %mul3A_411, %add3A_452 : i32
        %get3A_454 = arith.index_cast %add3A_453 : i32 to index
        %get3A_455 = arith.constant 32 : index
        %get3A_456 = tpu.vector_load %arg17[%get3A_454, %get3A_455] {strides = array<i32>} : memref<640x64xf32, #tpu.memory_space<vmem>>, vector<16xf32>,
        %add3A_457 = arith.constant 1 : i32
        %add3A_458 = arith.addi %mul3A_411, %add3A_457 : i32
        %get3A_459 = arith.index_cast %add3A_458 : i32 to index
        %get3A_460 = arith.constant 48 : index
        %get3A_461 = tpu.vector_load %arg17[%get3A_459, %get3A_460] {strides = array<i32>} : memref<640x64xf32, #tpu.memory_space<vmem>>, vector<16xf32>,
        %mul3A_462 = arith.mulf %get3A_381, %get3A_446 : vector<16xf32>
        %mul3A_463 = arith.mulf %get3A_384, %get3A_451 : vector<16xf32>
        %add3A_464 = arith.addf %mul3A_462, %mul3A_463 : vector<16xf32>
        %mul3A_465 = arith.mulf %get3A_387, %get3A_456 : vector<16xf32>
        %mul3A_466 = arith.mulf %get3A_390, %get3A_461 : vector<16xf32>
        %add3A_467 = arith.addf %mul3A_465, %mul3A_466 : vector<16xf32>
        %add3A_468 = arith.addf %add3A_464, %add3A_467 : vector<16xf32>
        %add3A_469 = arith.constant 544 : i32
        %add3A_470 = vector.broadcast %add3A_469 : i32 to vector<16xi32>
        %add3A_471 = arith.addi %add3A_379, %add3A_470 : vector<16xi32>
        tpu.vector_store_idx %arg18[%add3A_471], %add3A_468 : memref<5712xf32, #tpu.memory_space<vmem>>[vector<16xi32>], vector<16xf32>,
        %add3A_472 = arith.constant 2 : i32
        %add3A_473 = arith.addi %mul3A_411, %add3A_472 : i32
        %get3A_474 = arith.index_cast %add3A_473 : i32 to index
        %get3A_475 = arith.constant 0 : index
        %get3A_476 = tpu.vector_load %arg17[%get3A_474, %get3A_475] {strides = array<i32>} : memref<640x64xf32, #tpu.memory_space<vmem>>, vector<16xf32>,
        %add3A_477 = arith.constant 2 : i32
        %add3A_478 = arith.addi %mul3A_411, %add3A_477 : i32
        %get3A_479 = arith.index_cast %add3A_478 : i32 to index
        %get3A_480 = arith.constant 16 : index
        %get3A_481 = tpu.vector_load %arg17[%get3A_479, %get3A_480] {strides = array<i32>} : memref<640x64xf32, #tpu.memory_space<vmem>>, vector<16xf32>,
        %add3A_482 = arith.constant 2 : i32
        %add3A_483 = arith.addi %mul3A_411, %add3A_482 : i32
        %get3A_484 = arith.index_cast %add3A_483 : i32 to index
        %get3A_485 = arith.constant 32 : index
        %get3A_486 = tpu.vector_load %arg17[%get3A_484, %get3A_485] {strides = array<i32>} : memref<640x64xf32, #tpu.memory_space<vmem>>, vector<16xf32>,
        %add3A_487 = arith.constant 2 : i32
        %add3A_488 = arith.addi %mul3A_411, %add3A_487 : i32
        %get3A_489 = arith.index_cast %add3A_488 : i32 to index
        %get3A_490 = arith.constant 48 : index
        %get3A_491 = tpu.vector_load %arg17[%get3A_489, %get3A_490] {strides = array<i32>} : memref<640x64xf32, #tpu.memory_space<vmem>>, vector<16xf32>,
        %mul3A_492 = arith.mulf %get3A_381, %get3A_476 : vector<16xf32>
        %mul3A_493 = arith.mulf %get3A_384, %get3A_481 : vector<16xf32>
        %add3A_494 = arith.addf %mul3A_492, %mul3A_493 : vector<16xf32>
        %mul3A_495 = arith.mulf %get3A_387, %get3A_486 : vector<16xf32>
        %mul3A_496 = arith.mulf %get3A_390, %get3A_491 : vector<16xf32>
        %add3A_497 = arith.addf %mul3A_495, %mul3A_496 : vector<16xf32>
        %add3A_498 = arith.addf %add3A_494, %add3A_497 : vector<16xf32>
        %add3A_499 = arith.constant 816 : i32
        %add3A_500 = vector.broadcast %add3A_499 : i32 to vector<16xi32>
        %add3A_501 = arith.addi %add3A_379, %add3A_500 : vector<16xi32>
        tpu.vector_store_idx %arg18[%add3A_501], %add3A_498 : memref<5712xf32, #tpu.memory_space<vmem>>[vector<16xi32>], vector<16xf32>,
        %add3A_502 = arith.constant 3 : i32
        %add3A_503 = arith.addi %mul3A_411, %add3A_502 : i32
        %get3A_504 = arith.index_cast %add3A_503 : i32 to index
        %get3A_505 = arith.constant 0 : index
        %get3A_506 = tpu.vector_load %arg17[%get3A_504, %get3A_505] {strides = array<i32>} : memref<640x64xf32, #tpu.memory_space<vmem>>, vector<16xf32>,
        %add3A_507 = arith.constant 3 : i32
        %add3A_508 = arith.addi %mul3A_411, %add3A_507 : i32
        %get3A_509 = arith.index_cast %add3A_508 : i32 to index
        %get3A_510 = arith.constant 16 : index
        %get3A_511 = tpu.vector_load %arg17[%get3A_509, %get3A_510] {strides = array<i32>} : memref<640x64xf32, #tpu.memory_space<vmem>>, vector<16xf32>,
        %add3A_512 = arith.constant 3 : i32
        %add3A_513 = arith.addi %mul3A_411, %add3A_512 : i32
        %get3A_514 = arith.index_cast %add3A_513 : i32 to index
        %get3A_515 = arith.constant 32 : index
        %get3A_516 = tpu.vector_load %arg17[%get3A_514, %get3A_515] {strides = array<i32>} : memref<640x64xf32, #tpu.memory_space<vmem>>, vector<16xf32>,
        %add3A_517 = arith.constant 3 : i32
        %add3A_518 = arith.addi %mul3A_411, %add3A_517 : i32
        %get3A_519 = arith.index_cast %add3A_518 : i32 to index
        %get3A_520 = arith.constant 48 : index
        %get3A_521 = tpu.vector_load %arg17[%get3A_519, %get3A_520] {strides = array<i32>} : memref<640x64xf32, #tpu.memory_space<vmem>>, vector<16xf32>,
        %mul3A_522 = arith.mulf %get3A_381, %get3A_506 : vector<16xf32>
        %mul3A_523 = arith.mulf %get3A_384, %get3A_511 : vector<16xf32>
        %add3A_524 = arith.addf %mul3A_522, %mul3A_523 : vector<16xf32>
        %mul3A_525 = arith.mulf %get3A_387, %get3A_516 : vector<16xf32>
        %mul3A_526 = arith.mulf %get3A_390, %get3A_521 : vector<16xf32>
        %add3A_527 = arith.addf %mul3A_525, %mul3A_526 : vector<16xf32>
        %add3A_528 = arith.addf %add3A_524, %add3A_527 : vector<16xf32>
        %add3A_529 = arith.constant 1088 : i32
        %add3A_530 = vector.broadcast %add3A_529 : i32 to vector<16xi32>
        %add3A_531 = arith.addi %add3A_379, %add3A_530 : vector<16xi32>
        tpu.vector_store_idx %arg18[%add3A_531], %add3A_528 : memref<5712xf32, #tpu.memory_space<vmem>>[vector<16xi32>], vector<16xf32>,
        %add3A_532 = arith.constant 4 : i32
        %add3A_533 = arith.addi %mul3A_411, %add3A_532 : i32
        %get3A_534 = arith.index_cast %add3A_533 : i32 to index
        %get3A_535 = arith.constant 0 : index
        %get3A_536 = tpu.vector_load %arg17[%get3A_534, %get3A_535] {strides = array<i32>} : memref<640x64xf32, #tpu.memory_space<vmem>>, vector<16xf32>,
        %add3A_537 = arith.constant 4 : i32
        %add3A_538 = arith.addi %mul3A_411, %add3A_537 : i32
        %get3A_539 = arith.index_cast %add3A_538 : i32 to index
        %get3A_540 = arith.constant 16 : index
        %get3A_541 = tpu.vector_load %arg17[%get3A_539, %get3A_540] {strides = array<i32>} : memref<640x64xf32, #tpu.memory_space<vmem>>, vector<16xf32>,
        %add3A_542 = arith.constant 4 : i32
        %add3A_543 = arith.addi %mul3A_411, %add3A_542 : i32
        %get3A_544 = arith.index_cast %add3A_543 : i32 to index
        %get3A_545 = arith.constant 32 : index
        %get3A_546 = tpu.vector_load %arg17[%get3A_544, %get3A_545] {strides = array<i32>} : memref<640x64xf32, #tpu.memory_space<vmem>>, vector<16xf32>,
        %add3A_547 = arith.constant 4 : i32
        %add3A_548 = arith.addi %mul3A_411, %add3A_547 : i32
        %get3A_549 = arith.index_cast %add3A_548 : i32 to index
        %get3A_550 = arith.constant 48 : index
        %get3A_551 = tpu.vector_load %arg17[%get3A_549, %get3A_550] {strides = array<i32>} : memref<640x64xf32, #tpu.memory_space<vmem>>, vector<16xf32>,
        %mul3A_552 = arith.mulf %get3A_381, %get3A_536 : vector<16xf32>
        %mul3A_553 = arith.mulf %get3A_384, %get3A_541 : vector<16xf32>
        %add3A_554 = arith.addf %mul3A_552, %mul3A_553 : vector<16xf32>
        %mul3A_555 = arith.mulf %get3A_387, %get3A_546 : vector<16xf32>
        %mul3A_556 = arith.mulf %get3A_390, %get3A_551 : vector<16xf32>
        %add3A_557 = arith.addf %mul3A_555, %mul3A_556 : vector<16xf32>
        %add3A_558 = arith.addf %add3A_554, %add3A_557 : vector<16xf32>
        %add3A_559 = arith.constant 1360 : i32
        %add3A_560 = vector.broadcast %add3A_559 : i32 to vector<16xi32>
        %add3A_561 = arith.addi %add3A_379, %add3A_560 : vector<16xi32>
        tpu.vector_store_idx %arg18[%add3A_561], %add3A_558 : memref<5712xf32, #tpu.memory_space<vmem>>[vector<16xi32>], vector<16xf32>,
        %add3A_562 = arith.constant 5 : i32
        %add3A_563 = arith.addi %mul3A_411, %add3A_562 : i32
        %get3A_564 = arith.index_cast %add3A_563 : i32 to index
        %get3A_565 = arith.constant 0 : index
        %get3A_566 = tpu.vector_load %arg17[%get3A_564, %get3A_565] {strides = array<i32>} : memref<640x64xf32, #tpu.memory_space<vmem>>, vector<16xf32>,
        %add3A_567 = arith.constant 5 : i32
        %add3A_568 = arith.addi %mul3A_411, %add3A_567 : i32
        %get3A_569 = arith.index_cast %add3A_568 : i32 to index
        %get3A_570 = arith.constant 16 : index
        %get3A_571 = tpu.vector_load %arg17[%get3A_569, %get3A_570] {strides = array<i32>} : memref<640x64xf32, #tpu.memory_space<vmem>>, vector<16xf32>,
        %add3A_572 = arith.constant 5 : i32
        %add3A_573 = arith.addi %mul3A_411, %add3A_572 : i32
        %get3A_574 = arith.index_cast %add3A_573 : i32 to index
        %get3A_575 = arith.constant 32 : index
        %get3A_576 = tpu.vector_load %arg17[%get3A_574, %get3A_575] {strides = array<i32>} : memref<640x64xf32, #tpu.memory_space<vmem>>, vector<16xf32>,
        %add3A_577 = arith.constant 5 : i32
        %add3A_578 = arith.addi %mul3A_411, %add3A_577 : i32
        %get3A_579 = arith.index_cast %add3A_578 : i32 to index
        %get3A_580 = arith.constant 48 : index
        %get3A_581 = tpu.vector_load %arg17[%get3A_579, %get3A_580] {strides = array<i32>} : memref<640x64xf32, #tpu.memory_space<vmem>>, vector<16xf32>,
        %mul3A_582 = arith.mulf %get3A_381, %get3A_566 : vector<16xf32>
        %mul3A_583 = arith.mulf %get3A_384, %get3A_571 : vector<16xf32>
        %add3A_584 = arith.addf %mul3A_582, %mul3A_583 : vector<16xf32>
        %mul3A_585 = arith.mulf %get3A_387, %get3A_576 : vector<16xf32>
        %mul3A_586 = arith.mulf %get3A_390, %get3A_581 : vector<16xf32>
        %add3A_587 = arith.addf %mul3A_585, %mul3A_586 : vector<16xf32>
        %add3A_588 = arith.addf %add3A_584, %add3A_587 : vector<16xf32>
        %add3A_589 = arith.constant 1632 : i32
        %add3A_590 = vector.broadcast %add3A_589 : i32 to vector<16xi32>
        %add3A_591 = arith.addi %add3A_379, %add3A_590 : vector<16xi32>
        tpu.vector_store_idx %arg18[%add3A_591], %add3A_588 : memref<5712xf32, #tpu.memory_space<vmem>>[vector<16xi32>], vector<16xf32>,
        %add3A_592 = arith.constant 6 : i32
        %add3A_593 = arith.addi %mul3A_411, %add3A_592 : i32
        %get3A_594 = arith.index_cast %add3A_593 : i32 to index
        %get3A_595 = arith.constant 0 : index
        %get3A_596 = tpu.vector_load %arg17[%get3A_594, %get3A_595] {strides = array<i32>} : memref<640x64xf32, #tpu.memory_space<vmem>>, vector<16xf32>,
        %add3A_597 = arith.constant 6 : i32
        %add3A_598 = arith.addi %mul3A_411, %add3A_597 : i32
        %get3A_599 = arith.index_cast %add3A_598 : i32 to index
        %get3A_600 = arith.constant 16 : index
        %get3A_601 = tpu.vector_load %arg17[%get3A_599, %get3A_600] {strides = array<i32>} : memref<640x64xf32, #tpu.memory_space<vmem>>, vector<16xf32>,
        %add3A_602 = arith.constant 6 : i32
        %add3A_603 = arith.addi %mul3A_411, %add3A_602 : i32
        %get3A_604 = arith.index_cast %add3A_603 : i32 to index
        %get3A_605 = arith.constant 32 : index
        %get3A_606 = tpu.vector_load %arg17[%get3A_604, %get3A_605] {strides = array<i32>} : memref<640x64xf32, #tpu.memory_space<vmem>>, vector<16xf32>,
        %add3A_607 = arith.constant 6 : i32
        %add3A_608 = arith.addi %mul3A_411, %add3A_607 : i32
        %get3A_609 = arith.index_cast %add3A_608 : i32 to index
        %get3A_610 = arith.constant 48 : index
        %get3A_611 = tpu.vector_load %arg17[%get3A_609, %get3A_610] {strides = array<i32>} : memref<640x64xf32, #tpu.memory_space<vmem>>, vector<16xf32>,
        %mul3A_612 = arith.mulf %get3A_381, %get3A_596 : vector<16xf32>
        %mul3A_613 = arith.mulf %get3A_384, %get3A_601 : vector<16xf32>
        %add3A_614 = arith.addf %mul3A_612, %mul3A_613 : vector<16xf32>
        %mul3A_615 = arith.mulf %get3A_387, %get3A_606 : vector<16xf32>
        %mul3A_616 = arith.mulf %get3A_390, %get3A_611 : vector<16xf32>
        %add3A_617 = arith.addf %mul3A_615, %mul3A_616 : vector<16xf32>
        %add3A_618 = arith.addf %add3A_614, %add3A_617 : vector<16xf32>
        %add3A_619 = arith.constant 1904 : i32
        %add3A_620 = vector.broadcast %add3A_619 : i32 to vector<16xi32>
        %add3A_621 = arith.addi %add3A_379, %add3A_620 : vector<16xi32>
        tpu.vector_store_idx %arg18[%add3A_621], %add3A_618 : memref<5712xf32, #tpu.memory_space<vmem>>[vector<16xi32>], vector<16xf32>,
        %add3A_622 = arith.constant 7 : i32
        %add3A_623 = arith.addi %mul3A_411, %add3A_622 : i32
        %get3A_624 = arith.index_cast %add3A_623 : i32 to index
        %get3A_625 = arith.constant 0 : index
        %get3A_626 = tpu.vector_load %arg17[%get3A_624, %get3A_625] {strides = array<i32>} : memref<640x64xf32, #tpu.memory_space<vmem>>, vector<16xf32>,
        %add3A_627 = arith.constant 7 : i32
        %add3A_628 = arith.addi %mul3A_411, %add3A_627 : i32
        %get3A_629 = arith.index_cast %add3A_628 : i32 to index
        %get3A_630 = arith.constant 16 : index
        %get3A_631 = tpu.vector_load %arg17[%get3A_629, %get3A_630] {strides = array<i32>} : memref<640x64xf32, #tpu.memory_space<vmem>>, vector<16xf32>,
        %add3A_632 = arith.constant 7 : i32
        %add3A_633 = arith.addi %mul3A_411, %add3A_632 : i32
        %get3A_634 = arith.index_cast %add3A_633 : i32 to index
        %get3A_635 = arith.constant 32 : index
        %get3A_636 = tpu.vector_load %arg17[%get3A_634, %get3A_635] {strides = array<i32>} : memref<640x64xf32, #tpu.memory_space<vmem>>, vector<16xf32>,
        %add3A_637 = arith.constant 7 : i32
        %add3A_638 = arith.addi %mul3A_411, %add3A_637 : i32
        %get3A_639 = arith.index_cast %add3A_638 : i32 to index
        %get3A_640 = arith.constant 48 : index
        %get3A_641 = tpu.vector_load %arg17[%get3A_639, %get3A_640] {strides = array<i32>} : memref<640x64xf32, #tpu.memory_space<vmem>>, vector<16xf32>,
        %mul3A_642 = arith.mulf %get3A_381, %get3A_626 : vector<16xf32>
        %mul3A_643 = arith.mulf %get3A_384, %get3A_631 : vector<16xf32>
        %add3A_644 = arith.addf %mul3A_642, %mul3A_643 : vector<16xf32>
        %mul3A_645 = arith.mulf %get3A_387, %get3A_636 : vector<16xf32>
        %mul3A_646 = arith.mulf %get3A_390, %get3A_641 : vector<16xf32>
        %add3A_647 = arith.addf %mul3A_645, %mul3A_646 : vector<16xf32>
        %add3A_648 = arith.addf %add3A_644, %add3A_647 : vector<16xf32>
        %add3A_649 = arith.constant 2176 : i32
        %add3A_650 = vector.broadcast %add3A_649 : i32 to vector<16xi32>
        %add3A_651 = arith.addi %add3A_379, %add3A_650 : vector<16xi32>
        tpu.vector_store_idx %arg18[%add3A_651], %add3A_648 : memref<5712xf32, #tpu.memory_space<vmem>>[vector<16xi32>], vector<16xf32>,
        %add3A_652 = arith.constant 8 : i32
        %add3A_653 = arith.addi %mul3A_411, %add3A_652 : i32
        %get3A_654 = arith.index_cast %add3A_653 : i32 to index
        %get3A_655 = arith.constant 0 : index
        %get3A_656 = tpu.vector_load %arg17[%get3A_654, %get3A_655] {strides = array<i32>} : memref<640x64xf32, #tpu.memory_space<vmem>>, vector<16xf32>,
        %add3A_657 = arith.constant 8 : i32
        %add3A_658 = arith.addi %mul3A_411, %add3A_657 : i32
        %get3A_659 = arith.index_cast %add3A_658 : i32 to index
        %get3A_660 = arith.constant 16 : index
        %get3A_661 = tpu.vector_load %arg17[%get3A_659, %get3A_660] {strides = array<i32>} : memref<640x64xf32, #tpu.memory_space<vmem>>, vector<16xf32>,
        %add3A_662 = arith.constant 8 : i32
        %add3A_663 = arith.addi %mul3A_411, %add3A_662 : i32
        %get3A_664 = arith.index_cast %add3A_663 : i32 to index
        %get3A_665 = arith.constant 32 : index
        %get3A_666 = tpu.vector_load %arg17[%get3A_664, %get3A_665] {strides = array<i32>} : memref<640x64xf32, #tpu.memory_space<vmem>>, vector<16xf32>,
        %add3A_667 = arith.constant 8 : i32
        %add3A_668 = arith.addi %mul3A_411, %add3A_667 : i32
        %get3A_669 = arith.index_cast %add3A_668 : i32 to index
        %get3A_670 = arith.constant 48 : index
        %get3A_671 = tpu.vector_load %arg17[%get3A_669, %get3A_670] {strides = array<i32>} : memref<640x64xf32, #tpu.memory_space<vmem>>, vector<16xf32>,
        %mul3A_672 = arith.mulf %get3A_381, %get3A_656 : vector<16xf32>
        %mul3A_673 = arith.mulf %get3A_384, %get3A_661 : vector<16xf32>
        %add3A_674 = arith.addf %mul3A_672, %mul3A_673 : vector<16xf32>
        %mul3A_675 = arith.mulf %get3A_387, %get3A_666 : vector<16xf32>
        %mul3A_676 = arith.mulf %get3A_390, %get3A_671 : vector<16xf32>
        %add3A_677 = arith.addf %mul3A_675, %mul3A_676 : vector<16xf32>
        %add3A_678 = arith.addf %add3A_674, %add3A_677 : vector<16xf32>
        %add3A_679 = arith.constant 2448 : i32
        %add3A_680 = vector.broadcast %add3A_679 : i32 to vector<16xi32>
        %add3A_681 = arith.addi %add3A_379, %add3A_680 : vector<16xi32>
        tpu.vector_store_idx %arg18[%add3A_681], %add3A_678 : memref<5712xf32, #tpu.memory_space<vmem>>[vector<16xi32>], vector<16xf32>,
        %add3A_682 = arith.constant 9 : i32
        %add3A_683 = arith.addi %mul3A_411, %add3A_682 : i32
        %get3A_684 = arith.index_cast %add3A_683 : i32 to index
        %get3A_685 = arith.constant 0 : index
        %get3A_686 = tpu.vector_load %arg17[%get3A_684, %get3A_685] {strides = array<i32>} : memref<640x64xf32, #tpu.memory_space<vmem>>, vector<16xf32>,
        %add3A_687 = arith.constant 9 : i32
        %add3A_688 = arith.addi %mul3A_411, %add3A_687 : i32
        %get3A_689 = arith.index_cast %add3A_688 : i32 to index
        %get3A_690 = arith.constant 16 : index
        %get3A_691 = tpu.vector_load %arg17[%get3A_689, %get3A_690] {strides = array<i32>} : memref<640x64xf32, #tpu.memory_space<vmem>>, vector<16xf32>,
        %add3A_692 = arith.constant 9 : i32
        %add3A_693 = arith.addi %mul3A_411, %add3A_692 : i32
        %get3A_694 = arith.index_cast %add3A_693 : i32 to index
        %get3A_695 = arith.constant 32 : index
        %get3A_696 = tpu.vector_load %arg17[%get3A_694, %get3A_695] {strides = array<i32>} : memref<640x64xf32, #tpu.memory_space<vmem>>, vector<16xf32>,
        %add3A_697 = arith.constant 9 : i32
        %add3A_698 = arith.addi %mul3A_411, %add3A_697 : i32
        %get3A_699 = arith.index_cast %add3A_698 : i32 to index
        %get3A_700 = arith.constant 48 : index
        %get3A_701 = tpu.vector_load %arg17[%get3A_699, %get3A_700] {strides = array<i32>} : memref<640x64xf32, #tpu.memory_space<vmem>>, vector<16xf32>,
        %mul3A_702 = arith.mulf %get3A_381, %get3A_686 : vector<16xf32>
        %mul3A_703 = arith.mulf %get3A_384, %get3A_691 : vector<16xf32>
        %add3A_704 = arith.addf %mul3A_702, %mul3A_703 : vector<16xf32>
        %mul3A_705 = arith.mulf %get3A_387, %get3A_696 : vector<16xf32>
        %mul3A_706 = arith.mulf %get3A_390, %get3A_701 : vector<16xf32>
        %add3A_707 = arith.addf %mul3A_705, %mul3A_706 : vector<16xf32>
        %add3A_708 = arith.addf %add3A_704, %add3A_707 : vector<16xf32>
        %add3A_709 = arith.constant 2720 : i32
        %add3A_710 = vector.broadcast %add3A_709 : i32 to vector<16xi32>
        %add3A_711 = arith.addi %add3A_379, %add3A_710 : vector<16xi32>
        tpu.vector_store_idx %arg18[%add3A_711], %add3A_708 : memref<5712xf32, #tpu.memory_space<vmem>>[vector<16xi32>], vector<16xf32>,
        %add3A_712 = arith.constant 10 : i32
        %add3A_713 = arith.addi %mul3A_411, %add3A_712 : i32
        %get3A_714 = arith.index_cast %add3A_713 : i32 to index
        %get3A_715 = arith.constant 0 : index
        %get3A_716 = tpu.vector_load %arg17[%get3A_714, %get3A_715] {strides = array<i32>} : memref<640x64xf32, #tpu.memory_space<vmem>>, vector<16xf32>,
        %add3A_717 = arith.constant 10 : i32
        %add3A_718 = arith.addi %mul3A_411, %add3A_717 : i32
        %get3A_719 = arith.index_cast %add3A_718 : i32 to index
        %get3A_720 = arith.constant 16 : index
        %get3A_721 = tpu.vector_load %arg17[%get3A_719, %get3A_720] {strides = array<i32>} : memref<640x64xf32, #tpu.memory_space<vmem>>, vector<16xf32>,
        %add3A_722 = arith.constant 10 : i32
        %add3A_723 = arith.addi %mul3A_411, %add3A_722 : i32
        %get3A_724 = arith.index_cast %add3A_723 : i32 to index
        %get3A_725 = arith.constant 32 : index
        %get3A_726 = tpu.vector_load %arg17[%get3A_724, %get3A_725] {strides = array<i32>} : memref<640x64xf32, #tpu.memory_space<vmem>>, vector<16xf32>,
        %add3A_727 = arith.constant 10 : i32
        %add3A_728 = arith.addi %mul3A_411, %add3A_727 : i32
        %get3A_729 = arith.index_cast %add3A_728 : i32 to index
        %get3A_730 = arith.constant 48 : index
        %get3A_731 = tpu.vector_load %arg17[%get3A_729, %get3A_730] {strides = array<i32>} : memref<640x64xf32, #tpu.memory_space<vmem>>, vector<16xf32>,
        %mul3A_732 = arith.mulf %get3A_381, %get3A_716 : vector<16xf32>
        %mul3A_733 = arith.mulf %get3A_384, %get3A_721 : vector<16xf32>
        %add3A_734 = arith.addf %mul3A_732, %mul3A_733 : vector<16xf32>
        %mul3A_735 = arith.mulf %get3A_387, %get3A_726 : vector<16xf32>
        %mul3A_736 = arith.mulf %get3A_390, %get3A_731 : vector<16xf32>
        %add3A_737 = arith.addf %mul3A_735, %mul3A_736 : vector<16xf32>
        %add3A_738 = arith.addf %add3A_734, %add3A_737 : vector<16xf32>
        %add3A_739 = arith.constant 2992 : i32
        %add3A_740 = vector.broadcast %add3A_739 : i32 to vector<16xi32>
        %add3A_741 = arith.addi %add3A_379, %add3A_740 : vector<16xi32>
        tpu.vector_store_idx %arg18[%add3A_741], %add3A_738 : memref<5712xf32, #tpu.memory_space<vmem>>[vector<16xi32>], vector<16xf32>,
        %add3A_742 = arith.constant 11 : i32
        %add3A_743 = arith.addi %mul3A_411, %add3A_742 : i32
        %get3A_744 = arith.index_cast %add3A_743 : i32 to index
        %get3A_745 = arith.constant 0 : index
        %get3A_746 = tpu.vector_load %arg17[%get3A_744, %get3A_745] {strides = array<i32>} : memref<640x64xf32, #tpu.memory_space<vmem>>, vector<16xf32>,
        %add3A_747 = arith.constant 11 : i32
        %add3A_748 = arith.addi %mul3A_411, %add3A_747 : i32
        %get3A_749 = arith.index_cast %add3A_748 : i32 to index
        %get3A_750 = arith.constant 16 : index
        %get3A_751 = tpu.vector_load %arg17[%get3A_749, %get3A_750] {strides = array<i32>} : memref<640x64xf32, #tpu.memory_space<vmem>>, vector<16xf32>,
        %add3A_752 = arith.constant 11 : i32
        %add3A_753 = arith.addi %mul3A_411, %add3A_752 : i32
        %get3A_754 = arith.index_cast %add3A_753 : i32 to index
        %get3A_755 = arith.constant 32 : index
        %get3A_756 = tpu.vector_load %arg17[%get3A_754, %get3A_755] {strides = array<i32>} : memref<640x64xf32, #tpu.memory_space<vmem>>, vector<16xf32>,
        %add3A_757 = arith.constant 11 : i32
        %add3A_758 = arith.addi %mul3A_411, %add3A_757 : i32
        %get3A_759 = arith.index_cast %add3A_758 : i32 to index
        %get3A_760 = arith.constant 48 : index
        %get3A_761 = tpu.vector_load %arg17[%get3A_759, %get3A_760] {strides = array<i32>} : memref<640x64xf32, #tpu.memory_space<vmem>>, vector<16xf32>,
        %mul3A_762 = arith.mulf %get3A_381, %get3A_746 : vector<16xf32>
        %mul3A_763 = arith.mulf %get3A_384, %get3A_751 : vector<16xf32>
        %add3A_764 = arith.addf %mul3A_762, %mul3A_763 : vector<16xf32>
        %mul3A_765 = arith.mulf %get3A_387, %get3A_756 : vector<16xf32>
        %mul3A_766 = arith.mulf %get3A_390, %get3A_761 : vector<16xf32>
        %add3A_767 = arith.addf %mul3A_765, %mul3A_766 : vector<16xf32>
        %add3A_768 = arith.addf %add3A_764, %add3A_767 : vector<16xf32>
        %add3A_769 = arith.constant 3264 : i32
        %add3A_770 = vector.broadcast %add3A_769 : i32 to vector<16xi32>
        %add3A_771 = arith.addi %add3A_379, %add3A_770 : vector<16xi32>
        tpu.vector_store_idx %arg18[%add3A_771], %add3A_768 : memref<5712xf32, #tpu.memory_space<vmem>>[vector<16xi32>], vector<16xf32>,
        %add3A_772 = arith.constant 12 : i32
        %add3A_773 = arith.addi %mul3A_411, %add3A_772 : i32
        %get3A_774 = arith.index_cast %add3A_773 : i32 to index
        %get3A_775 = arith.constant 0 : index
        %get3A_776 = tpu.vector_load %arg17[%get3A_774, %get3A_775] {strides = array<i32>} : memref<640x64xf32, #tpu.memory_space<vmem>>, vector<16xf32>,
        %add3A_777 = arith.constant 12 : i32
        %add3A_778 = arith.addi %mul3A_411, %add3A_777 : i32
        %get3A_779 = arith.index_cast %add3A_778 : i32 to index
        %get3A_780 = arith.constant 16 : index
        %get3A_781 = tpu.vector_load %arg17[%get3A_779, %get3A_780] {strides = array<i32>} : memref<640x64xf32, #tpu.memory_space<vmem>>, vector<16xf32>,
        %add3A_782 = arith.constant 12 : i32
        %add3A_783 = arith.addi %mul3A_411, %add3A_782 : i32
        %get3A_784 = arith.index_cast %add3A_783 : i32 to index
        %get3A_785 = arith.constant 32 : index
        %get3A_786 = tpu.vector_load %arg17[%get3A_784, %get3A_785] {strides = array<i32>} : memref<640x64xf32, #tpu.memory_space<vmem>>, vector<16xf32>,
        %add3A_787 = arith.constant 12 : i32
        %add3A_788 = arith.addi %mul3A_411, %add3A_787 : i32
        %get3A_789 = arith.index_cast %add3A_788 : i32 to index
        %get3A_790 = arith.constant 48 : index
        %get3A_791 = tpu.vector_load %arg17[%get3A_789, %get3A_790] {strides = array<i32>} : memref<640x64xf32, #tpu.memory_space<vmem>>, vector<16xf32>,
        %mul3A_792 = arith.mulf %get3A_381, %get3A_776 : vector<16xf32>
        %mul3A_793 = arith.mulf %get3A_384, %get3A_781 : vector<16xf32>
        %add3A_794 = arith.addf %mul3A_792, %mul3A_793 : vector<16xf32>
        %mul3A_795 = arith.mulf %get3A_387, %get3A_786 : vector<16xf32>
        %mul3A_796 = arith.mulf %get3A_390, %get3A_791 : vector<16xf32>
        %add3A_797 = arith.addf %mul3A_795, %mul3A_796 : vector<16xf32>
        %add3A_798 = arith.addf %add3A_794, %add3A_797 : vector<16xf32>
        %add3A_799 = arith.constant 3536 : i32
        %add3A_800 = vector.broadcast %add3A_799 : i32 to vector<16xi32>
        %add3A_801 = arith.addi %add3A_379, %add3A_800 : vector<16xi32>
        tpu.vector_store_idx %arg18[%add3A_801], %add3A_798 : memref<5712xf32, #tpu.memory_space<vmem>>[vector<16xi32>], vector<16xf32>,
        %add3A_802 = arith.constant 13 : i32
        %add3A_803 = arith.addi %mul3A_411, %add3A_802 : i32
        %get3A_804 = arith.index_cast %add3A_803 : i32 to index
        %get3A_805 = arith.constant 0 : index
        %get3A_806 = tpu.vector_load %arg17[%get3A_804, %get3A_805] {strides = array<i32>} : memref<640x64xf32, #tpu.memory_space<vmem>>, vector<16xf32>,
        %add3A_807 = arith.constant 13 : i32
        %add3A_808 = arith.addi %mul3A_411, %add3A_807 : i32
        %get3A_809 = arith.index_cast %add3A_808 : i32 to index
        %get3A_810 = arith.constant 16 : index
        %get3A_811 = tpu.vector_load %arg17[%get3A_809, %get3A_810] {strides = array<i32>} : memref<640x64xf32, #tpu.memory_space<vmem>>, vector<16xf32>,
        %add3A_812 = arith.constant 13 : i32
        %add3A_813 = arith.addi %mul3A_411, %add3A_812 : i32
        %get3A_814 = arith.index_cast %add3A_813 : i32 to index
        %get3A_815 = arith.constant 32 : index
        %get3A_816 = tpu.vector_load %arg17[%get3A_814, %get3A_815] {strides = array<i32>} : memref<640x64xf32, #tpu.memory_space<vmem>>, vector<16xf32>,
        %add3A_817 = arith.constant 13 : i32
        %add3A_818 = arith.addi %mul3A_411, %add3A_817 : i32
        %get3A_819 = arith.index_cast %add3A_818 : i32 to index
        %get3A_820 = arith.constant 48 : index
        %get3A_821 = tpu.vector_load %arg17[%get3A_819, %get3A_820] {strides = array<i32>} : memref<640x64xf32, #tpu.memory_space<vmem>>, vector<16xf32>,
        %mul3A_822 = arith.mulf %get3A_381, %get3A_806 : vector<16xf32>
        %mul3A_823 = arith.mulf %get3A_384, %get3A_811 : vector<16xf32>
        %add3A_824 = arith.addf %mul3A_822, %mul3A_823 : vector<16xf32>
        %mul3A_825 = arith.mulf %get3A_387, %get3A_816 : vector<16xf32>
        %mul3A_826 = arith.mulf %get3A_390, %get3A_821 : vector<16xf32>
        %add3A_827 = arith.addf %mul3A_825, %mul3A_826 : vector<16xf32>
        %add3A_828 = arith.addf %add3A_824, %add3A_827 : vector<16xf32>
        %add3A_829 = arith.constant 3808 : i32
        %add3A_830 = vector.broadcast %add3A_829 : i32 to vector<16xi32>
        %add3A_831 = arith.addi %add3A_379, %add3A_830 : vector<16xi32>
        tpu.vector_store_idx %arg18[%add3A_831], %add3A_828 : memref<5712xf32, #tpu.memory_space<vmem>>[vector<16xi32>], vector<16xf32>,
        %add3A_832 = arith.constant 14 : i32
        %add3A_833 = arith.addi %mul3A_411, %add3A_832 : i32
        %get3A_834 = arith.index_cast %add3A_833 : i32 to index
        %get3A_835 = arith.constant 0 : index
        %get3A_836 = tpu.vector_load %arg17[%get3A_834, %get3A_835] {strides = array<i32>} : memref<640x64xf32, #tpu.memory_space<vmem>>, vector<16xf32>,
        %add3A_837 = arith.constant 14 : i32
        %add3A_838 = arith.addi %mul3A_411, %add3A_837 : i32
        %get3A_839 = arith.index_cast %add3A_838 : i32 to index
        %get3A_840 = arith.constant 16 : index
        %get3A_841 = tpu.vector_load %arg17[%get3A_839, %get3A_840] {strides = array<i32>} : memref<640x64xf32, #tpu.memory_space<vmem>>, vector<16xf32>,
        %add3A_842 = arith.constant 14 : i32
        %add3A_843 = arith.addi %mul3A_411, %add3A_842 : i32
        %get3A_844 = arith.index_cast %add3A_843 : i32 to index
        %get3A_845 = arith.constant 32 : index
        %get3A_846 = tpu.vector_load %arg17[%get3A_844, %get3A_845] {strides = array<i32>} : memref<640x64xf32, #tpu.memory_space<vmem>>, vector<16xf32>,
        %add3A_847 = arith.constant 14 : i32
        %add3A_848 = arith.addi %mul3A_411, %add3A_847 : i32
        %get3A_849 = arith.index_cast %add3A_848 : i32 to index
        %get3A_850 = arith.constant 48 : index
        %get3A_851 = tpu.vector_load %arg17[%get3A_849, %get3A_850] {strides = array<i32>} : memref<640x64xf32, #tpu.memory_space<vmem>>, vector<16xf32>,
        %mul3A_852 = arith.mulf %get3A_381, %get3A_836 : vector<16xf32>
        %mul3A_853 = arith.mulf %get3A_384, %get3A_841 : vector<16xf32>
        %add3A_854 = arith.addf %mul3A_852, %mul3A_853 : vector<16xf32>
        %mul3A_855 = arith.mulf %get3A_387, %get3A_846 : vector<16xf32>
        %mul3A_856 = arith.mulf %get3A_390, %get3A_851 : vector<16xf32>
        %add3A_857 = arith.addf %mul3A_855, %mul3A_856 : vector<16xf32>
        %add3A_858 = arith.addf %add3A_854, %add3A_857 : vector<16xf32>
        %add3A_859 = arith.constant 4080 : i32
        %add3A_860 = vector.broadcast %add3A_859 : i32 to vector<16xi32>
        %add3A_861 = arith.addi %add3A_379, %add3A_860 : vector<16xi32>
        tpu.vector_store_idx %arg18[%add3A_861], %add3A_858 : memref<5712xf32, #tpu.memory_space<vmem>>[vector<16xi32>], vector<16xf32>,
        %add3A_862 = arith.constant 15 : i32
        %add3A_863 = arith.addi %mul3A_411, %add3A_862 : i32
        %get3A_864 = arith.index_cast %add3A_863 : i32 to index
        %get3A_865 = arith.constant 0 : index
        %get3A_866 = tpu.vector_load %arg17[%get3A_864, %get3A_865] {strides = array<i32>} : memref<640x64xf32, #tpu.memory_space<vmem>>, vector<16xf32>,
        %add3A_867 = arith.constant 15 : i32
        %add3A_868 = arith.addi %mul3A_411, %add3A_867 : i32
        %get3A_869 = arith.index_cast %add3A_868 : i32 to index
        %get3A_870 = arith.constant 16 : index
        %get3A_871 = tpu.vector_load %arg17[%get3A_869, %get3A_870] {strides = array<i32>} : memref<640x64xf32, #tpu.memory_space<vmem>>, vector<16xf32>,
        %add3A_872 = arith.constant 15 : i32
        %add3A_873 = arith.addi %mul3A_411, %add3A_872 : i32
        %get3A_874 = arith.index_cast %add3A_873 : i32 to index
        %get3A_875 = arith.constant 32 : index
        %get3A_876 = tpu.vector_load %arg17[%get3A_874, %get3A_875] {strides = array<i32>} : memref<640x64xf32, #tpu.memory_space<vmem>>, vector<16xf32>,
        %add3A_877 = arith.constant 15 : i32
        %add3A_878 = arith.addi %mul3A_411, %add3A_877 : i32
        %get3A_879 = arith.index_cast %add3A_878 : i32 to index
        %get3A_880 = arith.constant 48 : index
        %get3A_881 = tpu.vector_load %arg17[%get3A_879, %get3A_880] {strides = array<i32>} : memref<640x64xf32, #tpu.memory_space<vmem>>, vector<16xf32>,
        %mul3A_882 = arith.mulf %get3A_381, %get3A_866 : vector<16xf32>
        %mul3A_883 = arith.mulf %get3A_384, %get3A_871 : vector<16xf32>
        %add3A_884 = arith.addf %mul3A_882, %mul3A_883 : vector<16xf32>
        %mul3A_885 = arith.mulf %get3A_387, %get3A_876 : vector<16xf32>
        %mul3A_886 = arith.mulf %get3A_390, %get3A_881 : vector<16xf32>
        %add3A_887 = arith.addf %mul3A_885, %mul3A_886 : vector<16xf32>
        %add3A_888 = arith.addf %add3A_884, %add3A_887 : vector<16xf32>
        %add3A_889 = arith.constant 4352 : i32
        %add3A_890 = vector.broadcast %add3A_889 : i32 to vector<16xi32>
        %add3A_891 = arith.addi %add3A_379, %add3A_890 : vector<16xi32>
        tpu.vector_store_idx %arg18[%add3A_891], %add3A_888 : memref<5712xf32, #tpu.memory_space<vmem>>[vector<16xi32>], vector<16xf32>,
        %add3A_892 = arith.constant 16 : i32
        %add3A_893 = arith.addi %mul3A_411, %add3A_892 : i32
        %get3A_894 = arith.index_cast %add3A_893 : i32 to index
        %get3A_895 = arith.constant 0 : index
        %get3A_896 = tpu.vector_load %arg17[%get3A_894, %get3A_895] {strides = array<i32>} : memref<640x64xf32, #tpu.memory_space<vmem>>, vector<16xf32>,
        %add3A_897 = arith.constant 16 : i32
        %add3A_898 = arith.addi %mul3A_411, %add3A_897 : i32
        %get3A_899 = arith.index_cast %add3A_898 : i32 to index
        %get3A_900 = arith.constant 16 : index
        %get3A_901 = tpu.vector_load %arg17[%get3A_899, %get3A_900] {strides = array<i32>} : memref<640x64xf32, #tpu.memory_space<vmem>>, vector<16xf32>,
        %add3A_902 = arith.constant 16 : i32
        %add3A_903 = arith.addi %mul3A_411, %add3A_902 : i32
        %get3A_904 = arith.index_cast %add3A_903 : i32 to index
        %get3A_905 = arith.constant 32 : index
        %get3A_906 = tpu.vector_load %arg17[%get3A_904, %get3A_905] {strides = array<i32>} : memref<640x64xf32, #tpu.memory_space<vmem>>, vector<16xf32>,
        %add3A_907 = arith.constant 16 : i32
        %add3A_908 = arith.addi %mul3A_411, %add3A_907 : i32
        %get3A_909 = arith.index_cast %add3A_908 : i32 to index
        %get3A_910 = arith.constant 48 : index
        %get3A_911 = tpu.vector_load %arg17[%get3A_909, %get3A_910] {strides = array<i32>} : memref<640x64xf32, #tpu.memory_space<vmem>>, vector<16xf32>,
        %mul3A_912 = arith.mulf %get3A_381, %get3A_896 : vector<16xf32>
        %mul3A_913 = arith.mulf %get3A_384, %get3A_901 : vector<16xf32>
        %add3A_914 = arith.addf %mul3A_912, %mul3A_913 : vector<16xf32>
        %mul3A_915 = arith.mulf %get3A_387, %get3A_906 : vector<16xf32>
        %mul3A_916 = arith.mulf %get3A_390, %get3A_911 : vector<16xf32>
        %add3A_917 = arith.addf %mul3A_915, %mul3A_916 : vector<16xf32>
        %add3A_918 = arith.addf %add3A_914, %add3A_917 : vector<16xf32>
        %add3A_919 = arith.constant 4624 : i32
        %add3A_920 = vector.broadcast %add3A_919 : i32 to vector<16xi32>
        %add3A_921 = arith.addi %add3A_379, %add3A_920 : vector<16xi32>
        tpu.vector_store_idx %arg18[%add3A_921], %add3A_918 : memref<5712xf32, #tpu.memory_space<vmem>>[vector<16xi32>], vector<16xf32>,
        %add3A_922 = arith.constant 17 : i32
        %add3A_923 = arith.addi %mul3A_411, %add3A_922 : i32
        %get3A_924 = arith.index_cast %add3A_923 : i32 to index
        %get3A_925 = arith.constant 0 : index
        %get3A_926 = tpu.vector_load %arg17[%get3A_924, %get3A_925] {strides = array<i32>} : memref<640x64xf32, #tpu.memory_space<vmem>>, vector<16xf32>,
        %add3A_927 = arith.constant 17 : i32
        %add3A_928 = arith.addi %mul3A_411, %add3A_927 : i32
        %get3A_929 = arith.index_cast %add3A_928 : i32 to index
        %get3A_930 = arith.constant 16 : index
        %get3A_931 = tpu.vector_load %arg17[%get3A_929, %get3A_930] {strides = array<i32>} : memref<640x64xf32, #tpu.memory_space<vmem>>, vector<16xf32>,
        %add3A_932 = arith.constant 17 : i32
        %add3A_933 = arith.addi %mul3A_411, %add3A_932 : i32
        %get3A_934 = arith.index_cast %add3A_933 : i32 to index
        %get3A_935 = arith.constant 32 : index
        %get3A_936 = tpu.vector_load %arg17[%get3A_934, %get3A_935] {strides = array<i32>} : memref<640x64xf32, #tpu.memory_space<vmem>>, vector<16xf32>,
        %add3A_937 = arith.constant 17 : i32
        %add3A_938 = arith.addi %mul3A_411, %add3A_937 : i32
        %get3A_939 = arith.index_cast %add3A_938 : i32 to index
        %get3A_940 = arith.constant 48 : index
        %get3A_941 = tpu.vector_load %arg17[%get3A_939, %get3A_940] {strides = array<i32>} : memref<640x64xf32, #tpu.memory_space<vmem>>, vector<16xf32>,
        %mul3A_942 = arith.mulf %get3A_381, %get3A_926 : vector<16xf32>
        %mul3A_943 = arith.mulf %get3A_384, %get3A_931 : vector<16xf32>
        %add3A_944 = arith.addf %mul3A_942, %mul3A_943 : vector<16xf32>
        %mul3A_945 = arith.mulf %get3A_387, %get3A_936 : vector<16xf32>
        %mul3A_946 = arith.mulf %get3A_390, %get3A_941 : vector<16xf32>
        %add3A_947 = arith.addf %mul3A_945, %mul3A_946 : vector<16xf32>
        %add3A_948 = arith.addf %add3A_944, %add3A_947 : vector<16xf32>
        %add3A_949 = arith.constant 4896 : i32
        %add3A_950 = vector.broadcast %add3A_949 : i32 to vector<16xi32>
        %add3A_951 = arith.addi %add3A_379, %add3A_950 : vector<16xi32>
        tpu.vector_store_idx %arg18[%add3A_951], %add3A_948 : memref<5712xf32, #tpu.memory_space<vmem>>[vector<16xi32>], vector<16xf32>,
        %add3A_952 = arith.constant 18 : i32
        %add3A_953 = arith.addi %mul3A_411, %add3A_952 : i32
        %get3A_954 = arith.index_cast %add3A_953 : i32 to index
        %get3A_955 = arith.constant 0 : index
        %get3A_956 = tpu.vector_load %arg17[%get3A_954, %get3A_955] {strides = array<i32>} : memref<640x64xf32, #tpu.memory_space<vmem>>, vector<16xf32>,
        %add3A_957 = arith.constant 18 : i32
        %add3A_958 = arith.addi %mul3A_411, %add3A_957 : i32
        %get3A_959 = arith.index_cast %add3A_958 : i32 to index
        %get3A_960 = arith.constant 16 : index
        %get3A_961 = tpu.vector_load %arg17[%get3A_959, %get3A_960] {strides = array<i32>} : memref<640x64xf32, #tpu.memory_space<vmem>>, vector<16xf32>,
        %add3A_962 = arith.constant 18 : i32
        %add3A_963 = arith.addi %mul3A_411, %add3A_962 : i32
        %get3A_964 = arith.index_cast %add3A_963 : i32 to index
        %get3A_965 = arith.constant 32 : index
        %get3A_966 = tpu.vector_load %arg17[%get3A_964, %get3A_965] {strides = array<i32>} : memref<640x64xf32, #tpu.memory_space<vmem>>, vector<16xf32>,
        %add3A_967 = arith.constant 18 : i32
        %add3A_968 = arith.addi %mul3A_411, %add3A_967 : i32
        %get3A_969 = arith.index_cast %add3A_968 : i32 to index
        %get3A_970 = arith.constant 48 : index
        %get3A_971 = tpu.vector_load %arg17[%get3A_969, %get3A_970] {strides = array<i32>} : memref<640x64xf32, #tpu.memory_space<vmem>>, vector<16xf32>,
        %mul3A_972 = arith.mulf %get3A_381, %get3A_956 : vector<16xf32>
        %mul3A_973 = arith.mulf %get3A_384, %get3A_961 : vector<16xf32>
        %add3A_974 = arith.addf %mul3A_972, %mul3A_973 : vector<16xf32>
        %mul3A_975 = arith.mulf %get3A_387, %get3A_966 : vector<16xf32>
        %mul3A_976 = arith.mulf %get3A_390, %get3A_971 : vector<16xf32>
        %add3A_977 = arith.addf %mul3A_975, %mul3A_976 : vector<16xf32>
        %add3A_978 = arith.addf %add3A_974, %add3A_977 : vector<16xf32>
        %add3A_979 = arith.constant 5168 : i32
        %add3A_980 = vector.broadcast %add3A_979 : i32 to vector<16xi32>
        %add3A_981 = arith.addi %add3A_379, %add3A_980 : vector<16xi32>
        tpu.vector_store_idx %arg18[%add3A_981], %add3A_978 : memref<5712xf32, #tpu.memory_space<vmem>>[vector<16xi32>], vector<16xf32>,
        %add3A_982 = arith.constant 19 : i32
        %add3A_983 = arith.addi %mul3A_411, %add3A_982 : i32
        %get3A_984 = arith.index_cast %add3A_983 : i32 to index
        %get3A_985 = arith.constant 0 : index
        %get3A_986 = tpu.vector_load %arg17[%get3A_984, %get3A_985] {strides = array<i32>} : memref<640x64xf32, #tpu.memory_space<vmem>>, vector<16xf32>,
        %add3A_987 = arith.constant 19 : i32
        %add3A_988 = arith.addi %mul3A_411, %add3A_987 : i32
        %get3A_989 = arith.index_cast %add3A_988 : i32 to index
        %get3A_990 = arith.constant 16 : index
        %get3A_991 = tpu.vector_load %arg17[%get3A_989, %get3A_990] {strides = array<i32>} : memref<640x64xf32, #tpu.memory_space<vmem>>, vector<16xf32>,
        %add3A_992 = arith.constant 19 : i32
        %add3A_993 = arith.addi %mul3A_411, %add3A_992 : i32
        %get3A_994 = arith.index_cast %add3A_993 : i32 to index
        %get3A_995 = arith.constant 32 : index
        %get3A_996 = tpu.vector_load %arg17[%get3A_994, %get3A_995] {strides = array<i32>} : memref<640x64xf32, #tpu.memory_space<vmem>>, vector<16xf32>,
        %add3A_997 = arith.constant 19 : i32
        %add3A_998 = arith.addi %mul3A_411, %add3A_997 : i32
        %get3A_999 = arith.index_cast %add3A_998 : i32 to index
        %get3A_1000 = arith.constant 48 : index
        %get3A_1001 = tpu.vector_load %arg17[%get3A_999, %get3A_1000] {strides = array<i32>} : memref<640x64xf32, #tpu.memory_space<vmem>>, vector<16xf32>,
        %mul3A_1002 = arith.mulf %get3A_381, %get3A_986 : vector<16xf32>
        %mul3A_1003 = arith.mulf %get3A_384, %get3A_991 : vector<16xf32>
        %add3A_1004 = arith.addf %mul3A_1002, %mul3A_1003 : vector<16xf32>
        %mul3A_1005 = arith.mulf %get3A_387, %get3A_996 : vector<16xf32>
        %mul3A_1006 = arith.mulf %get3A_390, %get3A_1001 : vector<16xf32>
        %add3A_1007 = arith.addf %mul3A_1005, %mul3A_1006 : vector<16xf32>
        %add3A_1008 = arith.addf %add3A_1004, %add3A_1007 : vector<16xf32>
        %add3A_1009 = arith.constant 5440 : i32
        %add3A_1010 = vector.broadcast %add3A_1009 : i32 to vector<16xi32>
        %add3A_1011 = arith.addi %add3A_379, %add3A_1010 : vector<16xi32>
        tpu.vector_store_idx %arg18[%add3A_1011], %add3A_1008 : memref<5712xf32, #tpu.memory_space<vmem>>[vector<16xi32>], vector<16xf32>,
      }
      %scan3A_352 = arith.constant 16 : i32
      %mul3A_353 = arith.constant 32 : i32
      %mul3A_354 = arith.muli %add3A_330, %mul3A_353 : i32
      %add3A_355 = arith.constant 16 : i32
      %add3A_356 = arith.addi %mul3A_354, %add3A_355 : i32
      %scan3A_357 = arith.constant 0 : i32
      %scan3A_358 = arith.constant 0 : i32
      %scan3A_359 = arith.constant 21 : i32
      %scan3A_360 = arith.addi %scan3A_358, %scan3A_359 : i32
      %scan3A_361 = arith.constant 1 : i32
      scf.for %scan3A_372 = %scan3A_358 to %scan3A_360 step %scan3A_361  : i32 {
        %mul3A_373 = arith.constant 272 : i32
        %mul3A_374 = arith.muli %scan3A_372, %mul3A_373 : i32
        %get3A = arith.index_cast %mul3A_374 : i32 to index
        %get3A_375 = tpu.vector_load %arg18[%get3A] {strides = array<i32>} : memref<5712xf32, #tpu.memory_space<vmem>>, vector<16xf32>,
        %add3A_376 = arith.constant 17 : i32
        %add3A_377 = arith.addi %mul3A_374, %add3A_376 : i32
        %get3A_378 = arith.index_cast %add3A_377 : i32 to index
        %get3A_379 = tpu.vector_load %arg18[%get3A_378] {strides = array<i32>} : memref<5712xf32, #tpu.memory_space<vmem>>, vector<16xf32>,
        %add3A_380 = arith.addf %get3A_375, %get3A_379 : vector<16xf32>
        %add3A_381 = arith.constant 34 : i32
        %add3A_382 = arith.addi %mul3A_374, %add3A_381 : i32
        %get3A_383 = arith.index_cast %add3A_382 : i32 to index
        %get3A_384 = tpu.vector_load %arg18[%get3A_383] {strides = array<i32>} : memref<5712xf32, #tpu.memory_space<vmem>>, vector<16xf32>,
        %add3A_385 = arith.addf %add3A_380, %get3A_384 : vector<16xf32>
        %add3A_386 = arith.constant 51 : i32
        %add3A_387 = arith.addi %mul3A_374, %add3A_386 : i32
        %get3A_388 = arith.index_cast %add3A_387 : i32 to index
        %get3A_389 = tpu.vector_load %arg18[%get3A_388] {strides = array<i32>} : memref<5712xf32, #tpu.memory_space<vmem>>, vector<16xf32>,
        %add3A_390 = arith.addf %add3A_385, %get3A_389 : vector<16xf32>
        %add3A_391 = arith.constant 68 : i32
        %add3A_392 = arith.addi %mul3A_374, %add3A_391 : i32
        %get3A_393 = arith.index_cast %add3A_392 : i32 to index
        %get3A_394 = tpu.vector_load %arg18[%get3A_393] {strides = array<i32>} : memref<5712xf32, #tpu.memory_space<vmem>>, vector<16xf32>,
        %add3A_395 = arith.addf %add3A_390, %get3A_394 : vector<16xf32>
        %add3A_396 = arith.constant 85 : i32
        %add3A_397 = arith.addi %mul3A_374, %add3A_396 : i32
        %get3A_398 = arith.index_cast %add3A_397 : i32 to index
        %get3A_399 = tpu.vector_load %arg18[%get3A_398] {strides = array<i32>} : memref<5712xf32, #tpu.memory_space<vmem>>, vector<16xf32>,
        %add3A_400 = arith.addf %add3A_395, %get3A_399 : vector<16xf32>
        %add3A_401 = arith.constant 102 : i32
        %add3A_402 = arith.addi %mul3A_374, %add3A_401 : i32
        %get3A_403 = arith.index_cast %add3A_402 : i32 to index
        %get3A_404 = tpu.vector_load %arg18[%get3A_403] {strides = array<i32>} : memref<5712xf32, #tpu.memory_space<vmem>>, vector<16xf32>,
        %add3A_405 = arith.addf %add3A_400, %get3A_404 : vector<16xf32>
        %add3A_406 = arith.constant 119 : i32
        %add3A_407 = arith.addi %mul3A_374, %add3A_406 : i32
        %get3A_408 = arith.index_cast %add3A_407 : i32 to index
        %get3A_409 = tpu.vector_load %arg18[%get3A_408] {strides = array<i32>} : memref<5712xf32, #tpu.memory_space<vmem>>, vector<16xf32>,
        %add3A_410 = arith.addf %add3A_405, %get3A_409 : vector<16xf32>
        %add3A_411 = arith.constant 136 : i32
        %add3A_412 = arith.addi %mul3A_374, %add3A_411 : i32
        %get3A_413 = arith.index_cast %add3A_412 : i32 to index
        %get3A_414 = tpu.vector_load %arg18[%get3A_413] {strides = array<i32>} : memref<5712xf32, #tpu.memory_space<vmem>>, vector<16xf32>,
        %add3A_415 = arith.addf %add3A_410, %get3A_414 : vector<16xf32>
        %add3A_416 = arith.constant 153 : i32
        %add3A_417 = arith.addi %mul3A_374, %add3A_416 : i32
        %get3A_418 = arith.index_cast %add3A_417 : i32 to index
        %get3A_419 = tpu.vector_load %arg18[%get3A_418] {strides = array<i32>} : memref<5712xf32, #tpu.memory_space<vmem>>, vector<16xf32>,
        %add3A_420 = arith.addf %add3A_415, %get3A_419 : vector<16xf32>
        %add3A_421 = arith.constant 170 : i32
        %add3A_422 = arith.addi %mul3A_374, %add3A_421 : i32
        %get3A_423 = arith.index_cast %add3A_422 : i32 to index
        %get3A_424 = tpu.vector_load %arg18[%get3A_423] {strides = array<i32>} : memref<5712xf32, #tpu.memory_space<vmem>>, vector<16xf32>,
        %add3A_425 = arith.addf %add3A_420, %get3A_424 : vector<16xf32>
        %add3A_426 = arith.constant 187 : i32
        %add3A_427 = arith.addi %mul3A_374, %add3A_426 : i32
        %get3A_428 = arith.index_cast %add3A_427 : i32 to index
        %get3A_429 = tpu.vector_load %arg18[%get3A_428] {strides = array<i32>} : memref<5712xf32, #tpu.memory_space<vmem>>, vector<16xf32>,
        %add3A_430 = arith.addf %add3A_425, %get3A_429 : vector<16xf32>
        %add3A_431 = arith.constant 204 : i32
        %add3A_432 = arith.addi %mul3A_374, %add3A_431 : i32
        %get3A_433 = arith.index_cast %add3A_432 : i32 to index
        %get3A_434 = tpu.vector_load %arg18[%get3A_433] {strides = array<i32>} : memref<5712xf32, #tpu.memory_space<vmem>>, vector<16xf32>,
        %add3A_435 = arith.addf %add3A_430, %get3A_434 : vector<16xf32>
        %add3A_436 = arith.constant 221 : i32
        %add3A_437 = arith.addi %mul3A_374, %add3A_436 : i32
        %get3A_438 = arith.index_cast %add3A_437 : i32 to index
        %get3A_439 = tpu.vector_load %arg18[%get3A_438] {strides = array<i32>} : memref<5712xf32, #tpu.memory_space<vmem>>, vector<16xf32>,
        %add3A_440 = arith.addf %add3A_435, %get3A_439 : vector<16xf32>
        %add3A_441 = arith.constant 238 : i32
        %add3A_442 = arith.addi %mul3A_374, %add3A_441 : i32
        %get3A_443 = arith.index_cast %add3A_442 : i32 to index
        %get3A_444 = tpu.vector_load %arg18[%get3A_443] {strides = array<i32>} : memref<5712xf32, #tpu.memory_space<vmem>>, vector<16xf32>,
        %add3A_445 = arith.addf %add3A_440, %get3A_444 : vector<16xf32>
        %add3A_446 = arith.constant 255 : i32
        %add3A_447 = arith.addi %mul3A_374, %add3A_446 : i32
        %get3A_448 = arith.index_cast %add3A_447 : i32 to index
        %get3A_449 = tpu.vector_load %arg18[%get3A_448] {strides = array<i32>} : memref<5712xf32, #tpu.memory_space<vmem>>, vector<16xf32>,
        %add3A_450 = arith.addf %add3A_445, %get3A_449 : vector<16xf32>
        %mul3A_451 = arith.constant 512 : i32
        %mul3A_452 = arith.muli %scan3A_372, %mul3A_451 : i32
        %add3A_453 = arith.addi %mul3A_452, %add3A_356 : i32
        %swap3A = arith.index_cast %add3A_453 : i32 to index
        %swap3A_454 = tpu.vector_load %arg19[%swap3A] {strides = array<i32>} : memref<10752xf32, #tpu.memory_space<vmem>>, vector<16xf32>,
        tpu.vector_store %arg19[%swap3A], %add3A_450 {strides = array<i32>} : memref<10752xf32, #tpu.memory_space<vmem>>, vector<16xf32>,
      }
      %scan3A_362 = arith.constant 21 : i32
      %add3A_363 = arith.constant 1 : i32
      %add3A_364 = arith.addi %add3A_131, %add3A_363 : i32
      %add3A_365 = arith.constant 2 : i32
      %add3A_366 = arith.addi %add3A_364, %add3A_365 : i32
      %lt3A_367 = arith.constant 16 : i32
      %lt3A_368 = arith.cmpi slt, %add3A_366, %lt3A_367 : i32
      %convert_element_type3A_369 = arith.extui %lt3A_368 : i1 to i32
      %cond3A_370 = arith.constant 0 : i32
      %cond3A_371 = arith.cmpi ne, %convert_element_type3A_369, %cond3A_370 : i32
      scf.if %cond3A_371 {
        %add3A_372 = arith.constant 1 : i32
        %add3A_373 = arith.addi %add3A_131, %add3A_372 : i32
        %add3A_374 = arith.constant 2 : i32
        %add3A_375 = arith.addi %add3A_373, %add3A_374 : i32
        %mul3A_376 = arith.constant 32 : i32
        %mul3A_377 = arith.muli %add3A_375, %mul3A_376 : i32
        %mul3A_378 = arith.constant 32 : i32
        %mul3A_379 = arith.muli %add3A_375, %mul3A_378 : i32
        %mul3A_380 = arith.constant 32 : i32
        %mul3A_381 = arith.muli %add3A_375, %mul3A_380 : i32
        %mul3A_382 = arith.constant 20 : i32
        %mul3A_383 = arith.muli %mul3A_381, %mul3A_382 : i32
        %add3A_384 = arith.constant 0 : i32
        %add3A_385 = arith.addi %mul3A_383, %add3A_384 : i32
        %mul3A_386 = arith.constant 32 : i32
        %mul3A_387 = arith.muli %add3A_375, %mul3A_386 : i32
        %mul3A_388 = arith.constant 20 : i32
        %mul3A_389 = arith.muli %mul3A_387, %mul3A_388 : i32
        %add3A_390 = arith.constant 128 : i32
        %add3A_391 = arith.addi %mul3A_389, %add3A_390 : i32
        %mul3A_392 = arith.constant 32 : i32
        %mul3A_393 = arith.muli %add3A_375, %mul3A_392 : i32
        %mul3A_394 = arith.constant 20 : i32
        %mul3A_395 = arith.muli %mul3A_393, %mul3A_394 : i32
        %add3A_396 = arith.constant 256 : i32
        %add3A_397 = arith.addi %mul3A_395, %add3A_396 : i32
        %mul3A_398 = arith.constant 32 : i32
        %mul3A_399 = arith.muli %add3A_375, %mul3A_398 : i32
        %mul3A_400 = arith.constant 20 : i32
        %mul3A_401 = arith.muli %mul3A_399, %mul3A_400 : i32
        %add3A_402 = arith.constant 384 : i32
        %add3A_403 = arith.addi %mul3A_401, %add3A_402 : i32
        %mul3A_404 = arith.constant 32 : i32
        %mul3A_405 = arith.muli %add3A_375, %mul3A_404 : i32
        %mul3A_406 = arith.constant 20 : i32
        %mul3A_407 = arith.muli %mul3A_405, %mul3A_406 : i32
        %add3A_408 = arith.constant 512 : i32
        %add3A_409 = arith.addi %mul3A_407, %add3A_408 : i32
        %dma_start3A_410 = tpu.memref_slice %arg9[%mul3A_377] : memref<512xi32, #tpu.memory_space<vmem>> -> memref<32xi32, #tpu.memory_space<vmem>>
        %dma_start3A_411 = arith.constant 0 : i32
        %dma_start3A_412 = arith.constant 0 : i32
        %dma_start3A_413 = tpu.memref_slice %arg5[%dma_start3A_411, %dma_start3A_412] : memref<1000000x64xf32, #tpu.memory_space<hbm>> -> memref<1000000x64xf32, #tpu.memory_space<hbm>>
        tpu.enqueue_indirect_dma source(%dma_start3A_413 : memref<1000000x64xf32, #tpu.memory_space<hbm>>) target(%arg15 : memref<32x64xf32, #tpu.memory_space<vmem>>) offsets(%dma_start3A_410 : memref<32xi32, #tpu.memory_space<vmem>>) semaphore(%arg21 : memref<!tpu.dma_semaphore, #tpu.memory_space<semaphore_mem>>)
        %dma_start3A_414 = tpu.memref_slice %arg10[%mul3A_379] : memref<512xi32, #tpu.memory_space<vmem>> -> memref<32xi32, #tpu.memory_space<vmem>>
        %dma_start3A_415 = arith.constant 0 : i32
        %dma_start3A_416 = arith.constant 0 : i32
        %dma_start3A_417 = tpu.memref_slice %arg6[%dma_start3A_415, %dma_start3A_416] : memref<1000000x64xf32, #tpu.memory_space<hbm>> -> memref<1000000x64xf32, #tpu.memory_space<hbm>>
        tpu.enqueue_indirect_dma source(%dma_start3A_417 : memref<1000000x64xf32, #tpu.memory_space<hbm>>) target(%arg16 : memref<32x64xf32, #tpu.memory_space<vmem>>) offsets(%dma_start3A_414 : memref<32xi32, #tpu.memory_space<vmem>>) semaphore(%arg21 : memref<!tpu.dma_semaphore, #tpu.memory_space<semaphore_mem>>)
        %dma_start3A_418 = arith.constant 0 : i32
        %dma_start3A_419 = arith.constant 0 : i32
        %dma_start3A_420 = tpu.memref_slice %arg17[%dma_start3A_418, %dma_start3A_419] : memref<640x64xf32, #tpu.memory_space<vmem>> -> memref<128x64xf32, #tpu.memory_space<vmem>>
        %dma_start3A_421 = tpu.memref_slice %arg11[%add3A_385] : memref<10240xi32, #tpu.memory_space<vmem>> -> memref<128xi32, #tpu.memory_space<vmem>>
        %dma_start3A_422 = arith.constant 0 : i32
        %dma_start3A_423 = arith.constant 0 : i32
        %dma_start3A_424 = tpu.memref_slice %arg6[%dma_start3A_422, %dma_start3A_423] : memref<1000000x64xf32, #tpu.memory_space<hbm>> -> memref<1000000x64xf32, #tpu.memory_space<hbm>>
        tpu.enqueue_indirect_dma source(%dma_start3A_424 : memref<1000000x64xf32, #tpu.memory_space<hbm>>) target(%dma_start3A_420 : memref<128x64xf32, #tpu.memory_space<vmem>>) offsets(%dma_start3A_421 : memref<128xi32, #tpu.memory_space<vmem>>) semaphore(%arg21 : memref<!tpu.dma_semaphore, #tpu.memory_space<semaphore_mem>>)
        %dma_start3A_425 = arith.constant 128 : i32
        %dma_start3A_426 = arith.constant 0 : i32
        %dma_start3A_427 = tpu.memref_slice %arg17[%dma_start3A_425, %dma_start3A_426] : memref<640x64xf32, #tpu.memory_space<vmem>> -> memref<128x64xf32, #tpu.memory_space<vmem>>
        %dma_start3A_428 = tpu.memref_slice %arg11[%add3A_391] : memref<10240xi32, #tpu.memory_space<vmem>> -> memref<128xi32, #tpu.memory_space<vmem>>
        %dma_start3A_429 = arith.constant 0 : i32
        %dma_start3A_430 = arith.constant 0 : i32
        %dma_start3A_431 = tpu.memref_slice %arg6[%dma_start3A_429, %dma_start3A_430] : memref<1000000x64xf32, #tpu.memory_space<hbm>> -> memref<1000000x64xf32, #tpu.memory_space<hbm>>
        tpu.enqueue_indirect_dma source(%dma_start3A_431 : memref<1000000x64xf32, #tpu.memory_space<hbm>>) target(%dma_start3A_427 : memref<128x64xf32, #tpu.memory_space<vmem>>) offsets(%dma_start3A_428 : memref<128xi32, #tpu.memory_space<vmem>>) semaphore(%arg21 : memref<!tpu.dma_semaphore, #tpu.memory_space<semaphore_mem>>)
        %dma_start3A_432 = arith.constant 256 : i32
        %dma_start3A_433 = arith.constant 0 : i32
        %dma_start3A_434 = tpu.memref_slice %arg17[%dma_start3A_432, %dma_start3A_433] : memref<640x64xf32, #tpu.memory_space<vmem>> -> memref<128x64xf32, #tpu.memory_space<vmem>>
        %dma_start3A_435 = tpu.memref_slice %arg11[%add3A_397] : memref<10240xi32, #tpu.memory_space<vmem>> -> memref<128xi32, #tpu.memory_space<vmem>>
        %dma_start3A_436 = arith.constant 0 : i32
        %dma_start3A_437 = arith.constant 0 : i32
        %dma_start3A_438 = tpu.memref_slice %arg6[%dma_start3A_436, %dma_start3A_437] : memref<1000000x64xf32, #tpu.memory_space<hbm>> -> memref<1000000x64xf32, #tpu.memory_space<hbm>>
        tpu.enqueue_indirect_dma source(%dma_start3A_438 : memref<1000000x64xf32, #tpu.memory_space<hbm>>) target(%dma_start3A_434 : memref<128x64xf32, #tpu.memory_space<vmem>>) offsets(%dma_start3A_435 : memref<128xi32, #tpu.memory_space<vmem>>) semaphore(%arg21 : memref<!tpu.dma_semaphore, #tpu.memory_space<semaphore_mem>>)
        %dma_start3A_439 = arith.constant 384 : i32
        %dma_start3A_440 = arith.constant 0 : i32
        %dma_start3A_441 = tpu.memref_slice %arg17[%dma_start3A_439, %dma_start3A_440] : memref<640x64xf32, #tpu.memory_space<vmem>> -> memref<128x64xf32, #tpu.memory_space<vmem>>
        %dma_start3A_442 = tpu.memref_slice %arg11[%add3A_403] : memref<10240xi32, #tpu.memory_space<vmem>> -> memref<128xi32, #tpu.memory_space<vmem>>
        %dma_start3A_443 = arith.constant 0 : i32
        %dma_start3A_444 = arith.constant 0 : i32
        %dma_start3A_445 = tpu.memref_slice %arg6[%dma_start3A_443, %dma_start3A_444] : memref<1000000x64xf32, #tpu.memory_space<hbm>> -> memref<1000000x64xf32, #tpu.memory_space<hbm>>
        tpu.enqueue_indirect_dma source(%dma_start3A_445 : memref<1000000x64xf32, #tpu.memory_space<hbm>>) target(%dma_start3A_441 : memref<128x64xf32, #tpu.memory_space<vmem>>) offsets(%dma_start3A_442 : memref<128xi32, #tpu.memory_space<vmem>>) semaphore(%arg21 : memref<!tpu.dma_semaphore, #tpu.memory_space<semaphore_mem>>)
        %dma_start3A_446 = arith.constant 512 : i32
        %dma_start3A_447 = arith.constant 0 : i32
        %dma_start3A_448 = tpu.memref_slice %arg17[%dma_start3A_446, %dma_start3A_447] : memref<640x64xf32, #tpu.memory_space<vmem>> -> memref<128x64xf32, #tpu.memory_space<vmem>>
        %dma_start3A_449 = tpu.memref_slice %arg11[%add3A_409] : memref<10240xi32, #tpu.memory_space<vmem>> -> memref<128xi32, #tpu.memory_space<vmem>>
        %dma_start3A_450 = arith.constant 0 : i32
        %dma_start3A_451 = arith.constant 0 : i32
        %dma_start3A_452 = tpu.memref_slice %arg6[%dma_start3A_450, %dma_start3A_451] : memref<1000000x64xf32, #tpu.memory_space<hbm>> -> memref<1000000x64xf32, #tpu.memory_space<hbm>>
        tpu.enqueue_indirect_dma source(%dma_start3A_452 : memref<1000000x64xf32, #tpu.memory_space<hbm>>) target(%dma_start3A_448 : memref<128x64xf32, #tpu.memory_space<vmem>>) offsets(%dma_start3A_449 : memref<128xi32, #tpu.memory_space<vmem>>) semaphore(%arg21 : memref<!tpu.dma_semaphore, #tpu.memory_space<semaphore_mem>>)
      } else {
      }
    }
    %scan3A_107 = arith.constant 8 : i32
    "tpu.region"() ({
      %run_scoped3A_127 = tpu.sem_alloc : memref<!tpu.dma_semaphore, #tpu.memory_space<semaphore_mem>>
      %dma_start3A_128 = arith.constant 0 : i32
      %dma_start3A_129 = tpu.memref_slice %arg19[%dma_start3A_128] : memref<10752xf32, #tpu.memory_space<vmem>> -> memref<512xf32, #tpu.memory_space<vmem>>
      %dma_start3A_130 = tpu.memref_slice %arg7[%mul3A_2] : memref<16384xf32, #tpu.memory_space<hbm>> -> memref<512xf32, #tpu.memory_space<hbm>>
      %dma_start3A_131 = tpu.memref_slice %arg7[%mul3A_2] : memref<16384xf32, #tpu.memory_space<hbm>> -> memref<512xf32, #tpu.memory_space<hbm>>
      %dma_start3A_132 = arith.constant 0 : i32
      %dma_start3A_133 = tpu.memref_slice %arg19[%dma_start3A_132] : memref<10752xf32, #tpu.memory_space<vmem>> -> memref<512xf32, #tpu.memory_space<vmem>>
      tpu.enqueue_dma source(%dma_start3A_133 : memref<512xf32, #tpu.memory_space<vmem>>) target(%dma_start3A_131 : memref<512xf32, #tpu.memory_space<hbm>>) target_semaphore(%run_scoped3A_127 : memref<!tpu.dma_semaphore, #tpu.memory_space<semaphore_mem>>)
      %dma_wait3A = arith.constant 0 : i32
      %dma_wait3A_134 = tpu.memref_slice %arg19[%dma_wait3A] : memref<10752xf32, #tpu.memory_space<vmem>> -> memref<512xf32, #tpu.memory_space<vmem>>
      %dma_wait3A_135 = tpu.memref_slice %arg7[%mul3A_2] : memref<16384xf32, #tpu.memory_space<hbm>> -> memref<512xf32, #tpu.memory_space<hbm>>
      %dma_wait3A_136 = tpu.memref_slice %arg7[%mul3A_2] : memref<16384xf32, #tpu.memory_space<hbm>> -> memref<512xf32, #tpu.memory_space<hbm>>
      %dma_wait3A_137 = arith.constant 0 : i32
      %dma_wait3A_138 = tpu.memref_slice %arg19[%dma_wait3A_137] : memref<10752xf32, #tpu.memory_space<vmem>> -> memref<512xf32, #tpu.memory_space<vmem>>
      tpu.wait_dma2 semaphore(%run_scoped3A_127 : memref<!tpu.dma_semaphore, #tpu.memory_space<semaphore_mem>>) src(%dma_wait3A_138 : memref<512xf32, #tpu.memory_space<vmem>>) dst(%dma_wait3A_136 : memref<512xf32, #tpu.memory_space<hbm>>)
      tpu.yield
    }) : () -> ()
    %run_scoped3A = arith.constant 0 : i32
    "tpu.region"() ({
      %run_scoped3A_127 = tpu.sem_alloc : memref<!tpu.dma_semaphore, #tpu.memory_space<semaphore_mem>>
      %dma_start3A_128 = arith.constant 512 : i32
      %dma_start3A_129 = tpu.memref_slice %arg19[%dma_start3A_128] : memref<10752xf32, #tpu.memory_space<vmem>> -> memref<512xf32, #tpu.memory_space<vmem>>
      %dma_start3A_130 = tpu.memref_slice %arg8[%run_scoped3A, %mul3A_2] : memref<20x16384xf32, #tpu.memory_space<hbm>> -> memref<1x512xf32, #tpu.memory_space<hbm>>
      %dma_start3A_131 = tpu.memref_squeeze %dma_start3A_130 : memref<1x512xf32, #tpu.memory_space<hbm>> -> memref<512xf32, #tpu.memory_space<hbm>>
      %dma_start3A_132 = tpu.memref_slice %arg8[%run_scoped3A, %mul3A_2] : memref<20x16384xf32, #tpu.memory_space<hbm>> -> memref<1x512xf32, #tpu.memory_space<hbm>>
      %dma_start3A_133 = tpu.memref_squeeze %dma_start3A_132 : memref<1x512xf32, #tpu.memory_space<hbm>> -> memref<512xf32, #tpu.memory_space<hbm>>
      %dma_start3A_134 = arith.constant 512 : i32
      %dma_start3A_135 = tpu.memref_slice %arg19[%dma_start3A_134] : memref<10752xf32, #tpu.memory_space<vmem>> -> memref<512xf32, #tpu.memory_space<vmem>>
      tpu.enqueue_dma source(%dma_start3A_135 : memref<512xf32, #tpu.memory_space<vmem>>) target(%dma_start3A_133 : memref<512xf32, #tpu.memory_space<hbm>>) target_semaphore(%run_scoped3A_127 : memref<!tpu.dma_semaphore, #tpu.memory_space<semaphore_mem>>)
      %dma_wait3A = arith.constant 512 : i32
      %dma_wait3A_136 = tpu.memref_slice %arg19[%dma_wait3A] : memref<10752xf32, #tpu.memory_space<vmem>> -> memref<512xf32, #tpu.memory_space<vmem>>
      %dma_wait3A_137 = tpu.memref_slice %arg8[%run_scoped3A, %mul3A_2] : memref<20x16384xf32, #tpu.memory_space<hbm>> -> memref<1x512xf32, #tpu.memory_space<hbm>>
      %dma_wait3A_138 = tpu.memref_squeeze %dma_wait3A_137 : memref<1x512xf32, #tpu.memory_space<hbm>> -> memref<512xf32, #tpu.memory_space<hbm>>
      %dma_wait3A_139 = tpu.memref_slice %arg8[%run_scoped3A, %mul3A_2] : memref<20x16384xf32, #tpu.memory_space<hbm>> -> memref<1x512xf32, #tpu.memory_space<hbm>>
      %dma_wait3A_140 = tpu.memref_squeeze %dma_wait3A_139 : memref<1x512xf32, #tpu.memory_space<hbm>> -> memref<512xf32, #tpu.memory_space<hbm>>
      %dma_wait3A_141 = arith.constant 512 : i32
      %dma_wait3A_142 = tpu.memref_slice %arg19[%dma_wait3A_141] : memref<10752xf32, #tpu.memory_space<vmem>> -> memref<512xf32, #tpu.memory_space<vmem>>
      tpu.wait_dma2 semaphore(%run_scoped3A_127 : memref<!tpu.dma_semaphore, #tpu.memory_space<semaphore_mem>>) src(%dma_wait3A_142 : memref<512xf32, #tpu.memory_space<vmem>>) dst(%dma_wait3A_140 : memref<512xf32, #tpu.memory_space<hbm>>)
      tpu.yield
    }) : () -> ()
    %run_scoped3A_108 = arith.constant 1 : i32
    "tpu.region"() ({
      %run_scoped3A_127 = tpu.sem_alloc : memref<!tpu.dma_semaphore, #tpu.memory_space<semaphore_mem>>
      %dma_start3A_128 = arith.constant 1024 : i32
      %dma_start3A_129 = tpu.memref_slice %arg19[%dma_start3A_128] : memref<10752xf32, #tpu.memory_space<vmem>> -> memref<512xf32, #tpu.memory_space<vmem>>
      %dma_start3A_130 = tpu.memref_slice %arg8[%run_scoped3A_108, %mul3A_2] : memref<20x16384xf32, #tpu.memory_space<hbm>> -> memref<1x512xf32, #tpu.memory_space<hbm>>
      %dma_start3A_131 = tpu.memref_squeeze %dma_start3A_130 : memref<1x512xf32, #tpu.memory_space<hbm>> -> memref<512xf32, #tpu.memory_space<hbm>>
      %dma_start3A_132 = tpu.memref_slice %arg8[%run_scoped3A_108, %mul3A_2] : memref<20x16384xf32, #tpu.memory_space<hbm>> -> memref<1x512xf32, #tpu.memory_space<hbm>>
      %dma_start3A_133 = tpu.memref_squeeze %dma_start3A_132 : memref<1x512xf32, #tpu.memory_space<hbm>> -> memref<512xf32, #tpu.memory_space<hbm>>
      %dma_start3A_134 = arith.constant 1024 : i32
      %dma_start3A_135 = tpu.memref_slice %arg19[%dma_start3A_134] : memref<10752xf32, #tpu.memory_space<vmem>> -> memref<512xf32, #tpu.memory_space<vmem>>
      tpu.enqueue_dma source(%dma_start3A_135 : memref<512xf32, #tpu.memory_space<vmem>>) target(%dma_start3A_133 : memref<512xf32, #tpu.memory_space<hbm>>) target_semaphore(%run_scoped3A_127 : memref<!tpu.dma_semaphore, #tpu.memory_space<semaphore_mem>>)
      %dma_wait3A = arith.constant 1024 : i32
      %dma_wait3A_136 = tpu.memref_slice %arg19[%dma_wait3A] : memref<10752xf32, #tpu.memory_space<vmem>> -> memref<512xf32, #tpu.memory_space<vmem>>
      %dma_wait3A_137 = tpu.memref_slice %arg8[%run_scoped3A_108, %mul3A_2] : memref<20x16384xf32, #tpu.memory_space<hbm>> -> memref<1x512xf32, #tpu.memory_space<hbm>>
      %dma_wait3A_138 = tpu.memref_squeeze %dma_wait3A_137 : memref<1x512xf32, #tpu.memory_space<hbm>> -> memref<512xf32, #tpu.memory_space<hbm>>
      %dma_wait3A_139 = tpu.memref_slice %arg8[%run_scoped3A_108, %mul3A_2] : memref<20x16384xf32, #tpu.memory_space<hbm>> -> memref<1x512xf32, #tpu.memory_space<hbm>>
      %dma_wait3A_140 = tpu.memref_squeeze %dma_wait3A_139 : memref<1x512xf32, #tpu.memory_space<hbm>> -> memref<512xf32, #tpu.memory_space<hbm>>
      %dma_wait3A_141 = arith.constant 1024 : i32
      %dma_wait3A_142 = tpu.memref_slice %arg19[%dma_wait3A_141] : memref<10752xf32, #tpu.memory_space<vmem>> -> memref<512xf32, #tpu.memory_space<vmem>>
      tpu.wait_dma2 semaphore(%run_scoped3A_127 : memref<!tpu.dma_semaphore, #tpu.memory_space<semaphore_mem>>) src(%dma_wait3A_142 : memref<512xf32, #tpu.memory_space<vmem>>) dst(%dma_wait3A_140 : memref<512xf32, #tpu.memory_space<hbm>>)
      tpu.yield
    }) : () -> ()
    %run_scoped3A_109 = arith.constant 2 : i32
    "tpu.region"() ({
      %run_scoped3A_127 = tpu.sem_alloc : memref<!tpu.dma_semaphore, #tpu.memory_space<semaphore_mem>>
      %dma_start3A_128 = arith.constant 1536 : i32
      %dma_start3A_129 = tpu.memref_slice %arg19[%dma_start3A_128] : memref<10752xf32, #tpu.memory_space<vmem>> -> memref<512xf32, #tpu.memory_space<vmem>>
      %dma_start3A_130 = tpu.memref_slice %arg8[%run_scoped3A_109, %mul3A_2] : memref<20x16384xf32, #tpu.memory_space<hbm>> -> memref<1x512xf32, #tpu.memory_space<hbm>>
      %dma_start3A_131 = tpu.memref_squeeze %dma_start3A_130 : memref<1x512xf32, #tpu.memory_space<hbm>> -> memref<512xf32, #tpu.memory_space<hbm>>
      %dma_start3A_132 = tpu.memref_slice %arg8[%run_scoped3A_109, %mul3A_2] : memref<20x16384xf32, #tpu.memory_space<hbm>> -> memref<1x512xf32, #tpu.memory_space<hbm>>
      %dma_start3A_133 = tpu.memref_squeeze %dma_start3A_132 : memref<1x512xf32, #tpu.memory_space<hbm>> -> memref<512xf32, #tpu.memory_space<hbm>>
      %dma_start3A_134 = arith.constant 1536 : i32
      %dma_start3A_135 = tpu.memref_slice %arg19[%dma_start3A_134] : memref<10752xf32, #tpu.memory_space<vmem>> -> memref<512xf32, #tpu.memory_space<vmem>>
      tpu.enqueue_dma source(%dma_start3A_135 : memref<512xf32, #tpu.memory_space<vmem>>) target(%dma_start3A_133 : memref<512xf32, #tpu.memory_space<hbm>>) target_semaphore(%run_scoped3A_127 : memref<!tpu.dma_semaphore, #tpu.memory_space<semaphore_mem>>)
      %dma_wait3A = arith.constant 1536 : i32
      %dma_wait3A_136 = tpu.memref_slice %arg19[%dma_wait3A] : memref<10752xf32, #tpu.memory_space<vmem>> -> memref<512xf32, #tpu.memory_space<vmem>>
      %dma_wait3A_137 = tpu.memref_slice %arg8[%run_scoped3A_109, %mul3A_2] : memref<20x16384xf32, #tpu.memory_space<hbm>> -> memref<1x512xf32, #tpu.memory_space<hbm>>
      %dma_wait3A_138 = tpu.memref_squeeze %dma_wait3A_137 : memref<1x512xf32, #tpu.memory_space<hbm>> -> memref<512xf32, #tpu.memory_space<hbm>>
      %dma_wait3A_139 = tpu.memref_slice %arg8[%run_scoped3A_109, %mul3A_2] : memref<20x16384xf32, #tpu.memory_space<hbm>> -> memref<1x512xf32, #tpu.memory_space<hbm>>
      %dma_wait3A_140 = tpu.memref_squeeze %dma_wait3A_139 : memref<1x512xf32, #tpu.memory_space<hbm>> -> memref<512xf32, #tpu.memory_space<hbm>>
      %dma_wait3A_141 = arith.constant 1536 : i32
      %dma_wait3A_142 = tpu.memref_slice %arg19[%dma_wait3A_141] : memref<10752xf32, #tpu.memory_space<vmem>> -> memref<512xf32, #tpu.memory_space<vmem>>
      tpu.wait_dma2 semaphore(%run_scoped3A_127 : memref<!tpu.dma_semaphore, #tpu.memory_space<semaphore_mem>>) src(%dma_wait3A_142 : memref<512xf32, #tpu.memory_space<vmem>>) dst(%dma_wait3A_140 : memref<512xf32, #tpu.memory_space<hbm>>)
      tpu.yield
    }) : () -> ()
    %run_scoped3A_110 = arith.constant 3 : i32
    "tpu.region"() ({
      %run_scoped3A_127 = tpu.sem_alloc : memref<!tpu.dma_semaphore, #tpu.memory_space<semaphore_mem>>
      %dma_start3A_128 = arith.constant 2048 : i32
      %dma_start3A_129 = tpu.memref_slice %arg19[%dma_start3A_128] : memref<10752xf32, #tpu.memory_space<vmem>> -> memref<512xf32, #tpu.memory_space<vmem>>
      %dma_start3A_130 = tpu.memref_slice %arg8[%run_scoped3A_110, %mul3A_2] : memref<20x16384xf32, #tpu.memory_space<hbm>> -> memref<1x512xf32, #tpu.memory_space<hbm>>
      %dma_start3A_131 = tpu.memref_squeeze %dma_start3A_130 : memref<1x512xf32, #tpu.memory_space<hbm>> -> memref<512xf32, #tpu.memory_space<hbm>>
      %dma_start3A_132 = tpu.memref_slice %arg8[%run_scoped3A_110, %mul3A_2] : memref<20x16384xf32, #tpu.memory_space<hbm>> -> memref<1x512xf32, #tpu.memory_space<hbm>>
      %dma_start3A_133 = tpu.memref_squeeze %dma_start3A_132 : memref<1x512xf32, #tpu.memory_space<hbm>> -> memref<512xf32, #tpu.memory_space<hbm>>
      %dma_start3A_134 = arith.constant 2048 : i32
      %dma_start3A_135 = tpu.memref_slice %arg19[%dma_start3A_134] : memref<10752xf32, #tpu.memory_space<vmem>> -> memref<512xf32, #tpu.memory_space<vmem>>
      tpu.enqueue_dma source(%dma_start3A_135 : memref<512xf32, #tpu.memory_space<vmem>>) target(%dma_start3A_133 : memref<512xf32, #tpu.memory_space<hbm>>) target_semaphore(%run_scoped3A_127 : memref<!tpu.dma_semaphore, #tpu.memory_space<semaphore_mem>>)
      %dma_wait3A = arith.constant 2048 : i32
      %dma_wait3A_136 = tpu.memref_slice %arg19[%dma_wait3A] : memref<10752xf32, #tpu.memory_space<vmem>> -> memref<512xf32, #tpu.memory_space<vmem>>
      %dma_wait3A_137 = tpu.memref_slice %arg8[%run_scoped3A_110, %mul3A_2] : memref<20x16384xf32, #tpu.memory_space<hbm>> -> memref<1x512xf32, #tpu.memory_space<hbm>>
      %dma_wait3A_138 = tpu.memref_squeeze %dma_wait3A_137 : memref<1x512xf32, #tpu.memory_space<hbm>> -> memref<512xf32, #tpu.memory_space<hbm>>
      %dma_wait3A_139 = tpu.memref_slice %arg8[%run_scoped3A_110, %mul3A_2] : memref<20x16384xf32, #tpu.memory_space<hbm>> -> memref<1x512xf32, #tpu.memory_space<hbm>>
      %dma_wait3A_140 = tpu.memref_squeeze %dma_wait3A_139 : memref<1x512xf32, #tpu.memory_space<hbm>> -> memref<512xf32, #tpu.memory_space<hbm>>
      %dma_wait3A_141 = arith.constant 2048 : i32
      %dma_wait3A_142 = tpu.memref_slice %arg19[%dma_wait3A_141] : memref<10752xf32, #tpu.memory_space<vmem>> -> memref<512xf32, #tpu.memory_space<vmem>>
      tpu.wait_dma2 semaphore(%run_scoped3A_127 : memref<!tpu.dma_semaphore, #tpu.memory_space<semaphore_mem>>) src(%dma_wait3A_142 : memref<512xf32, #tpu.memory_space<vmem>>) dst(%dma_wait3A_140 : memref<512xf32, #tpu.memory_space<hbm>>)
      tpu.yield
    }) : () -> ()
    %run_scoped3A_111 = arith.constant 4 : i32
    "tpu.region"() ({
      %run_scoped3A_127 = tpu.sem_alloc : memref<!tpu.dma_semaphore, #tpu.memory_space<semaphore_mem>>
      %dma_start3A_128 = arith.constant 2560 : i32
      %dma_start3A_129 = tpu.memref_slice %arg19[%dma_start3A_128] : memref<10752xf32, #tpu.memory_space<vmem>> -> memref<512xf32, #tpu.memory_space<vmem>>
      %dma_start3A_130 = tpu.memref_slice %arg8[%run_scoped3A_111, %mul3A_2] : memref<20x16384xf32, #tpu.memory_space<hbm>> -> memref<1x512xf32, #tpu.memory_space<hbm>>
      %dma_start3A_131 = tpu.memref_squeeze %dma_start3A_130 : memref<1x512xf32, #tpu.memory_space<hbm>> -> memref<512xf32, #tpu.memory_space<hbm>>
      %dma_start3A_132 = tpu.memref_slice %arg8[%run_scoped3A_111, %mul3A_2] : memref<20x16384xf32, #tpu.memory_space<hbm>> -> memref<1x512xf32, #tpu.memory_space<hbm>>
      %dma_start3A_133 = tpu.memref_squeeze %dma_start3A_132 : memref<1x512xf32, #tpu.memory_space<hbm>> -> memref<512xf32, #tpu.memory_space<hbm>>
      %dma_start3A_134 = arith.constant 2560 : i32
      %dma_start3A_135 = tpu.memref_slice %arg19[%dma_start3A_134] : memref<10752xf32, #tpu.memory_space<vmem>> -> memref<512xf32, #tpu.memory_space<vmem>>
      tpu.enqueue_dma source(%dma_start3A_135 : memref<512xf32, #tpu.memory_space<vmem>>) target(%dma_start3A_133 : memref<512xf32, #tpu.memory_space<hbm>>) target_semaphore(%run_scoped3A_127 : memref<!tpu.dma_semaphore, #tpu.memory_space<semaphore_mem>>)
      %dma_wait3A = arith.constant 2560 : i32
      %dma_wait3A_136 = tpu.memref_slice %arg19[%dma_wait3A] : memref<10752xf32, #tpu.memory_space<vmem>> -> memref<512xf32, #tpu.memory_space<vmem>>
      %dma_wait3A_137 = tpu.memref_slice %arg8[%run_scoped3A_111, %mul3A_2] : memref<20x16384xf32, #tpu.memory_space<hbm>> -> memref<1x512xf32, #tpu.memory_space<hbm>>
      %dma_wait3A_138 = tpu.memref_squeeze %dma_wait3A_137 : memref<1x512xf32, #tpu.memory_space<hbm>> -> memref<512xf32, #tpu.memory_space<hbm>>
      %dma_wait3A_139 = tpu.memref_slice %arg8[%run_scoped3A_111, %mul3A_2] : memref<20x16384xf32, #tpu.memory_space<hbm>> -> memref<1x512xf32, #tpu.memory_space<hbm>>
      %dma_wait3A_140 = tpu.memref_squeeze %dma_wait3A_139 : memref<1x512xf32, #tpu.memory_space<hbm>> -> memref<512xf32, #tpu.memory_space<hbm>>
      %dma_wait3A_141 = arith.constant 2560 : i32
      %dma_wait3A_142 = tpu.memref_slice %arg19[%dma_wait3A_141] : memref<10752xf32, #tpu.memory_space<vmem>> -> memref<512xf32, #tpu.memory_space<vmem>>
      tpu.wait_dma2 semaphore(%run_scoped3A_127 : memref<!tpu.dma_semaphore, #tpu.memory_space<semaphore_mem>>) src(%dma_wait3A_142 : memref<512xf32, #tpu.memory_space<vmem>>) dst(%dma_wait3A_140 : memref<512xf32, #tpu.memory_space<hbm>>)
      tpu.yield
    }) : () -> ()
    %run_scoped3A_112 = arith.constant 5 : i32
    "tpu.region"() ({
      %run_scoped3A_127 = tpu.sem_alloc : memref<!tpu.dma_semaphore, #tpu.memory_space<semaphore_mem>>
      %dma_start3A_128 = arith.constant 3072 : i32
      %dma_start3A_129 = tpu.memref_slice %arg19[%dma_start3A_128] : memref<10752xf32, #tpu.memory_space<vmem>> -> memref<512xf32, #tpu.memory_space<vmem>>
      %dma_start3A_130 = tpu.memref_slice %arg8[%run_scoped3A_112, %mul3A_2] : memref<20x16384xf32, #tpu.memory_space<hbm>> -> memref<1x512xf32, #tpu.memory_space<hbm>>
      %dma_start3A_131 = tpu.memref_squeeze %dma_start3A_130 : memref<1x512xf32, #tpu.memory_space<hbm>> -> memref<512xf32, #tpu.memory_space<hbm>>
      %dma_start3A_132 = tpu.memref_slice %arg8[%run_scoped3A_112, %mul3A_2] : memref<20x16384xf32, #tpu.memory_space<hbm>> -> memref<1x512xf32, #tpu.memory_space<hbm>>
      %dma_start3A_133 = tpu.memref_squeeze %dma_start3A_132 : memref<1x512xf32, #tpu.memory_space<hbm>> -> memref<512xf32, #tpu.memory_space<hbm>>
      %dma_start3A_134 = arith.constant 3072 : i32
      %dma_start3A_135 = tpu.memref_slice %arg19[%dma_start3A_134] : memref<10752xf32, #tpu.memory_space<vmem>> -> memref<512xf32, #tpu.memory_space<vmem>>
      tpu.enqueue_dma source(%dma_start3A_135 : memref<512xf32, #tpu.memory_space<vmem>>) target(%dma_start3A_133 : memref<512xf32, #tpu.memory_space<hbm>>) target_semaphore(%run_scoped3A_127 : memref<!tpu.dma_semaphore, #tpu.memory_space<semaphore_mem>>)
      %dma_wait3A = arith.constant 3072 : i32
      %dma_wait3A_136 = tpu.memref_slice %arg19[%dma_wait3A] : memref<10752xf32, #tpu.memory_space<vmem>> -> memref<512xf32, #tpu.memory_space<vmem>>
      %dma_wait3A_137 = tpu.memref_slice %arg8[%run_scoped3A_112, %mul3A_2] : memref<20x16384xf32, #tpu.memory_space<hbm>> -> memref<1x512xf32, #tpu.memory_space<hbm>>
      %dma_wait3A_138 = tpu.memref_squeeze %dma_wait3A_137 : memref<1x512xf32, #tpu.memory_space<hbm>> -> memref<512xf32, #tpu.memory_space<hbm>>
      %dma_wait3A_139 = tpu.memref_slice %arg8[%run_scoped3A_112, %mul3A_2] : memref<20x16384xf32, #tpu.memory_space<hbm>> -> memref<1x512xf32, #tpu.memory_space<hbm>>
      %dma_wait3A_140 = tpu.memref_squeeze %dma_wait3A_139 : memref<1x512xf32, #tpu.memory_space<hbm>> -> memref<512xf32, #tpu.memory_space<hbm>>
      %dma_wait3A_141 = arith.constant 3072 : i32
      %dma_wait3A_142 = tpu.memref_slice %arg19[%dma_wait3A_141] : memref<10752xf32, #tpu.memory_space<vmem>> -> memref<512xf32, #tpu.memory_space<vmem>>
      tpu.wait_dma2 semaphore(%run_scoped3A_127 : memref<!tpu.dma_semaphore, #tpu.memory_space<semaphore_mem>>) src(%dma_wait3A_142 : memref<512xf32, #tpu.memory_space<vmem>>) dst(%dma_wait3A_140 : memref<512xf32, #tpu.memory_space<hbm>>)
      tpu.yield
    }) : () -> ()
    %run_scoped3A_113 = arith.constant 6 : i32
    "tpu.region"() ({
      %run_scoped3A_127 = tpu.sem_alloc : memref<!tpu.dma_semaphore, #tpu.memory_space<semaphore_mem>>
      %dma_start3A_128 = arith.constant 3584 : i32
      %dma_start3A_129 = tpu.memref_slice %arg19[%dma_start3A_128] : memref<10752xf32, #tpu.memory_space<vmem>> -> memref<512xf32, #tpu.memory_space<vmem>>
      %dma_start3A_130 = tpu.memref_slice %arg8[%run_scoped3A_113, %mul3A_2] : memref<20x16384xf32, #tpu.memory_space<hbm>> -> memref<1x512xf32, #tpu.memory_space<hbm>>
      %dma_start3A_131 = tpu.memref_squeeze %dma_start3A_130 : memref<1x512xf32, #tpu.memory_space<hbm>> -> memref<512xf32, #tpu.memory_space<hbm>>
      %dma_start3A_132 = tpu.memref_slice %arg8[%run_scoped3A_113, %mul3A_2] : memref<20x16384xf32, #tpu.memory_space<hbm>> -> memref<1x512xf32, #tpu.memory_space<hbm>>
      %dma_start3A_133 = tpu.memref_squeeze %dma_start3A_132 : memref<1x512xf32, #tpu.memory_space<hbm>> -> memref<512xf32, #tpu.memory_space<hbm>>
      %dma_start3A_134 = arith.constant 3584 : i32
      %dma_start3A_135 = tpu.memref_slice %arg19[%dma_start3A_134] : memref<10752xf32, #tpu.memory_space<vmem>> -> memref<512xf32, #tpu.memory_space<vmem>>
      tpu.enqueue_dma source(%dma_start3A_135 : memref<512xf32, #tpu.memory_space<vmem>>) target(%dma_start3A_133 : memref<512xf32, #tpu.memory_space<hbm>>) target_semaphore(%run_scoped3A_127 : memref<!tpu.dma_semaphore, #tpu.memory_space<semaphore_mem>>)
      %dma_wait3A = arith.constant 3584 : i32
      %dma_wait3A_136 = tpu.memref_slice %arg19[%dma_wait3A] : memref<10752xf32, #tpu.memory_space<vmem>> -> memref<512xf32, #tpu.memory_space<vmem>>
      %dma_wait3A_137 = tpu.memref_slice %arg8[%run_scoped3A_113, %mul3A_2] : memref<20x16384xf32, #tpu.memory_space<hbm>> -> memref<1x512xf32, #tpu.memory_space<hbm>>
      %dma_wait3A_138 = tpu.memref_squeeze %dma_wait3A_137 : memref<1x512xf32, #tpu.memory_space<hbm>> -> memref<512xf32, #tpu.memory_space<hbm>>
      %dma_wait3A_139 = tpu.memref_slice %arg8[%run_scoped3A_113, %mul3A_2] : memref<20x16384xf32, #tpu.memory_space<hbm>> -> memref<1x512xf32, #tpu.memory_space<hbm>>
      %dma_wait3A_140 = tpu.memref_squeeze %dma_wait3A_139 : memref<1x512xf32, #tpu.memory_space<hbm>> -> memref<512xf32, #tpu.memory_space<hbm>>
      %dma_wait3A_141 = arith.constant 3584 : i32
      %dma_wait3A_142 = tpu.memref_slice %arg19[%dma_wait3A_141] : memref<10752xf32, #tpu.memory_space<vmem>> -> memref<512xf32, #tpu.memory_space<vmem>>
      tpu.wait_dma2 semaphore(%run_scoped3A_127 : memref<!tpu.dma_semaphore, #tpu.memory_space<semaphore_mem>>) src(%dma_wait3A_142 : memref<512xf32, #tpu.memory_space<vmem>>) dst(%dma_wait3A_140 : memref<512xf32, #tpu.memory_space<hbm>>)
      tpu.yield
    }) : () -> ()
    %run_scoped3A_114 = arith.constant 7 : i32
    "tpu.region"() ({
      %run_scoped3A_127 = tpu.sem_alloc : memref<!tpu.dma_semaphore, #tpu.memory_space<semaphore_mem>>
      %dma_start3A_128 = arith.constant 4096 : i32
      %dma_start3A_129 = tpu.memref_slice %arg19[%dma_start3A_128] : memref<10752xf32, #tpu.memory_space<vmem>> -> memref<512xf32, #tpu.memory_space<vmem>>
      %dma_start3A_130 = tpu.memref_slice %arg8[%run_scoped3A_114, %mul3A_2] : memref<20x16384xf32, #tpu.memory_space<hbm>> -> memref<1x512xf32, #tpu.memory_space<hbm>>
      %dma_start3A_131 = tpu.memref_squeeze %dma_start3A_130 : memref<1x512xf32, #tpu.memory_space<hbm>> -> memref<512xf32, #tpu.memory_space<hbm>>
      %dma_start3A_132 = tpu.memref_slice %arg8[%run_scoped3A_114, %mul3A_2] : memref<20x16384xf32, #tpu.memory_space<hbm>> -> memref<1x512xf32, #tpu.memory_space<hbm>>
      %dma_start3A_133 = tpu.memref_squeeze %dma_start3A_132 : memref<1x512xf32, #tpu.memory_space<hbm>> -> memref<512xf32, #tpu.memory_space<hbm>>
      %dma_start3A_134 = arith.constant 4096 : i32
      %dma_start3A_135 = tpu.memref_slice %arg19[%dma_start3A_134] : memref<10752xf32, #tpu.memory_space<vmem>> -> memref<512xf32, #tpu.memory_space<vmem>>
      tpu.enqueue_dma source(%dma_start3A_135 : memref<512xf32, #tpu.memory_space<vmem>>) target(%dma_start3A_133 : memref<512xf32, #tpu.memory_space<hbm>>) target_semaphore(%run_scoped3A_127 : memref<!tpu.dma_semaphore, #tpu.memory_space<semaphore_mem>>)
      %dma_wait3A = arith.constant 4096 : i32
      %dma_wait3A_136 = tpu.memref_slice %arg19[%dma_wait3A] : memref<10752xf32, #tpu.memory_space<vmem>> -> memref<512xf32, #tpu.memory_space<vmem>>
      %dma_wait3A_137 = tpu.memref_slice %arg8[%run_scoped3A_114, %mul3A_2] : memref<20x16384xf32, #tpu.memory_space<hbm>> -> memref<1x512xf32, #tpu.memory_space<hbm>>
      %dma_wait3A_138 = tpu.memref_squeeze %dma_wait3A_137 : memref<1x512xf32, #tpu.memory_space<hbm>> -> memref<512xf32, #tpu.memory_space<hbm>>
      %dma_wait3A_139 = tpu.memref_slice %arg8[%run_scoped3A_114, %mul3A_2] : memref<20x16384xf32, #tpu.memory_space<hbm>> -> memref<1x512xf32, #tpu.memory_space<hbm>>
      %dma_wait3A_140 = tpu.memref_squeeze %dma_wait3A_139 : memref<1x512xf32, #tpu.memory_space<hbm>> -> memref<512xf32, #tpu.memory_space<hbm>>
      %dma_wait3A_141 = arith.constant 4096 : i32
      %dma_wait3A_142 = tpu.memref_slice %arg19[%dma_wait3A_141] : memref<10752xf32, #tpu.memory_space<vmem>> -> memref<512xf32, #tpu.memory_space<vmem>>
      tpu.wait_dma2 semaphore(%run_scoped3A_127 : memref<!tpu.dma_semaphore, #tpu.memory_space<semaphore_mem>>) src(%dma_wait3A_142 : memref<512xf32, #tpu.memory_space<vmem>>) dst(%dma_wait3A_140 : memref<512xf32, #tpu.memory_space<hbm>>)
      tpu.yield
    }) : () -> ()
    %run_scoped3A_115 = arith.constant 8 : i32
    "tpu.region"() ({
      %run_scoped3A_127 = tpu.sem_alloc : memref<!tpu.dma_semaphore, #tpu.memory_space<semaphore_mem>>
      %dma_start3A_128 = arith.constant 4608 : i32
      %dma_start3A_129 = tpu.memref_slice %arg19[%dma_start3A_128] : memref<10752xf32, #tpu.memory_space<vmem>> -> memref<512xf32, #tpu.memory_space<vmem>>
      %dma_start3A_130 = tpu.memref_slice %arg8[%run_scoped3A_115, %mul3A_2] : memref<20x16384xf32, #tpu.memory_space<hbm>> -> memref<1x512xf32, #tpu.memory_space<hbm>>
      %dma_start3A_131 = tpu.memref_squeeze %dma_start3A_130 : memref<1x512xf32, #tpu.memory_space<hbm>> -> memref<512xf32, #tpu.memory_space<hbm>>
      %dma_start3A_132 = tpu.memref_slice %arg8[%run_scoped3A_115, %mul3A_2] : memref<20x16384xf32, #tpu.memory_space<hbm>> -> memref<1x512xf32, #tpu.memory_space<hbm>>
      %dma_start3A_133 = tpu.memref_squeeze %dma_start3A_132 : memref<1x512xf32, #tpu.memory_space<hbm>> -> memref<512xf32, #tpu.memory_space<hbm>>
      %dma_start3A_134 = arith.constant 4608 : i32
      %dma_start3A_135 = tpu.memref_slice %arg19[%dma_start3A_134] : memref<10752xf32, #tpu.memory_space<vmem>> -> memref<512xf32, #tpu.memory_space<vmem>>
      tpu.enqueue_dma source(%dma_start3A_135 : memref<512xf32, #tpu.memory_space<vmem>>) target(%dma_start3A_133 : memref<512xf32, #tpu.memory_space<hbm>>) target_semaphore(%run_scoped3A_127 : memref<!tpu.dma_semaphore, #tpu.memory_space<semaphore_mem>>)
      %dma_wait3A = arith.constant 4608 : i32
      %dma_wait3A_136 = tpu.memref_slice %arg19[%dma_wait3A] : memref<10752xf32, #tpu.memory_space<vmem>> -> memref<512xf32, #tpu.memory_space<vmem>>
      %dma_wait3A_137 = tpu.memref_slice %arg8[%run_scoped3A_115, %mul3A_2] : memref<20x16384xf32, #tpu.memory_space<hbm>> -> memref<1x512xf32, #tpu.memory_space<hbm>>
      %dma_wait3A_138 = tpu.memref_squeeze %dma_wait3A_137 : memref<1x512xf32, #tpu.memory_space<hbm>> -> memref<512xf32, #tpu.memory_space<hbm>>
      %dma_wait3A_139 = tpu.memref_slice %arg8[%run_scoped3A_115, %mul3A_2] : memref<20x16384xf32, #tpu.memory_space<hbm>> -> memref<1x512xf32, #tpu.memory_space<hbm>>
      %dma_wait3A_140 = tpu.memref_squeeze %dma_wait3A_139 : memref<1x512xf32, #tpu.memory_space<hbm>> -> memref<512xf32, #tpu.memory_space<hbm>>
      %dma_wait3A_141 = arith.constant 4608 : i32
      %dma_wait3A_142 = tpu.memref_slice %arg19[%dma_wait3A_141] : memref<10752xf32, #tpu.memory_space<vmem>> -> memref<512xf32, #tpu.memory_space<vmem>>
      tpu.wait_dma2 semaphore(%run_scoped3A_127 : memref<!tpu.dma_semaphore, #tpu.memory_space<semaphore_mem>>) src(%dma_wait3A_142 : memref<512xf32, #tpu.memory_space<vmem>>) dst(%dma_wait3A_140 : memref<512xf32, #tpu.memory_space<hbm>>)
      tpu.yield
    }) : () -> ()
    %run_scoped3A_116 = arith.constant 9 : i32
    "tpu.region"() ({
      %run_scoped3A_127 = tpu.sem_alloc : memref<!tpu.dma_semaphore, #tpu.memory_space<semaphore_mem>>
      %dma_start3A_128 = arith.constant 5120 : i32
      %dma_start3A_129 = tpu.memref_slice %arg19[%dma_start3A_128] : memref<10752xf32, #tpu.memory_space<vmem>> -> memref<512xf32, #tpu.memory_space<vmem>>
      %dma_start3A_130 = tpu.memref_slice %arg8[%run_scoped3A_116, %mul3A_2] : memref<20x16384xf32, #tpu.memory_space<hbm>> -> memref<1x512xf32, #tpu.memory_space<hbm>>
      %dma_start3A_131 = tpu.memref_squeeze %dma_start3A_130 : memref<1x512xf32, #tpu.memory_space<hbm>> -> memref<512xf32, #tpu.memory_space<hbm>>
      %dma_start3A_132 = tpu.memref_slice %arg8[%run_scoped3A_116, %mul3A_2] : memref<20x16384xf32, #tpu.memory_space<hbm>> -> memref<1x512xf32, #tpu.memory_space<hbm>>
      %dma_start3A_133 = tpu.memref_squeeze %dma_start3A_132 : memref<1x512xf32, #tpu.memory_space<hbm>> -> memref<512xf32, #tpu.memory_space<hbm>>
      %dma_start3A_134 = arith.constant 5120 : i32
      %dma_start3A_135 = tpu.memref_slice %arg19[%dma_start3A_134] : memref<10752xf32, #tpu.memory_space<vmem>> -> memref<512xf32, #tpu.memory_space<vmem>>
      tpu.enqueue_dma source(%dma_start3A_135 : memref<512xf32, #tpu.memory_space<vmem>>) target(%dma_start3A_133 : memref<512xf32, #tpu.memory_space<hbm>>) target_semaphore(%run_scoped3A_127 : memref<!tpu.dma_semaphore, #tpu.memory_space<semaphore_mem>>)
      %dma_wait3A = arith.constant 5120 : i32
      %dma_wait3A_136 = tpu.memref_slice %arg19[%dma_wait3A] : memref<10752xf32, #tpu.memory_space<vmem>> -> memref<512xf32, #tpu.memory_space<vmem>>
      %dma_wait3A_137 = tpu.memref_slice %arg8[%run_scoped3A_116, %mul3A_2] : memref<20x16384xf32, #tpu.memory_space<hbm>> -> memref<1x512xf32, #tpu.memory_space<hbm>>
      %dma_wait3A_138 = tpu.memref_squeeze %dma_wait3A_137 : memref<1x512xf32, #tpu.memory_space<hbm>> -> memref<512xf32, #tpu.memory_space<hbm>>
      %dma_wait3A_139 = tpu.memref_slice %arg8[%run_scoped3A_116, %mul3A_2] : memref<20x16384xf32, #tpu.memory_space<hbm>> -> memref<1x512xf32, #tpu.memory_space<hbm>>
      %dma_wait3A_140 = tpu.memref_squeeze %dma_wait3A_139 : memref<1x512xf32, #tpu.memory_space<hbm>> -> memref<512xf32, #tpu.memory_space<hbm>>
      %dma_wait3A_141 = arith.constant 5120 : i32
      %dma_wait3A_142 = tpu.memref_slice %arg19[%dma_wait3A_141] : memref<10752xf32, #tpu.memory_space<vmem>> -> memref<512xf32, #tpu.memory_space<vmem>>
      tpu.wait_dma2 semaphore(%run_scoped3A_127 : memref<!tpu.dma_semaphore, #tpu.memory_space<semaphore_mem>>) src(%dma_wait3A_142 : memref<512xf32, #tpu.memory_space<vmem>>) dst(%dma_wait3A_140 : memref<512xf32, #tpu.memory_space<hbm>>)
      tpu.yield
    }) : () -> ()
    %run_scoped3A_117 = arith.constant 10 : i32
    "tpu.region"() ({
      %run_scoped3A_127 = tpu.sem_alloc : memref<!tpu.dma_semaphore, #tpu.memory_space<semaphore_mem>>
      %dma_start3A_128 = arith.constant 5632 : i32
      %dma_start3A_129 = tpu.memref_slice %arg19[%dma_start3A_128] : memref<10752xf32, #tpu.memory_space<vmem>> -> memref<512xf32, #tpu.memory_space<vmem>>
      %dma_start3A_130 = tpu.memref_slice %arg8[%run_scoped3A_117, %mul3A_2] : memref<20x16384xf32, #tpu.memory_space<hbm>> -> memref<1x512xf32, #tpu.memory_space<hbm>>
      %dma_start3A_131 = tpu.memref_squeeze %dma_start3A_130 : memref<1x512xf32, #tpu.memory_space<hbm>> -> memref<512xf32, #tpu.memory_space<hbm>>
      %dma_start3A_132 = tpu.memref_slice %arg8[%run_scoped3A_117, %mul3A_2] : memref<20x16384xf32, #tpu.memory_space<hbm>> -> memref<1x512xf32, #tpu.memory_space<hbm>>
      %dma_start3A_133 = tpu.memref_squeeze %dma_start3A_132 : memref<1x512xf32, #tpu.memory_space<hbm>> -> memref<512xf32, #tpu.memory_space<hbm>>
      %dma_start3A_134 = arith.constant 5632 : i32
      %dma_start3A_135 = tpu.memref_slice %arg19[%dma_start3A_134] : memref<10752xf32, #tpu.memory_space<vmem>> -> memref<512xf32, #tpu.memory_space<vmem>>
      tpu.enqueue_dma source(%dma_start3A_135 : memref<512xf32, #tpu.memory_space<vmem>>) target(%dma_start3A_133 : memref<512xf32, #tpu.memory_space<hbm>>) target_semaphore(%run_scoped3A_127 : memref<!tpu.dma_semaphore, #tpu.memory_space<semaphore_mem>>)
      %dma_wait3A = arith.constant 5632 : i32
      %dma_wait3A_136 = tpu.memref_slice %arg19[%dma_wait3A] : memref<10752xf32, #tpu.memory_space<vmem>> -> memref<512xf32, #tpu.memory_space<vmem>>
      %dma_wait3A_137 = tpu.memref_slice %arg8[%run_scoped3A_117, %mul3A_2] : memref<20x16384xf32, #tpu.memory_space<hbm>> -> memref<1x512xf32, #tpu.memory_space<hbm>>
      %dma_wait3A_138 = tpu.memref_squeeze %dma_wait3A_137 : memref<1x512xf32, #tpu.memory_space<hbm>> -> memref<512xf32, #tpu.memory_space<hbm>>
      %dma_wait3A_139 = tpu.memref_slice %arg8[%run_scoped3A_117, %mul3A_2] : memref<20x16384xf32, #tpu.memory_space<hbm>> -> memref<1x512xf32, #tpu.memory_space<hbm>>
      %dma_wait3A_140 = tpu.memref_squeeze %dma_wait3A_139 : memref<1x512xf32, #tpu.memory_space<hbm>> -> memref<512xf32, #tpu.memory_space<hbm>>
      %dma_wait3A_141 = arith.constant 5632 : i32
      %dma_wait3A_142 = tpu.memref_slice %arg19[%dma_wait3A_141] : memref<10752xf32, #tpu.memory_space<vmem>> -> memref<512xf32, #tpu.memory_space<vmem>>
      tpu.wait_dma2 semaphore(%run_scoped3A_127 : memref<!tpu.dma_semaphore, #tpu.memory_space<semaphore_mem>>) src(%dma_wait3A_142 : memref<512xf32, #tpu.memory_space<vmem>>) dst(%dma_wait3A_140 : memref<512xf32, #tpu.memory_space<hbm>>)
      tpu.yield
    }) : () -> ()
    %run_scoped3A_118 = arith.constant 11 : i32
    "tpu.region"() ({
      %run_scoped3A_127 = tpu.sem_alloc : memref<!tpu.dma_semaphore, #tpu.memory_space<semaphore_mem>>
      %dma_start3A_128 = arith.constant 6144 : i32
      %dma_start3A_129 = tpu.memref_slice %arg19[%dma_start3A_128] : memref<10752xf32, #tpu.memory_space<vmem>> -> memref<512xf32, #tpu.memory_space<vmem>>
      %dma_start3A_130 = tpu.memref_slice %arg8[%run_scoped3A_118, %mul3A_2] : memref<20x16384xf32, #tpu.memory_space<hbm>> -> memref<1x512xf32, #tpu.memory_space<hbm>>
      %dma_start3A_131 = tpu.memref_squeeze %dma_start3A_130 : memref<1x512xf32, #tpu.memory_space<hbm>> -> memref<512xf32, #tpu.memory_space<hbm>>
      %dma_start3A_132 = tpu.memref_slice %arg8[%run_scoped3A_118, %mul3A_2] : memref<20x16384xf32, #tpu.memory_space<hbm>> -> memref<1x512xf32, #tpu.memory_space<hbm>>
      %dma_start3A_133 = tpu.memref_squeeze %dma_start3A_132 : memref<1x512xf32, #tpu.memory_space<hbm>> -> memref<512xf32, #tpu.memory_space<hbm>>
      %dma_start3A_134 = arith.constant 6144 : i32
      %dma_start3A_135 = tpu.memref_slice %arg19[%dma_start3A_134] : memref<10752xf32, #tpu.memory_space<vmem>> -> memref<512xf32, #tpu.memory_space<vmem>>
      tpu.enqueue_dma source(%dma_start3A_135 : memref<512xf32, #tpu.memory_space<vmem>>) target(%dma_start3A_133 : memref<512xf32, #tpu.memory_space<hbm>>) target_semaphore(%run_scoped3A_127 : memref<!tpu.dma_semaphore, #tpu.memory_space<semaphore_mem>>)
      %dma_wait3A = arith.constant 6144 : i32
      %dma_wait3A_136 = tpu.memref_slice %arg19[%dma_wait3A] : memref<10752xf32, #tpu.memory_space<vmem>> -> memref<512xf32, #tpu.memory_space<vmem>>
      %dma_wait3A_137 = tpu.memref_slice %arg8[%run_scoped3A_118, %mul3A_2] : memref<20x16384xf32, #tpu.memory_space<hbm>> -> memref<1x512xf32, #tpu.memory_space<hbm>>
      %dma_wait3A_138 = tpu.memref_squeeze %dma_wait3A_137 : memref<1x512xf32, #tpu.memory_space<hbm>> -> memref<512xf32, #tpu.memory_space<hbm>>
      %dma_wait3A_139 = tpu.memref_slice %arg8[%run_scoped3A_118, %mul3A_2] : memref<20x16384xf32, #tpu.memory_space<hbm>> -> memref<1x512xf32, #tpu.memory_space<hbm>>
      %dma_wait3A_140 = tpu.memref_squeeze %dma_wait3A_139 : memref<1x512xf32, #tpu.memory_space<hbm>> -> memref<512xf32, #tpu.memory_space<hbm>>
      %dma_wait3A_141 = arith.constant 6144 : i32
      %dma_wait3A_142 = tpu.memref_slice %arg19[%dma_wait3A_141] : memref<10752xf32, #tpu.memory_space<vmem>> -> memref<512xf32, #tpu.memory_space<vmem>>
      tpu.wait_dma2 semaphore(%run_scoped3A_127 : memref<!tpu.dma_semaphore, #tpu.memory_space<semaphore_mem>>) src(%dma_wait3A_142 : memref<512xf32, #tpu.memory_space<vmem>>) dst(%dma_wait3A_140 : memref<512xf32, #tpu.memory_space<hbm>>)
      tpu.yield
    }) : () -> ()
    %run_scoped3A_119 = arith.constant 12 : i32
    "tpu.region"() ({
      %run_scoped3A_127 = tpu.sem_alloc : memref<!tpu.dma_semaphore, #tpu.memory_space<semaphore_mem>>
      %dma_start3A_128 = arith.constant 6656 : i32
      %dma_start3A_129 = tpu.memref_slice %arg19[%dma_start3A_128] : memref<10752xf32, #tpu.memory_space<vmem>> -> memref<512xf32, #tpu.memory_space<vmem>>
      %dma_start3A_130 = tpu.memref_slice %arg8[%run_scoped3A_119, %mul3A_2] : memref<20x16384xf32, #tpu.memory_space<hbm>> -> memref<1x512xf32, #tpu.memory_space<hbm>>
      %dma_start3A_131 = tpu.memref_squeeze %dma_start3A_130 : memref<1x512xf32, #tpu.memory_space<hbm>> -> memref<512xf32, #tpu.memory_space<hbm>>
      %dma_start3A_132 = tpu.memref_slice %arg8[%run_scoped3A_119, %mul3A_2] : memref<20x16384xf32, #tpu.memory_space<hbm>> -> memref<1x512xf32, #tpu.memory_space<hbm>>
      %dma_start3A_133 = tpu.memref_squeeze %dma_start3A_132 : memref<1x512xf32, #tpu.memory_space<hbm>> -> memref<512xf32, #tpu.memory_space<hbm>>
      %dma_start3A_134 = arith.constant 6656 : i32
      %dma_start3A_135 = tpu.memref_slice %arg19[%dma_start3A_134] : memref<10752xf32, #tpu.memory_space<vmem>> -> memref<512xf32, #tpu.memory_space<vmem>>
      tpu.enqueue_dma source(%dma_start3A_135 : memref<512xf32, #tpu.memory_space<vmem>>) target(%dma_start3A_133 : memref<512xf32, #tpu.memory_space<hbm>>) target_semaphore(%run_scoped3A_127 : memref<!tpu.dma_semaphore, #tpu.memory_space<semaphore_mem>>)
      %dma_wait3A = arith.constant 6656 : i32
      %dma_wait3A_136 = tpu.memref_slice %arg19[%dma_wait3A] : memref<10752xf32, #tpu.memory_space<vmem>> -> memref<512xf32, #tpu.memory_space<vmem>>
      %dma_wait3A_137 = tpu.memref_slice %arg8[%run_scoped3A_119, %mul3A_2] : memref<20x16384xf32, #tpu.memory_space<hbm>> -> memref<1x512xf32, #tpu.memory_space<hbm>>
      %dma_wait3A_138 = tpu.memref_squeeze %dma_wait3A_137 : memref<1x512xf32, #tpu.memory_space<hbm>> -> memref<512xf32, #tpu.memory_space<hbm>>
      %dma_wait3A_139 = tpu.memref_slice %arg8[%run_scoped3A_119, %mul3A_2] : memref<20x16384xf32, #tpu.memory_space<hbm>> -> memref<1x512xf32, #tpu.memory_space<hbm>>
      %dma_wait3A_140 = tpu.memref_squeeze %dma_wait3A_139 : memref<1x512xf32, #tpu.memory_space<hbm>> -> memref<512xf32, #tpu.memory_space<hbm>>
      %dma_wait3A_141 = arith.constant 6656 : i32
      %dma_wait3A_142 = tpu.memref_slice %arg19[%dma_wait3A_141] : memref<10752xf32, #tpu.memory_space<vmem>> -> memref<512xf32, #tpu.memory_space<vmem>>
      tpu.wait_dma2 semaphore(%run_scoped3A_127 : memref<!tpu.dma_semaphore, #tpu.memory_space<semaphore_mem>>) src(%dma_wait3A_142 : memref<512xf32, #tpu.memory_space<vmem>>) dst(%dma_wait3A_140 : memref<512xf32, #tpu.memory_space<hbm>>)
      tpu.yield
    }) : () -> ()
    %run_scoped3A_120 = arith.constant 13 : i32
    "tpu.region"() ({
      %run_scoped3A_127 = tpu.sem_alloc : memref<!tpu.dma_semaphore, #tpu.memory_space<semaphore_mem>>
      %dma_start3A_128 = arith.constant 7168 : i32
      %dma_start3A_129 = tpu.memref_slice %arg19[%dma_start3A_128] : memref<10752xf32, #tpu.memory_space<vmem>> -> memref<512xf32, #tpu.memory_space<vmem>>
      %dma_start3A_130 = tpu.memref_slice %arg8[%run_scoped3A_120, %mul3A_2] : memref<20x16384xf32, #tpu.memory_space<hbm>> -> memref<1x512xf32, #tpu.memory_space<hbm>>
      %dma_start3A_131 = tpu.memref_squeeze %dma_start3A_130 : memref<1x512xf32, #tpu.memory_space<hbm>> -> memref<512xf32, #tpu.memory_space<hbm>>
      %dma_start3A_132 = tpu.memref_slice %arg8[%run_scoped3A_120, %mul3A_2] : memref<20x16384xf32, #tpu.memory_space<hbm>> -> memref<1x512xf32, #tpu.memory_space<hbm>>
      %dma_start3A_133 = tpu.memref_squeeze %dma_start3A_132 : memref<1x512xf32, #tpu.memory_space<hbm>> -> memref<512xf32, #tpu.memory_space<hbm>>
      %dma_start3A_134 = arith.constant 7168 : i32
      %dma_start3A_135 = tpu.memref_slice %arg19[%dma_start3A_134] : memref<10752xf32, #tpu.memory_space<vmem>> -> memref<512xf32, #tpu.memory_space<vmem>>
      tpu.enqueue_dma source(%dma_start3A_135 : memref<512xf32, #tpu.memory_space<vmem>>) target(%dma_start3A_133 : memref<512xf32, #tpu.memory_space<hbm>>) target_semaphore(%run_scoped3A_127 : memref<!tpu.dma_semaphore, #tpu.memory_space<semaphore_mem>>)
      %dma_wait3A = arith.constant 7168 : i32
      %dma_wait3A_136 = tpu.memref_slice %arg19[%dma_wait3A] : memref<10752xf32, #tpu.memory_space<vmem>> -> memref<512xf32, #tpu.memory_space<vmem>>
      %dma_wait3A_137 = tpu.memref_slice %arg8[%run_scoped3A_120, %mul3A_2] : memref<20x16384xf32, #tpu.memory_space<hbm>> -> memref<1x512xf32, #tpu.memory_space<hbm>>
      %dma_wait3A_138 = tpu.memref_squeeze %dma_wait3A_137 : memref<1x512xf32, #tpu.memory_space<hbm>> -> memref<512xf32, #tpu.memory_space<hbm>>
      %dma_wait3A_139 = tpu.memref_slice %arg8[%run_scoped3A_120, %mul3A_2] : memref<20x16384xf32, #tpu.memory_space<hbm>> -> memref<1x512xf32, #tpu.memory_space<hbm>>
      %dma_wait3A_140 = tpu.memref_squeeze %dma_wait3A_139 : memref<1x512xf32, #tpu.memory_space<hbm>> -> memref<512xf32, #tpu.memory_space<hbm>>
      %dma_wait3A_141 = arith.constant 7168 : i32
      %dma_wait3A_142 = tpu.memref_slice %arg19[%dma_wait3A_141] : memref<10752xf32, #tpu.memory_space<vmem>> -> memref<512xf32, #tpu.memory_space<vmem>>
      tpu.wait_dma2 semaphore(%run_scoped3A_127 : memref<!tpu.dma_semaphore, #tpu.memory_space<semaphore_mem>>) src(%dma_wait3A_142 : memref<512xf32, #tpu.memory_space<vmem>>) dst(%dma_wait3A_140 : memref<512xf32, #tpu.memory_space<hbm>>)
      tpu.yield
    }) : () -> ()
    %run_scoped3A_121 = arith.constant 14 : i32
    "tpu.region"() ({
      %run_scoped3A_127 = tpu.sem_alloc : memref<!tpu.dma_semaphore, #tpu.memory_space<semaphore_mem>>
      %dma_start3A_128 = arith.constant 7680 : i32
      %dma_start3A_129 = tpu.memref_slice %arg19[%dma_start3A_128] : memref<10752xf32, #tpu.memory_space<vmem>> -> memref<512xf32, #tpu.memory_space<vmem>>
      %dma_start3A_130 = tpu.memref_slice %arg8[%run_scoped3A_121, %mul3A_2] : memref<20x16384xf32, #tpu.memory_space<hbm>> -> memref<1x512xf32, #tpu.memory_space<hbm>>
      %dma_start3A_131 = tpu.memref_squeeze %dma_start3A_130 : memref<1x512xf32, #tpu.memory_space<hbm>> -> memref<512xf32, #tpu.memory_space<hbm>>
      %dma_start3A_132 = tpu.memref_slice %arg8[%run_scoped3A_121, %mul3A_2] : memref<20x16384xf32, #tpu.memory_space<hbm>> -> memref<1x512xf32, #tpu.memory_space<hbm>>
      %dma_start3A_133 = tpu.memref_squeeze %dma_start3A_132 : memref<1x512xf32, #tpu.memory_space<hbm>> -> memref<512xf32, #tpu.memory_space<hbm>>
      %dma_start3A_134 = arith.constant 7680 : i32
      %dma_start3A_135 = tpu.memref_slice %arg19[%dma_start3A_134] : memref<10752xf32, #tpu.memory_space<vmem>> -> memref<512xf32, #tpu.memory_space<vmem>>
      tpu.enqueue_dma source(%dma_start3A_135 : memref<512xf32, #tpu.memory_space<vmem>>) target(%dma_start3A_133 : memref<512xf32, #tpu.memory_space<hbm>>) target_semaphore(%run_scoped3A_127 : memref<!tpu.dma_semaphore, #tpu.memory_space<semaphore_mem>>)
      %dma_wait3A = arith.constant 7680 : i32
      %dma_wait3A_136 = tpu.memref_slice %arg19[%dma_wait3A] : memref<10752xf32, #tpu.memory_space<vmem>> -> memref<512xf32, #tpu.memory_space<vmem>>
      %dma_wait3A_137 = tpu.memref_slice %arg8[%run_scoped3A_121, %mul3A_2] : memref<20x16384xf32, #tpu.memory_space<hbm>> -> memref<1x512xf32, #tpu.memory_space<hbm>>
      %dma_wait3A_138 = tpu.memref_squeeze %dma_wait3A_137 : memref<1x512xf32, #tpu.memory_space<hbm>> -> memref<512xf32, #tpu.memory_space<hbm>>
      %dma_wait3A_139 = tpu.memref_slice %arg8[%run_scoped3A_121, %mul3A_2] : memref<20x16384xf32, #tpu.memory_space<hbm>> -> memref<1x512xf32, #tpu.memory_space<hbm>>
      %dma_wait3A_140 = tpu.memref_squeeze %dma_wait3A_139 : memref<1x512xf32, #tpu.memory_space<hbm>> -> memref<512xf32, #tpu.memory_space<hbm>>
      %dma_wait3A_141 = arith.constant 7680 : i32
      %dma_wait3A_142 = tpu.memref_slice %arg19[%dma_wait3A_141] : memref<10752xf32, #tpu.memory_space<vmem>> -> memref<512xf32, #tpu.memory_space<vmem>>
      tpu.wait_dma2 semaphore(%run_scoped3A_127 : memref<!tpu.dma_semaphore, #tpu.memory_space<semaphore_mem>>) src(%dma_wait3A_142 : memref<512xf32, #tpu.memory_space<vmem>>) dst(%dma_wait3A_140 : memref<512xf32, #tpu.memory_space<hbm>>)
      tpu.yield
    }) : () -> ()
    %run_scoped3A_122 = arith.constant 15 : i32
    "tpu.region"() ({
      %run_scoped3A_127 = tpu.sem_alloc : memref<!tpu.dma_semaphore, #tpu.memory_space<semaphore_mem>>
      %dma_start3A_128 = arith.constant 8192 : i32
      %dma_start3A_129 = tpu.memref_slice %arg19[%dma_start3A_128] : memref<10752xf32, #tpu.memory_space<vmem>> -> memref<512xf32, #tpu.memory_space<vmem>>
      %dma_start3A_130 = tpu.memref_slice %arg8[%run_scoped3A_122, %mul3A_2] : memref<20x16384xf32, #tpu.memory_space<hbm>> -> memref<1x512xf32, #tpu.memory_space<hbm>>
      %dma_start3A_131 = tpu.memref_squeeze %dma_start3A_130 : memref<1x512xf32, #tpu.memory_space<hbm>> -> memref<512xf32, #tpu.memory_space<hbm>>
      %dma_start3A_132 = tpu.memref_slice %arg8[%run_scoped3A_122, %mul3A_2] : memref<20x16384xf32, #tpu.memory_space<hbm>> -> memref<1x512xf32, #tpu.memory_space<hbm>>
      %dma_start3A_133 = tpu.memref_squeeze %dma_start3A_132 : memref<1x512xf32, #tpu.memory_space<hbm>> -> memref<512xf32, #tpu.memory_space<hbm>>
      %dma_start3A_134 = arith.constant 8192 : i32
      %dma_start3A_135 = tpu.memref_slice %arg19[%dma_start3A_134] : memref<10752xf32, #tpu.memory_space<vmem>> -> memref<512xf32, #tpu.memory_space<vmem>>
      tpu.enqueue_dma source(%dma_start3A_135 : memref<512xf32, #tpu.memory_space<vmem>>) target(%dma_start3A_133 : memref<512xf32, #tpu.memory_space<hbm>>) target_semaphore(%run_scoped3A_127 : memref<!tpu.dma_semaphore, #tpu.memory_space<semaphore_mem>>)
      %dma_wait3A = arith.constant 8192 : i32
      %dma_wait3A_136 = tpu.memref_slice %arg19[%dma_wait3A] : memref<10752xf32, #tpu.memory_space<vmem>> -> memref<512xf32, #tpu.memory_space<vmem>>
      %dma_wait3A_137 = tpu.memref_slice %arg8[%run_scoped3A_122, %mul3A_2] : memref<20x16384xf32, #tpu.memory_space<hbm>> -> memref<1x512xf32, #tpu.memory_space<hbm>>
      %dma_wait3A_138 = tpu.memref_squeeze %dma_wait3A_137 : memref<1x512xf32, #tpu.memory_space<hbm>> -> memref<512xf32, #tpu.memory_space<hbm>>
      %dma_wait3A_139 = tpu.memref_slice %arg8[%run_scoped3A_122, %mul3A_2] : memref<20x16384xf32, #tpu.memory_space<hbm>> -> memref<1x512xf32, #tpu.memory_space<hbm>>
      %dma_wait3A_140 = tpu.memref_squeeze %dma_wait3A_139 : memref<1x512xf32, #tpu.memory_space<hbm>> -> memref<512xf32, #tpu.memory_space<hbm>>
      %dma_wait3A_141 = arith.constant 8192 : i32
      %dma_wait3A_142 = tpu.memref_slice %arg19[%dma_wait3A_141] : memref<10752xf32, #tpu.memory_space<vmem>> -> memref<512xf32, #tpu.memory_space<vmem>>
      tpu.wait_dma2 semaphore(%run_scoped3A_127 : memref<!tpu.dma_semaphore, #tpu.memory_space<semaphore_mem>>) src(%dma_wait3A_142 : memref<512xf32, #tpu.memory_space<vmem>>) dst(%dma_wait3A_140 : memref<512xf32, #tpu.memory_space<hbm>>)
      tpu.yield
    }) : () -> ()
    %run_scoped3A_123 = arith.constant 16 : i32
    "tpu.region"() ({
      %run_scoped3A_127 = tpu.sem_alloc : memref<!tpu.dma_semaphore, #tpu.memory_space<semaphore_mem>>
      %dma_start3A_128 = arith.constant 8704 : i32
      %dma_start3A_129 = tpu.memref_slice %arg19[%dma_start3A_128] : memref<10752xf32, #tpu.memory_space<vmem>> -> memref<512xf32, #tpu.memory_space<vmem>>
      %dma_start3A_130 = tpu.memref_slice %arg8[%run_scoped3A_123, %mul3A_2] : memref<20x16384xf32, #tpu.memory_space<hbm>> -> memref<1x512xf32, #tpu.memory_space<hbm>>
      %dma_start3A_131 = tpu.memref_squeeze %dma_start3A_130 : memref<1x512xf32, #tpu.memory_space<hbm>> -> memref<512xf32, #tpu.memory_space<hbm>>
      %dma_start3A_132 = tpu.memref_slice %arg8[%run_scoped3A_123, %mul3A_2] : memref<20x16384xf32, #tpu.memory_space<hbm>> -> memref<1x512xf32, #tpu.memory_space<hbm>>
      %dma_start3A_133 = tpu.memref_squeeze %dma_start3A_132 : memref<1x512xf32, #tpu.memory_space<hbm>> -> memref<512xf32, #tpu.memory_space<hbm>>
      %dma_start3A_134 = arith.constant 8704 : i32
      %dma_start3A_135 = tpu.memref_slice %arg19[%dma_start3A_134] : memref<10752xf32, #tpu.memory_space<vmem>> -> memref<512xf32, #tpu.memory_space<vmem>>
      tpu.enqueue_dma source(%dma_start3A_135 : memref<512xf32, #tpu.memory_space<vmem>>) target(%dma_start3A_133 : memref<512xf32, #tpu.memory_space<hbm>>) target_semaphore(%run_scoped3A_127 : memref<!tpu.dma_semaphore, #tpu.memory_space<semaphore_mem>>)
      %dma_wait3A = arith.constant 8704 : i32
      %dma_wait3A_136 = tpu.memref_slice %arg19[%dma_wait3A] : memref<10752xf32, #tpu.memory_space<vmem>> -> memref<512xf32, #tpu.memory_space<vmem>>
      %dma_wait3A_137 = tpu.memref_slice %arg8[%run_scoped3A_123, %mul3A_2] : memref<20x16384xf32, #tpu.memory_space<hbm>> -> memref<1x512xf32, #tpu.memory_space<hbm>>
      %dma_wait3A_138 = tpu.memref_squeeze %dma_wait3A_137 : memref<1x512xf32, #tpu.memory_space<hbm>> -> memref<512xf32, #tpu.memory_space<hbm>>
      %dma_wait3A_139 = tpu.memref_slice %arg8[%run_scoped3A_123, %mul3A_2] : memref<20x16384xf32, #tpu.memory_space<hbm>> -> memref<1x512xf32, #tpu.memory_space<hbm>>
      %dma_wait3A_140 = tpu.memref_squeeze %dma_wait3A_139 : memref<1x512xf32, #tpu.memory_space<hbm>> -> memref<512xf32, #tpu.memory_space<hbm>>
      %dma_wait3A_141 = arith.constant 8704 : i32
      %dma_wait3A_142 = tpu.memref_slice %arg19[%dma_wait3A_141] : memref<10752xf32, #tpu.memory_space<vmem>> -> memref<512xf32, #tpu.memory_space<vmem>>
      tpu.wait_dma2 semaphore(%run_scoped3A_127 : memref<!tpu.dma_semaphore, #tpu.memory_space<semaphore_mem>>) src(%dma_wait3A_142 : memref<512xf32, #tpu.memory_space<vmem>>) dst(%dma_wait3A_140 : memref<512xf32, #tpu.memory_space<hbm>>)
      tpu.yield
    }) : () -> ()
    %run_scoped3A_124 = arith.constant 17 : i32
    "tpu.region"() ({
      %run_scoped3A_127 = tpu.sem_alloc : memref<!tpu.dma_semaphore, #tpu.memory_space<semaphore_mem>>
      %dma_start3A_128 = arith.constant 9216 : i32
      %dma_start3A_129 = tpu.memref_slice %arg19[%dma_start3A_128] : memref<10752xf32, #tpu.memory_space<vmem>> -> memref<512xf32, #tpu.memory_space<vmem>>
      %dma_start3A_130 = tpu.memref_slice %arg8[%run_scoped3A_124, %mul3A_2] : memref<20x16384xf32, #tpu.memory_space<hbm>> -> memref<1x512xf32, #tpu.memory_space<hbm>>
      %dma_start3A_131 = tpu.memref_squeeze %dma_start3A_130 : memref<1x512xf32, #tpu.memory_space<hbm>> -> memref<512xf32, #tpu.memory_space<hbm>>
      %dma_start3A_132 = tpu.memref_slice %arg8[%run_scoped3A_124, %mul3A_2] : memref<20x16384xf32, #tpu.memory_space<hbm>> -> memref<1x512xf32, #tpu.memory_space<hbm>>
      %dma_start3A_133 = tpu.memref_squeeze %dma_start3A_132 : memref<1x512xf32, #tpu.memory_space<hbm>> -> memref<512xf32, #tpu.memory_space<hbm>>
      %dma_start3A_134 = arith.constant 9216 : i32
      %dma_start3A_135 = tpu.memref_slice %arg19[%dma_start3A_134] : memref<10752xf32, #tpu.memory_space<vmem>> -> memref<512xf32, #tpu.memory_space<vmem>>
      tpu.enqueue_dma source(%dma_start3A_135 : memref<512xf32, #tpu.memory_space<vmem>>) target(%dma_start3A_133 : memref<512xf32, #tpu.memory_space<hbm>>) target_semaphore(%run_scoped3A_127 : memref<!tpu.dma_semaphore, #tpu.memory_space<semaphore_mem>>)
      %dma_wait3A = arith.constant 9216 : i32
      %dma_wait3A_136 = tpu.memref_slice %arg19[%dma_wait3A] : memref<10752xf32, #tpu.memory_space<vmem>> -> memref<512xf32, #tpu.memory_space<vmem>>
      %dma_wait3A_137 = tpu.memref_slice %arg8[%run_scoped3A_124, %mul3A_2] : memref<20x16384xf32, #tpu.memory_space<hbm>> -> memref<1x512xf32, #tpu.memory_space<hbm>>
      %dma_wait3A_138 = tpu.memref_squeeze %dma_wait3A_137 : memref<1x512xf32, #tpu.memory_space<hbm>> -> memref<512xf32, #tpu.memory_space<hbm>>
      %dma_wait3A_139 = tpu.memref_slice %arg8[%run_scoped3A_124, %mul3A_2] : memref<20x16384xf32, #tpu.memory_space<hbm>> -> memref<1x512xf32, #tpu.memory_space<hbm>>
      %dma_wait3A_140 = tpu.memref_squeeze %dma_wait3A_139 : memref<1x512xf32, #tpu.memory_space<hbm>> -> memref<512xf32, #tpu.memory_space<hbm>>
      %dma_wait3A_141 = arith.constant 9216 : i32
      %dma_wait3A_142 = tpu.memref_slice %arg19[%dma_wait3A_141] : memref<10752xf32, #tpu.memory_space<vmem>> -> memref<512xf32, #tpu.memory_space<vmem>>
      tpu.wait_dma2 semaphore(%run_scoped3A_127 : memref<!tpu.dma_semaphore, #tpu.memory_space<semaphore_mem>>) src(%dma_wait3A_142 : memref<512xf32, #tpu.memory_space<vmem>>) dst(%dma_wait3A_140 : memref<512xf32, #tpu.memory_space<hbm>>)
      tpu.yield
    }) : () -> ()
    %run_scoped3A_125 = arith.constant 18 : i32
    "tpu.region"() ({
      %run_scoped3A_127 = tpu.sem_alloc : memref<!tpu.dma_semaphore, #tpu.memory_space<semaphore_mem>>
      %dma_start3A_128 = arith.constant 9728 : i32
      %dma_start3A_129 = tpu.memref_slice %arg19[%dma_start3A_128] : memref<10752xf32, #tpu.memory_space<vmem>> -> memref<512xf32, #tpu.memory_space<vmem>>
      %dma_start3A_130 = tpu.memref_slice %arg8[%run_scoped3A_125, %mul3A_2] : memref<20x16384xf32, #tpu.memory_space<hbm>> -> memref<1x512xf32, #tpu.memory_space<hbm>>
      %dma_start3A_131 = tpu.memref_squeeze %dma_start3A_130 : memref<1x512xf32, #tpu.memory_space<hbm>> -> memref<512xf32, #tpu.memory_space<hbm>>
      %dma_start3A_132 = tpu.memref_slice %arg8[%run_scoped3A_125, %mul3A_2] : memref<20x16384xf32, #tpu.memory_space<hbm>> -> memref<1x512xf32, #tpu.memory_space<hbm>>
      %dma_start3A_133 = tpu.memref_squeeze %dma_start3A_132 : memref<1x512xf32, #tpu.memory_space<hbm>> -> memref<512xf32, #tpu.memory_space<hbm>>
      %dma_start3A_134 = arith.constant 9728 : i32
      %dma_start3A_135 = tpu.memref_slice %arg19[%dma_start3A_134] : memref<10752xf32, #tpu.memory_space<vmem>> -> memref<512xf32, #tpu.memory_space<vmem>>
      tpu.enqueue_dma source(%dma_start3A_135 : memref<512xf32, #tpu.memory_space<vmem>>) target(%dma_start3A_133 : memref<512xf32, #tpu.memory_space<hbm>>) target_semaphore(%run_scoped3A_127 : memref<!tpu.dma_semaphore, #tpu.memory_space<semaphore_mem>>)
      %dma_wait3A = arith.constant 9728 : i32
      %dma_wait3A_136 = tpu.memref_slice %arg19[%dma_wait3A] : memref<10752xf32, #tpu.memory_space<vmem>> -> memref<512xf32, #tpu.memory_space<vmem>>
      %dma_wait3A_137 = tpu.memref_slice %arg8[%run_scoped3A_125, %mul3A_2] : memref<20x16384xf32, #tpu.memory_space<hbm>> -> memref<1x512xf32, #tpu.memory_space<hbm>>
      %dma_wait3A_138 = tpu.memref_squeeze %dma_wait3A_137 : memref<1x512xf32, #tpu.memory_space<hbm>> -> memref<512xf32, #tpu.memory_space<hbm>>
      %dma_wait3A_139 = tpu.memref_slice %arg8[%run_scoped3A_125, %mul3A_2] : memref<20x16384xf32, #tpu.memory_space<hbm>> -> memref<1x512xf32, #tpu.memory_space<hbm>>
      %dma_wait3A_140 = tpu.memref_squeeze %dma_wait3A_139 : memref<1x512xf32, #tpu.memory_space<hbm>> -> memref<512xf32, #tpu.memory_space<hbm>>
      %dma_wait3A_141 = arith.constant 9728 : i32
      %dma_wait3A_142 = tpu.memref_slice %arg19[%dma_wait3A_141] : memref<10752xf32, #tpu.memory_space<vmem>> -> memref<512xf32, #tpu.memory_space<vmem>>
      tpu.wait_dma2 semaphore(%run_scoped3A_127 : memref<!tpu.dma_semaphore, #tpu.memory_space<semaphore_mem>>) src(%dma_wait3A_142 : memref<512xf32, #tpu.memory_space<vmem>>) dst(%dma_wait3A_140 : memref<512xf32, #tpu.memory_space<hbm>>)
      tpu.yield
    }) : () -> ()
    %run_scoped3A_126 = arith.constant 19 : i32
    "tpu.region"() ({
      %run_scoped3A_127 = tpu.sem_alloc : memref<!tpu.dma_semaphore, #tpu.memory_space<semaphore_mem>>
      %dma_start3A_128 = arith.constant 10240 : i32
      %dma_start3A_129 = tpu.memref_slice %arg19[%dma_start3A_128] : memref<10752xf32, #tpu.memory_space<vmem>> -> memref<512xf32, #tpu.memory_space<vmem>>
      %dma_start3A_130 = tpu.memref_slice %arg8[%run_scoped3A_126, %mul3A_2] : memref<20x16384xf32, #tpu.memory_space<hbm>> -> memref<1x512xf32, #tpu.memory_space<hbm>>
      %dma_start3A_131 = tpu.memref_squeeze %dma_start3A_130 : memref<1x512xf32, #tpu.memory_space<hbm>> -> memref<512xf32, #tpu.memory_space<hbm>>
      %dma_start3A_132 = tpu.memref_slice %arg8[%run_scoped3A_126, %mul3A_2] : memref<20x16384xf32, #tpu.memory_space<hbm>> -> memref<1x512xf32, #tpu.memory_space<hbm>>
      %dma_start3A_133 = tpu.memref_squeeze %dma_start3A_132 : memref<1x512xf32, #tpu.memory_space<hbm>> -> memref<512xf32, #tpu.memory_space<hbm>>
      %dma_start3A_134 = arith.constant 10240 : i32
      %dma_start3A_135 = tpu.memref_slice %arg19[%dma_start3A_134] : memref<10752xf32, #tpu.memory_space<vmem>> -> memref<512xf32, #tpu.memory_space<vmem>>
      tpu.enqueue_dma source(%dma_start3A_135 : memref<512xf32, #tpu.memory_space<vmem>>) target(%dma_start3A_133 : memref<512xf32, #tpu.memory_space<hbm>>) target_semaphore(%run_scoped3A_127 : memref<!tpu.dma_semaphore, #tpu.memory_space<semaphore_mem>>)
      %dma_wait3A = arith.constant 10240 : i32
      %dma_wait3A_136 = tpu.memref_slice %arg19[%dma_wait3A] : memref<10752xf32, #tpu.memory_space<vmem>> -> memref<512xf32, #tpu.memory_space<vmem>>
      %dma_wait3A_137 = tpu.memref_slice %arg8[%run_scoped3A_126, %mul3A_2] : memref<20x16384xf32, #tpu.memory_space<hbm>> -> memref<1x512xf32, #tpu.memory_space<hbm>>
      %dma_wait3A_138 = tpu.memref_squeeze %dma_wait3A_137 : memref<1x512xf32, #tpu.memory_space<hbm>> -> memref<512xf32, #tpu.memory_space<hbm>>
      %dma_wait3A_139 = tpu.memref_slice %arg8[%run_scoped3A_126, %mul3A_2] : memref<20x16384xf32, #tpu.memory_space<hbm>> -> memref<1x512xf32, #tpu.memory_space<hbm>>
      %dma_wait3A_140 = tpu.memref_squeeze %dma_wait3A_139 : memref<1x512xf32, #tpu.memory_space<hbm>> -> memref<512xf32, #tpu.memory_space<hbm>>
      %dma_wait3A_141 = arith.constant 10240 : i32
      %dma_wait3A_142 = tpu.memref_slice %arg19[%dma_wait3A_141] : memref<10752xf32, #tpu.memory_space<vmem>> -> memref<512xf32, #tpu.memory_space<vmem>>
      tpu.wait_dma2 semaphore(%run_scoped3A_127 : memref<!tpu.dma_semaphore, #tpu.memory_space<semaphore_mem>>) src(%dma_wait3A_142 : memref<512xf32, #tpu.memory_space<vmem>>) dst(%dma_wait3A_140 : memref<512xf32, #tpu.memory_space<hbm>>)
      tpu.yield
    }) : () -> ()
    return
  }
}

</mosaic_0001>

<sc_bundles>
// kernel: _sc_scores.3.cloned.1.call-start
scs
__scs_entry_jumppad:
0x0: {  	(pc) =	sbr.rel $0x88, $3  }
0x1: {  	(tag) =	ssettag $0x0;
	lr =	simm.s32 $0x1  }
0x2: {  	[smem:$0x3F9C] =	sst lr;
	_ =	strace $0xD0000000  }
0x3: {  	_ = 	snop  }
0x4: {  	_ = 	snop  }
0x5: {  	_ = 	snop  }
0x6: {  	_ = 	snop  }
0x7: {  	_ = 	snop  }
__scs_overlays_trampoline_lowered:
0x8: {  	[smem:$0x3FAB] =	sst s0  }
0x9: {  	[smem:$0x3FAC] =	sst s1  }
0xa: {  	[smem:$0x3FAD] =	sst s2  }
0xb: {  	[smem:$0x3FAE] =	sst s3  }
0xc: {  	[smem:$0x3FAF] =	sst s4  }
0xd: {  	[smem:$0x3FB0] =	sst s5  }
0xe: {  	[smem:$0x3FB1] =	sst s6  }
0xf: {  	[smem:$0x3FB2] =	sst s7  }
0x10: {  	[smem:$0x3FB3] =	sst s8  }
0x11: {  	[smem:$0x3FB4] =	sst s9;
	s0 =	simm.s32 @!p0 $0x0  }
0x12: {  	s1 =	sld [smem:$0x3F9A];
	s0 =	simm.s32 @p0 $0x1  }
0x13: {  	[smem:$0x3FB5] =	sst s0;
	s0 =	simm.s32 @!p1 $0x0  }
0x14: {  	s2 =	sld [smem:$0x3F99];
	s0 =	simm.s32 @p1 $0x1  }
0x15: {  	[smem:$0x3FB6] =	sst s0;
	s0 =	simm.s32 @!p2 $0x0  }
0x16: {  	s3 =	sld [smem:$0x3FDB];
	s0 =	simm.s32 @p2 $0x1  }
0x17: {  	s4 =	simm.s32 $0x1BF5;
	[smem:$0x3FB8] =	sst s0  }
0x18: {  	s0 =	sld [smem:$0x3F9B];
	_ =	swait.ge [sflag:s4], $0x0  }
0x19: {  	s7 =	sld [smem:$0x3F9C]  }
0x1a: {  	s8 =	sadd.s32 $0xFFFFE003, lr  }
0x1b: {  	s9 =	sadd.s32 $0xFFFFFEF7, lr;
	s5 =	simm.s32 $0xFFFFFFFF;
	p2 =	slt.u32 s8, $0xFFFFF086  }
0x1c: {  	p1 =	slt.u32 s9, $0xF7A;
	s5 =	simm.s32 @!p2 $0x0  }
0x1d: {  	s5 =	simm.s32 @p1 $0x1;
	p0 =	seq.s32 s7, s2  }
0x1e: {  	s7 =	smul.u32 @!p0 $0xF7A, s2;
	p2 =	seq.s32 @!p0 s5, $0x0  }
0x1f: {  	s9 =	smul.u32 $0xF7A, s1;
	s8 =	simm.s32 @!p0 $0x1BF5;
	p2 =	por !p2, p0  }
0x20: {  	[sflag:s8] =	ssyncset.s32 @!p0 $0xFFFFF086;
	s6 =	sadd.s32 @!p0 s3, s7;
	s7 =	simm.s32 @!p0 $0x108  }
0x21: {  	s3 =	sadd.s32 s3, s9;
	s6 =	sadd.s32 @!p0 $0x88, s6;
	s7 =	simm.s32 @p2 $0x1082  }
0x22: {  	[simem:s7], [sflag:s8] =	dma.local @!p0 [hbm:s6], $0xF7A  }
0x23: {  	s9 =	sor.u32 $0xD0000000, s2;
	s6 =	simm.s32 $0x108;
	_ =	swait.ge @!p0 [sflag:s8], $0x0  }
0x24: {  	s3 =	sadd.s32 $0x88, s3;
	s6 =	simm.s32 @!p1 $0x1082;
	[sflag:s4] =	ssyncset.s32 $0xFFFFF086  }
0x25: {  	[simem:s6], [sflag:s4] =	dma.local [hbm:s3], $0xF7A  }
0x26: {  	[smem:$0x3F9C] =	sst s1;
	(tag) =	ssettag s2;
	_ =	strace s9  }
0x27: {  	s1 =	sld [smem:$0x3FAC]  }
0x28: {  	s2 =	sld [smem:$0x3FAD]  }
0x29: {  	s4 =	sld [smem:$0x3FAF]  }
0x2a: {  	p0 =	seq.s32 s5, $0x0;
	s5 =	sld [smem:$0x3FB0]  }
0x2b: {  	s6 =	sld [smem:$0x3FB1]  }
0x2c: {  	s7 =	sld [smem:$0x3FB2]  }
0x2d: {  	s3 =	simm.s32 $0x108;
	s8 =	sld [smem:$0x3FB3]  }
0x2e: {  	s3 =	simm.s32 @!p0 $0x1082;
	s9 =	sld [smem:$0x3FB4]  }
0x2f: {  	lr =	sadd.s32 s0, s3;
	s0 =	sld [smem:$0x3FAB]  }
0x30: {  	s3 =	sld [smem:$0x3FAE]  }
0x31: {  	[smem:$0x3FB7] =	sst s10  }
0x32: {  	s10 =	sld [smem:$0x3FB5];
	_ =	sdelay $0x3  }
0x33: {  	p0 =	seq.s32 s10, $0x1;
	s10 =	sld [smem:$0x3FB7];
	_ =	sdelay $0x3  }
0x34: {  	[smem:$0x3FB7] =	sst s10  }
0x35: {  	s10 =	sld [smem:$0x3FB6];
	_ =	sdelay $0x3  }
0x36: {  	p1 =	seq.s32 s10, $0x1;
	s10 =	sld [smem:$0x3FB7];
	_ =	sdelay $0x3  }
0x37: {  	[smem:$0x3FB7] =	sst s10  }
0x38: {  	s10 =	sld [smem:$0x3FB8]  }
0x39: {  	_ = 	snop;
	(pc) =	sbr.ind lr, $3  }
0x3a: {  	_ = 	snop  }
0x3b: {  	_ = 	snop  }
0x3c: {  	p2 =	seq.s32 s10, $0x1;
	s10 =	sld [smem:$0x3FB7]  }
0x3d: {  	_ =	shalt  }
0x3e: {  	_ =	shalt  }
0x3f: {  	_ =	shalt  }
0x40: {  	_ =	shalt  }
0x41: {  	_ =	shalt  }
0x42: {  	_ =	shalt  }
0x43: {  	_ =	shalt  }
0x44: {  	_ =	shalt  }
0x45: {  	_ =	shalt  }
0x46: {  	_ =	shalt  }
0x47: {  	_ =	shalt  }
0x48: {  	_ =	shalt  }
0x49: {  	_ =	shalt  }
0x4a: {  	_ =	shalt  }
0x4b: {  	_ =	shalt  }
0x4c: {  	_ =	shalt  }
0x4d: {  	_ =	shalt  }
0x4e: {  	_ =	shalt  }
0x4f: {  	_ =	shalt  }
0x50: {  	_ =	shalt  }
0x51: {  	_ =	shalt  }
0x52: {  	_ =	shalt  }
0x53: {  	_ =	shalt  }
0x54: {  	_ =	shalt  }
0x55: {  	_ =	shalt  }
0x56: {  	_ =	shalt  }
0x57: {  	_ =	shalt  }
0x58: {  	_ =	shalt  }
0x59: {  	_ =	shalt  }
0x5a: {  	_ =	shalt  }
0x5b: {  	_ =	shalt  }
0x5c: {  	_ =	shalt  }
0x5d: {  	_ =	shalt  }
0x5e: {  	_ =	shalt  }
0x5f: {  	_ =	shalt  }
0x60: {  	_ =	shalt  }
0x61: {  	_ =	shalt  }
0x62: {  	_ =	shalt  }
0x63: {  	_ =	shalt  }
0x64: {  	_ =	shalt  }
0x65: {  	_ =	shalt  }
0x66: {  	_ =	shalt  }
0x67: {  	_ =	shalt  }
0x68: {  	_ =	shalt  }
0x69: {  	_ =	shalt  }
0x6a: {  	_ =	shalt  }
0x6b: {  	_ =	shalt  }
0x6c: {  	_ =	shalt  }
0x6d: {  	_ =	shalt  }
0x6e: {  	_ =	shalt  }
0x6f: {  	_ =	shalt  }
0x70: {  	_ =	shalt  }
0x71: {  	_ =	shalt  }
0x72: {  	_ =	shalt  }
0x73: {  	_ =	shalt  }
0x74: {  	_ =	shalt  }
0x75: {  	_ =	shalt  }
0x76: {  	_ =	shalt  }
0x77: {  	_ =	shalt  }
0x78: {  	_ =	shalt  }
0x79: {  	_ =	shalt  }
0x7a: {  	_ =	shalt  }
0x7b: {  	_ =	shalt  }
0x7c: {  	_ =	shalt  }
0x7d: {  	_ =	shalt  }
0x7e: {  	_ =	shalt  }
0x7f: {  	_ =	shalt  }
0x80: {  	_ =	shalt  }
0x81: {  	_ =	shalt  }
0x82: {  	_ =	shalt  }
0x83: {  	_ =	shalt  }
0x84: {  	_ =	shalt  }
0x85: {  	_ =	shalt  }
0x86: {  	_ =	shalt  }
0x87: {  	_ =	shalt  }
.Lfunc_end0:
.L_simem_size_0:
called_computation_lowered:
.L_overlay_start_0:
0x88: {  	s2 =	sld [smem:$0x3FD9]  }
0x89: {  	s3 =	sld [smem:$0x3FFE];
	_ =	sdelay $0x1  }
0x8a: {  	s1 =	srdreg.scid  }
0x8b: {  	s0 =	sand.u32 $0x1, s1  }
0x8c: {  	s14 =	sshll.u32 s0, $0xA;
	s2 =	sadd.s32 s3, s2  }
0x8d: {  	s2 =	sadd.s32 s2, s14  }
0x8e: {  	[smem:$0x3FC3] =	sst s2  }
0x8f: {  	_ = 	snop  }
0x90: {  	s2 =	sld [smem:$0x3FD0]  }
0x91: {  	s15 =	sld [smem:$0x3FC9]  }
0x92: {  	s4 =	sld [smem:$0x3FC8]  }
0x93: {  	s6 =	simm.s32 $0xA;
	s7 =	simm.s32 $0x10;
	s5 =	sld [smem:$0x3FC7]  }
0x94: {  	[smem:s7], [sflag:s6] =	dma.local [hbm:s2], $0x1  }
0x95: {  	_ =	swait.eq [sflag:s6], $0x1  }
0x96: {  	[sflag:s6] =	ssyncset.done $0x0  }
0x97: {  	[sflag:s6] =	ssyncadd.s32 $0xFFFFFFFF  }
0x98: {  	s16 =	sld [smem:$0x10];
	(tm) =	ssettm $0x1  }
0x99: {  	s17 =	sld [smem:$0x3FFB];
	_ =	sdelay $0x3  }
0x9a: {  	_ =	strace s17  }
0x9b: {  	s6 =	sld [smem:$0x3FFC];
	_ =	sdelay $0x3  }
0x9c: {  	_ =	strace s6  }
0x9d: {  	s6 =	sld [smem:$0x3FFD];
	_ =	sdelay $0x3  }
0x9e: {  	_ =	strace s6  }
0x9f: {  	_ =	strace $0x8FFFFFFF  }
0xa0: {  	s18 =	sld [smem:$0x3FDB];
	_ =	sdelay $0x1  }
0xa1: {  	s19 =	simm.s32 $_scs_section_size  }
0xa2: {  	s8 =	simm.s32 $_size__tile_overlayer_lowered;
	s9 =	simm.s32 $_tile_overlayer_lowered  }
0xa3: {  	s22 =	simm.s32 $0x1BFF;
	s21 =	sshll.u32 s9, $0x1;
	s6 =	sadd.s32 s19, s18  }
0xa4: {  	s10 =	simm.s32 $0x0;
	s20 =	sshll.u32 s8, $0x1;
	s8 =	sadd.s32 s21, s6  }
0xa5: {  	[timem:s10], [sflag:s22] =	dma.local [hbm:s8], s20  }
0xa6: {  	_ =	swait.ge [sflag:s22], s20  }
0xa7: {  	s7 =	ssub.s32 $0x0, s20;
	[sflag:s22] =	ssyncset.done $0x0  }
0xa8: {  	[sflag:s22] =	ssyncadd.s32 s7;
	_ =	sdelay $0x1  }
0xa9: {  	s23 =	simm.s32 $0x1B8B  }
0xaa: {  	_ =	swait.ge [sflag:s23], $0x1  }
0xab: {  	[sflag:s23] =	ssyncset.done $0x0  }
0xac: {  	s25 =	simm.s32 $0x1B8E;
	s24 =	sld [smem:$0x3FFE];
	[sflag:s23] =	ssyncadd.s32 $0xFFFFFFFF  }
0xad: {  	s26 =	simm.s32 $execute0_lowered;
	[smem:$0x3FD2] =	sst s25  }
0xae: {  	s8 =	sshll.u32 s26, $0x1;
	_ =	strace $0x80000046;
	[dreg:$0x1] =	wrdreg $0xFFFFFFFF  }
0xaf: {  	s28 =	simm.s32 $_size_execute0_lowered;
	s6 =	sadd.s32 s6, s8;
	[dreg:$0x0] =	wrdreg $0x0  }
0xb0: {  	s8 =	sshll.u32 s28, $0x1;
	[dreg:$0x2] =	wrdreg s6  }
0xb1: {  	[dreg:$0x3] =	wrdreg s8  }
0xb2: {  	[dreg:$0x4] =	wrdreg $0xC0  }
0xb3: {  	_ =	task [dreg:s10], $0x5FFFF  }
0xb4: {  	[dreg:$0x1] =	wrdreg $0xFFFFFFFF  }
0xb5: {  	[dreg:$0x0] =	wrdreg $0x60  }
0xb6: {  	[dreg:$0x2] =	wrdreg s15  }
0xb7: {  	[dreg:$0x3] =	wrdreg s4  }
0xb8: {  	[dreg:$0x4] =	wrdreg s5  }
0xb9: {  	[dreg:$0x5] =	wrdreg s24  }
0xba: {  	[dreg:$0x6] =	wrdreg s16  }
0xbb: {  	[dreg:$0x7] =	wrdreg $0x9  }
0xbc: {  	_ =	task.clear_ibuf [dreg:s10], $0x8FFFF;
	_ =	strace $0x90000046  }
0xbd: {  	s29 =	simm.s32 $0x9;
	_ =	strace $0x80000048  }
0xbe: {  	_ =	swait.ge [sflag:s29], $0x1  }
0xbf: {  	[sflag:s29] =	ssyncadd.s32 $0xFFFFFFFF  }
0xc0: {  	_ =	strace $0x90000048  }
0xc1: {  	_ =	sfence  }
0xc2: {  	s30 =	sld [smem:$0x0];
	_ =	sdelay $0x2  }
0xc3: {  	s31 =	sshll.u32 s1, $0xD;
	s1 =	sshrl.u32 s1, $0x2  }
0xc4: {  	s3 =	sand.u32 $0x4000, s31;
	s1 =	sadd.s32 s1, s30  }
0xc5: {  	s0 =	sor.u32 s3, s0;
	s1 =	sshll.u32 s1, $0x11  }
0xc6: {  	s0 =	sor.u32 s1, s0  }
0xc7: {  	s0 =	sadd.s32 $0x8F2B, s0  }
0xc8: {  	[sflag:s0] =	ssyncadd.remote.s32 $0x1  }
0xc9: {  	_ =	sfence.sel $0xFFFF  }
0xca: {  	[dreg:$0x0] =	wrdreg $0xFFFFFFFF;
	(pc) =	sbr.abs _section_cstart, $3  }
0xcb: {  	[dreg:$0x1] =	wrdreg $0xFFFFFFFF  }
0xcc: {  	_ =	task.clear_ibuf [dreg:s10], $0x2FFFF;
	_ =	strace $0x9FFFFFFF  }
0xcd: {  	(tm) =	ssettm $0x7FFFFFFF  }
tec
execute0_lowered:
.L_overlay_start_1:
0x0: {  	(tag) =	ssettag $0x1  }
0x1: {  	s0 =	rddreg [dreg:$0x0]  }
0x2: {  	s1 =	rddreg [dreg:$0x1]  }
0x3: {  	s5 =	rddreg [dreg:$0x2]  }
0x4: {  	s6 =	rddreg [dreg:$0x3]  }
0x5: {  	s7 =	rddreg [dreg:$0x4]  }
0x6: {  	s4 =	srdreg.scid;
	s9 =	stileid.u32  }
0x7: {  	s2 =	simm.s32 $0x0;
	s8 =	sand.u32 $0x1, s4;
	s9 =	sshll.u32 s9, $0x1  }
0x8: {  	[smem:$0x7FF] =	sst s2;
	s3 =	sadd.s32 $0xF42C00, s6;
	s9 =	sor.u32 s8, s9  }
0x9: {  	s4 =	sadd.s32 $0x16E3E00, s6;
	s8 =	ssub.s32 $0x2, s8;
	s10 =	sshll.u32 s9, $0x6  }
0xa: {  	_ =	strace $0x80000047;
	s11 =	sshrl.u32 s8, $0x1;
	s0 =	sadd.s32 s0, s10  }
0xb: {  	s9 =	smul.u32 $0x500, s9;
	s1 =	sadd.s32 s1, s10;
	[dreg:$0x6] =	wrdreg s0  }
0xc: {  	s8 =	ssub.s32 s8, s11;
	s11 =	sadd.s32 s7, s10;
	[dreg:$0x7] =	wrdreg s1  }
0xd: {  	s6 =	sadd.s32 s10, s6;
	s9 =	sadd.s32 s5, s9;
	[dreg:$0x9] =	wrdreg s11  }
0xe: {  	s12 =	sadd.s32 $0x800, s6;
	[dreg:$0x8] =	wrdreg s9  }
0xf: {  	s13 =	sadd.s32 $0x1000, s6;
	[dreg:$0xa] =	wrdreg s12  }
0x10: {  	s14 =	sadd.s32 $0x1800, s6;
	[dreg:$0xb] =	wrdreg s13  }
0x11: {  	s15 =	sadd.s32 $0x2000, s6;
	[dreg:$0xc] =	wrdreg s14  }
0x12: {  	s16 =	sadd.s32 $0x2800, s6;
	[dreg:$0xd] =	wrdreg s15  }
0x13: {  	s31 =	simm.s32 $0x3;
	s17 =	sadd.s32 $0x3000, s6;
	[dreg:$0xe] =	wrdreg s16  }
0x14: {  	s7 =	simm.s32 $0xEC00;
	s18 =	sadd.s32 $0x3800, s6;
	[dreg:$0xf] =	wrdreg s17  }
0x15: {  	s10 =	simm.s32 $0x14C00;
	s19 =	sadd.s32 $0x4000, s6;
	[dreg:$0x10] =	wrdreg s18  }
0x16: {  	s20 =	sadd.s32 $0x4800, s6;
	s21 =	sadd.s32 $0x5000, s6;
	[dreg:$0x11] =	wrdreg s19  }
0x17: {  	v0 =	vlaneseq.u32;
	s22 =	sadd.s32 $0x5800, s6;
	s23 =	sadd.s32 $0x6000, s6;
	[dreg:$0x12] =	wrdreg s20  }
0x18: {  	v0 =	vmul.u32 $0x11, v0;
	s24 =	sadd.s32 $0x6800, s6;
	s25 =	sadd.s32 $0x7000, s6;
	[dreg:$0x13] =	wrdreg s21  }
0x19: {  	s26 =	sadd.s32 $0x7800, s6;
	s28 =	sadd.s32 $0x9800, s6;
	[dreg:$0x14] =	wrdreg s22  }
0x1a: {  	v1 =	vadd.s32 $0x110, v0;
	v2 =	vadd.s32 $0x220, v0;
	s29 =	sadd.s32 $0xA000, s6;
	s30 =	smax.u32 s8, $0x1;
	[dreg:$0x15] =	wrdreg s23  }
0x1b: {  	v3 =	vadd.s32 $0x330, v0;
	v4 =	vadd.s32 $0x440, v0;
	v5 =	vadd.s32 $0x550, v0;
	s0 =	simm.s32 $0x20;
	s1 =	simm.s32 $0x80;
	[dreg:$0x16] =	wrdreg s24  }
.Ltmp0:
0x1c: {  	v6 =	vadd.s32 $0x660, v0;
	v7 =	vadd.s32 $0x770, v0;
	v8 =	vadd.s32 $0x880, v0;
	s5 =	simm.s32 $0xDC00;
	[dreg:$0x17] =	wrdreg s25;
	(pc) =	sbr.rel .LBB2_1-.Ltmp0, $4  }
0x1d: {  	v9 =	vadd.s32 $0x990, v0;
	v10 =	vadd.s32 $0xAA0, v0;
	v11 =	vadd.s32 $0xBB0, v0;
	s8 =	simm.s32 $0x10C00;
	s11 =	simm.s32 $0x16C00;
	[dreg:$0x18] =	wrdreg s26  }
0x1e: {  	v12 =	vadd.s32 $0xCC0, v0;
	v13 =	vadd.s32 $0xDD0, v0;
	v14 =	vadd.s32 $0xEE0, v0;
	s24 =	sadd.s32 $0x8000, s6;
	s25 =	sadd.s32 $0x8800, s6;
	s26 =	sadd.s32 $0x9000, s6  }
0x1f: {  	v15 =	vadd.s32 $0xFF0, v0;
	v16 =	vor.u32 $0x1100, v0;
	v17 =	vadd.s32 $0x1210, v0;
	s6 =	simm.s32 $0xE400;
	s9 =	simm.s32 $0x12C00;
	s12 =	simm.s32 $0x1  }
0x20: {  	v18 =	vadd.s32 $0x1320, v0;
	v19 =	vadd.s32 $0x1430, v0;
	v20 =	vadd.s32 $0x1540, v0;
	s13 =	simm.s32 $0x18C00;
	s14 =	simm.s32 $0x2;
	s15 =	simm.s32 $0x0  }
.LBB2_20:
0x21: {  	s16 =	rddreg [dreg:$0x9];
	s17 =	simm.s32 $0x1A250  }
0x22: {  	[hbm4b:s16+s2] =	stream.linear.scatter [tilespmem:s17], [sflag:$0x3], $0x200, $0x38;
	[tilespmem:$0x1CC50] =	vst v63  }
0x23: {  	_ =	swait.ge [sflag:s31], $0x200  }
0x24: {  	[sflag:s31] =	ssyncset.done $0x0  }
0x25: {  	s21 =	simm.s32 $0x1A450;
	s20 =	rddreg [dreg:$0xa];
	[sflag:s31] =	ssyncadd.s32 $0xFFFFFE00  }
0x26: {  	[hbm4b:s20+s2] =	stream.linear.scatter [tilespmem:s21], [sflag:$0x3], $0x200, $0x38;
	[tilespmem:$0x1CC50] =	vst v63  }
0x27: {  	_ =	swait.ge [sflag:s31], $0x200  }
0x28: {  	[sflag:s31] =	ssyncset.done $0x0  }
0x29: {  	s23 =	simm.s32 $0x1A650;
	s22 =	rddreg [dreg:$0xb];
	[sflag:s31] =	ssyncadd.s32 $0xFFFFFE00  }
0x2a: {  	[hbm4b:s22+s2] =	stream.linear.scatter [tilespmem:s23], [sflag:$0x3], $0x200, $0x38;
	[tilespmem:$0x1CC50] =	vst v63  }
0x2b: {  	_ =	swait.ge [sflag:s31], $0x200  }
0x2c: {  	[sflag:s31] =	ssyncset.done $0x0  }
0x2d: {  	s19 =	simm.s32 $0x1A850;
	s18 =	rddreg [dreg:$0xc];
	[sflag:s31] =	ssyncadd.s32 $0xFFFFFE00  }
0x2e: {  	[hbm4b:s18+s2] =	stream.linear.scatter [tilespmem:s19], [sflag:$0x3], $0x200, $0x38;
	[tilespmem:$0x1CC50] =	vst v63  }
0x2f: {  	_ =	swait.ge [sflag:s31], $0x200  }
0x30: {  	[sflag:s31] =	ssyncset.done $0x0  }
0x31: {  	s21 =	simm.s32 $0x1AA50;
	s20 =	rddreg [dreg:$0xd];
	[sflag:s31] =	ssyncadd.s32 $0xFFFFFE00  }
0x32: {  	[hbm4b:s20+s2] =	stream.linear.scatter [tilespmem:s21], [sflag:$0x3], $0x200, $0x38;
	[tilespmem:$0x1CC50] =	vst v63  }
0x33: {  	_ =	swait.ge [sflag:s31], $0x200  }
0x34: {  	[sflag:s31] =	ssyncset.done $0x0  }
0x35: {  	s23 =	simm.s32 $0x1AC50;
	s22 =	rddreg [dreg:$0xe];
	[sflag:s31] =	ssyncadd.s32 $0xFFFFFE00  }
0x36: {  	[hbm4b:s22+s2] =	stream.linear.scatter [tilespmem:s23], [sflag:$0x3], $0x200, $0x38;
	[tilespmem:$0x1CC50] =	vst v63  }
0x37: {  	_ =	swait.ge [sflag:s31], $0x200  }
0x38: {  	[sflag:s31] =	ssyncset.done $0x0  }
0x39: {  	s19 =	simm.s32 $0x1AE50;
	s18 =	rddreg [dreg:$0xf];
	[sflag:s31] =	ssyncadd.s32 $0xFFFFFE00  }
0x3a: {  	[hbm4b:s18+s2] =	stream.linear.scatter [tilespmem:s19], [sflag:$0x3], $0x200, $0x38;
	[tilespmem:$0x1CC50] =	vst v63  }
0x3b: {  	_ =	swait.ge [sflag:s31], $0x200  }
0x3c: {  	[sflag:s31] =	ssyncset.done $0x0  }
0x3d: {  	s21 =	simm.s32 $0x1B050;
	s20 =	rddreg [dreg:$0x10];
	[sflag:s31] =	ssyncadd.s32 $0xFFFFFE00  }
0x3e: {  	[hbm4b:s20+s2] =	stream.linear.scatter [tilespmem:s21], [sflag:$0x3], $0x200, $0x38;
	[tilespmem:$0x1CC50] =	vst v63  }
0x3f: {  	_ =	swait.ge [sflag:s31], $0x200  }
0x40: {  	[sflag:s31] =	ssyncset.done $0x0  }
0x41: {  	s23 =	simm.s32 $0x1B250;
	s22 =	rddreg [dreg:$0x11];
	[sflag:s31] =	ssyncadd.s32 $0xFFFFFE00  }
0x42: {  	[hbm4b:s22+s2] =	stream.linear.scatter [tilespmem:s23], [sflag:$0x3], $0x200, $0x38;
	[tilespmem:$0x1CC50] =	vst v63  }
0x43: {  	_ =	swait.ge [sflag:s31], $0x200  }
0x44: {  	[sflag:s31] =	ssyncset.done $0x0  }
0x45: {  	s19 =	simm.s32 $0x1B450;
	s18 =	rddreg [dreg:$0x12];
	[sflag:s31] =	ssyncadd.s32 $0xFFFFFE00  }
0x46: {  	[hbm4b:s18+s2] =	stream.linear.scatter [tilespmem:s19], [sflag:$0x3], $0x200, $0x38;
	[tilespmem:$0x1CC50] =	vst v63  }
0x47: {  	_ =	swait.ge [sflag:s31], $0x200  }
0x48: {  	[sflag:s31] =	ssyncset.done $0x0  }
0x49: {  	s21 =	simm.s32 $0x1B650;
	s20 =	rddreg [dreg:$0x13];
	[sflag:s31] =	ssyncadd.s32 $0xFFFFFE00  }
0x4a: {  	[hbm4b:s20+s2] =	stream.linear.scatter [tilespmem:s21], [sflag:$0x3], $0x200, $0x38;
	[tilespmem:$0x1CC50] =	vst v63  }
0x4b: {  	_ =	swait.ge [sflag:s31], $0x200  }
0x4c: {  	[sflag:s31] =	ssyncset.done $0x0  }
0x4d: {  	s23 =	simm.s32 $0x1B850;
	s22 =	rddreg [dreg:$0x14];
	[sflag:s31] =	ssyncadd.s32 $0xFFFFFE00  }
0x4e: {  	[hbm4b:s22+s2] =	stream.linear.scatter [tilespmem:s23], [sflag:$0x3], $0x200, $0x38;
	[tilespmem:$0x1CC50] =	vst v63  }
0x4f: {  	_ =	swait.ge [sflag:s31], $0x200  }
0x50: {  	[sflag:s31] =	ssyncset.done $0x0  }
0x51: {  	s19 =	simm.s32 $0x1BA50;
	s18 =	rddreg [dreg:$0x15];
	[sflag:s31] =	ssyncadd.s32 $0xFFFFFE00  }
0x52: {  	[hbm4b:s18+s2] =	stream.linear.scatter [tilespmem:s19], [sflag:$0x3], $0x200, $0x38;
	[tilespmem:$0x1CC50] =	vst v63  }
0x53: {  	_ =	swait.ge [sflag:s31], $0x200  }
0x54: {  	[sflag:s31] =	ssyncset.done $0x0  }
0x55: {  	s21 =	simm.s32 $0x1BC50;
	s20 =	rddreg [dreg:$0x16];
	[sflag:s31] =	ssyncadd.s32 $0xFFFFFE00  }
0x56: {  	[hbm4b:s20+s2] =	stream.linear.scatter [tilespmem:s21], [sflag:$0x3], $0x200, $0x38;
	[tilespmem:$0x1CC50] =	vst v63  }
0x57: {  	_ =	swait.ge [sflag:s31], $0x200  }
0x58: {  	[sflag:s31] =	ssyncset.done $0x0  }
0x59: {  	s23 =	simm.s32 $0x1BE50;
	s22 =	rddreg [dreg:$0x17];
	[sflag:s31] =	ssyncadd.s32 $0xFFFFFE00  }
0x5a: {  	[hbm4b:s22+s2] =	stream.linear.scatter [tilespmem:s23], [sflag:$0x3], $0x200, $0x38;
	[tilespmem:$0x1CC50] =	vst v63  }
0x5b: {  	_ =	swait.ge [sflag:s31], $0x200  }
0x5c: {  	[sflag:s31] =	ssyncset.done $0x0  }
0x5d: {  	s18 =	simm.s32 $0x1C050;
	s17 =	rddreg [dreg:$0x18];
	[sflag:s31] =	ssyncadd.s32 $0xFFFFFE00  }
0x5e: {  	[hbm4b:s17+s2] =	stream.linear.scatter [tilespmem:s18], [sflag:$0x3], $0x200, $0x38;
	[tilespmem:$0x1CC50] =	vst v63  }
0x5f: {  	_ =	swait.ge [sflag:s31], $0x200  }
0x60: {  	[sflag:s31] =	ssyncset.done $0x0  }
0x61: {  	s19 =	simm.s32 $0x1C250;
	[sflag:s31] =	ssyncadd.s32 $0xFFFFFE00  }
0x62: {  	[hbm4b:s24+s2] =	stream.linear.scatter [tilespmem:s19], [sflag:$0x3], $0x200, $0x38;
	[tilespmem:$0x1CC50] =	vst v63  }
0x63: {  	_ =	swait.ge [sflag:s31], $0x200  }
0x64: {  	[sflag:s31] =	ssyncset.done $0x0  }
0x65: {  	s20 =	simm.s32 $0x1C450;
	[sflag:s31] =	ssyncadd.s32 $0xFFFFFE00  }
0x66: {  	[hbm4b:s25+s2] =	stream.linear.scatter [tilespmem:s20], [sflag:$0x3], $0x200, $0x38;
	[tilespmem:$0x1CC50] =	vst v63  }
0x67: {  	_ =	swait.ge [sflag:s31], $0x200  }
0x68: {  	[sflag:s31] =	ssyncset.done $0x0  }
0x69: {  	s21 =	simm.s32 $0x1C650;
	[sflag:s31] =	ssyncadd.s32 $0xFFFFFE00  }
0x6a: {  	[hbm4b:s26+s2] =	stream.linear.scatter [tilespmem:s21], [sflag:$0x3], $0x200, $0x38;
	[tilespmem:$0x1CC50] =	vst v63  }
0x6b: {  	_ =	swait.ge [sflag:s31], $0x200  }
0x6c: {  	[sflag:s31] =	ssyncset.done $0x0  }
0x6d: {  	s22 =	simm.s32 $0x1C850;
	[sflag:s31] =	ssyncadd.s32 $0xFFFFFE00  }
0x6e: {  	[hbm4b:s28+s2] =	stream.linear.scatter [tilespmem:s22], [sflag:$0x3], $0x200, $0x38;
	[tilespmem:$0x1CC50] =	vst v63  }
0x6f: {  	s15 =	sadd.s32 $0x1, s15;
	_ =	swait.ge [sflag:s31], $0x200  }
0x70: {  	p0 =	sne.s32 s15, s30;
	[sflag:s31] =	ssyncset.done $0x0  }
.Ltmp1:
0x71: {  	s23 =	simm.s32 $0x1CA50;
	[sflag:s31] =	ssyncadd.s32 $0xFFFFFE00;
	(pc) =	sbr.rel @!p0 .LBB2_21-.Ltmp1, $4  }
0x72: {  	[hbm4b:s29+s2] =	stream.linear.scatter [tilespmem:s23], [sflag:$0x3], $0x200, $0x38;
	[tilespmem:$0x1CC50] =	vst v63  }
0x73: {  	_ =	swait.ge [sflag:s31], $0x200  }
0x74: {  	[sflag:s31] =	ssyncset.done $0x0  }
0x75: {  	[sflag:s31] =	ssyncadd.s32 $0xFFFFFE00  }
.LBB2_1:
0x76: {  	s16 =	rddreg [dreg:$0x6]  }
0x77: {  	[tilespmem:s2], [sflag:$0x3] =	stream.linear.gather [hbm4b:s16+s2], $0x200, $0x38;
	[tilespmem:$0x1CC50] =	vst v63  }
0x78: {  	_ =	swait.ge [sflag:s31], $0x200  }
0x79: {  	[sflag:s31] =	ssyncset.done $0x0  }
0x7a: {  	s17 =	simm.s32 $0x200;
	s22 =	rddreg [dreg:$0x7];
	[sflag:s31] =	ssyncadd.s32 $0xFFFFFE00  }
0x7b: {  	[tilespmem:s17], [sflag:$0x3] =	stream.linear.gather [hbm4b:s22+s2], $0x200, $0x38;
	[tilespmem:$0x1CC50] =	vst v63  }
0x7c: {  	_ =	swait.ge [sflag:s31], $0x200  }
0x7d: {  	[sflag:s31] =	ssyncset.done $0x0  }
0x7e: {  	s18 =	simm.s32 $0x400;
	s23 =	rddreg [dreg:$0x8];
	[sflag:s31] =	ssyncadd.s32 $0xFFFFFE00  }
0x7f: {  	[tilespmem:s18], [sflag:$0x3] =	stream.linear.gather [hbm4b:s23+s2], $0x2800, $0x38;
	[tilespmem:$0x1CC50] =	vst v63  }
0x80: {  	_ =	swait.ge [sflag:s31], $0x2800  }
0x81: {  	[sflag:s31] =	ssyncset.done $0x0  }
0x82: {  	s19 =	simm.s32 $0x2C00;
	[sflag:s31] =	ssyncadd.s32 $0xFFFFD800  }
0x83: {  	[tilespmem:s19], [sflag:$0x1] =	stream.indirect.gather [hbm4b:s3+s0], $0x40, s2, s0, $0xb8;
	[tilespmem:$0x1CC50] =	vst v63  }
0x84: {  	s20 =	simm.s32 $0x3400  }
0x85: {  	[tilespmem:s20], [sflag:$0x1] =	stream.indirect.gather [hbm4b:s4+s0], $0x40, s17, s0, $0xb8;
	[tilespmem:$0x1CC50] =	vst v63  }
0x86: {  	s21 =	simm.s32 $0x3C00  }
0x87: {  	[tilespmem:s21], [sflag:$0x1] =	stream.indirect.gather [hbm4b:s4+s1], $0x40, s18, s1, $0xb8;
	[tilespmem:$0x1CC50] =	vst v63  }
0x88: {  	s22 =	simm.s32 $0x480;
	s23 =	simm.s32 $0x5C00  }
0x89: {  	[tilespmem:s23], [sflag:$0x1] =	stream.indirect.gather [hbm4b:s4+s1], $0x40, s22, s1, $0xb8;
	[tilespmem:$0x1CC50] =	vst v63  }
0x8a: {  	s19 =	simm.s32 $0x7C00;
	s18 =	simm.s32 $0x500  }
0x8b: {  	[tilespmem:s19], [sflag:$0x1] =	stream.indirect.gather [hbm4b:s4+s1], $0x40, s18, s1, $0xb8;
	[tilespmem:$0x1CC50] =	vst v63  }
0x8c: {  	s20 =	simm.s32 $0x580;
	s21 =	simm.s32 $0x9C00  }
0x8d: {  	[tilespmem:s21], [sflag:$0x1] =	stream.indirect.gather [hbm4b:s4+s1], $0x40, s20, s1, $0xb8;
	[tilespmem:$0x1CC50] =	vst v63  }
0x8e: {  	s22 =	simm.s32 $0x600;
	s23 =	simm.s32 $0xBC00  }
0x8f: {  	[tilespmem:s23], [sflag:$0x1] =	stream.indirect.gather [hbm4b:s4+s1], $0x40, s22, s1, $0xb8;
	[tilespmem:$0x1CC50] =	vst v63  }
0x90: {  	_ = 	snop  }
0x91: {  	[tilespmem:s5], [sflag:$0x2] =	stream.indirect.gather [hbm4b:s3+s0], $0x40, s0, s0, $0xb8;
	[tilespmem:$0x1CC50] =	vst v63  }
0x92: {  	s18 =	simm.s32 $0x220  }
0x93: {  	[tilespmem:s6], [sflag:$0x2] =	stream.indirect.gather [hbm4b:s4+s0], $0x40, s18, s0, $0xb8;
	[tilespmem:$0x1CC50] =	vst v63  }
0x94: {  	s19 =	simm.s32 $0x680  }
0x95: {  	[tilespmem:s7], [sflag:$0x2] =	stream.indirect.gather [hbm4b:s4+s1], $0x40, s19, s1, $0xb8;
	[tilespmem:$0x1CC50] =	vst v63  }
0x96: {  	s20 =	simm.s32 $0x700  }
0x97: {  	[tilespmem:s8], [sflag:$0x2] =	stream.indirect.gather [hbm4b:s4+s1], $0x40, s20, s1, $0xb8;
	[tilespmem:$0x1CC50] =	vst v63  }
0x98: {  	s21 =	simm.s32 $0x780  }
0x99: {  	[tilespmem:s9], [sflag:$0x2] =	stream.indirect.gather [hbm4b:s4+s1], $0x40, s21, s1, $0xb8;
	[tilespmem:$0x1CC50] =	vst v63  }
0x9a: {  	s22 =	simm.s32 $0x800  }
0x9b: {  	[tilespmem:s10], [sflag:$0x2] =	stream.indirect.gather [hbm4b:s4+s1], $0x40, s22, s1, $0xb8;
	[tilespmem:$0x1CC50] =	vst v63  }
0x9c: {  	s16 =	simm.s32 $0x1A250;
	s17 =	simm.s32 $0x0;
	s23 =	simm.s32 $0x880  }
0x9d: {  	[tilespmem:s11], [sflag:$0x2] =	stream.indirect.gather [hbm4b:s4+s1], $0x40, s23, s1, $0xb8;
	[tilespmem:$0x1CC50] =	vst v63  }
.LBB2_2:
0x9e: {  	_ =	swait.ge [sflag:s12], $0x800  }
0x9f: {  	[sflag:s12] =	ssyncset.done $0x0  }
0xa0: {  	[sflag:s12] =	ssyncadd.s32 $0xFFFFF800  }
0xa1: {  	_ =	swait.ge [sflag:s12], $0x800  }
0xa2: {  	[sflag:s12] =	ssyncset.done $0x0  }
0xa3: {  	[sflag:s12] =	ssyncadd.s32 $0xFFFFF800  }
0xa4: {  	_ =	swait.ge [sflag:s12], $0x2000  }
0xa5: {  	[sflag:s12] =	ssyncset.done $0x0  }
0xa6: {  	[sflag:s12] =	ssyncadd.s32 $0xFFFFE000  }
0xa7: {  	_ =	swait.ge [sflag:s12], $0x2000  }
0xa8: {  	[sflag:s12] =	ssyncset.done $0x0  }
0xa9: {  	[sflag:s12] =	ssyncadd.s32 $0xFFFFE000  }
0xaa: {  	_ =	swait.ge [sflag:s12], $0x2000  }
0xab: {  	[sflag:s12] =	ssyncset.done $0x0  }
0xac: {  	[sflag:s12] =	ssyncadd.s32 $0xFFFFE000  }
0xad: {  	_ =	swait.ge [sflag:s12], $0x2000  }
0xae: {  	[sflag:s12] =	ssyncset.done $0x0  }
0xaf: {  	[sflag:s12] =	ssyncadd.s32 $0xFFFFE000  }
0xb0: {  	s18 =	simm.s32 $0x0;
	_ =	swait.ge [sflag:s12], $0x2000  }
0xb1: {  	s19 =	simm.s32 $0x3E80;
	s20 =	simm.s32 $0x2C20;
	[sflag:s12] =	ssyncset.done $0x0  }
0xb2: {  	s21 =	simm.s32 $0x3420;
	s22 =	simm.s32 $0x0;
	[sflag:s12] =	ssyncadd.s32 $0xFFFFE000  }
.LBB2_3:
0xb3: {  	v21 =	vld [tilespmem:s20+$0xFFFFFFE0]  }
0xb4: {  	v22 =	vld [tilespmem:s20+$0xFFFFFFF0]  }
0xb5: {  	v23 =	vld [tilespmem:s20+$0x0]  }
0xb6: {  	v24 =	vld [tilespmem:s20+$0x10]  }
0xb7: {  	v25 =	vld [tilespmem:s21+$0xFFFFFFE0]  }
0xb8: {  	v26 =	vld [tilespmem:s21+$0xFFFFFFF0]  }
0xb9: {  	v27 =	vld [tilespmem:s21+$0x0]  }
0xba: {  	v28 =	vld [tilespmem:s21+$0x10];
	_ =	sdelay $0x3  }
0xbb: {  	v25 =	vmul.f32 v25, v21;
	v26 =	vmul.f32 v26, v22  }
0xbc: {  	v27 =	vmul.f32 v27, v23;
	v28 =	vmul.f32 v28, v24  }
0xbd: {  	v29 =	vadd.s32 s22, v0  }
0xbe: {  	v25 =	vadd.f32 v26, v25;
	v61 =	vadd.f32 v28, v27;
	_ =	sdelay $0x1  }
0xbf: {  	v25 =	vadd.f32 v61, v25;
	_ =	sdelay $0x1  }
0xc0: {  	[tilespmem:v29+s13+$0x0] =	vst.idx.msk $0xffff, v25  }
0xc1: {  	v25 =	vld [tilespmem:s19+$0xFFFFFD80]  }
0xc2: {  	v62 =	vld [tilespmem:s19+$0xFFFFFD90]  }
0xc3: {  	v63 =	vld [tilespmem:s19+$0xFFFFFDA0]  }
0xc4: {  	v32 =	vld [tilespmem:s19+$0xFFFFFDB0];
	_ =	sdelay $0x3  }
0xc5: {  	v25 =	vmul.f32 v25, v21;
	v26 =	vmul.f32 v62, v22  }
0xc6: {  	v27 =	vmul.f32 v63, v23;
	v28 =	vmul.f32 v32, v24  }
0xc7: {  	v33 =	vadd.s32 s22, v1  }
0xc8: {  	v25 =	vadd.f32 v26, v25;
	v34 =	vadd.f32 v28, v27;
	_ =	sdelay $0x1  }
0xc9: {  	v25 =	vadd.f32 v34, v25;
	_ =	sdelay $0x1  }
0xca: {  	[tilespmem:v33+s13+$0x0] =	vst.idx.msk $0xffff, v25  }
0xcb: {  	v25 =	vld [tilespmem:s19+$0xFFFFFDC0]  }
0xcc: {  	v35 =	vld [tilespmem:s19+$0xFFFFFDD0]  }
0xcd: {  	v36 =	vld [tilespmem:s19+$0xFFFFFDE0]  }
0xce: {  	v37 =	vld [tilespmem:s19+$0xFFFFFDF0];
	_ =	sdelay $0x3  }
0xcf: {  	v25 =	vmul.f32 v25, v21;
	v26 =	vmul.f32 v35, v22  }
0xd0: {  	v27 =	vmul.f32 v36, v23;
	v28 =	vmul.f32 v37, v24  }
0xd1: {  	v38 =	vadd.s32 s22, v2  }
0xd2: {  	v25 =	vadd.f32 v26, v25;
	v39 =	vadd.f32 v28, v27;
	_ =	sdelay $0x1  }
0xd3: {  	v25 =	vadd.f32 v39, v25;
	_ =	sdelay $0x1  }
0xd4: {  	[tilespmem:v38+s13+$0x0] =	vst.idx.msk $0xffff, v25  }
0xd5: {  	v25 =	vld [tilespmem:s19+$0xFFFFFE00]  }
0xd6: {  	v40 =	vld [tilespmem:s19+$0xFFFFFE10]  }
0xd7: {  	v41 =	vld [tilespmem:s19+$0xFFFFFE20]  }
0xd8: {  	v42 =	vld [tilespmem:s19+$0xFFFFFE30];
	_ =	sdelay $0x3  }
0xd9: {  	v25 =	vmul.f32 v25, v21;
	v26 =	vmul.f32 v40, v22  }
0xda: {  	v27 =	vmul.f32 v41, v23;
	v28 =	vmul.f32 v42, v24  }
0xdb: {  	v43 =	vadd.s32 s22, v3  }
0xdc: {  	v25 =	vadd.f32 v26, v25;
	v44 =	vadd.f32 v28, v27;
	_ =	sdelay $0x1  }
0xdd: {  	v25 =	vadd.f32 v44, v25;
	_ =	sdelay $0x1  }
0xde: {  	[tilespmem:v43+s13+$0x0] =	vst.idx.msk $0xffff, v25  }
0xdf: {  	v25 =	vld [tilespmem:s19+$0xFFFFFE40]  }
0xe0: {  	v45 =	vld [tilespmem:s19+$0xFFFFFE50]  }
0xe1: {  	v46 =	vld [tilespmem:s19+$0xFFFFFE60]  }
0xe2: {  	v47 =	vld [tilespmem:s19+$0xFFFFFE70];
	_ =	sdelay $0x3  }
0xe3: {  	v25 =	vmul.f32 v25, v21;
	v26 =	vmul.f32 v45, v22  }
0xe4: {  	v27 =	vmul.f32 v46, v23;
	v28 =	vmul.f32 v47, v24  }
0xe5: {  	v48 =	vadd.s32 s22, v4  }
0xe6: {  	v25 =	vadd.f32 v26, v25;
	v49 =	vadd.f32 v28, v27;
	_ =	sdelay $0x1  }
0xe7: {  	v25 =	vadd.f32 v49, v25;
	_ =	sdelay $0x1  }
0xe8: {  	[tilespmem:v48+s13+$0x0] =	vst.idx.msk $0xffff, v25  }
0xe9: {  	v25 =	vld [tilespmem:s19+$0xFFFFFE80]  }
0xea: {  	v50 =	vld [tilespmem:s19+$0xFFFFFE90]  }
0xeb: {  	v51 =	vld [tilespmem:s19+$0xFFFFFEA0]  }
0xec: {  	v52 =	vld [tilespmem:s19+$0xFFFFFEB0];
	_ =	sdelay $0x3  }
0xed: {  	v25 =	vmul.f32 v25, v21;
	v26 =	vmul.f32 v50, v22  }
0xee: {  	v27 =	vmul.f32 v51, v23;
	v28 =	vmul.f32 v52, v24  }
0xef: {  	v53 =	vadd.s32 s22, v5  }
0xf0: {  	v25 =	vadd.f32 v26, v25;
	v54 =	vadd.f32 v28, v27;
	_ =	sdelay $0x1  }
0xf1: {  	v25 =	vadd.f32 v54, v25;
	_ =	sdelay $0x1  }
0xf2: {  	[tilespmem:v53+s13+$0x0] =	vst.idx.msk $0xffff, v25  }
0xf3: {  	v25 =	vld [tilespmem:s19+$0xFFFFFEC0]  }
0xf4: {  	v55 =	vld [tilespmem:s19+$0xFFFFFED0]  }
0xf5: {  	v56 =	vld [tilespmem:s19+$0xFFFFFEE0]  }
0xf6: {  	v57 =	vld [tilespmem:s19+$0xFFFFFEF0];
	_ =	sdelay $0x3  }
0xf7: {  	v25 =	vmul.f32 v25, v21;
	v26 =	vmul.f32 v55, v22  }
0xf8: {  	v27 =	vmul.f32 v56, v23;
	v28 =	vmul.f32 v57, v24  }
0xf9: {  	v58 =	vadd.s32 s22, v6  }
0xfa: {  	v25 =	vadd.f32 v26, v25;
	v59 =	vadd.f32 v28, v27;
	_ =	sdelay $0x1  }
0xfb: {  	v25 =	vadd.f32 v59, v25;
	_ =	sdelay $0x1  }
0xfc: {  	[tilespmem:v58+s13+$0x0] =	vst.idx.msk $0xffff, v25  }
0xfd: {  	v25 =	vld [tilespmem:s19+$0xFFFFFF00]  }
0xfe: {  	v60 =	vld [tilespmem:s19+$0xFFFFFF10]  }
0xff: {  	v61 =	vld [tilespmem:s19+$0xFFFFFF20]  }
0x100: {  	v62 =	vld [tilespmem:s19+$0xFFFFFF30];
	_ =	sdelay $0x3  }
0x101: {  	v25 =	vmul.f32 v25, v21;
	v26 =	vmul.f32 v60, v22  }
0x102: {  	v27 =	vmul.f32 v61, v23;
	v28 =	vmul.f32 v62, v24  }
0x103: {  	v63 =	vadd.s32 s22, v7  }
0x104: {  	v25 =	vadd.f32 v26, v25;
	v31 =	vadd.f32 v28, v27;
	_ =	sdelay $0x1  }
0x105: {  	v25 =	vadd.f32 v31, v25;
	_ =	sdelay $0x1  }
0x106: {  	[tilespmem:v63+s13+$0x0] =	vst.idx.msk $0xffff, v25  }
0x107: {  	v25 =	vld [tilespmem:s19+$0xFFFFFF40]  }
0x108: {  	v32 =	vld [tilespmem:s19+$0xFFFFFF50]  }
0x109: {  	v33 =	vld [tilespmem:s19+$0xFFFFFF60]  }
0x10a: {  	v34 =	vld [tilespmem:s19+$0xFFFFFF70];
	_ =	sdelay $0x3  }
0x10b: {  	v25 =	vmul.f32 v25, v21;
	v26 =	vmul.f32 v32, v22  }
0x10c: {  	v27 =	vmul.f32 v33, v23;
	v28 =	vmul.f32 v34, v24  }
0x10d: {  	v35 =	vadd.s32 s22, v8  }
0x10e: {  	v25 =	vadd.f32 v26, v25;
	v36 =	vadd.f32 v28, v27;
	_ =	sdelay $0x1  }
0x10f: {  	v25 =	vadd.f32 v36, v25;
	_ =	sdelay $0x1  }
0x110: {  	[tilespmem:v35+s13+$0x0] =	vst.idx.msk $0xffff, v25  }
0x111: {  	v25 =	vld [tilespmem:s19+$0xFFFFFF80]  }
0x112: {  	v37 =	vld [tilespmem:s19+$0xFFFFFF90]  }
0x113: {  	v38 =	vld [tilespmem:s19+$0xFFFFFFA0]  }
0x114: {  	v39 =	vld [tilespmem:s19+$0xFFFFFFB0];
	_ =	sdelay $0x3  }
0x115: {  	v25 =	vmul.f32 v25, v21;
	v26 =	vmul.f32 v37, v22  }
0x116: {  	v27 =	vmul.f32 v38, v23;
	v28 =	vmul.f32 v39, v24  }
0x117: {  	v40 =	vadd.s32 s22, v9  }
0x118: {  	v25 =	vadd.f32 v26, v25;
	v41 =	vadd.f32 v28, v27;
	_ =	sdelay $0x1  }
0x119: {  	v25 =	vadd.f32 v41, v25;
	_ =	sdelay $0x1  }
0x11a: {  	[tilespmem:v40+s13+$0x0] =	vst.idx.msk $0xffff, v25  }
0x11b: {  	v25 =	vld [tilespmem:s19+$0xFFFFFFC0]  }
0x11c: {  	v42 =	vld [tilespmem:s19+$0xFFFFFFD0]  }
0x11d: {  	v43 =	vld [tilespmem:s19+$0xFFFFFFE0]  }
0x11e: {  	v44 =	vld [tilespmem:s19+$0xFFFFFFF0];
	_ =	sdelay $0x3  }
0x11f: {  	v25 =	vmul.f32 v25, v21;
	v26 =	vmul.f32 v42, v22  }
0x120: {  	v27 =	vmul.f32 v43, v23;
	v28 =	vmul.f32 v44, v24  }
0x121: {  	v45 =	vadd.s32 s22, v10  }
0x122: {  	v25 =	vadd.f32 v26, v25;
	v46 =	vadd.f32 v28, v27;
	_ =	sdelay $0x1  }
0x123: {  	v25 =	vadd.f32 v46, v25;
	_ =	sdelay $0x1  }
0x124: {  	[tilespmem:v45+s13+$0x0] =	vst.idx.msk $0xffff, v25  }
0x125: {  	v25 =	vld [tilespmem:s19+$0x0]  }
0x126: {  	v47 =	vld [tilespmem:s19+$0x10]  }
0x127: {  	v48 =	vld [tilespmem:s19+$0x20]  }
0x128: {  	v49 =	vld [tilespmem:s19+$0x30];
	_ =	sdelay $0x3  }
0x129: {  	v25 =	vmul.f32 v25, v21;
	v26 =	vmul.f32 v47, v22  }
0x12a: {  	v27 =	vmul.f32 v48, v23;
	v28 =	vmul.f32 v49, v24  }
0x12b: {  	v50 =	vadd.s32 s22, v11  }
0x12c: {  	v25 =	vadd.f32 v26, v25;
	v51 =	vadd.f32 v28, v27;
	_ =	sdelay $0x1  }
0x12d: {  	v25 =	vadd.f32 v51, v25;
	_ =	sdelay $0x1  }
0x12e: {  	[tilespmem:v50+s13+$0x0] =	vst.idx.msk $0xffff, v25  }
0x12f: {  	v25 =	vld [tilespmem:s19+$0x40]  }
0x130: {  	v52 =	vld [tilespmem:s19+$0x50]  }
0x131: {  	v53 =	vld [tilespmem:s19+$0x60]  }
0x132: {  	v54 =	vld [tilespmem:s19+$0x70];
	_ =	sdelay $0x3  }
0x133: {  	v25 =	vmul.f32 v25, v21;
	v26 =	vmul.f32 v52, v22  }
0x134: {  	v27 =	vmul.f32 v53, v23;
	v28 =	vmul.f32 v54, v24  }
0x135: {  	v55 =	vadd.s32 s22, v12  }
0x136: {  	v25 =	vadd.f32 v26, v25;
	v56 =	vadd.f32 v28, v27;
	_ =	sdelay $0x1  }
0x137: {  	v25 =	vadd.f32 v56, v25;
	_ =	sdelay $0x1  }
0x138: {  	[tilespmem:v55+s13+$0x0] =	vst.idx.msk $0xffff, v25  }
0x139: {  	v25 =	vld [tilespmem:s19+$0x80]  }
0x13a: {  	v57 =	vld [tilespmem:s19+$0x90]  }
0x13b: {  	v58 =	vld [tilespmem:s19+$0xA0]  }
0x13c: {  	v59 =	vld [tilespmem:s19+$0xB0];
	_ =	sdelay $0x3  }
0x13d: {  	v25 =	vmul.f32 v25, v21;
	v26 =	vmul.f32 v57, v22  }
0x13e: {  	v27 =	vmul.f32 v58, v23;
	v28 =	vmul.f32 v59, v24  }
0x13f: {  	v60 =	vadd.s32 s22, v13  }
0x140: {  	v25 =	vadd.f32 v26, v25;
	v61 =	vadd.f32 v28, v27;
	_ =	sdelay $0x1  }
0x141: {  	v25 =	vadd.f32 v61, v25;
	_ =	sdelay $0x1  }
0x142: {  	[tilespmem:v60+s13+$0x0] =	vst.idx.msk $0xffff, v25  }
0x143: {  	v25 =	vld [tilespmem:s19+$0xC0]  }
0x144: {  	v62 =	vld [tilespmem:s19+$0xD0]  }
0x145: {  	v63 =	vld [tilespmem:s19+$0xE0]  }
0x146: {  	v32 =	vld [tilespmem:s19+$0xF0];
	_ =	sdelay $0x3  }
0x147: {  	v25 =	vmul.f32 v25, v21;
	v26 =	vmul.f32 v62, v22  }
0x148: {  	v27 =	vmul.f32 v63, v23;
	v28 =	vmul.f32 v32, v24  }
0x149: {  	v33 =	vadd.s32 s22, v14  }
0x14a: {  	v25 =	vadd.f32 v26, v25;
	v34 =	vadd.f32 v28, v27;
	_ =	sdelay $0x1  }
0x14b: {  	v25 =	vadd.f32 v34, v25;
	_ =	sdelay $0x1  }
0x14c: {  	[tilespmem:v33+s13+$0x0] =	vst.idx.msk $0xffff, v25  }
0x14d: {  	v25 =	vld [tilespmem:s19+$0x100]  }
0x14e: {  	v35 =	vld [tilespmem:s19+$0x110]  }
0x14f: {  	v36 =	vld [tilespmem:s19+$0x120]  }
0x150: {  	v37 =	vld [tilespmem:s19+$0x130];
	_ =	sdelay $0x3  }
0x151: {  	v25 =	vmul.f32 v25, v21;
	v26 =	vmul.f32 v35, v22  }
0x152: {  	v27 =	vmul.f32 v36, v23;
	v28 =	vmul.f32 v37, v24  }
0x153: {  	v38 =	vadd.s32 s22, v15  }
0x154: {  	v25 =	vadd.f32 v26, v25;
	v39 =	vadd.f32 v28, v27;
	_ =	sdelay $0x1  }
0x155: {  	v25 =	vadd.f32 v39, v25;
	_ =	sdelay $0x1  }
0x156: {  	[tilespmem:v38+s13+$0x0] =	vst.idx.msk $0xffff, v25  }
0x157: {  	v25 =	vld [tilespmem:s19+$0x140]  }
0x158: {  	v40 =	vld [tilespmem:s19+$0x150]  }
0x159: {  	v41 =	vld [tilespmem:s19+$0x160]  }
0x15a: {  	v42 =	vld [tilespmem:s19+$0x170];
	_ =	sdelay $0x3  }
0x15b: {  	v25 =	vmul.f32 v25, v21;
	v26 =	vmul.f32 v40, v22  }
0x15c: {  	v27 =	vmul.f32 v41, v23;
	v28 =	vmul.f32 v42, v24  }
0x15d: {  	v43 =	vadd.s32 s22, v16  }
0x15e: {  	v25 =	vadd.f32 v26, v25;
	v44 =	vadd.f32 v28, v27;
	_ =	sdelay $0x1  }
0x15f: {  	v25 =	vadd.f32 v44, v25;
	_ =	sdelay $0x1  }
0x160: {  	[tilespmem:v43+s13+$0x0] =	vst.idx.msk $0xffff, v25  }
0x161: {  	v25 =	vld [tilespmem:s19+$0x180]  }
0x162: {  	v45 =	vld [tilespmem:s19+$0x190]  }
0x163: {  	v46 =	vld [tilespmem:s19+$0x1A0]  }
0x164: {  	v47 =	vld [tilespmem:s19+$0x1B0];
	_ =	sdelay $0x3  }
0x165: {  	v25 =	vmul.f32 v25, v21;
	v26 =	vmul.f32 v45, v22  }
0x166: {  	v27 =	vmul.f32 v46, v23;
	v28 =	vmul.f32 v47, v24  }
0x167: {  	v48 =	vadd.s32 s22, v17  }
0x168: {  	v25 =	vadd.f32 v26, v25;
	v49 =	vadd.f32 v28, v27;
	_ =	sdelay $0x1  }
0x169: {  	v25 =	vadd.f32 v49, v25;
	_ =	sdelay $0x1  }
0x16a: {  	[tilespmem:v48+s13+$0x0] =	vst.idx.msk $0xffff, v25  }
0x16b: {  	v25 =	vld [tilespmem:s19+$0x1C0]  }
0x16c: {  	v50 =	vld [tilespmem:s19+$0x1D0]  }
0x16d: {  	v51 =	vld [tilespmem:s19+$0x1E0]  }
0x16e: {  	v52 =	vld [tilespmem:s19+$0x1F0];
	_ =	sdelay $0x3  }
0x16f: {  	v25 =	vmul.f32 v25, v21;
	v26 =	vmul.f32 v50, v22  }
0x170: {  	v27 =	vmul.f32 v51, v23;
	v28 =	vmul.f32 v52, v24  }
0x171: {  	v53 =	vadd.s32 s22, v18  }
0x172: {  	v25 =	vadd.f32 v26, v25;
	v54 =	vadd.f32 v28, v27;
	_ =	sdelay $0x1  }
0x173: {  	v25 =	vadd.f32 v54, v25;
	_ =	sdelay $0x1  }
0x174: {  	[tilespmem:v53+s13+$0x0] =	vst.idx.msk $0xffff, v25  }
0x175: {  	v25 =	vld [tilespmem:s19+$0x200]  }
0x176: {  	v55 =	vld [tilespmem:s19+$0x210]  }
0x177: {  	v56 =	vld [tilespmem:s19+$0x220]  }
0x178: {  	v57 =	vld [tilespmem:s19+$0x230];
	_ =	sdelay $0x3  }
0x179: {  	v25 =	vmul.f32 v25, v21;
	v26 =	vmul.f32 v55, v22  }
0x17a: {  	v27 =	vmul.f32 v56, v23;
	v28 =	vmul.f32 v57, v24  }
0x17b: {  	v58 =	vadd.s32 s22, v19  }
0x17c: {  	v25 =	vadd.f32 v26, v25;
	v59 =	vadd.f32 v28, v27;
	_ =	sdelay $0x1  }
0x17d: {  	v25 =	vadd.f32 v59, v25;
	_ =	sdelay $0x1  }
0x17e: {  	[tilespmem:v58+s13+$0x0] =	vst.idx.msk $0xffff, v25  }
0x17f: {  	v25 =	vld [tilespmem:s19+$0x240]  }
0x180: {  	v60 =	vld [tilespmem:s19+$0x250]  }
0x181: {  	v61 =	vld [tilespmem:s19+$0x260]  }
0x182: {  	v62 =	vld [tilespmem:s19+$0x270];
	_ =	sdelay $0x3  }
0x183: {  	v21 =	vmul.f32 v25, v21;
	v22 =	vmul.f32 v60, v22  }
0x184: {  	v23 =	vmul.f32 v61, v23;
	v24 =	vmul.f32 v62, v24  }
0x185: {  	p0 =	sne.s32 s22, $0xF;
	v63 =	vadd.s32 s22, v20  }
.Ltmp2:
0x186: {  	v21 =	vadd.f32 v22, v21;
	v22 =	vadd.f32 v24, v23;
	(pc) =	sbr.rel @p0 .LBB2_3-.Ltmp2, $4  }
0x187: {  	_ = 	snop  }
0x188: {  	v21 =	vadd.f32 v22, v21  }
0x189: {  	s20 =	sadd.s32 $0x40, s20  }
0x18a: {  	s21 =	sadd.s32 $0x40, s21;
	s22 =	sadd.s32 $0x1, s22;
	s19 =	sadd.s32 $0x500, s19;
	[tilespmem:v63+s13+$0x0] =	vst.idx.msk $0xffff, v21  }
0x18b: {  	s19 =	simm.s32 $0x18C88  }
0x18c: {  	v22 =	vld [tilespmem:s19+$0xFFFFFF89]  }
0x18d: {  	v21 =	vmov s16;
	s20 =	simm.s32 $0x800;
	v23 =	vld [tilespmem:s19+$0xFFFFFF78]  }
.LBB2_5:
0x18e: {  	p0 =	sne.s32 s20, $0xA000  }
0x18f: {  	v24 =	vld [tilespmem:s19+$0xFFFFFF9A];
	_ =	sdelay $0x1  }
0x190: {  	v25 =	vld [tilespmem:s19+$0xFFFFFFAB]  }
0x191: {  	v22 =	vadd.f32 v22, v23  }
0x192: {  	v23 =	vld [tilespmem:s19+$0xFFFFFFBC]  }
0x193: {  	v22 =	vadd.f32 v24, v22  }
0x194: {  	v24 =	vld [tilespmem:s19+$0xFFFFFFCD]  }
0x195: {  	v22 =	vadd.f32 v25, v22  }
0x196: {  	v25 =	vld [tilespmem:s19+$0xFFFFFFDE]  }
0x197: {  	v22 =	vadd.f32 v23, v22  }
0x198: {  	v23 =	vld [tilespmem:s19+$0xFFFFFFEF]  }
0x199: {  	v22 =	vadd.f32 v24, v22  }
0x19a: {  	v24 =	vld [tilespmem:s19+$0x0]  }
0x19b: {  	v22 =	vadd.f32 v25, v22  }
0x19c: {  	v25 =	vld [tilespmem:s19+$0x11]  }
0x19d: {  	v22 =	vadd.f32 v23, v22  }
0x19e: {  	v23 =	vld [tilespmem:s19+$0x22]  }
0x19f: {  	v22 =	vadd.f32 v24, v22  }
0x1a0: {  	v24 =	vld [tilespmem:s19+$0x33]  }
0x1a1: {  	v22 =	vadd.f32 v25, v22  }
0x1a2: {  	v25 =	vld [tilespmem:s19+$0x44]  }
0x1a3: {  	v22 =	vadd.f32 v23, v22  }
0x1a4: {  	v23 =	vld [tilespmem:s19+$0x55]  }
0x1a5: {  	v22 =	vadd.f32 v24, v22  }
0x1a6: {  	v24 =	vld [tilespmem:s19+$0x66]  }
0x1a7: {  	v22 =	vadd.f32 v25, v22  }
0x1a8: {  	v25 =	vld [tilespmem:s19+$0x77]  }
0x1a9: {  	v22 =	vadd.f32 v23, v22;
	_ =	sdelay $0x1  }
0x1aa: {  	v22 =	vadd.f32 v24, v22;
	_ =	sdelay $0x1  }
.Ltmp3:
0x1ab: {  	v22 =	vadd.f32 v25, v22;
	(pc) =	sbr.rel @p0 .LBB2_5-.Ltmp3, $4  }
0x1ac: {  	s21 =	sshra.s32 s18, $0x2;
	s18 =	smov.u32 s20  }
0x1ad: {  	s19 =	sadd.s32 $0x110, s19;
	[tilespmem:v21+s21+$0x0 ss:$0x1] =	vst.idx.msk $0xffff, v22  }
0x1ae: {  	v22 =	vld [tilespmem:s19+$0xFFFFFF89]  }
0x1af: {  	s20 =	sadd.s32 $0x800, s20;
	v23 =	vld [tilespmem:s19+$0xFFFFFF78]  }
0x1b0: {  	_ = 	snop  }
0x1b1: {  	v24 =	vld [tilespmem:s19+$0xFFFFFF9A];
	_ =	sdelay $0x1  }
0x1b2: {  	v25 =	vld [tilespmem:s19+$0xFFFFFFAB]  }
0x1b3: {  	v22 =	vadd.f32 v22, v23  }
0x1b4: {  	v23 =	vld [tilespmem:s19+$0xFFFFFFBC]  }
0x1b5: {  	v22 =	vadd.f32 v24, v22  }
0x1b6: {  	v56 =	vld [tilespmem:s19+$0xFFFFFFCD]  }
0x1b7: {  	v22 =	vadd.f32 v25, v22  }
0x1b8: {  	v57 =	vld [tilespmem:s19+$0xFFFFFFDE]  }
0x1b9: {  	v22 =	vadd.f32 v23, v22  }
0x1ba: {  	v23 =	vld [tilespmem:s19+$0xFFFFFFEF]  }
0x1bb: {  	v22 =	vadd.f32 v56, v22  }
0x1bc: {  	v58 =	vld [tilespmem:s19+$0x0]  }
0x1bd: {  	v22 =	vadd.f32 v57, v22  }
0x1be: {  	v59 =	vld [tilespmem:s19+$0x11]  }
0x1bf: {  	v22 =	vadd.f32 v23, v22  }
0x1c0: {  	v23 =	vld [tilespmem:s19+$0x22]  }
0x1c1: {  	v22 =	vadd.f32 v58, v22  }
0x1c2: {  	v60 =	vld [tilespmem:s19+$0x33]  }
0x1c3: {  	v22 =	vadd.f32 v59, v22  }
0x1c4: {  	v61 =	vld [tilespmem:s19+$0x44]  }
0x1c5: {  	v22 =	vadd.f32 v23, v22  }
0x1c6: {  	v23 =	vld [tilespmem:s19+$0x55]  }
0x1c7: {  	v22 =	vadd.f32 v60, v22  }
0x1c8: {  	v62 =	vld [tilespmem:s19+$0x66]  }
0x1c9: {  	v22 =	vadd.f32 v61, v22  }
0x1ca: {  	v63 =	vld [tilespmem:s19+$0x77]  }
0x1cb: {  	v22 =	vadd.f32 v23, v22;
	_ =	sdelay $0x1  }
0x1cc: {  	v22 =	vadd.f32 v62, v22;
	_ =	sdelay $0x1  }
0x1cd: {  	v22 =	vadd.f32 v63, v22  }
0x1ce: {  	s23 =	sshra.s32 s18, $0x2;
	s18 =	simm.s32 $0x0  }
0x1cf: {  	s20 =	simm.s32 $0x3830;
	s21 =	simm.s32 $0x0;
	s19 =	simm.s32 $0x3030;
	[tilespmem:v21+s23+$0x0 ss:$0x1] =	vst.idx.msk $0xffff, v22  }
.LBB2_7:
0x1d0: {  	v22 =	vld [tilespmem:s19+$0xFFFFFFD0]  }
0x1d1: {  	v23 =	vld [tilespmem:s19+$0xFFFFFFE0]  }
0x1d2: {  	v24 =	vld [tilespmem:s19+$0xFFFFFFF0]  }
0x1d3: {  	v25 =	vld [tilespmem:s19+$0x0]  }
0x1d4: {  	v26 =	vld [tilespmem:s20+$0xFFFFFFD0]  }
0x1d5: {  	v27 =	vld [tilespmem:s20+$0xFFFFFFE0]  }
0x1d6: {  	v28 =	vld [tilespmem:s20+$0xFFFFFFF0]  }
0x1d7: {  	v29 =	vld [tilespmem:s20+$0x0];
	_ =	sdelay $0x3  }
0x1d8: {  	v26 =	vmul.f32 v26, v22;
	v27 =	vmul.f32 v27, v23  }
0x1d9: {  	v28 =	vmul.f32 v28, v24;
	v29 =	vmul.f32 v29, v25  }
0x1da: {  	v30 =	vadd.s32 s21, v0  }
0x1db: {  	v26 =	vadd.f32 v27, v26;
	v61 =	vadd.f32 v29, v28;
	_ =	sdelay $0x1  }
0x1dc: {  	v26 =	vadd.f32 v61, v26;
	_ =	sdelay $0x1  }
0x1dd: {  	s22 =	sshra.s32 s18, $0x2;
	[tilespmem:v30+s13+$0x0] =	vst.idx.msk $0xffff, v26  }
0x1de: {  	v26 =	vld [tilespmem:s22+$0x8C00]  }
0x1df: {  	v62 =	vld [tilespmem:s22+$0x8C10]  }
0x1e0: {  	v63 =	vld [tilespmem:s22+$0x8C20]  }
0x1e1: {  	v32 =	vld [tilespmem:s22+$0x8C30];
	_ =	sdelay $0x3  }
0x1e2: {  	v26 =	vmul.f32 v26, v22;
	v27 =	vmul.f32 v62, v23  }
0x1e3: {  	v28 =	vmul.f32 v63, v24;
	v29 =	vmul.f32 v32, v25  }
0x1e4: {  	v33 =	vadd.s32 s21, v1  }
0x1e5: {  	v26 =	vadd.f32 v27, v26;
	v34 =	vadd.f32 v29, v28;
	_ =	sdelay $0x1  }
0x1e6: {  	v26 =	vadd.f32 v34, v26;
	_ =	sdelay $0x1  }
0x1e7: {  	[tilespmem:v33+s13+$0x0] =	vst.idx.msk $0xffff, v26  }
0x1e8: {  	v26 =	vld [tilespmem:s22+$0x8C40]  }
0x1e9: {  	v35 =	vld [tilespmem:s22+$0x8C50]  }
0x1ea: {  	v36 =	vld [tilespmem:s22+$0x8C60]  }
0x1eb: {  	v37 =	vld [tilespmem:s22+$0x8C70];
	_ =	sdelay $0x3  }
0x1ec: {  	v26 =	vmul.f32 v26, v22;
	v27 =	vmul.f32 v35, v23  }
0x1ed: {  	v28 =	vmul.f32 v36, v24;
	v29 =	vmul.f32 v37, v25  }
0x1ee: {  	v38 =	vadd.s32 s21, v2  }
0x1ef: {  	v26 =	vadd.f32 v27, v26;
	v39 =	vadd.f32 v29, v28;
	_ =	sdelay $0x1  }
0x1f0: {  	v26 =	vadd.f32 v39, v26;
	_ =	sdelay $0x1  }
0x1f1: {  	[tilespmem:v38+s13+$0x0] =	vst.idx.msk $0xffff, v26  }
0x1f2: {  	v26 =	vld [tilespmem:s22+$0x8C80]  }
0x1f3: {  	v40 =	vld [tilespmem:s22+$0x8C90]  }
0x1f4: {  	v41 =	vld [tilespmem:s22+$0x8CA0]  }
0x1f5: {  	v42 =	vld [tilespmem:s22+$0x8CB0];
	_ =	sdelay $0x3  }
0x1f6: {  	v26 =	vmul.f32 v26, v22;
	v27 =	vmul.f32 v40, v23  }
0x1f7: {  	v28 =	vmul.f32 v41, v24;
	v29 =	vmul.f32 v42, v25  }
0x1f8: {  	v43 =	vadd.s32 s21, v3  }
0x1f9: {  	v26 =	vadd.f32 v27, v26;
	v44 =	vadd.f32 v29, v28;
	_ =	sdelay $0x1  }
0x1fa: {  	v26 =	vadd.f32 v44, v26;
	_ =	sdelay $0x1  }
0x1fb: {  	[tilespmem:v43+s13+$0x0] =	vst.idx.msk $0xffff, v26  }
0x1fc: {  	v26 =	vld [tilespmem:s22+$0x8CC0]  }
0x1fd: {  	v45 =	vld [tilespmem:s22+$0x8CD0]  }
0x1fe: {  	v46 =	vld [tilespmem:s22+$0x8CE0]  }
0x1ff: {  	v47 =	vld [tilespmem:s22+$0x8CF0];
	_ =	sdelay $0x3  }
0x200: {  	v26 =	vmul.f32 v26, v22;
	v27 =	vmul.f32 v45, v23  }
0x201: {  	v28 =	vmul.f32 v46, v24;
	v29 =	vmul.f32 v47, v25  }
0x202: {  	v48 =	vadd.s32 s21, v4  }
0x203: {  	v26 =	vadd.f32 v27, v26;
	v49 =	vadd.f32 v29, v28;
	_ =	sdelay $0x1  }
0x204: {  	v26 =	vadd.f32 v49, v26;
	_ =	sdelay $0x1  }
0x205: {  	[tilespmem:v48+s13+$0x0] =	vst.idx.msk $0xffff, v26  }
0x206: {  	v26 =	vld [tilespmem:s22+$0x8D00]  }
0x207: {  	v50 =	vld [tilespmem:s22+$0x8D10]  }
0x208: {  	v51 =	vld [tilespmem:s22+$0x8D20]  }
0x209: {  	v52 =	vld [tilespmem:s22+$0x8D30];
	_ =	sdelay $0x3  }
0x20a: {  	v26 =	vmul.f32 v26, v22;
	v27 =	vmul.f32 v50, v23  }
0x20b: {  	v28 =	vmul.f32 v51, v24;
	v29 =	vmul.f32 v52, v25  }
0x20c: {  	v53 =	vadd.s32 s21, v5  }
0x20d: {  	v26 =	vadd.f32 v27, v26;
	v54 =	vadd.f32 v29, v28;
	_ =	sdelay $0x1  }
0x20e: {  	v26 =	vadd.f32 v54, v26;
	_ =	sdelay $0x1  }
0x20f: {  	[tilespmem:v53+s13+$0x0] =	vst.idx.msk $0xffff, v26  }
0x210: {  	v26 =	vld [tilespmem:s22+$0x8D40]  }
0x211: {  	v55 =	vld [tilespmem:s22+$0x8D50]  }
0x212: {  	v56 =	vld [tilespmem:s22+$0x8D60]  }
0x213: {  	v57 =	vld [tilespmem:s22+$0x8D70];
	_ =	sdelay $0x3  }
0x214: {  	v26 =	vmul.f32 v26, v22;
	v27 =	vmul.f32 v55, v23  }
0x215: {  	v28 =	vmul.f32 v56, v24;
	v29 =	vmul.f32 v57, v25  }
0x216: {  	v58 =	vadd.s32 s21, v6  }
0x217: {  	v26 =	vadd.f32 v27, v26;
	v59 =	vadd.f32 v29, v28;
	_ =	sdelay $0x1  }
0x218: {  	v26 =	vadd.f32 v59, v26;
	_ =	sdelay $0x1  }
0x219: {  	[tilespmem:v58+s13+$0x0] =	vst.idx.msk $0xffff, v26  }
0x21a: {  	v26 =	vld [tilespmem:s22+$0x8D80]  }
0x21b: {  	v60 =	vld [tilespmem:s22+$0x8D90]  }
0x21c: {  	v61 =	vld [tilespmem:s22+$0x8DA0]  }
0x21d: {  	v62 =	vld [tilespmem:s22+$0x8DB0];
	_ =	sdelay $0x3  }
0x21e: {  	v26 =	vmul.f32 v26, v22;
	v27 =	vmul.f32 v60, v23  }
0x21f: {  	v28 =	vmul.f32 v61, v24;
	v29 =	vmul.f32 v62, v25  }
0x220: {  	v63 =	vadd.s32 s21, v7  }
0x221: {  	v26 =	vadd.f32 v27, v26;
	v31 =	vadd.f32 v29, v28;
	_ =	sdelay $0x1  }
0x222: {  	v26 =	vadd.f32 v31, v26;
	_ =	sdelay $0x1  }
0x223: {  	[tilespmem:v63+s13+$0x0] =	vst.idx.msk $0xffff, v26  }
0x224: {  	v26 =	vld [tilespmem:s22+$0x8DC0]  }
0x225: {  	v32 =	vld [tilespmem:s22+$0x8DD0]  }
0x226: {  	v33 =	vld [tilespmem:s22+$0x8DE0]  }
0x227: {  	v34 =	vld [tilespmem:s22+$0x8DF0];
	_ =	sdelay $0x3  }
0x228: {  	v26 =	vmul.f32 v26, v22;
	v27 =	vmul.f32 v32, v23  }
0x229: {  	v28 =	vmul.f32 v33, v24;
	v29 =	vmul.f32 v34, v25  }
0x22a: {  	v35 =	vadd.s32 s21, v8  }
0x22b: {  	v26 =	vadd.f32 v27, v26;
	v36 =	vadd.f32 v29, v28;
	_ =	sdelay $0x1  }
0x22c: {  	v26 =	vadd.f32 v36, v26;
	_ =	sdelay $0x1  }
0x22d: {  	[tilespmem:v35+s13+$0x0] =	vst.idx.msk $0xffff, v26  }
0x22e: {  	v26 =	vld [tilespmem:s22+$0x8E00]  }
0x22f: {  	v37 =	vld [tilespmem:s22+$0x8E10]  }
0x230: {  	v38 =	vld [tilespmem:s22+$0x8E20]  }
0x231: {  	v39 =	vld [tilespmem:s22+$0x8E30];
	_ =	sdelay $0x3  }
0x232: {  	v26 =	vmul.f32 v26, v22;
	v27 =	vmul.f32 v37, v23  }
0x233: {  	v28 =	vmul.f32 v38, v24;
	v29 =	vmul.f32 v39, v25  }
0x234: {  	v40 =	vadd.s32 s21, v9  }
0x235: {  	v26 =	vadd.f32 v27, v26;
	v41 =	vadd.f32 v29, v28;
	_ =	sdelay $0x1  }
0x236: {  	v26 =	vadd.f32 v41, v26;
	_ =	sdelay $0x1  }
0x237: {  	[tilespmem:v40+s13+$0x0] =	vst.idx.msk $0xffff, v26  }
0x238: {  	v26 =	vld [tilespmem:s22+$0x8E40]  }
0x239: {  	v42 =	vld [tilespmem:s22+$0x8E50]  }
0x23a: {  	v43 =	vld [tilespmem:s22+$0x8E60]  }
0x23b: {  	v44 =	vld [tilespmem:s22+$0x8E70];
	_ =	sdelay $0x3  }
0x23c: {  	v26 =	vmul.f32 v26, v22;
	v27 =	vmul.f32 v42, v23  }
0x23d: {  	v28 =	vmul.f32 v43, v24;
	v29 =	vmul.f32 v44, v25  }
0x23e: {  	v45 =	vadd.s32 s21, v10  }
0x23f: {  	v26 =	vadd.f32 v27, v26;
	v46 =	vadd.f32 v29, v28;
	_ =	sdelay $0x1  }
0x240: {  	v26 =	vadd.f32 v46, v26;
	_ =	sdelay $0x1  }
0x241: {  	[tilespmem:v45+s13+$0x0] =	vst.idx.msk $0xffff, v26  }
0x242: {  	v26 =	vld [tilespmem:s22+$0x8E80]  }
0x243: {  	v47 =	vld [tilespmem:s22+$0x8E90]  }
0x244: {  	v48 =	vld [tilespmem:s22+$0x8EA0]  }
0x245: {  	v49 =	vld [tilespmem:s22+$0x8EB0];
	_ =	sdelay $0x3  }
0x246: {  	v26 =	vmul.f32 v26, v22;
	v27 =	vmul.f32 v47, v23  }
0x247: {  	v28 =	vmul.f32 v48, v24;
	v29 =	vmul.f32 v49, v25  }
0x248: {  	v50 =	vadd.s32 s21, v11  }
0x249: {  	v26 =	vadd.f32 v27, v26;
	v51 =	vadd.f32 v29, v28;
	_ =	sdelay $0x1  }
0x24a: {  	v26 =	vadd.f32 v51, v26;
	_ =	sdelay $0x1  }
0x24b: {  	[tilespmem:v50+s13+$0x0] =	vst.idx.msk $0xffff, v26  }
0x24c: {  	v26 =	vld [tilespmem:s22+$0x8EC0]  }
0x24d: {  	v52 =	vld [tilespmem:s22+$0x8ED0]  }
0x24e: {  	v53 =	vld [tilespmem:s22+$0x8EE0]  }
0x24f: {  	v54 =	vld [tilespmem:s22+$0x8EF0];
	_ =	sdelay $0x3  }
0x250: {  	v26 =	vmul.f32 v26, v22;
	v27 =	vmul.f32 v52, v23  }
0x251: {  	v28 =	vmul.f32 v53, v24;
	v29 =	vmul.f32 v54, v25  }
0x252: {  	v55 =	vadd.s32 s21, v12  }
0x253: {  	v26 =	vadd.f32 v27, v26;
	v56 =	vadd.f32 v29, v28;
	_ =	sdelay $0x1  }
0x254: {  	v26 =	vadd.f32 v56, v26;
	_ =	sdelay $0x1  }
0x255: {  	[tilespmem:v55+s13+$0x0] =	vst.idx.msk $0xffff, v26  }
0x256: {  	v26 =	vld [tilespmem:s22+$0x8F00]  }
0x257: {  	v57 =	vld [tilespmem:s22+$0x8F10]  }
0x258: {  	v58 =	vld [tilespmem:s22+$0x8F20]  }
0x259: {  	v59 =	vld [tilespmem:s22+$0x8F30];
	_ =	sdelay $0x3  }
0x25a: {  	v26 =	vmul.f32 v26, v22;
	v27 =	vmul.f32 v57, v23  }
0x25b: {  	v28 =	vmul.f32 v58, v24;
	v29 =	vmul.f32 v59, v25  }
0x25c: {  	v60 =	vadd.s32 s21, v13  }
0x25d: {  	v26 =	vadd.f32 v27, v26;
	v61 =	vadd.f32 v29, v28;
	_ =	sdelay $0x1  }
0x25e: {  	v26 =	vadd.f32 v61, v26;
	_ =	sdelay $0x1  }
0x25f: {  	[tilespmem:v60+s13+$0x0] =	vst.idx.msk $0xffff, v26  }
0x260: {  	v26 =	vld [tilespmem:s22+$0x8F40]  }
0x261: {  	v62 =	vld [tilespmem:s22+$0x8F50]  }
0x262: {  	v63 =	vld [tilespmem:s22+$0x8F60]  }
0x263: {  	v32 =	vld [tilespmem:s22+$0x8F70];
	_ =	sdelay $0x3  }
0x264: {  	v26 =	vmul.f32 v26, v22;
	v27 =	vmul.f32 v62, v23  }
0x265: {  	v28 =	vmul.f32 v63, v24;
	v29 =	vmul.f32 v32, v25  }
0x266: {  	v33 =	vadd.s32 s21, v14  }
0x267: {  	v26 =	vadd.f32 v27, v26;
	v34 =	vadd.f32 v29, v28;
	_ =	sdelay $0x1  }
0x268: {  	v26 =	vadd.f32 v34, v26;
	_ =	sdelay $0x1  }
0x269: {  	[tilespmem:v33+s13+$0x0] =	vst.idx.msk $0xffff, v26  }
0x26a: {  	v26 =	vld [tilespmem:s22+$0x8F80]  }
0x26b: {  	v35 =	vld [tilespmem:s22+$0x8F90]  }
0x26c: {  	v36 =	vld [tilespmem:s22+$0x8FA0]  }
0x26d: {  	v37 =	vld [tilespmem:s22+$0x8FB0];
	_ =	sdelay $0x3  }
0x26e: {  	v26 =	vmul.f32 v26, v22;
	v27 =	vmul.f32 v35, v23  }
0x26f: {  	v28 =	vmul.f32 v36, v24;
	v29 =	vmul.f32 v37, v25  }
0x270: {  	v38 =	vadd.s32 s21, v15  }
0x271: {  	v26 =	vadd.f32 v27, v26;
	v39 =	vadd.f32 v29, v28;
	_ =	sdelay $0x1  }
0x272: {  	v26 =	vadd.f32 v39, v26;
	_ =	sdelay $0x1  }
0x273: {  	[tilespmem:v38+s13+$0x0] =	vst.idx.msk $0xffff, v26  }
0x274: {  	v26 =	vld [tilespmem:s22+$0x8FC0]  }
0x275: {  	v40 =	vld [tilespmem:s22+$0x8FD0]  }
0x276: {  	v41 =	vld [tilespmem:s22+$0x8FE0]  }
0x277: {  	v42 =	vld [tilespmem:s22+$0x8FF0];
	_ =	sdelay $0x3  }
0x278: {  	v26 =	vmul.f32 v26, v22;
	v27 =	vmul.f32 v40, v23  }
0x279: {  	v28 =	vmul.f32 v41, v24;
	v29 =	vmul.f32 v42, v25  }
0x27a: {  	v43 =	vadd.s32 s21, v16  }
0x27b: {  	v26 =	vadd.f32 v27, v26;
	v44 =	vadd.f32 v29, v28;
	_ =	sdelay $0x1  }
0x27c: {  	v26 =	vadd.f32 v44, v26;
	_ =	sdelay $0x1  }
0x27d: {  	[tilespmem:v43+s13+$0x0] =	vst.idx.msk $0xffff, v26  }
0x27e: {  	v26 =	vld [tilespmem:s22+$0x9000]  }
0x27f: {  	v45 =	vld [tilespmem:s22+$0x9010]  }
0x280: {  	v46 =	vld [tilespmem:s22+$0x9020]  }
0x281: {  	v47 =	vld [tilespmem:s22+$0x9030];
	_ =	sdelay $0x3  }
0x282: {  	v26 =	vmul.f32 v26, v22;
	v27 =	vmul.f32 v45, v23  }
0x283: {  	v28 =	vmul.f32 v46, v24;
	v29 =	vmul.f32 v47, v25  }
0x284: {  	v48 =	vadd.s32 s21, v17  }
0x285: {  	v26 =	vadd.f32 v27, v26;
	v49 =	vadd.f32 v29, v28;
	_ =	sdelay $0x1  }
0x286: {  	v26 =	vadd.f32 v49, v26;
	_ =	sdelay $0x1  }
0x287: {  	[tilespmem:v48+s13+$0x0] =	vst.idx.msk $0xffff, v26  }
0x288: {  	v26 =	vld [tilespmem:s22+$0x9040]  }
0x289: {  	v50 =	vld [tilespmem:s22+$0x9050]  }
0x28a: {  	v51 =	vld [tilespmem:s22+$0x9060]  }
0x28b: {  	v52 =	vld [tilespmem:s22+$0x9070];
	_ =	sdelay $0x3  }
0x28c: {  	v26 =	vmul.f32 v26, v22;
	v27 =	vmul.f32 v50, v23  }
0x28d: {  	v28 =	vmul.f32 v51, v24;
	v29 =	vmul.f32 v52, v25  }
0x28e: {  	v53 =	vadd.s32 s21, v18  }
0x28f: {  	v26 =	vadd.f32 v27, v26;
	v54 =	vadd.f32 v29, v28;
	_ =	sdelay $0x1  }
0x290: {  	v26 =	vadd.f32 v54, v26;
	_ =	sdelay $0x1  }
0x291: {  	[tilespmem:v53+s13+$0x0] =	vst.idx.msk $0xffff, v26  }
0x292: {  	v26 =	vld [tilespmem:s22+$0x9080]  }
0x293: {  	v55 =	vld [tilespmem:s22+$0x9090]  }
0x294: {  	v56 =	vld [tilespmem:s22+$0x90A0]  }
0x295: {  	v57 =	vld [tilespmem:s22+$0x90B0];
	_ =	sdelay $0x3  }
0x296: {  	v26 =	vmul.f32 v26, v22;
	v27 =	vmul.f32 v55, v23  }
0x297: {  	v28 =	vmul.f32 v56, v24;
	v29 =	vmul.f32 v57, v25  }
0x298: {  	v58 =	vadd.s32 s21, v19  }
0x299: {  	v26 =	vadd.f32 v27, v26;
	v59 =	vadd.f32 v29, v28;
	_ =	sdelay $0x1  }
0x29a: {  	v26 =	vadd.f32 v59, v26;
	_ =	sdelay $0x1  }
0x29b: {  	[tilespmem:v58+s13+$0x0] =	vst.idx.msk $0xffff, v26  }
0x29c: {  	v26 =	vld [tilespmem:s22+$0x90C0]  }
0x29d: {  	v60 =	vld [tilespmem:s22+$0x90D0]  }
0x29e: {  	v61 =	vld [tilespmem:s22+$0x90E0]  }
0x29f: {  	v62 =	vld [tilespmem:s22+$0x90F0];
	_ =	sdelay $0x3  }
0x2a0: {  	v22 =	vmul.f32 v26, v22;
	v23 =	vmul.f32 v60, v23  }
0x2a1: {  	v24 =	vmul.f32 v61, v24;
	v25 =	vmul.f32 v62, v25  }
0x2a2: {  	p0 =	sne.s32 s18, $0x12C00;
	v63 =	vadd.s32 s21, v20  }
.Ltmp4:
0x2a3: {  	v22 =	vadd.f32 v23, v22;
	v23 =	vadd.f32 v25, v24;
	(pc) =	sbr.rel @p0 .LBB2_7-.Ltmp4, $4  }
0x2a4: {  	_ = 	snop  }
0x2a5: {  	v22 =	vadd.f32 v23, v22  }
0x2a6: {  	s19 =	sadd.s32 $0x40, s19  }
0x2a7: {  	s20 =	sadd.s32 $0x40, s20;
	s18 =	sadd.s32 $0x1400, s18;
	s21 =	sadd.s32 $0x1, s21;
	[tilespmem:v63+s13+$0x0] =	vst.idx.msk $0xffff, v22  }
0x2a8: {  	s18 =	simm.s32 $0x18C88  }
0x2a9: {  	v22 =	vld [tilespmem:s18+$0xFFFFFF89]  }
0x2aa: {  	s19 =	simm.s32 $0x40;
	s20 =	simm.s32 $0x840;
	v23 =	vld [tilespmem:s18+$0xFFFFFF78]  }
.LBB2_9:
0x2ab: {  	p0 =	sne.s32 s20, $0xA040  }
0x2ac: {  	v24 =	vld [tilespmem:s18+$0xFFFFFF9A];
	_ =	sdelay $0x1  }
0x2ad: {  	v25 =	vld [tilespmem:s18+$0xFFFFFFAB]  }
0x2ae: {  	v22 =	vadd.f32 v22, v23  }
0x2af: {  	v23 =	vld [tilespmem:s18+$0xFFFFFFBC]  }
0x2b0: {  	v22 =	vadd.f32 v24, v22  }
0x2b1: {  	v24 =	vld [tilespmem:s18+$0xFFFFFFCD]  }
0x2b2: {  	v22 =	vadd.f32 v25, v22  }
0x2b3: {  	v25 =	vld [tilespmem:s18+$0xFFFFFFDE]  }
0x2b4: {  	v22 =	vadd.f32 v23, v22  }
0x2b5: {  	v23 =	vld [tilespmem:s18+$0xFFFFFFEF]  }
0x2b6: {  	v22 =	vadd.f32 v24, v22  }
0x2b7: {  	v24 =	vld [tilespmem:s18+$0x0]  }
0x2b8: {  	v22 =	vadd.f32 v25, v22  }
0x2b9: {  	v25 =	vld [tilespmem:s18+$0x11]  }
0x2ba: {  	v22 =	vadd.f32 v23, v22  }
0x2bb: {  	v23 =	vld [tilespmem:s18+$0x22]  }
0x2bc: {  	v22 =	vadd.f32 v24, v22  }
0x2bd: {  	v24 =	vld [tilespmem:s18+$0x33]  }
0x2be: {  	v22 =	vadd.f32 v25, v22  }
0x2bf: {  	v25 =	vld [tilespmem:s18+$0x44]  }
0x2c0: {  	v22 =	vadd.f32 v23, v22  }
0x2c1: {  	v23 =	vld [tilespmem:s18+$0x55]  }
0x2c2: {  	v22 =	vadd.f32 v24, v22  }
0x2c3: {  	v24 =	vld [tilespmem:s18+$0x66]  }
0x2c4: {  	v22 =	vadd.f32 v25, v22  }
0x2c5: {  	v25 =	vld [tilespmem:s18+$0x77]  }
0x2c6: {  	v22 =	vadd.f32 v23, v22;
	_ =	sdelay $0x1  }
0x2c7: {  	v22 =	vadd.f32 v24, v22;
	_ =	sdelay $0x1  }
.Ltmp5:
0x2c8: {  	v22 =	vadd.f32 v25, v22;
	(pc) =	sbr.rel @p0 .LBB2_9-.Ltmp5, $4  }
0x2c9: {  	s21 =	sshra.s32 s19, $0x2;
	s19 =	smov.u32 s20  }
0x2ca: {  	s18 =	sadd.s32 $0x110, s18;
	[tilespmem:v21+s21+$0x0 ss:$0x1] =	vst.idx.msk $0xffff, v22  }
0x2cb: {  	v22 =	vld [tilespmem:s18+$0xFFFFFF89]  }
0x2cc: {  	s20 =	sadd.s32 $0x800, s20;
	v23 =	vld [tilespmem:s18+$0xFFFFFF78]  }
0x2cd: {  	_ = 	snop  }
0x2ce: {  	v24 =	vld [tilespmem:s18+$0xFFFFFF9A];
	_ =	sdelay $0x1  }
0x2cf: {  	v25 =	vld [tilespmem:s18+$0xFFFFFFAB]  }
0x2d0: {  	v22 =	vadd.f32 v22, v23  }
0x2d1: {  	v23 =	vld [tilespmem:s18+$0xFFFFFFBC]  }
0x2d2: {  	v22 =	vadd.f32 v24, v22  }
0x2d3: {  	v56 =	vld [tilespmem:s18+$0xFFFFFFCD]  }
0x2d4: {  	v22 =	vadd.f32 v25, v22  }
0x2d5: {  	v57 =	vld [tilespmem:s18+$0xFFFFFFDE]  }
0x2d6: {  	v22 =	vadd.f32 v23, v22  }
0x2d7: {  	v23 =	vld [tilespmem:s18+$0xFFFFFFEF]  }
0x2d8: {  	v22 =	vadd.f32 v56, v22  }
0x2d9: {  	v58 =	vld [tilespmem:s18+$0x0]  }
0x2da: {  	v22 =	vadd.f32 v57, v22  }
0x2db: {  	v59 =	vld [tilespmem:s18+$0x11]  }
0x2dc: {  	v22 =	vadd.f32 v23, v22  }
0x2dd: {  	v23 =	vld [tilespmem:s18+$0x22]  }
0x2de: {  	v22 =	vadd.f32 v58, v22  }
0x2df: {  	v60 =	vld [tilespmem:s18+$0x33]  }
0x2e0: {  	v22 =	vadd.f32 v59, v22  }
0x2e1: {  	v61 =	vld [tilespmem:s18+$0x44]  }
0x2e2: {  	v22 =	vadd.f32 v23, v22  }
0x2e3: {  	v23 =	vld [tilespmem:s18+$0x55]  }
0x2e4: {  	v22 =	vadd.f32 v60, v22  }
0x2e5: {  	v62 =	vld [tilespmem:s18+$0x66]  }
0x2e6: {  	v22 =	vadd.f32 v61, v22  }
0x2e7: {  	v63 =	vld [tilespmem:s18+$0x77]  }
0x2e8: {  	v22 =	vadd.f32 v23, v22;
	_ =	sdelay $0x1  }
0x2e9: {  	v22 =	vadd.f32 v62, v22;
	_ =	sdelay $0x1  }
0x2ea: {  	p0 =	seq.s32 s17, $0x7;
	s18 =	sshll.u32 s17, $0x1;
	v22 =	vadd.f32 v63, v22  }
0x2eb: {  	s19 =	sshra.s32 s19, $0x2;
	s20 =	sadd.s32 @!p0 $0x2, s18  }
0x2ec: {  	s21 =	simm.s32 @!p0 $0x20;
	s22 =	simm.s32 @!p0 $0x2C00;
	[tilespmem:v21+s19+$0x0 ss:$0x1] =	vst.idx.msk $0xffff, v22;
	s19 =	sshll.u32 @!p0 s20, $0x5  }
0x2ed: {  	[tilespmem:s22], [sflag:$0x1] =	stream.indirect.gather @!p0 [hbm4b:s3+s21], $0x40, s19, s21, $0xb8;
	[tilespmem:$0x1CC50] =	vst v63  }
0x2ee: {  	s20 =	smul.u32 @!p0 $0xA00, s20;
	s19 =	sadd.s32 @!p0 $0x200, s19;
	s22 =	simm.s32 @!p0 $0x3400  }
0x2ef: {  	[tilespmem:s22], [sflag:$0x1] =	stream.indirect.gather @!p0 [hbm4b:s4+s21], $0x40, s19, s21, $0xb8;
	[tilespmem:$0x1CC50] =	vst v63  }
0x2f0: {  	s19 =	sshra.s32 @!p0 s20, $0x2  }
0x2f1: {  	s21 =	simm.s32 @!p0 $0x80;
	s22 =	simm.s32 @!p0 $0x3C00;
	s20 =	sadd.s32 @!p0 $0x400, s19  }
0x2f2: {  	[tilespmem:s22], [sflag:$0x1] =	stream.indirect.gather @!p0 [hbm4b:s4+s21], $0x40, s20, s21, $0xb8;
	[tilespmem:$0x1CC50] =	vst v63  }
0x2f3: {  	s20 =	sadd.s32 @!p0 $0x480, s19;
	s22 =	simm.s32 @!p0 $0x5C00  }
0x2f4: {  	[tilespmem:s22], [sflag:$0x1] =	stream.indirect.gather @!p0 [hbm4b:s4+s21], $0x40, s20, s21, $0xb8;
	[tilespmem:$0x1CC50] =	vst v63  }
0x2f5: {  	s20 =	sadd.s32 @!p0 $0x500, s19;
	s22 =	simm.s32 @!p0 $0x7C00  }
0x2f6: {  	[tilespmem:s22], [sflag:$0x1] =	stream.indirect.gather @!p0 [hbm4b:s4+s21], $0x40, s20, s21, $0xb8;
	[tilespmem:$0x1CC50] =	vst v63  }
0x2f7: {  	s20 =	sadd.s32 @!p0 $0x580, s19;
	s22 =	simm.s32 @!p0 $0x9C00  }
0x2f8: {  	[tilespmem:s22], [sflag:$0x1] =	stream.indirect.gather @!p0 [hbm4b:s4+s21], $0x40, s20, s21, $0xb8;
	[tilespmem:$0x1CC50] =	vst v63  }
0x2f9: {  	s19 =	sadd.s32 @!p0 $0x600, s19;
	s20 =	simm.s32 @!p0 $0xBC00  }
0x2fa: {  	[tilespmem:s20], [sflag:$0x1] =	stream.indirect.gather @!p0 [hbm4b:s4+s21], $0x40, s19, s21, $0xb8;
	[tilespmem:$0x1CC50] =	vst v63  }
0x2fb: {  	_ =	swait.ge [sflag:s14], $0x800  }
0x2fc: {  	[sflag:s14] =	ssyncset.done $0x0  }
0x2fd: {  	[sflag:s14] =	ssyncadd.s32 $0xFFFFF800  }
0x2fe: {  	_ =	swait.ge [sflag:s14], $0x800  }
0x2ff: {  	[sflag:s14] =	ssyncset.done $0x0  }
0x300: {  	[sflag:s14] =	ssyncadd.s32 $0xFFFFF800  }
0x301: {  	_ =	swait.ge [sflag:s14], $0x2000  }
0x302: {  	[sflag:s14] =	ssyncset.done $0x0  }
0x303: {  	[sflag:s14] =	ssyncadd.s32 $0xFFFFE000  }
0x304: {  	_ =	swait.ge [sflag:s14], $0x2000  }
0x305: {  	[sflag:s14] =	ssyncset.done $0x0  }
0x306: {  	[sflag:s14] =	ssyncadd.s32 $0xFFFFE000  }
0x307: {  	_ =	swait.ge [sflag:s14], $0x2000  }
0x308: {  	[sflag:s14] =	ssyncset.done $0x0  }
0x309: {  	[sflag:s14] =	ssyncadd.s32 $0xFFFFE000  }
0x30a: {  	_ =	swait.ge [sflag:s14], $0x2000  }
0x30b: {  	[sflag:s14] =	ssyncset.done $0x0  }
0x30c: {  	[sflag:s14] =	ssyncadd.s32 $0xFFFFE000  }
0x30d: {  	_ =	swait.ge [sflag:s14], $0x2000  }
0x30e: {  	s22 =	simm.s32 $0xE420;
	s19 =	simm.s32 $0x0;
	[sflag:s14] =	ssyncset.done $0x0  }
0x30f: {  	s20 =	simm.s32 $0xEE80;
	s21 =	simm.s32 $0xDC20;
	[sflag:s14] =	ssyncadd.s32 $0xFFFFE000  }
.LBB2_11:
0x310: {  	v22 =	vld [tilespmem:s21+$0xFFFFFFE0]  }
0x311: {  	v23 =	vld [tilespmem:s21+$0xFFFFFFF0]  }
0x312: {  	v24 =	vld [tilespmem:s21+$0x0]  }
0x313: {  	v25 =	vld [tilespmem:s21+$0x10]  }
0x314: {  	v26 =	vld [tilespmem:s22+$0xFFFFFFE0]  }
0x315: {  	v27 =	vld [tilespmem:s22+$0xFFFFFFF0]  }
0x316: {  	v28 =	vld [tilespmem:s22+$0x0]  }
0x317: {  	v29 =	vld [tilespmem:s22+$0x10];
	_ =	sdelay $0x3  }
0x318: {  	v26 =	vmul.f32 v26, v22;
	v27 =	vmul.f32 v27, v23  }
0x319: {  	v28 =	vmul.f32 v28, v24;
	v29 =	vmul.f32 v29, v25  }
0x31a: {  	v30 =	vadd.s32 s19, v0  }
0x31b: {  	v26 =	vadd.f32 v27, v26;
	v61 =	vadd.f32 v29, v28;
	_ =	sdelay $0x1  }
0x31c: {  	v26 =	vadd.f32 v61, v26;
	_ =	sdelay $0x1  }
0x31d: {  	[tilespmem:v30+s13+$0x0] =	vst.idx.msk $0xffff, v26  }
0x31e: {  	v26 =	vld [tilespmem:s20+$0xFFFFFD80]  }
0x31f: {  	v62 =	vld [tilespmem:s20+$0xFFFFFD90]  }
0x320: {  	v63 =	vld [tilespmem:s20+$0xFFFFFDA0]  }
0x321: {  	v32 =	vld [tilespmem:s20+$0xFFFFFDB0];
	_ =	sdelay $0x3  }
0x322: {  	v26 =	vmul.f32 v26, v22;
	v27 =	vmul.f32 v62, v23  }
0x323: {  	v28 =	vmul.f32 v63, v24;
	v29 =	vmul.f32 v32, v25  }
0x324: {  	v33 =	vadd.s32 s19, v1  }
0x325: {  	v26 =	vadd.f32 v27, v26;
	v34 =	vadd.f32 v29, v28;
	_ =	sdelay $0x1  }
0x326: {  	v26 =	vadd.f32 v34, v26;
	_ =	sdelay $0x1  }
0x327: {  	[tilespmem:v33+s13+$0x0] =	vst.idx.msk $0xffff, v26  }
0x328: {  	v26 =	vld [tilespmem:s20+$0xFFFFFDC0]  }
0x329: {  	v35 =	vld [tilespmem:s20+$0xFFFFFDD0]  }
0x32a: {  	v36 =	vld [tilespmem:s20+$0xFFFFFDE0]  }
0x32b: {  	v37 =	vld [tilespmem:s20+$0xFFFFFDF0];
	_ =	sdelay $0x3  }
0x32c: {  	v26 =	vmul.f32 v26, v22;
	v27 =	vmul.f32 v35, v23  }
0x32d: {  	v28 =	vmul.f32 v36, v24;
	v29 =	vmul.f32 v37, v25  }
0x32e: {  	v38 =	vadd.s32 s19, v2  }
0x32f: {  	v26 =	vadd.f32 v27, v26;
	v39 =	vadd.f32 v29, v28;
	_ =	sdelay $0x1  }
0x330: {  	v26 =	vadd.f32 v39, v26;
	_ =	sdelay $0x1  }
0x331: {  	[tilespmem:v38+s13+$0x0] =	vst.idx.msk $0xffff, v26  }
0x332: {  	v26 =	vld [tilespmem:s20+$0xFFFFFE00]  }
0x333: {  	v40 =	vld [tilespmem:s20+$0xFFFFFE10]  }
0x334: {  	v41 =	vld [tilespmem:s20+$0xFFFFFE20]  }
0x335: {  	v42 =	vld [tilespmem:s20+$0xFFFFFE30];
	_ =	sdelay $0x3  }
0x336: {  	v26 =	vmul.f32 v26, v22;
	v27 =	vmul.f32 v40, v23  }
0x337: {  	v28 =	vmul.f32 v41, v24;
	v29 =	vmul.f32 v42, v25  }
0x338: {  	v43 =	vadd.s32 s19, v3  }
0x339: {  	v26 =	vadd.f32 v27, v26;
	v44 =	vadd.f32 v29, v28;
	_ =	sdelay $0x1  }
0x33a: {  	v26 =	vadd.f32 v44, v26;
	_ =	sdelay $0x1  }
0x33b: {  	[tilespmem:v43+s13+$0x0] =	vst.idx.msk $0xffff, v26  }
0x33c: {  	v26 =	vld [tilespmem:s20+$0xFFFFFE40]  }
0x33d: {  	v45 =	vld [tilespmem:s20+$0xFFFFFE50]  }
0x33e: {  	v46 =	vld [tilespmem:s20+$0xFFFFFE60]  }
0x33f: {  	v47 =	vld [tilespmem:s20+$0xFFFFFE70];
	_ =	sdelay $0x3  }
0x340: {  	v26 =	vmul.f32 v26, v22;
	v27 =	vmul.f32 v45, v23  }
0x341: {  	v28 =	vmul.f32 v46, v24;
	v29 =	vmul.f32 v47, v25  }
0x342: {  	v48 =	vadd.s32 s19, v4  }
0x343: {  	v26 =	vadd.f32 v27, v26;
	v49 =	vadd.f32 v29, v28;
	_ =	sdelay $0x1  }
0x344: {  	v26 =	vadd.f32 v49, v26;
	_ =	sdelay $0x1  }
0x345: {  	[tilespmem:v48+s13+$0x0] =	vst.idx.msk $0xffff, v26  }
0x346: {  	v26 =	vld [tilespmem:s20+$0xFFFFFE80]  }
0x347: {  	v50 =	vld [tilespmem:s20+$0xFFFFFE90]  }
0x348: {  	v51 =	vld [tilespmem:s20+$0xFFFFFEA0]  }
0x349: {  	v52 =	vld [tilespmem:s20+$0xFFFFFEB0];
	_ =	sdelay $0x3  }
0x34a: {  	v26 =	vmul.f32 v26, v22;
	v27 =	vmul.f32 v50, v23  }
0x34b: {  	v28 =	vmul.f32 v51, v24;
	v29 =	vmul.f32 v52, v25  }
0x34c: {  	v53 =	vadd.s32 s19, v5  }
0x34d: {  	v26 =	vadd.f32 v27, v26;
	v54 =	vadd.f32 v29, v28;
	_ =	sdelay $0x1  }
0x34e: {  	v26 =	vadd.f32 v54, v26;
	_ =	sdelay $0x1  }
0x34f: {  	[tilespmem:v53+s13+$0x0] =	vst.idx.msk $0xffff, v26  }
0x350: {  	v26 =	vld [tilespmem:s20+$0xFFFFFEC0]  }
0x351: {  	v55 =	vld [tilespmem:s20+$0xFFFFFED0]  }
0x352: {  	v56 =	vld [tilespmem:s20+$0xFFFFFEE0]  }
0x353: {  	v57 =	vld [tilespmem:s20+$0xFFFFFEF0];
	_ =	sdelay $0x3  }
0x354: {  	v26 =	vmul.f32 v26, v22;
	v27 =	vmul.f32 v55, v23  }
0x355: {  	v28 =	vmul.f32 v56, v24;
	v29 =	vmul.f32 v57, v25  }
0x356: {  	v58 =	vadd.s32 s19, v6  }
0x357: {  	v26 =	vadd.f32 v27, v26;
	v59 =	vadd.f32 v29, v28;
	_ =	sdelay $0x1  }
0x358: {  	v26 =	vadd.f32 v59, v26;
	_ =	sdelay $0x1  }
0x359: {  	[tilespmem:v58+s13+$0x0] =	vst.idx.msk $0xffff, v26  }
0x35a: {  	v26 =	vld [tilespmem:s20+$0xFFFFFF00]  }
0x35b: {  	v60 =	vld [tilespmem:s20+$0xFFFFFF10]  }
0x35c: {  	v61 =	vld [tilespmem:s20+$0xFFFFFF20]  }
0x35d: {  	v62 =	vld [tilespmem:s20+$0xFFFFFF30];
	_ =	sdelay $0x3  }
0x35e: {  	v26 =	vmul.f32 v26, v22;
	v27 =	vmul.f32 v60, v23  }
0x35f: {  	v28 =	vmul.f32 v61, v24;
	v29 =	vmul.f32 v62, v25  }
0x360: {  	v63 =	vadd.s32 s19, v7  }
0x361: {  	v26 =	vadd.f32 v27, v26;
	v31 =	vadd.f32 v29, v28;
	_ =	sdelay $0x1  }
0x362: {  	v26 =	vadd.f32 v31, v26;
	_ =	sdelay $0x1  }
0x363: {  	[tilespmem:v63+s13+$0x0] =	vst.idx.msk $0xffff, v26  }
0x364: {  	v26 =	vld [tilespmem:s20+$0xFFFFFF40]  }
0x365: {  	v32 =	vld [tilespmem:s20+$0xFFFFFF50]  }
0x366: {  	v33 =	vld [tilespmem:s20+$0xFFFFFF60]  }
0x367: {  	v34 =	vld [tilespmem:s20+$0xFFFFFF70];
	_ =	sdelay $0x3  }
0x368: {  	v26 =	vmul.f32 v26, v22;
	v27 =	vmul.f32 v32, v23  }
0x369: {  	v28 =	vmul.f32 v33, v24;
	v29 =	vmul.f32 v34, v25  }
0x36a: {  	v35 =	vadd.s32 s19, v8  }
0x36b: {  	v26 =	vadd.f32 v27, v26;
	v36 =	vadd.f32 v29, v28;
	_ =	sdelay $0x1  }
0x36c: {  	v26 =	vadd.f32 v36, v26;
	_ =	sdelay $0x1  }
0x36d: {  	[tilespmem:v35+s13+$0x0] =	vst.idx.msk $0xffff, v26  }
0x36e: {  	v26 =	vld [tilespmem:s20+$0xFFFFFF80]  }
0x36f: {  	v37 =	vld [tilespmem:s20+$0xFFFFFF90]  }
0x370: {  	v38 =	vld [tilespmem:s20+$0xFFFFFFA0]  }
0x371: {  	v39 =	vld [tilespmem:s20+$0xFFFFFFB0];
	_ =	sdelay $0x3  }
0x372: {  	v26 =	vmul.f32 v26, v22;
	v27 =	vmul.f32 v37, v23  }
0x373: {  	v28 =	vmul.f32 v38, v24;
	v29 =	vmul.f32 v39, v25  }
0x374: {  	v40 =	vadd.s32 s19, v9  }
0x375: {  	v26 =	vadd.f32 v27, v26;
	v41 =	vadd.f32 v29, v28;
	_ =	sdelay $0x1  }
0x376: {  	v26 =	vadd.f32 v41, v26;
	_ =	sdelay $0x1  }
0x377: {  	[tilespmem:v40+s13+$0x0] =	vst.idx.msk $0xffff, v26  }
0x378: {  	v26 =	vld [tilespmem:s20+$0xFFFFFFC0]  }
0x379: {  	v42 =	vld [tilespmem:s20+$0xFFFFFFD0]  }
0x37a: {  	v43 =	vld [tilespmem:s20+$0xFFFFFFE0]  }
0x37b: {  	v44 =	vld [tilespmem:s20+$0xFFFFFFF0];
	_ =	sdelay $0x3  }
0x37c: {  	v26 =	vmul.f32 v26, v22;
	v27 =	vmul.f32 v42, v23  }
0x37d: {  	v28 =	vmul.f32 v43, v24;
	v29 =	vmul.f32 v44, v25  }
0x37e: {  	v45 =	vadd.s32 s19, v10  }
0x37f: {  	v26 =	vadd.f32 v27, v26;
	v46 =	vadd.f32 v29, v28;
	_ =	sdelay $0x1  }
0x380: {  	v26 =	vadd.f32 v46, v26;
	_ =	sdelay $0x1  }
0x381: {  	[tilespmem:v45+s13+$0x0] =	vst.idx.msk $0xffff, v26  }
0x382: {  	v26 =	vld [tilespmem:s20+$0x0]  }
0x383: {  	v47 =	vld [tilespmem:s20+$0x10]  }
0x384: {  	v48 =	vld [tilespmem:s20+$0x20]  }
0x385: {  	v49 =	vld [tilespmem:s20+$0x30];
	_ =	sdelay $0x3  }
0x386: {  	v26 =	vmul.f32 v26, v22;
	v27 =	vmul.f32 v47, v23  }
0x387: {  	v28 =	vmul.f32 v48, v24;
	v29 =	vmul.f32 v49, v25  }
0x388: {  	v50 =	vadd.s32 s19, v11  }
0x389: {  	v26 =	vadd.f32 v27, v26;
	v51 =	vadd.f32 v29, v28;
	_ =	sdelay $0x1  }
0x38a: {  	v26 =	vadd.f32 v51, v26;
	_ =	sdelay $0x1  }
0x38b: {  	[tilespmem:v50+s13+$0x0] =	vst.idx.msk $0xffff, v26  }
0x38c: {  	v26 =	vld [tilespmem:s20+$0x40]  }
0x38d: {  	v52 =	vld [tilespmem:s20+$0x50]  }
0x38e: {  	v53 =	vld [tilespmem:s20+$0x60]  }
0x38f: {  	v54 =	vld [tilespmem:s20+$0x70];
	_ =	sdelay $0x3  }
0x390: {  	v26 =	vmul.f32 v26, v22;
	v27 =	vmul.f32 v52, v23  }
0x391: {  	v28 =	vmul.f32 v53, v24;
	v29 =	vmul.f32 v54, v25  }
0x392: {  	v55 =	vadd.s32 s19, v12  }
0x393: {  	v26 =	vadd.f32 v27, v26;
	v56 =	vadd.f32 v29, v28;
	_ =	sdelay $0x1  }
0x394: {  	v26 =	vadd.f32 v56, v26;
	_ =	sdelay $0x1  }
0x395: {  	[tilespmem:v55+s13+$0x0] =	vst.idx.msk $0xffff, v26  }
0x396: {  	v26 =	vld [tilespmem:s20+$0x80]  }
0x397: {  	v57 =	vld [tilespmem:s20+$0x90]  }
0x398: {  	v58 =	vld [tilespmem:s20+$0xA0]  }
0x399: {  	v59 =	vld [tilespmem:s20+$0xB0];
	_ =	sdelay $0x3  }
0x39a: {  	v26 =	vmul.f32 v26, v22;
	v27 =	vmul.f32 v57, v23  }
0x39b: {  	v28 =	vmul.f32 v58, v24;
	v29 =	vmul.f32 v59, v25  }
0x39c: {  	v60 =	vadd.s32 s19, v13  }
0x39d: {  	v26 =	vadd.f32 v27, v26;
	v61 =	vadd.f32 v29, v28;
	_ =	sdelay $0x1  }
0x39e: {  	v26 =	vadd.f32 v61, v26;
	_ =	sdelay $0x1  }
0x39f: {  	[tilespmem:v60+s13+$0x0] =	vst.idx.msk $0xffff, v26  }
0x3a0: {  	v26 =	vld [tilespmem:s20+$0xC0]  }
0x3a1: {  	v62 =	vld [tilespmem:s20+$0xD0]  }
0x3a2: {  	v63 =	vld [tilespmem:s20+$0xE0]  }
0x3a3: {  	v32 =	vld [tilespmem:s20+$0xF0];
	_ =	sdelay $0x3  }
0x3a4: {  	v26 =	vmul.f32 v26, v22;
	v27 =	vmul.f32 v62, v23  }
0x3a5: {  	v28 =	vmul.f32 v63, v24;
	v29 =	vmul.f32 v32, v25  }
0x3a6: {  	v33 =	vadd.s32 s19, v14  }
0x3a7: {  	v26 =	vadd.f32 v27, v26;
	v34 =	vadd.f32 v29, v28;
	_ =	sdelay $0x1  }
0x3a8: {  	v26 =	vadd.f32 v34, v26;
	_ =	sdelay $0x1  }
0x3a9: {  	[tilespmem:v33+s13+$0x0] =	vst.idx.msk $0xffff, v26  }
0x3aa: {  	v26 =	vld [tilespmem:s20+$0x100]  }
0x3ab: {  	v35 =	vld [tilespmem:s20+$0x110]  }
0x3ac: {  	v36 =	vld [tilespmem:s20+$0x120]  }
0x3ad: {  	v37 =	vld [tilespmem:s20+$0x130];
	_ =	sdelay $0x3  }
0x3ae: {  	v26 =	vmul.f32 v26, v22;
	v27 =	vmul.f32 v35, v23  }
0x3af: {  	v28 =	vmul.f32 v36, v24;
	v29 =	vmul.f32 v37, v25  }
0x3b0: {  	v38 =	vadd.s32 s19, v15  }
0x3b1: {  	v26 =	vadd.f32 v27, v26;
	v39 =	vadd.f32 v29, v28;
	_ =	sdelay $0x1  }
0x3b2: {  	v26 =	vadd.f32 v39, v26;
	_ =	sdelay $0x1  }
0x3b3: {  	[tilespmem:v38+s13+$0x0] =	vst.idx.msk $0xffff, v26  }
0x3b4: {  	v26 =	vld [tilespmem:s20+$0x140]  }
0x3b5: {  	v40 =	vld [tilespmem:s20+$0x150]  }
0x3b6: {  	v41 =	vld [tilespmem:s20+$0x160]  }
0x3b7: {  	v42 =	vld [tilespmem:s20+$0x170];
	_ =	sdelay $0x3  }
0x3b8: {  	v26 =	vmul.f32 v26, v22;
	v27 =	vmul.f32 v40, v23  }
0x3b9: {  	v28 =	vmul.f32 v41, v24;
	v29 =	vmul.f32 v42, v25  }
0x3ba: {  	v43 =	vadd.s32 s19, v16  }
0x3bb: {  	v26 =	vadd.f32 v27, v26;
	v44 =	vadd.f32 v29, v28;
	_ =	sdelay $0x1  }
0x3bc: {  	v26 =	vadd.f32 v44, v26;
	_ =	sdelay $0x1  }
0x3bd: {  	[tilespmem:v43+s13+$0x0] =	vst.idx.msk $0xffff, v26  }
0x3be: {  	v26 =	vld [tilespmem:s20+$0x180]  }
0x3bf: {  	v45 =	vld [tilespmem:s20+$0x190]  }
0x3c0: {  	v46 =	vld [tilespmem:s20+$0x1A0]  }
0x3c1: {  	v47 =	vld [tilespmem:s20+$0x1B0];
	_ =	sdelay $0x3  }
0x3c2: {  	v26 =	vmul.f32 v26, v22;
	v27 =	vmul.f32 v45, v23  }
0x3c3: {  	v28 =	vmul.f32 v46, v24;
	v29 =	vmul.f32 v47, v25  }
0x3c4: {  	v48 =	vadd.s32 s19, v17  }
0x3c5: {  	v26 =	vadd.f32 v27, v26;
	v49 =	vadd.f32 v29, v28;
	_ =	sdelay $0x1  }
0x3c6: {  	v26 =	vadd.f32 v49, v26;
	_ =	sdelay $0x1  }
0x3c7: {  	[tilespmem:v48+s13+$0x0] =	vst.idx.msk $0xffff, v26  }
0x3c8: {  	v26 =	vld [tilespmem:s20+$0x1C0]  }
0x3c9: {  	v50 =	vld [tilespmem:s20+$0x1D0]  }
0x3ca: {  	v51 =	vld [tilespmem:s20+$0x1E0]  }
0x3cb: {  	v52 =	vld [tilespmem:s20+$0x1F0];
	_ =	sdelay $0x3  }
0x3cc: {  	v26 =	vmul.f32 v26, v22;
	v27 =	vmul.f32 v50, v23  }
0x3cd: {  	v28 =	vmul.f32 v51, v24;
	v29 =	vmul.f32 v52, v25  }
0x3ce: {  	v53 =	vadd.s32 s19, v18  }
0x3cf: {  	v26 =	vadd.f32 v27, v26;
	v54 =	vadd.f32 v29, v28;
	_ =	sdelay $0x1  }
0x3d0: {  	v26 =	vadd.f32 v54, v26;
	_ =	sdelay $0x1  }
0x3d1: {  	[tilespmem:v53+s13+$0x0] =	vst.idx.msk $0xffff, v26  }
0x3d2: {  	v26 =	vld [tilespmem:s20+$0x200]  }
0x3d3: {  	v55 =	vld [tilespmem:s20+$0x210]  }
0x3d4: {  	v56 =	vld [tilespmem:s20+$0x220]  }
0x3d5: {  	v57 =	vld [tilespmem:s20+$0x230];
	_ =	sdelay $0x3  }
0x3d6: {  	v26 =	vmul.f32 v26, v22;
	v27 =	vmul.f32 v55, v23  }
0x3d7: {  	v28 =	vmul.f32 v56, v24;
	v29 =	vmul.f32 v57, v25  }
0x3d8: {  	v58 =	vadd.s32 s19, v19  }
0x3d9: {  	v26 =	vadd.f32 v27, v26;
	v59 =	vadd.f32 v29, v28;
	_ =	sdelay $0x1  }
0x3da: {  	v26 =	vadd.f32 v59, v26;
	_ =	sdelay $0x1  }
0x3db: {  	[tilespmem:v58+s13+$0x0] =	vst.idx.msk $0xffff, v26  }
0x3dc: {  	v26 =	vld [tilespmem:s20+$0x240]  }
0x3dd: {  	v60 =	vld [tilespmem:s20+$0x250]  }
0x3de: {  	v61 =	vld [tilespmem:s20+$0x260]  }
0x3df: {  	v62 =	vld [tilespmem:s20+$0x270];
	_ =	sdelay $0x3  }
0x3e0: {  	v22 =	vmul.f32 v26, v22;
	v23 =	vmul.f32 v60, v23  }
0x3e1: {  	v24 =	vmul.f32 v61, v24;
	v25 =	vmul.f32 v62, v25  }
0x3e2: {  	p1 =	sne.s32 s19, $0xF;
	v63 =	vadd.s32 s19, v20  }
.Ltmp6:
0x3e3: {  	v22 =	vadd.f32 v23, v22;
	v23 =	vadd.f32 v25, v24;
	(pc) =	sbr.rel @p1 .LBB2_11-.Ltmp6, $4  }
0x3e4: {  	_ = 	snop  }
0x3e5: {  	v22 =	vadd.f32 v23, v22  }
0x3e6: {  	s21 =	sadd.s32 $0x40, s21  }
0x3e7: {  	s22 =	sadd.s32 $0x40, s22;
	s19 =	sadd.s32 $0x1, s19;
	s20 =	sadd.s32 $0x500, s20;
	[tilespmem:v63+s13+$0x0] =	vst.idx.msk $0xffff, v22  }
0x3e8: {  	s20 =	simm.s32 $0x18C88  }
0x3e9: {  	v22 =	vld [tilespmem:s20+$0xFFFFFF89]  }
0x3ea: {  	s19 =	simm.s32 $0x80;
	s21 =	simm.s32 $0x880;
	v23 =	vld [tilespmem:s20+$0xFFFFFF78]  }
.LBB2_13:
0x3eb: {  	p1 =	sne.s32 s21, $0xA080  }
0x3ec: {  	v24 =	vld [tilespmem:s20+$0xFFFFFF9A];
	_ =	sdelay $0x1  }
0x3ed: {  	v25 =	vld [tilespmem:s20+$0xFFFFFFAB]  }
0x3ee: {  	v22 =	vadd.f32 v22, v23  }
0x3ef: {  	v23 =	vld [tilespmem:s20+$0xFFFFFFBC]  }
0x3f0: {  	v22 =	vadd.f32 v24, v22  }
0x3f1: {  	v24 =	vld [tilespmem:s20+$0xFFFFFFCD]  }
0x3f2: {  	v22 =	vadd.f32 v25, v22  }
0x3f3: {  	v25 =	vld [tilespmem:s20+$0xFFFFFFDE]  }
0x3f4: {  	v22 =	vadd.f32 v23, v22  }
0x3f5: {  	v23 =	vld [tilespmem:s20+$0xFFFFFFEF]  }
0x3f6: {  	v22 =	vadd.f32 v24, v22  }
0x3f7: {  	v24 =	vld [tilespmem:s20+$0x0]  }
0x3f8: {  	v22 =	vadd.f32 v25, v22  }
0x3f9: {  	v25 =	vld [tilespmem:s20+$0x11]  }
0x3fa: {  	v22 =	vadd.f32 v23, v22  }
0x3fb: {  	v23 =	vld [tilespmem:s20+$0x22]  }
0x3fc: {  	v22 =	vadd.f32 v24, v22  }
0x3fd: {  	v24 =	vld [tilespmem:s20+$0x33]  }
0x3fe: {  	v22 =	vadd.f32 v25, v22  }
0x3ff: {  	v25 =	vld [tilespmem:s20+$0x44]  }
0x400: {  	v22 =	vadd.f32 v23, v22  }
0x401: {  	v23 =	vld [tilespmem:s20+$0x55]  }
0x402: {  	v22 =	vadd.f32 v24, v22  }
0x403: {  	v24 =	vld [tilespmem:s20+$0x66]  }
0x404: {  	v22 =	vadd.f32 v25, v22  }
0x405: {  	v25 =	vld [tilespmem:s20+$0x77]  }
0x406: {  	v22 =	vadd.f32 v23, v22;
	_ =	sdelay $0x1  }
0x407: {  	v22 =	vadd.f32 v24, v22;
	_ =	sdelay $0x1  }
.Ltmp7:
0x408: {  	v22 =	vadd.f32 v25, v22;
	(pc) =	sbr.rel @p1 .LBB2_13-.Ltmp7, $4  }
0x409: {  	s22 =	sshra.s32 s19, $0x2;
	s19 =	smov.u32 s21  }
0x40a: {  	s20 =	sadd.s32 $0x110, s20;
	[tilespmem:v21+s22+$0x0 ss:$0x1] =	vst.idx.msk $0xffff, v22  }
0x40b: {  	v22 =	vld [tilespmem:s20+$0xFFFFFF89]  }
0x40c: {  	s21 =	sadd.s32 $0x800, s21;
	v23 =	vld [tilespmem:s20+$0xFFFFFF78]  }
0x40d: {  	_ = 	snop  }
0x40e: {  	v24 =	vld [tilespmem:s20+$0xFFFFFF9A];
	_ =	sdelay $0x1  }
0x40f: {  	v25 =	vld [tilespmem:s20+$0xFFFFFFAB]  }
0x410: {  	v22 =	vadd.f32 v22, v23  }
0x411: {  	v23 =	vld [tilespmem:s20+$0xFFFFFFBC]  }
0x412: {  	v22 =	vadd.f32 v24, v22  }
0x413: {  	v56 =	vld [tilespmem:s20+$0xFFFFFFCD]  }
0x414: {  	v22 =	vadd.f32 v25, v22  }
0x415: {  	v57 =	vld [tilespmem:s20+$0xFFFFFFDE]  }
0x416: {  	v22 =	vadd.f32 v23, v22  }
0x417: {  	v23 =	vld [tilespmem:s20+$0xFFFFFFEF]  }
0x418: {  	v22 =	vadd.f32 v56, v22  }
0x419: {  	v58 =	vld [tilespmem:s20+$0x0]  }
0x41a: {  	v22 =	vadd.f32 v57, v22  }
0x41b: {  	v59 =	vld [tilespmem:s20+$0x11]  }
0x41c: {  	v22 =	vadd.f32 v23, v22  }
0x41d: {  	v23 =	vld [tilespmem:s20+$0x22]  }
0x41e: {  	v22 =	vadd.f32 v58, v22  }
0x41f: {  	v60 =	vld [tilespmem:s20+$0x33]  }
0x420: {  	v22 =	vadd.f32 v59, v22  }
0x421: {  	v61 =	vld [tilespmem:s20+$0x44]  }
0x422: {  	v22 =	vadd.f32 v23, v22  }
0x423: {  	v23 =	vld [tilespmem:s20+$0x55]  }
0x424: {  	v22 =	vadd.f32 v60, v22  }
0x425: {  	v62 =	vld [tilespmem:s20+$0x66]  }
0x426: {  	v22 =	vadd.f32 v61, v22  }
0x427: {  	v63 =	vld [tilespmem:s20+$0x77]  }
0x428: {  	v22 =	vadd.f32 v23, v22;
	_ =	sdelay $0x1  }
0x429: {  	v22 =	vadd.f32 v62, v22;
	_ =	sdelay $0x1  }
0x42a: {  	v22 =	vadd.f32 v63, v22  }
0x42b: {  	s23 =	sshra.s32 s19, $0x2;
	s19 =	simm.s32 $0x0  }
0x42c: {  	s21 =	simm.s32 $0xE830;
	s22 =	simm.s32 $0x0;
	s20 =	simm.s32 $0xE030;
	[tilespmem:v21+s23+$0x0 ss:$0x1] =	vst.idx.msk $0xffff, v22  }
.LBB2_15:
0x42d: {  	v22 =	vld [tilespmem:s20+$0xFFFFFFD0]  }
0x42e: {  	v23 =	vld [tilespmem:s20+$0xFFFFFFE0]  }
0x42f: {  	v24 =	vld [tilespmem:s20+$0xFFFFFFF0]  }
0x430: {  	v25 =	vld [tilespmem:s20+$0x0]  }
0x431: {  	v26 =	vld [tilespmem:s21+$0xFFFFFFD0]  }
0x432: {  	v27 =	vld [tilespmem:s21+$0xFFFFFFE0]  }
0x433: {  	v28 =	vld [tilespmem:s21+$0xFFFFFFF0]  }
0x434: {  	v29 =	vld [tilespmem:s21+$0x0];
	_ =	sdelay $0x3  }
0x435: {  	v26 =	vmul.f32 v26, v22;
	v27 =	vmul.f32 v27, v23  }
0x436: {  	v28 =	vmul.f32 v28, v24;
	v29 =	vmul.f32 v29, v25  }
0x437: {  	v30 =	vadd.s32 s22, v0  }
0x438: {  	v26 =	vadd.f32 v27, v26;
	v61 =	vadd.f32 v29, v28;
	_ =	sdelay $0x1  }
0x439: {  	v26 =	vadd.f32 v61, v26;
	_ =	sdelay $0x1  }
0x43a: {  	s23 =	sshra.s32 s19, $0x2;
	[tilespmem:v30+s13+$0x0] =	vst.idx.msk $0xffff, v26  }
0x43b: {  	v26 =	vld [tilespmem:s23+$0x13C00]  }
0x43c: {  	v62 =	vld [tilespmem:s23+$0x13C10]  }
0x43d: {  	v63 =	vld [tilespmem:s23+$0x13C20]  }
0x43e: {  	v32 =	vld [tilespmem:s23+$0x13C30];
	_ =	sdelay $0x3  }
0x43f: {  	v26 =	vmul.f32 v26, v22;
	v27 =	vmul.f32 v62, v23  }
0x440: {  	v28 =	vmul.f32 v63, v24;
	v29 =	vmul.f32 v32, v25  }
0x441: {  	v33 =	vadd.s32 s22, v1  }
0x442: {  	v26 =	vadd.f32 v27, v26;
	v34 =	vadd.f32 v29, v28;
	_ =	sdelay $0x1  }
0x443: {  	v26 =	vadd.f32 v34, v26;
	_ =	sdelay $0x1  }
0x444: {  	[tilespmem:v33+s13+$0x0] =	vst.idx.msk $0xffff, v26  }
0x445: {  	v26 =	vld [tilespmem:s23+$0x13C40]  }
0x446: {  	v35 =	vld [tilespmem:s23+$0x13C50]  }
0x447: {  	v36 =	vld [tilespmem:s23+$0x13C60]  }
0x448: {  	v37 =	vld [tilespmem:s23+$0x13C70];
	_ =	sdelay $0x3  }
0x449: {  	v26 =	vmul.f32 v26, v22;
	v27 =	vmul.f32 v35, v23  }
0x44a: {  	v28 =	vmul.f32 v36, v24;
	v29 =	vmul.f32 v37, v25  }
0x44b: {  	v38 =	vadd.s32 s22, v2  }
0x44c: {  	v26 =	vadd.f32 v27, v26;
	v39 =	vadd.f32 v29, v28;
	_ =	sdelay $0x1  }
0x44d: {  	v26 =	vadd.f32 v39, v26;
	_ =	sdelay $0x1  }
0x44e: {  	[tilespmem:v38+s13+$0x0] =	vst.idx.msk $0xffff, v26  }
0x44f: {  	v26 =	vld [tilespmem:s23+$0x13C80]  }
0x450: {  	v40 =	vld [tilespmem:s23+$0x13C90]  }
0x451: {  	v41 =	vld [tilespmem:s23+$0x13CA0]  }
0x452: {  	v42 =	vld [tilespmem:s23+$0x13CB0];
	_ =	sdelay $0x3  }
0x453: {  	v26 =	vmul.f32 v26, v22;
	v27 =	vmul.f32 v40, v23  }
0x454: {  	v28 =	vmul.f32 v41, v24;
	v29 =	vmul.f32 v42, v25  }
0x455: {  	v43 =	vadd.s32 s22, v3  }
0x456: {  	v26 =	vadd.f32 v27, v26;
	v44 =	vadd.f32 v29, v28;
	_ =	sdelay $0x1  }
0x457: {  	v26 =	vadd.f32 v44, v26;
	_ =	sdelay $0x1  }
0x458: {  	[tilespmem:v43+s13+$0x0] =	vst.idx.msk $0xffff, v26  }
0x459: {  	v26 =	vld [tilespmem:s23+$0x13CC0]  }
0x45a: {  	v45 =	vld [tilespmem:s23+$0x13CD0]  }
0x45b: {  	v46 =	vld [tilespmem:s23+$0x13CE0]  }
0x45c: {  	v47 =	vld [tilespmem:s23+$0x13CF0];
	_ =	sdelay $0x3  }
0x45d: {  	v26 =	vmul.f32 v26, v22;
	v27 =	vmul.f32 v45, v23  }
0x45e: {  	v28 =	vmul.f32 v46, v24;
	v29 =	vmul.f32 v47, v25  }
0x45f: {  	v48 =	vadd.s32 s22, v4  }
0x460: {  	v26 =	vadd.f32 v27, v26;
	v49 =	vadd.f32 v29, v28;
	_ =	sdelay $0x1  }
0x461: {  	v26 =	vadd.f32 v49, v26;
	_ =	sdelay $0x1  }
0x462: {  	[tilespmem:v48+s13+$0x0] =	vst.idx.msk $0xffff, v26  }
0x463: {  	v26 =	vld [tilespmem:s23+$0x13D00]  }
0x464: {  	v50 =	vld [tilespmem:s23+$0x13D10]  }
0x465: {  	v51 =	vld [tilespmem:s23+$0x13D20]  }
0x466: {  	v52 =	vld [tilespmem:s23+$0x13D30];
	_ =	sdelay $0x3  }
0x467: {  	v26 =	vmul.f32 v26, v22;
	v27 =	vmul.f32 v50, v23  }
0x468: {  	v28 =	vmul.f32 v51, v24;
	v29 =	vmul.f32 v52, v25  }
0x469: {  	v53 =	vadd.s32 s22, v5  }
0x46a: {  	v26 =	vadd.f32 v27, v26;
	v54 =	vadd.f32 v29, v28;
	_ =	sdelay $0x1  }
0x46b: {  	v26 =	vadd.f32 v54, v26;
	_ =	sdelay $0x1  }
0x46c: {  	[tilespmem:v53+s13+$0x0] =	vst.idx.msk $0xffff, v26  }
0x46d: {  	v26 =	vld [tilespmem:s23+$0x13D40]  }
0x46e: {  	v55 =	vld [tilespmem:s23+$0x13D50]  }
0x46f: {  	v56 =	vld [tilespmem:s23+$0x13D60]  }
0x470: {  	v57 =	vld [tilespmem:s23+$0x13D70];
	_ =	sdelay $0x3  }
0x471: {  	v26 =	vmul.f32 v26, v22;
	v27 =	vmul.f32 v55, v23  }
0x472: {  	v28 =	vmul.f32 v56, v24;
	v29 =	vmul.f32 v57, v25  }
0x473: {  	v58 =	vadd.s32 s22, v6  }
0x474: {  	v26 =	vadd.f32 v27, v26;
	v59 =	vadd.f32 v29, v28;
	_ =	sdelay $0x1  }
0x475: {  	v26 =	vadd.f32 v59, v26;
	_ =	sdelay $0x1  }
0x476: {  	[tilespmem:v58+s13+$0x0] =	vst.idx.msk $0xffff, v26  }
0x477: {  	v26 =	vld [tilespmem:s23+$0x13D80]  }
0x478: {  	v60 =	vld [tilespmem:s23+$0x13D90]  }
0x479: {  	v61 =	vld [tilespmem:s23+$0x13DA0]  }
0x47a: {  	v62 =	vld [tilespmem:s23+$0x13DB0];
	_ =	sdelay $0x3  }
0x47b: {  	v26 =	vmul.f32 v26, v22;
	v27 =	vmul.f32 v60, v23  }
0x47c: {  	v28 =	vmul.f32 v61, v24;
	v29 =	vmul.f32 v62, v25  }
0x47d: {  	v63 =	vadd.s32 s22, v7  }
0x47e: {  	v26 =	vadd.f32 v27, v26;
	v31 =	vadd.f32 v29, v28;
	_ =	sdelay $0x1  }
0x47f: {  	v26 =	vadd.f32 v31, v26;
	_ =	sdelay $0x1  }
0x480: {  	[tilespmem:v63+s13+$0x0] =	vst.idx.msk $0xffff, v26  }
0x481: {  	v26 =	vld [tilespmem:s23+$0x13DC0]  }
0x482: {  	v32 =	vld [tilespmem:s23+$0x13DD0]  }
0x483: {  	v33 =	vld [tilespmem:s23+$0x13DE0]  }
0x484: {  	v34 =	vld [tilespmem:s23+$0x13DF0];
	_ =	sdelay $0x3  }
0x485: {  	v26 =	vmul.f32 v26, v22;
	v27 =	vmul.f32 v32, v23  }
0x486: {  	v28 =	vmul.f32 v33, v24;
	v29 =	vmul.f32 v34, v25  }
0x487: {  	v35 =	vadd.s32 s22, v8  }
0x488: {  	v26 =	vadd.f32 v27, v26;
	v36 =	vadd.f32 v29, v28;
	_ =	sdelay $0x1  }
0x489: {  	v26 =	vadd.f32 v36, v26;
	_ =	sdelay $0x1  }
0x48a: {  	[tilespmem:v35+s13+$0x0] =	vst.idx.msk $0xffff, v26  }
0x48b: {  	v26 =	vld [tilespmem:s23+$0x13E00]  }
0x48c: {  	v37 =	vld [tilespmem:s23+$0x13E10]  }
0x48d: {  	v38 =	vld [tilespmem:s23+$0x13E20]  }
0x48e: {  	v39 =	vld [tilespmem:s23+$0x13E30];
	_ =	sdelay $0x3  }
0x48f: {  	v26 =	vmul.f32 v26, v22;
	v27 =	vmul.f32 v37, v23  }
0x490: {  	v28 =	vmul.f32 v38, v24;
	v29 =	vmul.f32 v39, v25  }
0x491: {  	v40 =	vadd.s32 s22, v9  }
0x492: {  	v26 =	vadd.f32 v27, v26;
	v41 =	vadd.f32 v29, v28;
	_ =	sdelay $0x1  }
0x493: {  	v26 =	vadd.f32 v41, v26;
	_ =	sdelay $0x1  }
0x494: {  	[tilespmem:v40+s13+$0x0] =	vst.idx.msk $0xffff, v26  }
0x495: {  	v26 =	vld [tilespmem:s23+$0x13E40]  }
0x496: {  	v42 =	vld [tilespmem:s23+$0x13E50]  }
0x497: {  	v43 =	vld [tilespmem:s23+$0x13E60]  }
0x498: {  	v44 =	vld [tilespmem:s23+$0x13E70];
	_ =	sdelay $0x3  }
0x499: {  	v26 =	vmul.f32 v26, v22;
	v27 =	vmul.f32 v42, v23  }
0x49a: {  	v28 =	vmul.f32 v43, v24;
	v29 =	vmul.f32 v44, v25  }
0x49b: {  	v45 =	vadd.s32 s22, v10  }
0x49c: {  	v26 =	vadd.f32 v27, v26;
	v46 =	vadd.f32 v29, v28;
	_ =	sdelay $0x1  }
0x49d: {  	v26 =	vadd.f32 v46, v26;
	_ =	sdelay $0x1  }
0x49e: {  	[tilespmem:v45+s13+$0x0] =	vst.idx.msk $0xffff, v26  }
0x49f: {  	v26 =	vld [tilespmem:s23+$0x13E80]  }
0x4a0: {  	v47 =	vld [tilespmem:s23+$0x13E90]  }
0x4a1: {  	v48 =	vld [tilespmem:s23+$0x13EA0]  }
0x4a2: {  	v49 =	vld [tilespmem:s23+$0x13EB0];
	_ =	sdelay $0x3  }
0x4a3: {  	v26 =	vmul.f32 v26, v22;
	v27 =	vmul.f32 v47, v23  }
0x4a4: {  	v28 =	vmul.f32 v48, v24;
	v29 =	vmul.f32 v49, v25  }
0x4a5: {  	v50 =	vadd.s32 s22, v11  }
0x4a6: {  	v26 =	vadd.f32 v27, v26;
	v51 =	vadd.f32 v29, v28;
	_ =	sdelay $0x1  }
0x4a7: {  	v26 =	vadd.f32 v51, v26;
	_ =	sdelay $0x1  }
0x4a8: {  	[tilespmem:v50+s13+$0x0] =	vst.idx.msk $0xffff, v26  }
0x4a9: {  	v26 =	vld [tilespmem:s23+$0x13EC0]  }
0x4aa: {  	v52 =	vld [tilespmem:s23+$0x13ED0]  }
0x4ab: {  	v53 =	vld [tilespmem:s23+$0x13EE0]  }
0x4ac: {  	v54 =	vld [tilespmem:s23+$0x13EF0];
	_ =	sdelay $0x3  }
0x4ad: {  	v26 =	vmul.f32 v26, v22;
	v27 =	vmul.f32 v52, v23  }
0x4ae: {  	v28 =	vmul.f32 v53, v24;
	v29 =	vmul.f32 v54, v25  }
0x4af: {  	v55 =	vadd.s32 s22, v12  }
0x4b0: {  	v26 =	vadd.f32 v27, v26;
	v56 =	vadd.f32 v29, v28;
	_ =	sdelay $0x1  }
0x4b1: {  	v26 =	vadd.f32 v56, v26;
	_ =	sdelay $0x1  }
0x4b2: {  	[tilespmem:v55+s13+$0x0] =	vst.idx.msk $0xffff, v26  }
0x4b3: {  	v26 =	vld [tilespmem:s23+$0x13F00]  }
0x4b4: {  	v57 =	vld [tilespmem:s23+$0x13F10]  }
0x4b5: {  	v58 =	vld [tilespmem:s23+$0x13F20]  }
0x4b6: {  	v59 =	vld [tilespmem:s23+$0x13F30];
	_ =	sdelay $0x3  }
0x4b7: {  	v26 =	vmul.f32 v26, v22;
	v27 =	vmul.f32 v57, v23  }
0x4b8: {  	v28 =	vmul.f32 v58, v24;
	v29 =	vmul.f32 v59, v25  }
0x4b9: {  	v60 =	vadd.s32 s22, v13  }
0x4ba: {  	v26 =	vadd.f32 v27, v26;
	v61 =	vadd.f32 v29, v28;
	_ =	sdelay $0x1  }
0x4bb: {  	v26 =	vadd.f32 v61, v26;
	_ =	sdelay $0x1  }
0x4bc: {  	[tilespmem:v60+s13+$0x0] =	vst.idx.msk $0xffff, v26  }
0x4bd: {  	v26 =	vld [tilespmem:s23+$0x13F40]  }
0x4be: {  	v62 =	vld [tilespmem:s23+$0x13F50]  }
0x4bf: {  	v63 =	vld [tilespmem:s23+$0x13F60]  }
0x4c0: {  	v32 =	vld [tilespmem:s23+$0x13F70];
	_ =	sdelay $0x3  }
0x4c1: {  	v26 =	vmul.f32 v26, v22;
	v27 =	vmul.f32 v62, v23  }
0x4c2: {  	v28 =	vmul.f32 v63, v24;
	v29 =	vmul.f32 v32, v25  }
0x4c3: {  	v33 =	vadd.s32 s22, v14  }
0x4c4: {  	v26 =	vadd.f32 v27, v26;
	v34 =	vadd.f32 v29, v28;
	_ =	sdelay $0x1  }
0x4c5: {  	v26 =	vadd.f32 v34, v26;
	_ =	sdelay $0x1  }
0x4c6: {  	[tilespmem:v33+s13+$0x0] =	vst.idx.msk $0xffff, v26  }
0x4c7: {  	v26 =	vld [tilespmem:s23+$0x13F80]  }
0x4c8: {  	v35 =	vld [tilespmem:s23+$0x13F90]  }
0x4c9: {  	v36 =	vld [tilespmem:s23+$0x13FA0]  }
0x4ca: {  	v37 =	vld [tilespmem:s23+$0x13FB0];
	_ =	sdelay $0x3  }
0x4cb: {  	v26 =	vmul.f32 v26, v22;
	v27 =	vmul.f32 v35, v23  }
0x4cc: {  	v28 =	vmul.f32 v36, v24;
	v29 =	vmul.f32 v37, v25  }
0x4cd: {  	v38 =	vadd.s32 s22, v15  }
0x4ce: {  	v26 =	vadd.f32 v27, v26;
	v39 =	vadd.f32 v29, v28;
	_ =	sdelay $0x1  }
0x4cf: {  	v26 =	vadd.f32 v39, v26;
	_ =	sdelay $0x1  }
0x4d0: {  	[tilespmem:v38+s13+$0x0] =	vst.idx.msk $0xffff, v26  }
0x4d1: {  	v26 =	vld [tilespmem:s23+$0x13FC0]  }
0x4d2: {  	v40 =	vld [tilespmem:s23+$0x13FD0]  }
0x4d3: {  	v41 =	vld [tilespmem:s23+$0x13FE0]  }
0x4d4: {  	v42 =	vld [tilespmem:s23+$0x13FF0];
	_ =	sdelay $0x3  }
0x4d5: {  	v26 =	vmul.f32 v26, v22;
	v27 =	vmul.f32 v40, v23  }
0x4d6: {  	v28 =	vmul.f32 v41, v24;
	v29 =	vmul.f32 v42, v25  }
0x4d7: {  	v43 =	vadd.s32 s22, v16  }
0x4d8: {  	v26 =	vadd.f32 v27, v26;
	v44 =	vadd.f32 v29, v28;
	_ =	sdelay $0x1  }
0x4d9: {  	v26 =	vadd.f32 v44, v26;
	_ =	sdelay $0x1  }
0x4da: {  	[tilespmem:v43+s13+$0x0] =	vst.idx.msk $0xffff, v26  }
0x4db: {  	v26 =	vld [tilespmem:s23+$0x14000]  }
0x4dc: {  	v45 =	vld [tilespmem:s23+$0x14010]  }
0x4dd: {  	v46 =	vld [tilespmem:s23+$0x14020]  }
0x4de: {  	v47 =	vld [tilespmem:s23+$0x14030];
	_ =	sdelay $0x3  }
0x4df: {  	v26 =	vmul.f32 v26, v22;
	v27 =	vmul.f32 v45, v23  }
0x4e0: {  	v28 =	vmul.f32 v46, v24;
	v29 =	vmul.f32 v47, v25  }
0x4e1: {  	v48 =	vadd.s32 s22, v17  }
0x4e2: {  	v26 =	vadd.f32 v27, v26;
	v49 =	vadd.f32 v29, v28;
	_ =	sdelay $0x1  }
0x4e3: {  	v26 =	vadd.f32 v49, v26;
	_ =	sdelay $0x1  }
0x4e4: {  	[tilespmem:v48+s13+$0x0] =	vst.idx.msk $0xffff, v26  }
0x4e5: {  	v26 =	vld [tilespmem:s23+$0x14040]  }
0x4e6: {  	v50 =	vld [tilespmem:s23+$0x14050]  }
0x4e7: {  	v51 =	vld [tilespmem:s23+$0x14060]  }
0x4e8: {  	v52 =	vld [tilespmem:s23+$0x14070];
	_ =	sdelay $0x3  }
0x4e9: {  	v26 =	vmul.f32 v26, v22;
	v27 =	vmul.f32 v50, v23  }
0x4ea: {  	v28 =	vmul.f32 v51, v24;
	v29 =	vmul.f32 v52, v25  }
0x4eb: {  	v53 =	vadd.s32 s22, v18  }
0x4ec: {  	v26 =	vadd.f32 v27, v26;
	v54 =	vadd.f32 v29, v28;
	_ =	sdelay $0x1  }
0x4ed: {  	v26 =	vadd.f32 v54, v26;
	_ =	sdelay $0x1  }
0x4ee: {  	[tilespmem:v53+s13+$0x0] =	vst.idx.msk $0xffff, v26  }
0x4ef: {  	v26 =	vld [tilespmem:s23+$0x14080]  }
0x4f0: {  	v55 =	vld [tilespmem:s23+$0x14090]  }
0x4f1: {  	v56 =	vld [tilespmem:s23+$0x140A0]  }
0x4f2: {  	v57 =	vld [tilespmem:s23+$0x140B0];
	_ =	sdelay $0x3  }
0x4f3: {  	v26 =	vmul.f32 v26, v22;
	v27 =	vmul.f32 v55, v23  }
0x4f4: {  	v28 =	vmul.f32 v56, v24;
	v29 =	vmul.f32 v57, v25  }
0x4f5: {  	v58 =	vadd.s32 s22, v19  }
0x4f6: {  	v26 =	vadd.f32 v27, v26;
	v59 =	vadd.f32 v29, v28;
	_ =	sdelay $0x1  }
0x4f7: {  	v26 =	vadd.f32 v59, v26;
	_ =	sdelay $0x1  }
0x4f8: {  	[tilespmem:v58+s13+$0x0] =	vst.idx.msk $0xffff, v26  }
0x4f9: {  	v26 =	vld [tilespmem:s23+$0x140C0]  }
0x4fa: {  	v60 =	vld [tilespmem:s23+$0x140D0]  }
0x4fb: {  	v61 =	vld [tilespmem:s23+$0x140E0]  }
0x4fc: {  	v62 =	vld [tilespmem:s23+$0x140F0];
	_ =	sdelay $0x3  }
0x4fd: {  	v22 =	vmul.f32 v26, v22;
	v23 =	vmul.f32 v60, v23  }
0x4fe: {  	v24 =	vmul.f32 v61, v24;
	v25 =	vmul.f32 v62, v25  }
0x4ff: {  	p1 =	sne.s32 s19, $0x12C00;
	v63 =	vadd.s32 s22, v20  }
.Ltmp8:
0x500: {  	v22 =	vadd.f32 v23, v22;
	v23 =	vadd.f32 v25, v24;
	(pc) =	sbr.rel @p1 .LBB2_15-.Ltmp8, $4  }
0x501: {  	_ = 	snop  }
0x502: {  	v22 =	vadd.f32 v23, v22  }
0x503: {  	s20 =	sadd.s32 $0x40, s20  }
0x504: {  	s21 =	sadd.s32 $0x40, s21;
	s19 =	sadd.s32 $0x1400, s19;
	s22 =	sadd.s32 $0x1, s22;
	[tilespmem:v63+s13+$0x0] =	vst.idx.msk $0xffff, v22  }
0x505: {  	s20 =	simm.s32 $0x18C88  }
0x506: {  	v22 =	vld [tilespmem:s20+$0xFFFFFF89]  }
0x507: {  	s19 =	simm.s32 $0xC0;
	s21 =	simm.s32 $0x8C0;
	v23 =	vld [tilespmem:s20+$0xFFFFFF78]  }
.LBB2_17:
0x508: {  	p1 =	sne.s32 s21, $0xA0C0  }
0x509: {  	v24 =	vld [tilespmem:s20+$0xFFFFFF9A];
	_ =	sdelay $0x1  }
0x50a: {  	v25 =	vld [tilespmem:s20+$0xFFFFFFAB]  }
0x50b: {  	v22 =	vadd.f32 v22, v23  }
0x50c: {  	v23 =	vld [tilespmem:s20+$0xFFFFFFBC]  }
0x50d: {  	v22 =	vadd.f32 v24, v22  }
0x50e: {  	v24 =	vld [tilespmem:s20+$0xFFFFFFCD]  }
0x50f: {  	v22 =	vadd.f32 v25, v22  }
0x510: {  	v25 =	vld [tilespmem:s20+$0xFFFFFFDE]  }
0x511: {  	v22 =	vadd.f32 v23, v22  }
0x512: {  	v23 =	vld [tilespmem:s20+$0xFFFFFFEF]  }
0x513: {  	v22 =	vadd.f32 v24, v22  }
0x514: {  	v24 =	vld [tilespmem:s20+$0x0]  }
0x515: {  	v22 =	vadd.f32 v25, v22  }
0x516: {  	v25 =	vld [tilespmem:s20+$0x11]  }
0x517: {  	v22 =	vadd.f32 v23, v22  }
0x518: {  	v23 =	vld [tilespmem:s20+$0x22]  }
0x519: {  	v22 =	vadd.f32 v24, v22  }
0x51a: {  	v24 =	vld [tilespmem:s20+$0x33]  }
0x51b: {  	v22 =	vadd.f32 v25, v22  }
0x51c: {  	v25 =	vld [tilespmem:s20+$0x44]  }
0x51d: {  	v22 =	vadd.f32 v23, v22  }
0x51e: {  	v23 =	vld [tilespmem:s20+$0x55]  }
0x51f: {  	v22 =	vadd.f32 v24, v22  }
0x520: {  	v24 =	vld [tilespmem:s20+$0x66]  }
0x521: {  	v22 =	vadd.f32 v25, v22  }
0x522: {  	v25 =	vld [tilespmem:s20+$0x77]  }
0x523: {  	v22 =	vadd.f32 v23, v22;
	_ =	sdelay $0x1  }
0x524: {  	v22 =	vadd.f32 v24, v22;
	_ =	sdelay $0x1  }
.Ltmp9:
0x525: {  	v22 =	vadd.f32 v25, v22;
	(pc) =	sbr.rel @p1 .LBB2_17-.Ltmp9, $4  }
0x526: {  	s22 =	sshra.s32 s19, $0x2;
	s19 =	smov.u32 s21  }
0x527: {  	s20 =	sadd.s32 $0x110, s20;
	[tilespmem:v21+s22+$0x0 ss:$0x1] =	vst.idx.msk $0xffff, v22  }
0x528: {  	v22 =	vld [tilespmem:s20+$0xFFFFFF89]  }
0x529: {  	s21 =	sadd.s32 $0x800, s21;
	v23 =	vld [tilespmem:s20+$0xFFFFFF78]  }
0x52a: {  	_ = 	snop  }
0x52b: {  	v24 =	vld [tilespmem:s20+$0xFFFFFF9A];
	_ =	sdelay $0x1  }
0x52c: {  	v25 =	vld [tilespmem:s20+$0xFFFFFFAB]  }
0x52d: {  	v22 =	vadd.f32 v22, v23  }
0x52e: {  	v23 =	vld [tilespmem:s20+$0xFFFFFFBC]  }
0x52f: {  	v22 =	vadd.f32 v24, v22  }
0x530: {  	v56 =	vld [tilespmem:s20+$0xFFFFFFCD]  }
0x531: {  	v22 =	vadd.f32 v25, v22  }
0x532: {  	v57 =	vld [tilespmem:s20+$0xFFFFFFDE]  }
0x533: {  	v22 =	vadd.f32 v23, v22  }
0x534: {  	v23 =	vld [tilespmem:s20+$0xFFFFFFEF]  }
0x535: {  	v22 =	vadd.f32 v56, v22  }
0x536: {  	v58 =	vld [tilespmem:s20+$0x0]  }
0x537: {  	v22 =	vadd.f32 v57, v22  }
0x538: {  	v59 =	vld [tilespmem:s20+$0x11]  }
0x539: {  	v22 =	vadd.f32 v23, v22  }
0x53a: {  	v23 =	vld [tilespmem:s20+$0x22]  }
0x53b: {  	v22 =	vadd.f32 v58, v22  }
0x53c: {  	v60 =	vld [tilespmem:s20+$0x33]  }
0x53d: {  	v22 =	vadd.f32 v59, v22  }
0x53e: {  	v61 =	vld [tilespmem:s20+$0x44]  }
0x53f: {  	v22 =	vadd.f32 v23, v22  }
0x540: {  	v23 =	vld [tilespmem:s20+$0x55]  }
0x541: {  	v22 =	vadd.f32 v60, v22  }
0x542: {  	v62 =	vld [tilespmem:s20+$0x66]  }
0x543: {  	v22 =	vadd.f32 v61, v22  }
0x544: {  	v63 =	vld [tilespmem:s20+$0x77]  }
0x545: {  	v22 =	vadd.f32 v23, v22;
	_ =	sdelay $0x1  }
.Ltmp10:
0x546: {  	v22 =	vadd.f32 v62, v22;
	(pc) =	sbr.rel @p0 .LBB2_20-.Ltmp10, $4  }
0x547: {  	_ = 	snop  }
0x548: {  	v22 =	vadd.f32 v63, v22  }
0x549: {  	s19 =	sshra.s32 s19, $0x2  }
0x54a: {  	[tilespmem:v21+s19+$0x0 ss:$0x1] =	vst.idx.msk $0xffff, v22  }
0x54b: {  	s18 =	sadd.s32 $0x3, s18  }
0x54c: {  	s19 =	sshll.u32 s18, $0x5;
	s18 =	smul.u32 $0xA00, s18  }
0x54d: {  	[tilespmem:s5], [sflag:$0x2] =	stream.indirect.gather [hbm4b:s3+s0], $0x40, s19, s0, $0xb8;
	[tilespmem:$0x1CC50] =	vst v63  }
0x54e: {  	s19 =	sadd.s32 $0x200, s19;
	s18 =	sshra.s32 s18, $0x2  }
0x54f: {  	[tilespmem:s6], [sflag:$0x2] =	stream.indirect.gather [hbm4b:s4+s0], $0x40, s19, s0, $0xb8;
	[tilespmem:$0x1CC50] =	vst v63  }
0x550: {  	s20 =	sadd.s32 $0x400, s18  }
0x551: {  	[tilespmem:s7], [sflag:$0x2] =	stream.indirect.gather [hbm4b:s4+s1], $0x40, s20, s1, $0xb8;
	[tilespmem:$0x1CC50] =	vst v63  }
0x552: {  	s21 =	sadd.s32 $0x480, s18  }
0x553: {  	[tilespmem:s8], [sflag:$0x2] =	stream.indirect.gather [hbm4b:s4+s1], $0x40, s21, s1, $0xb8;
	[tilespmem:$0x1CC50] =	vst v63  }
0x554: {  	s22 =	sadd.s32 $0x500, s18  }
0x555: {  	[tilespmem:s9], [sflag:$0x2] =	stream.indirect.gather [hbm4b:s4+s1], $0x40, s22, s1, $0xb8;
	[tilespmem:$0x1CC50] =	vst v63  }
.Ltmp11:
0x556: {  	_ = 	snop;
	(pc) =	sbr.rel .LBB2_2-.Ltmp11, $4  }
0x557: {  	s23 =	sadd.s32 $0x580, s18  }
0x558: {  	[tilespmem:s10], [sflag:$0x2] =	stream.indirect.gather [hbm4b:s4+s1], $0x40, s23, s1, $0xb8;
	[tilespmem:$0x1CC50] =	vst v63  }
0x559: {  	s17 =	sadd.s32 $0x1, s17;
	s16 =	sadd.s32 $0x40, s16;
	s18 =	sadd.s32 $0x600, s18  }
0x55a: {  	[tilespmem:s11], [sflag:$0x2] =	stream.indirect.gather [hbm4b:s4+s1], $0x40, s18, s1, $0xb8;
	[tilespmem:$0x1CC50] =	vst v63  }
.LBB2_21:
0x55b: {  	_ =	sfence.sel $0x180000  }
0x55c: {  	[bflag:$0x0] =	sbarrier.arrive $0xFFFF  }
0x55d: {  	_ =	strace $0x90000047  }
0x55e: {  	s0 =	stileid.u32;
	[bflag:$0x2] =	sbarrier.arrive $0xFFFF  }
0x55f: {  	p0 =	sne.s32 s0, $0x0;
	s0 =	rddreg [dreg:$0x5]  }
0x560: {  	s0 =	sadd.s32 @!p0 $0x100000, s0  }
0x561: {  	[sflag:s0] =	ssyncadd.tile.s32 @!p0 $0x1;
	_ =	shalt  }
.Lfunc_end2:
_tile_overlayer_lowered:
.L_overlay_start_2:
0x562: {  	(tag) =	ssettag $0x2  }
0x563: {  	s0 =	rddreg [dreg:$0x0];
	s2 =	stileid.u32  }
0x564: {  	s1 =	rddreg [dreg:$0x1];
	p0 =	sne.s32 s2, $0x0  }
0x565: {  	s3 =	rddreg [dreg:$0x2];
	[bflag:$0x3] =	sbarrier.arrive $0xFFFF;
	s2 =	simm.s32 @!p0 $0x1C03  }
0x566: {  	[timem:s3], [sflag:s2] =	dma.local @!p0 [hbm:s0], s1  }
0x567: {  	s0 =	simm.s32 @!p0 $0x3  }
0x568: {  	_ =	swait.ge @!p0 [sflag:s0], s1  }
0x569: {  	s1 =	ssub.s32 @!p0 $0x0, s1;
	[sflag:s0] =	ssyncset.done @!p0 $0x0  }
0x56a: {  	[sflag:s0] =	ssyncadd.s32 @!p0 s1  }
0x56b: {  	[bflag:$0x3] =	sbarrier.arrive $0xFFFF  }
0x56c: {  	_ =	shalt  }

</sc_bundles>
